<compile_context>
chip_gen: v7x
topology: tpu7x:2x2x1
jax: 0.10.2.dev20260603
libtpu: 0.0.44.dev20260713+nightly
codegen_flags: <defaults>
</compile_context>

<pallas_src>
import functools

import jax
import jax.numpy as jnp
from jax import lax
from jax.experimental import pallas as pl
from jax.experimental.pallas import tpu as pltpu
from jax.experimental.pallas import tpu_sc as plsc

_N = 10000
_E = 320000
_D = 128
_G = 64
_NB = 3
_HID = 64
_NCLS = 10

_BN = 2000
_NBLK = _N // _BN

_NC = 2
_NS = 16
_NW = _NC * _NS
_K = 80
_EPW = _E // _NW
_NCH = _EPW // _K
_NCH2 = (_NCH - 1) // 2
_BE = 8000
_EBLK = _E // _BE
_NP = 10112
_RPT = _NP // _NS
_RCH = 128
_F32 = jnp.float32


def _mm(a, b):
    return jnp.dot(a, b, preferred_element_type=_F32)


def _mh(a, b):
    return jnp.dot(a, b, preferred_element_type=_F32,
                   precision=jax.lax.Precision.HIGHEST)


def _lrelu(v):
    return jnp.where(v > 0, v, 0.01 * v)


def _fc_body(x_ref, w_ref, b_ref, o_ref):
    o_ref[...] = _mh(x_ref[...], w_ref[...]) + b_ref[...]


_fc_call = pl.pallas_call(
    _fc_body,
    grid=(_NBLK,),
    in_specs=[
        pl.BlockSpec((_BN, _D), lambda i: (i, 0)),
        pl.BlockSpec((_D, _D), lambda i: (0, 0)),
        pl.BlockSpec((1, _D), lambda i: (0, 0)),
    ],
    out_specs=pl.BlockSpec((_BN, _D), lambda i: (i, 0)),
    out_shape=jax.ShapeDtypeStruct((_N, _D), _F32),
)


def _ro_body(p0, p1, b3, gf, rw1, rw2, rb, w1a, w1b, a_o, b_o, gfn_o, st_o):
    i = pl.program_id(0)
    xb = p0[...] + p1[...]
    bt = b3[0, 0, :]
    oh = (bt[:, None] == lax.broadcasted_iota(jnp.int32, (_BN, _G), 1)).astype(_F32)
    oht = (lax.broadcasted_iota(jnp.int32, (_G, _BN), 0) == bt[None, :]).astype(_F32)
    gfb = _mh(oh, gf[...])
    gw = jax.nn.sigmoid(_mh(xb, rw1[...]) + _mh(gfb, rw2[...]) + rb[...])
    gfn_c = _mh(oht, gw * xb)
    nns = jnp.sqrt(jnp.sum(gw * gw, axis=1, keepdims=True))
    li = lax.broadcasted_iota(jnp.int32, (_BN, 8), 1)
    s8 = jnp.where(li == 0, nns, jnp.where(li == 1, 1.0, 0.0))
    st_c = _mh(oht, s8)
    a_o[...] = _mh(xb, w1a[...])
    b_o[...] = _mh(xb, w1b[...])

    @pl.when(i == 0)
    def _():
        gfn_o[...] = gfn_c
        st_o[...] = st_c

    @pl.when(i != 0)
    def _():
        gfn_o[...] += gfn_c
        st_o[...] += st_c


_ro_call = pl.pallas_call(
    _ro_body,
    grid=(_NBLK,),
    in_specs=[
        pl.BlockSpec((_BN, _D), lambda i: (i, 0)),
        pl.BlockSpec((_BN, _D), lambda i: (i, 0)),
        pl.BlockSpec((1, 1, _BN), lambda i: (i, 0, 0)),
        pl.BlockSpec((_G, _D), lambda i: (0, 0)),
        pl.BlockSpec((_D, _D), lambda i: (0, 0)),
        pl.BlockSpec((_D, _D), lambda i: (0, 0)),
        pl.BlockSpec((1, _D), lambda i: (0, 0)),
        pl.BlockSpec((_D, _D), lambda i: (0, 0)),
        pl.BlockSpec((_D, _D), lambda i: (0, 0)),
    ],
    out_specs=[
        pl.BlockSpec((_BN, _D), lambda i: (i, 0)),
        pl.BlockSpec((_BN, _D), lambda i: (i, 0)),
        pl.BlockSpec((_G, _D), lambda i: (0, 0)),
        pl.BlockSpec((_G, 8), lambda i: (0, 0)),
    ],
    out_shape=[
        jax.ShapeDtypeStruct((_N, _D), _F32),
        jax.ShapeDtypeStruct((_N, _D), _F32),
        jax.ShapeDtypeStruct((_G, _D), _F32),
        jax.ShapeDtypeStruct((_G, 8), _F32),
    ],
)


def _gru_body(gfn, gf, st, wih, bih, whh, bhh, w1c, b1, gf2_o, c2_o, ggl_o):
    gi = _mh(gfn[...], wih[...]) + bih[...]
    gh = _mh(gf[...], whh[...]) + bhh[...]
    r = jax.nn.sigmoid(gi[:, :_D] + gh[:, :_D])
    z = jax.nn.sigmoid(gi[:, _D:2 * _D] + gh[:, _D:2 * _D])
    n = jnp.tanh(gi[:, 2 * _D:] + r * gh[:, 2 * _D:])
    g2 = (1.0 - z) * n + z * gf[...]
    gf2_o[...] = g2
    c2_o[...] = _mh(g2, w1c[...]) + b1[...]
    s = st[...]
    val = jnp.mean(s[:, 0:1] / jnp.maximum(s[:, 1:2], 1.0))
    ggl_o[...] = val * jnp.ones((1, 1), _F32)


_gru_call = pl.pallas_call(
    _gru_body,
    out_shape=[
        jax.ShapeDtypeStruct((_G, _D), _F32),
        jax.ShapeDtypeStruct((_G, _D), _F32),
        jax.ShapeDtypeStruct((1, 1), _F32),
    ],
)


def _acn_body(a, b3, c2, o):
    bt = b3[0, 0, :]
    oh = (bt[:, None] == lax.broadcasted_iota(jnp.int32, (_BN, _G), 1)).astype(_F32)
    o[...] = a[...] + _mh(oh, c2[...])


_acn_call = pl.pallas_call(
    _acn_body,
    grid=(_NBLK,),
    in_specs=[
        pl.BlockSpec((_BN, _D), lambda i: (i, 0)),
        pl.BlockSpec((1, 1, _BN), lambda i: (i, 0, 0)),
        pl.BlockSpec((_G, _D), lambda i: (0, 0)),
    ],
    out_specs=pl.BlockSpec((_BN, _D), lambda i: (i, 0)),
    out_shape=jax.ShapeDtypeStruct((_N, _D), _F32),
)


def _edge_body(ad, bs, w2, b2, wg, bg, wm_o, lgl_o):
    t = _lrelu(ad[...] + bs[...])
    m = _lrelu(_mm(t, w2[...]) + b2[...])
    g = jax.nn.sigmoid(_mm(m, wg[...]) + bg[...])
    lw = g * m
    wm_o[...] = lw * m
    lgl_o[...] = jnp.sqrt(jnp.sum(lw * lw, axis=1, keepdims=True))


_edge_call = pl.pallas_call(
    _edge_body,
    grid=(_EBLK,),
    in_specs=[
        pl.BlockSpec((_BE, _D), lambda i: (i, 0)),
        pl.BlockSpec((_BE, _D), lambda i: (i, 0)),
        pl.BlockSpec((_D, _D), lambda i: (0, 0)),
        pl.BlockSpec((1, _D), lambda i: (0, 0)),
        pl.BlockSpec((_D, _D), lambda i: (0, 0)),
        pl.BlockSpec((1, _D), lambda i: (0, 0)),
    ],
    out_specs=[
        pl.BlockSpec((_BE, _D), lambda i: (i, 0)),
        pl.BlockSpec((_BE, 1), lambda i: (i, 0)),
    ],
    out_shape=[
        jax.ShapeDtypeStruct((_E, _D), _F32),
        jax.ShapeDtypeStruct((_E, 1), _F32),
    ],
)


def _fin_body(gf, bng, bnb, w1, b1, w2, b2, out_o):
    g = gf[...]
    mu = jnp.mean(g, axis=0, keepdims=True)
    va = jnp.mean((g - mu) ** 2, axis=0, keepdims=True)
    xb = (g - mu) / jnp.sqrt(va + 1e-5) * bng[...] + bnb[...]
    h = _lrelu(_mh(xb, w1[...]) + b1[...])
    lo = _mh(h, w2[...]) + b2[...]
    mx = jnp.max(lo, axis=1, keepdims=True)
    lse = jnp.log(jnp.sum(jnp.exp(lo - mx), axis=1, keepdims=True)) + mx
    out_o[...] = lo - lse


_fin_call = pl.pallas_call(
    _fin_body,
    out_shape=jax.ShapeDtypeStruct((_G, _NCLS), _F32),
)


_sc_cache = {}


def _sc_kernels():
    if _sc_cache:
        return _sc_cache["gather"], _sc_cache["scatter"]
    mesh = plsc.VectorSubcoreMesh(core_axis_name="c", subcore_axis_name="s",
                                  num_cores=_NC, num_subcores=_NS)

    @functools.partial(
        pl.kernel,
        out_type=(
            jax.ShapeDtypeStruct((_E, _D), _F32),
            jax.ShapeDtypeStruct((_E, _D), _F32),
        ),
        mesh=mesh,
        scratch_types=[
            pltpu.VMEM((_K,), jnp.int32),
            pltpu.VMEM((_K,), jnp.int32),
            pltpu.VMEM((_K,), jnp.int32),
            pltpu.VMEM((_K,), jnp.int32),
            pltpu.VMEM((_K, _D), _F32),
            pltpu.VMEM((_K, _D), _F32),
            pltpu.VMEM((_K, _D), _F32),
            pltpu.VMEM((_K, _D), _F32),
        ] + [pltpu.SemaphoreType.DMA] * 10,
    )
    def gather_call(acn_hbm, bn_hbm, dst_hbm, src_hbm, ad_hbm, bs_hbm,
                    idd0, ids0, idd1, ids1, ra0, rb0, ra1, rb1,
                    si0, si1, sga0, sga1, sgb0, sgb1, swa0, swa1, swb0, swb1):
        c = lax.axis_index("c")
        s = lax.axis_index("s")
        base = (s * _NC + c) * _EPW

        def start_idx(ch, idd, ids, si):
            off = base + ch * _K
            pltpu.async_copy(dst_hbm.at[pl.ds(off, _K)], idd, si)
            pltpu.async_copy(src_hbm.at[pl.ds(off, _K)], ids, si)

        def wait_idx(idd, ids, si):
            pltpu.make_async_copy(dst_hbm.at[pl.ds(base, _K)], idd, si).wait()
            pltpu.make_async_copy(src_hbm.at[pl.ds(base, _K)], ids, si).wait()

        def start_gather(idd, ids, ra, rb, sa, sb):
            pltpu.async_copy(acn_hbm.at[idd], ra, sa)
            pltpu.async_copy(bn_hbm.at[ids], rb, sb)

        def wait_gather(idd, ids, ra, rb, sa, sb):
            pltpu.make_async_copy(acn_hbm.at[idd], ra, sa).wait()
            pltpu.make_async_copy(bn_hbm.at[ids], rb, sb).wait()

        def start_write(ch, ra, rb, sa, sb):
            off = base + ch * _K
            pltpu.async_copy(ra, ad_hbm.at[pl.ds(off, _K)], sa)
            pltpu.async_copy(rb, bs_hbm.at[pl.ds(off, _K)], sb)

        def wait_write(ra, rb, sa, sb):
            pltpu.make_async_copy(ra, ad_hbm.at[pl.ds(base, _K)], sa).wait()
            pltpu.make_async_copy(rb, bs_hbm.at[pl.ds(base, _K)], sb).wait()

        start_idx(0, idd0, ids0, si0)
        wait_idx(idd0, ids0, si0)
        start_gather(idd0, ids0, ra0, rb0, sga0, sgb0)
        start_idx(1, idd1, ids1, si1)

        def body(c2, carry):
            codd = 2 * c2 + 1
            wait_idx(idd1, ids1, si1)

            @pl.when(c2 > 0)
            def _():
                wait_write(ra1, rb1, swa1, swb1)

            start_gather(idd1, ids1, ra1, rb1, sga1, sgb1)
            wait_gather(idd0, ids0, ra0, rb0, sga0, sgb0)
            start_write(codd - 1, ra0, rb0, swa0, swb0)
            start_idx(codd + 1, idd0, ids0, si0)

            ceven = codd + 1
            wait_idx(idd0, ids0, si0)
            wait_write(ra0, rb0, swa0, swb0)
            start_gather(idd0, ids0, ra0, rb0, sga0, sgb0)
            wait_gather(idd1, ids1, ra1, rb1, sga1, sgb1)
            start_write(ceven - 1, ra1, rb1, swa1, swb1)

            @pl.when(c2 < _NCH2 - 1)
            def _():
                start_idx(ceven + 1, idd1, ids1, si1)

            return carry

        lax.fori_loop(0, _NCH2, body, 0)
        wait_gather(idd0, ids0, ra0, rb0, sga0, sgb0)
        start_write(_NCH - 1, ra0, rb0, swa0, swb0)
        wait_write(ra1, rb1, swa1, swb1)
        wait_write(ra0, rb0, swa0, swb0)

    @functools.partial(
        pl.kernel,
        out_type=jax.ShapeDtypeStruct((_NC, _NP, _D), _F32),
        mesh=mesh,
        scratch_types=[
            pltpu.VMEM((_K,), jnp.int32),
            pltpu.VMEM((_K,), jnp.int32),
            pltpu.VMEM((_K, _D), _F32),
            pltpu.VMEM((_K, _D), _F32),
            pltpu.VMEM((_RCH, _D), _F32),
            pltpu.VMEM_SHARED((_NP, _D), _F32),
        ] + [pltpu.SemaphoreType.DMA] * 4,
    )
    def scatter_call(wm_hbm, dst_hbm, out_hbm,
                     idx0, idx1, rows0, rows1, stage, acc,
                     sl0, sl1, ss0, ss1):
        c = lax.axis_index("c")
        s = lax.axis_index("s")
        base = (s * _NC + c) * _EPW

        zv = jnp.zeros((16,), _F32)

        def zrow(r, carry):
            for jj in range(_D // 16):
                stage[r, pl.ds(jj * 16, 16)] = zv
            return carry

        lax.fori_loop(0, _RCH, zrow, 0)
        for q in range(_RPT // _RCH):
            pltpu.sync_copy(stage, acc.at[pl.ds(s * _RPT + q * _RCH, _RCH)])
        _TAIL = _RPT - (_RPT // _RCH) * _RCH
        if _TAIL:
            pltpu.sync_copy(stage.at[pl.ds(0, _TAIL)],
                            acc.at[pl.ds(s * _RPT + _RPT - _TAIL, _TAIL)])
        plsc.subcore_barrier()

        def start_loads(ch, idx, rows, sl):
            off = base + ch * _K
            pltpu.async_copy(dst_hbm.at[pl.ds(off, _K)], idx, sl)
            pltpu.async_copy(wm_hbm.at[pl.ds(off, _K)], rows, sl)

        def wait_loads(idx, rows, sl):
            pltpu.make_async_copy(dst_hbm.at[pl.ds(base, _K)], idx, sl).wait()
            pltpu.make_async_copy(wm_hbm.at[pl.ds(base, _K)], rows, sl).wait()

        def wait_scat(idx, rows, ss):
            pltpu.make_async_copy(rows, acc.at[idx], ss).wait()

        start_loads(0, idx0, rows0, sl0)

        def body(c2, carry):
            wait_loads(idx0, rows0, sl0)
            pltpu.async_copy(rows0, acc.at[idx0], ss0, add=True)

            @pl.when(c2 > 0)
            def _():
                wait_scat(idx1, rows1, ss1)

            start_loads(2 * c2 + 1, idx1, rows1, sl1)
            wait_loads(idx1, rows1, sl1)
            pltpu.async_copy(rows1, acc.at[idx1], ss1, add=True)
            wait_scat(idx0, rows0, ss0)
            start_loads(2 * c2 + 2, idx0, rows0, sl0)
            return carry

        lax.fori_loop(0, _NCH2, body, 0)
        wait_loads(idx0, rows0, sl0)
        pltpu.async_copy(rows0, acc.at[idx0], ss0, add=True)
        wait_scat(idx1, rows1, ss1)
        wait_scat(idx0, rows0, ss0)
        plsc.subcore_barrier()

        for q in range(_RPT // _RCH):
            r0 = s * _RPT + q * _RCH
            pltpu.sync_copy(acc.at[pl.ds(r0, _RCH)], stage)
            pltpu.sync_copy(stage, out_hbm.at[c, pl.ds(r0, _RCH)])
        _TAIL2 = _RPT - (_RPT // _RCH) * _RCH
        if _TAIL2:
            r0 = s * _RPT + _RPT - _TAIL2
            pltpu.sync_copy(acc.at[pl.ds(r0, _TAIL2)], stage.at[pl.ds(0, _TAIL2)])
            pltpu.sync_copy(stage.at[pl.ds(0, _TAIL2)], out_hbm.at[c, pl.ds(r0, _TAIL2)])

    _sc_cache["gather"] = gather_call
    _sc_cache["scatter"] = scatter_call
    return gather_call, scatter_call


def kernel(x, edge_index, batch, params):
    p = params
    src = edge_index[0]
    dst = edge_index[1]
    batch3 = batch.reshape(_NBLK, 1, _BN)
    zp = jnp.zeros((_N, _D), _F32)
    rw1 = p['rd_W'][:_D]
    rw2 = p['rd_W'][_D:]
    rb = p['rd_b'].reshape(1, _D)
    bih = p['gru_bih'].reshape(1, 3 * _D)
    bhh = p['gru_bhh'].reshape(1, 3 * _D)

    x1 = _fc_call(x, p['fc_W'], p['fc_b'].reshape(1, _D))
    lgls = []
    ggls = []
    p0, p1 = x1, zp
    gf = jnp.zeros((_G, _D), _F32)
    for i in range(_NB):
        w1 = p[f'c{i}_m1_W']
        a_n, b_n, gfn, st = _ro_call(p0, p1, batch3, gf, rw1, rw2, rb,
                                     w1[:_D], w1[_D:2 * _D])
        gf2, c2, ggl = _gru_call(gfn, gf, st, p['gru_Wih'], bih,
                                 p['gru_Whh'], bhh, w1[2 * _D:],
                                 p[f'c{i}_m1_b'].reshape(1, _D))
        acn = _acn_call(a_n, batch3, c2)
        gather_fn, scatter_fn = _sc_kernels()
        ad, bs = gather_fn(acn, b_n, dst, src)
        wm, lgl = _edge_call(ad, bs, p[f'c{i}_m2_W'],
                             p[f'c{i}_m2_b'].reshape(1, _D),
                             p[f'c{i}_g_W'], p[f'c{i}_g_b'].reshape(1, _D))
        parts = scatter_fn(wm, dst)
        p0, p1 = parts[0, :_N], parts[1, :_N]
        gf = gf2
        lgls.append(lgl)
        ggls.append(ggl)

    w1 = p['c0_m1_W']
    _, _, gfn, st = _ro_call(p0, p1, batch3, gf, rw1, rw2, rb,
                             w1[:_D], w1[_D:2 * _D])
    gf_fin, _, ggl = _gru_call(gfn, gf, st, p['gru_Wih'], bih,
                               p['gru_Whh'], bhh, w1[2 * _D:],
                               p['c0_m1_b'].reshape(1, _D))
    ggls.append(ggl)

    out = _fin_call(gf_fin, p['bn_g'].reshape(1, _D), p['bn_b'].reshape(1, _D),
                    p['clf1_W'], p['clf1_b'].reshape(1, _HID),
                    p['clf2_W'], p['clf2_b'].reshape(1, _NCLS))
    lgl_cat = jnp.concatenate(lgls, axis=1)
    ggl_stack = jnp.concatenate([g.reshape(1) for g in ggls], axis=0)
    return out, lgl_cat, ggl_stack

# --- scband reference (transcript-rebuilt; emitter-appended) ---
"""Pipeline reference for scband-cmpgnn-net-50190987821197 (READ-ONLY COPY).

The authoritative reference and input builder live on the scoring server;
editing this copy changes nothing except your own understanding.
"""

import jax, jax.numpy as jnp
import numpy as np

N = 10000
E = 320000
D = 128
G = 64
NB = 3
HID = 64
NCLS = 10

def _lin(key, fan_in, shape):
    b = 1.0 / np.sqrt(fan_in)
    return jax.random.uniform(key, shape, minval=-b, maxval=b, dtype=jnp.float32)

def setup_inputs(seed: int = 0):
    key = jax.random.key(seed)
    ks = jax.random.split(key, 64)
    x = jax.random.normal(ks[0], (N, D), dtype=jnp.float32)
    edge_index = jax.random.randint(ks[1], (2, E), 0, N, dtype=jnp.int32)
    batch = jnp.sort(jax.random.randint(ks[2], (N,), 0, G, dtype=jnp.int32))
    batch = batch.at[-1].set(G - 1)
    p = {}
    p['fc_W'] = _lin(ks[3], D, (D, D)); p['fc_b'] = _lin(ks[4], D, (D,))
    for i in range(NB):
        p[f'c{i}_m1_W'] = _lin(ks[5 + 6 * i], 3 * D, (3 * D, D)); p[f'c{i}_m1_b'] = _lin(ks[6 + 6 * i], 3 * D, (D,))
        p[f'c{i}_m2_W'] = _lin(ks[7 + 6 * i], D, (D, D)); p[f'c{i}_m2_b'] = _lin(ks[8 + 6 * i], D, (D,))
        p[f'c{i}_g_W'] = _lin(ks[9 + 6 * i], D, (D, D)); p[f'c{i}_g_b'] = _lin(ks[10 + 6 * i], D, (D,))
    p['rd_W'] = _lin(ks[30], 2 * D, (2 * D, D)); p['rd_b'] = _lin(ks[31], 2 * D, (D,))
    p['gru_Wih'] = _lin(ks[32], D, (D, 3 * D)); p['gru_bih'] = _lin(ks[33], D, (3 * D,))
    p['gru_Whh'] = _lin(ks[34], D, (D, 3 * D)); p['gru_bhh'] = _lin(ks[35], D, (3 * D,))
    p['bn_g'] = jnp.ones((D,), jnp.float32); p['bn_b'] = jnp.zeros((D,), jnp.float32)
    p['clf1_W'] = _lin(ks[36], D, (D, HID)); p['clf1_b'] = _lin(ks[37], D, (HID,))
    p['clf2_W'] = _lin(ks[38], HID, (HID, NCLS)); p['clf2_b'] = _lin(ks[39], HID, (NCLS,))
    return {'x': x, 'edge_index': edge_index, 'batch': batch, 'params': p}

def _lrelu(v):
    return jnp.where(v > 0, v, 0.01 * v)

def _gru(xg, h, Wih, bih, Whh, bhh):
    gi = xg @ Wih + bih
    gh = h @ Whh + bhh
    ir, iz, inn = jnp.split(gi, 3, axis=-1)
    hr, hz, hn = jnp.split(gh, 3, axis=-1)
    r = jax.nn.sigmoid(ir + hr)
    z = jax.nn.sigmoid(iz + hz)
    n = jnp.tanh(inn + r * hn)
    return (1.0 - z) * n + z * h

def _readout(x, batch, gf, p, num_graphs):
    gw = jax.nn.sigmoid(jnp.concatenate([x, gf[batch]], axis=-1) @ p['rd_W'] + p['rd_b'])
    gf_new = jax.ops.segment_sum(gw * x, batch, num_segments=num_graphs)
    gf2 = _gru(gf_new, gf, p['gru_Wih'], p['gru_bih'], p['gru_Whh'], p['gru_bhh'])
    node_norm = jnp.sqrt(jnp.sum(gw ** 2, axis=-1))
    cnt = jax.ops.segment_sum(jnp.ones((x.shape[0],), jnp.float32), batch, num_segments=num_graphs)
    ggl = jnp.mean(jax.ops.segment_sum(node_norm, batch, num_segments=num_graphs) / jnp.maximum(cnt, 1.0))
    return gf2, ggl

def _conv(x, edge_index, batch, gf, p, i):
    src = edge_index[0]
    dst = edge_index[1]
    h = jnp.concatenate([x[dst], x[src], gf[batch[dst]]], axis=-1)
    msg = _lrelu(_lrelu(h @ p[f'c{i}_m1_W'] + p[f'c{i}_m1_b']) @ p[f'c{i}_m2_W'] + p[f'c{i}_m2_b'])
    local_w = jax.nn.sigmoid(msg @ p[f'c{i}_g_W'] + p[f'c{i}_g_b']) * msg
    w_msg = local_w * msg
    aggr = jax.ops.segment_sum(w_msg, dst, num_segments=x.shape[0])
    lgl = jnp.sqrt(jnp.sum(local_w ** 2, axis=-1, keepdims=True))
    return aggr, lgl

def _forward(x, edge_index, batch, params, num_graphs):
    lgl_list = []
    ggl_list = []
    x = x @ params['fc_W'] + params['fc_b']
    gf = jnp.zeros((num_graphs, D), jnp.float32)
    for i in range(NB):
        gf, ggl = _readout(x, batch, gf, params, num_graphs)
        x, lgl = _conv(x, edge_index, batch, gf, params, i)
        lgl_list.append(lgl)
        ggl_list.append(ggl)
    gf, ggl = _readout(x, batch, gf, params, num_graphs)
    ggl_list.append(ggl)
    lgl_cat = jnp.concatenate(lgl_list, axis=-1)
    mean = jnp.mean(gf, axis=0)
    var = jnp.var(gf, axis=0)
    xb = (gf - mean) / jnp.sqrt(var + 1e-5) * params['bn_g'] + params['bn_b']
    out = jax.nn.log_softmax(_lrelu(xb @ params['clf1_W'] + params['clf1_b']) @ params['clf2_W'] + params['clf2_b'], axis=-1)
    return out, lgl_cat, jnp.stack(ggl_list)

def reference(x, edge_index, batch, params):
    num_graphs = G
    return _forward(x, edge_index, batch, params, num_graphs)

if __name__ == "__main__":
    import jax
    _d = setup_inputs()
    print(jax.jit(kernel)(*tuple(_d.values())))

</pallas_src>

<mosaic_0001>
#map = affine_map<(d0, d1) -> (0, 0)>
#map1 = affine_map<(d0, d1) -> (0)>
module attributes {stable_mosaic.version = 14 : i64} {
  func.func @gather_call(%arg0: i32, %arg1: i32, %arg2: memref<10000x128xf32, #tpu.memory_space<hbm>>, %arg3: memref<10000x128xf32, #tpu.memory_space<hbm>>, %arg4: memref<320000xi32, #tpu.memory_space<hbm>>, %arg5: memref<320000xi32, #tpu.memory_space<hbm>>, %arg6: memref<320000x128xf32, #tpu.memory_space<hbm>>, %arg7: memref<320000x128xf32, #tpu.memory_space<hbm>>, %arg8: memref<80xi32, #tpu.memory_space<vmem>>, %arg9: memref<80xi32, #tpu.memory_space<vmem>>, %arg10: memref<80xi32, #tpu.memory_space<vmem>>, %arg11: memref<80xi32, #tpu.memory_space<vmem>>, %arg12: memref<80x128xf32, #tpu.memory_space<vmem>>, %arg13: memref<80x128xf32, #tpu.memory_space<vmem>>, %arg14: memref<80x128xf32, #tpu.memory_space<vmem>>, %arg15: memref<80x128xf32, #tpu.memory_space<vmem>>, %arg16: memref<!tpu.dma_semaphore, #tpu.memory_space<semaphore_mem>>, %arg17: memref<!tpu.dma_semaphore, #tpu.memory_space<semaphore_mem>>, %arg18: memref<!tpu.dma_semaphore, #tpu.memory_space<semaphore_mem>>, %arg19: memref<!tpu.dma_semaphore, #tpu.memory_space<semaphore_mem>>, %arg20: memref<!tpu.dma_semaphore, #tpu.memory_space<semaphore_mem>>, %arg21: memref<!tpu.dma_semaphore, #tpu.memory_space<semaphore_mem>>, %arg22: memref<!tpu.dma_semaphore, #tpu.memory_space<semaphore_mem>>, %arg23: memref<!tpu.dma_semaphore, #tpu.memory_space<semaphore_mem>>, %arg24: memref<!tpu.dma_semaphore, #tpu.memory_space<semaphore_mem>>, %arg25: memref<!tpu.dma_semaphore, #tpu.memory_space<semaphore_mem>>) attributes {dimension_semantics = [#tpu.dimension_semantics<core_parallel>, #tpu.dimension_semantics<subcore_parallel>], iteration_bounds = array<i64: 2, 16>, scalar_prefetch = 0 : i64, scratch_operands = 18 : i64, tpu.core_type = #tpu.core_type<sc_vector_subcore>, window_params = [{transform_indices = #map}, {transform_indices = #map}, {transform_indices = #map1}, {transform_indices = #map1}, {transform_indices = #map}, {transform_indices = #map}]} {
    %mul3A = arith.constant 2 : i32
    %mul3A_0 = arith.muli %arg1, %mul3A : i32
    %add3A = arith.addi %mul3A_0, %arg0 : i32
    %mul3A_1 = arith.constant 10000 : i32
    %mul3A_2 = arith.muli %add3A, %mul3A_1 : i32
    %add3A_3 = arith.constant 0 : i32
    %add3A_4 = arith.addi %mul3A_2, %add3A_3 : i32
    %dma_start3A = tpu.memref_slice %arg4[%add3A_4] : memref<320000xi32, #tpu.memory_space<hbm>> -> memref<80xi32, #tpu.memory_space<hbm>>
    %dma_start3A_5 = tpu.memref_slice %arg4[%add3A_4] : memref<320000xi32, #tpu.memory_space<hbm>> -> memref<80xi32, #tpu.memory_space<hbm>>
    tpu.enqueue_dma source(%dma_start3A_5 : memref<80xi32, #tpu.memory_space<hbm>>) target(%arg8 : memref<80xi32, #tpu.memory_space<vmem>>) target_semaphore(%arg16 : memref<!tpu.dma_semaphore, #tpu.memory_space<semaphore_mem>>)
    %dma_start3A_6 = tpu.memref_slice %arg5[%add3A_4] : memref<320000xi32, #tpu.memory_space<hbm>> -> memref<80xi32, #tpu.memory_space<hbm>>
    %dma_start3A_7 = tpu.memref_slice %arg5[%add3A_4] : memref<320000xi32, #tpu.memory_space<hbm>> -> memref<80xi32, #tpu.memory_space<hbm>>
    tpu.enqueue_dma source(%dma_start3A_7 : memref<80xi32, #tpu.memory_space<hbm>>) target(%arg9 : memref<80xi32, #tpu.memory_space<vmem>>) target_semaphore(%arg16 : memref<!tpu.dma_semaphore, #tpu.memory_space<semaphore_mem>>)
    %dma_wait3A = tpu.memref_slice %arg4[%mul3A_2] : memref<320000xi32, #tpu.memory_space<hbm>> -> memref<80xi32, #tpu.memory_space<hbm>>
    %dma_wait3A_8 = tpu.memref_slice %arg4[%mul3A_2] : memref<320000xi32, #tpu.memory_space<hbm>> -> memref<80xi32, #tpu.memory_space<hbm>>
    tpu.wait_dma2 semaphore(%arg16 : memref<!tpu.dma_semaphore, #tpu.memory_space<semaphore_mem>>) src(%dma_wait3A_8 : memref<80xi32, #tpu.memory_space<hbm>>) dst(%arg8 : memref<80xi32, #tpu.memory_space<vmem>>)
    %dma_wait3A_9 = tpu.memref_slice %arg5[%mul3A_2] : memref<320000xi32, #tpu.memory_space<hbm>> -> memref<80xi32, #tpu.memory_space<hbm>>
    %dma_wait3A_10 = tpu.memref_slice %arg5[%mul3A_2] : memref<320000xi32, #tpu.memory_space<hbm>> -> memref<80xi32, #tpu.memory_space<hbm>>
    tpu.wait_dma2 semaphore(%arg16 : memref<!tpu.dma_semaphore, #tpu.memory_space<semaphore_mem>>) src(%dma_wait3A_10 : memref<80xi32, #tpu.memory_space<hbm>>) dst(%arg9 : memref<80xi32, #tpu.memory_space<vmem>>)
    %dma_start3A_11 = arith.constant 0 : i32
    %dma_start3A_12 = arith.constant 0 : i32
    %dma_start3A_13 = tpu.memref_slice %arg2[%dma_start3A_11, %dma_start3A_12] : memref<10000x128xf32, #tpu.memory_space<hbm>> -> memref<10000x128xf32, #tpu.memory_space<hbm>>
    tpu.enqueue_indirect_dma source(%dma_start3A_13 : memref<10000x128xf32, #tpu.memory_space<hbm>>) target(%arg12 : memref<80x128xf32, #tpu.memory_space<vmem>>) offsets(%arg8 : memref<80xi32, #tpu.memory_space<vmem>>) semaphore(%arg18 : memref<!tpu.dma_semaphore, #tpu.memory_space<semaphore_mem>>)
    %dma_start3A_14 = arith.constant 0 : i32
    %dma_start3A_15 = arith.constant 0 : i32
    %dma_start3A_16 = tpu.memref_slice %arg3[%dma_start3A_14, %dma_start3A_15] : memref<10000x128xf32, #tpu.memory_space<hbm>> -> memref<10000x128xf32, #tpu.memory_space<hbm>>
    tpu.enqueue_indirect_dma source(%dma_start3A_16 : memref<10000x128xf32, #tpu.memory_space<hbm>>) target(%arg13 : memref<80x128xf32, #tpu.memory_space<vmem>>) offsets(%arg9 : memref<80xi32, #tpu.memory_space<vmem>>) semaphore(%arg20 : memref<!tpu.dma_semaphore, #tpu.memory_space<semaphore_mem>>)
    %add3A_17 = arith.constant 80 : i32
    %add3A_18 = arith.addi %mul3A_2, %add3A_17 : i32
    %dma_start3A_19 = tpu.memref_slice %arg4[%add3A_18] : memref<320000xi32, #tpu.memory_space<hbm>> -> memref<80xi32, #tpu.memory_space<hbm>>
    %dma_start3A_20 = tpu.memref_slice %arg4[%add3A_18] : memref<320000xi32, #tpu.memory_space<hbm>> -> memref<80xi32, #tpu.memory_space<hbm>>
    tpu.enqueue_dma source(%dma_start3A_20 : memref<80xi32, #tpu.memory_space<hbm>>) target(%arg10 : memref<80xi32, #tpu.memory_space<vmem>>) target_semaphore(%arg17 : memref<!tpu.dma_semaphore, #tpu.memory_space<semaphore_mem>>)
    %dma_start3A_21 = tpu.memref_slice %arg5[%add3A_18] : memref<320000xi32, #tpu.memory_space<hbm>> -> memref<80xi32, #tpu.memory_space<hbm>>
    %dma_start3A_22 = tpu.memref_slice %arg5[%add3A_18] : memref<320000xi32, #tpu.memory_space<hbm>> -> memref<80xi32, #tpu.memory_space<hbm>>
    tpu.enqueue_dma source(%dma_start3A_22 : memref<80xi32, #tpu.memory_space<hbm>>) target(%arg11 : memref<80xi32, #tpu.memory_space<vmem>>) target_semaphore(%arg17 : memref<!tpu.dma_semaphore, #tpu.memory_space<semaphore_mem>>)
    %scan3A = arith.constant 0 : i32
    %scan3A_23 = arith.constant 0 : i32
    %scan3A_24 = arith.constant 62 : i32
    %scan3A_25 = arith.addi %scan3A_23, %scan3A_24 : i32
    %scan3A_26 = arith.constant 1 : i32
    scf.for %scan3A_60 = %scan3A_23 to %scan3A_25 step %scan3A_26  : i32 {
      %mul3A_61 = arith.constant 2 : i32
      %mul3A_62 = arith.muli %mul3A_61, %scan3A_60 : i32
      %add3A_63 = arith.constant 1 : i32
      %add3A_64 = arith.addi %mul3A_62, %add3A_63 : i32
      %dma_wait3A_65 = tpu.memref_slice %arg4[%mul3A_2] : memref<320000xi32, #tpu.memory_space<hbm>> -> memref<80xi32, #tpu.memory_space<hbm>>
      %dma_wait3A_66 = tpu.memref_slice %arg4[%mul3A_2] : memref<320000xi32, #tpu.memory_space<hbm>> -> memref<80xi32, #tpu.memory_space<hbm>>
      tpu.wait_dma2 semaphore(%arg17 : memref<!tpu.dma_semaphore, #tpu.memory_space<semaphore_mem>>) src(%dma_wait3A_66 : memref<80xi32, #tpu.memory_space<hbm>>) dst(%arg10 : memref<80xi32, #tpu.memory_space<vmem>>)
      %dma_wait3A_67 = tpu.memref_slice %arg5[%mul3A_2] : memref<320000xi32, #tpu.memory_space<hbm>> -> memref<80xi32, #tpu.memory_space<hbm>>
      %dma_wait3A_68 = tpu.memref_slice %arg5[%mul3A_2] : memref<320000xi32, #tpu.memory_space<hbm>> -> memref<80xi32, #tpu.memory_space<hbm>>
      tpu.wait_dma2 semaphore(%arg17 : memref<!tpu.dma_semaphore, #tpu.memory_space<semaphore_mem>>) src(%dma_wait3A_68 : memref<80xi32, #tpu.memory_space<hbm>>) dst(%arg11 : memref<80xi32, #tpu.memory_space<vmem>>)
      %gt3A = arith.constant 0 : i32
      %gt3A_69 = arith.cmpi sgt, %scan3A_60, %gt3A : i32
      %convert_element_type3A = arith.extui %gt3A_69 : i1 to i32
      %cond3A = arith.constant 0 : i32
      %cond3A_70 = arith.cmpi ne, %convert_element_type3A, %cond3A : i32
      scf.if %cond3A_70 {
        %dma_wait3A_147 = arith.constant 0 : i32
        %dma_wait3A_148 = tpu.memref_slice %arg6[%mul3A_2, %dma_wait3A_147] : memref<320000x128xf32, #tpu.memory_space<hbm>> -> memref<80x128xf32, #tpu.memory_space<hbm>>
        %dma_wait3A_149 = arith.constant 0 : i32
        %dma_wait3A_150 = tpu.memref_slice %arg6[%mul3A_2, %dma_wait3A_149] : memref<320000x128xf32, #tpu.memory_space<hbm>> -> memref<80x128xf32, #tpu.memory_space<hbm>>
        tpu.wait_dma2 semaphore(%arg23 : memref<!tpu.dma_semaphore, #tpu.memory_space<semaphore_mem>>) src(%arg14 : memref<80x128xf32, #tpu.memory_space<vmem>>) dst(%dma_wait3A_150 : memref<80x128xf32, #tpu.memory_space<hbm>>)
        %dma_wait3A_151 = arith.constant 0 : i32
        %dma_wait3A_152 = tpu.memref_slice %arg7[%mul3A_2, %dma_wait3A_151] : memref<320000x128xf32, #tpu.memory_space<hbm>> -> memref<80x128xf32, #tpu.memory_space<hbm>>
        %dma_wait3A_153 = arith.constant 0 : i32
        %dma_wait3A_154 = tpu.memref_slice %arg7[%mul3A_2, %dma_wait3A_153] : memref<320000x128xf32, #tpu.memory_space<hbm>> -> memref<80x128xf32, #tpu.memory_space<hbm>>
        tpu.wait_dma2 semaphore(%arg25 : memref<!tpu.dma_semaphore, #tpu.memory_space<semaphore_mem>>) src(%arg15 : memref<80x128xf32, #tpu.memory_space<vmem>>) dst(%dma_wait3A_154 : memref<80x128xf32, #tpu.memory_space<hbm>>)
      } else {
      }
      %dma_start3A_71 = arith.constant 0 : i32
      %dma_start3A_72 = arith.constant 0 : i32
      %dma_start3A_73 = tpu.memref_slice %arg2[%dma_start3A_71, %dma_start3A_72] : memref<10000x128xf32, #tpu.memory_space<hbm>> -> memref<10000x128xf32, #tpu.memory_space<hbm>>
      tpu.enqueue_indirect_dma source(%dma_start3A_73 : memref<10000x128xf32, #tpu.memory_space<hbm>>) target(%arg14 : memref<80x128xf32, #tpu.memory_space<vmem>>) offsets(%arg10 : memref<80xi32, #tpu.memory_space<vmem>>) semaphore(%arg19 : memref<!tpu.dma_semaphore, #tpu.memory_space<semaphore_mem>>)
      %dma_start3A_74 = arith.constant 0 : i32
      %dma_start3A_75 = arith.constant 0 : i32
      %dma_start3A_76 = tpu.memref_slice %arg3[%dma_start3A_74, %dma_start3A_75] : memref<10000x128xf32, #tpu.memory_space<hbm>> -> memref<10000x128xf32, #tpu.memory_space<hbm>>
      tpu.enqueue_indirect_dma source(%dma_start3A_76 : memref<10000x128xf32, #tpu.memory_space<hbm>>) target(%arg15 : memref<80x128xf32, #tpu.memory_space<vmem>>) offsets(%arg11 : memref<80xi32, #tpu.memory_space<vmem>>) semaphore(%arg21 : memref<!tpu.dma_semaphore, #tpu.memory_space<semaphore_mem>>)
      %dma_wait3A_77 = arith.constant 0 : i32
      %dma_wait3A_78 = arith.constant 0 : i32
      %dma_wait3A_79 = tpu.memref_slice %arg2[%dma_wait3A_77, %dma_wait3A_78] : memref<10000x128xf32, #tpu.memory_space<hbm>> -> memref<10000x128xf32, #tpu.memory_space<hbm>>
      tpu.wait_indirect_dma semaphore(%arg18 : memref<!tpu.dma_semaphore, #tpu.memory_space<semaphore_mem>>) src(%dma_wait3A_79 : memref<10000x128xf32, #tpu.memory_space<hbm>>) dst(%arg12 : memref<80x128xf32, #tpu.memory_space<vmem>>)
      %dma_wait3A_80 = arith.constant 0 : i32
      %dma_wait3A_81 = arith.constant 0 : i32
      %dma_wait3A_82 = tpu.memref_slice %arg3[%dma_wait3A_80, %dma_wait3A_81] : memref<10000x128xf32, #tpu.memory_space<hbm>> -> memref<10000x128xf32, #tpu.memory_space<hbm>>
      tpu.wait_indirect_dma semaphore(%arg20 : memref<!tpu.dma_semaphore, #tpu.memory_space<semaphore_mem>>) src(%dma_wait3A_82 : memref<10000x128xf32, #tpu.memory_space<hbm>>) dst(%arg13 : memref<80x128xf32, #tpu.memory_space<vmem>>)
      %sub3A = arith.constant 1 : i32
      %sub3A_83 = arith.subi %add3A_64, %sub3A : i32
      %mul3A_84 = arith.constant 80 : i32
      %mul3A_85 = arith.muli %sub3A_83, %mul3A_84 : i32
      %add3A_86 = arith.addi %mul3A_2, %mul3A_85 : i32
      %dma_start3A_87 = arith.constant 0 : i32
      %dma_start3A_88 = tpu.memref_slice %arg6[%add3A_86, %dma_start3A_87] : memref<320000x128xf32, #tpu.memory_space<hbm>> -> memref<80x128xf32, #tpu.memory_space<hbm>>
      %dma_start3A_89 = arith.constant 0 : i32
      %dma_start3A_90 = tpu.memref_slice %arg6[%add3A_86, %dma_start3A_89] : memref<320000x128xf32, #tpu.memory_space<hbm>> -> memref<80x128xf32, #tpu.memory_space<hbm>>
      tpu.enqueue_dma source(%arg12 : memref<80x128xf32, #tpu.memory_space<vmem>>) target(%dma_start3A_90 : memref<80x128xf32, #tpu.memory_space<hbm>>) target_semaphore(%arg22 : memref<!tpu.dma_semaphore, #tpu.memory_space<semaphore_mem>>)
      %dma_start3A_91 = arith.constant 0 : i32
      %dma_start3A_92 = tpu.memref_slice %arg7[%add3A_86, %dma_start3A_91] : memref<320000x128xf32, #tpu.memory_space<hbm>> -> memref<80x128xf32, #tpu.memory_space<hbm>>
      %dma_start3A_93 = arith.constant 0 : i32
      %dma_start3A_94 = tpu.memref_slice %arg7[%add3A_86, %dma_start3A_93] : memref<320000x128xf32, #tpu.memory_space<hbm>> -> memref<80x128xf32, #tpu.memory_space<hbm>>
      tpu.enqueue_dma source(%arg13 : memref<80x128xf32, #tpu.memory_space<vmem>>) target(%dma_start3A_94 : memref<80x128xf32, #tpu.memory_space<hbm>>) target_semaphore(%arg24 : memref<!tpu.dma_semaphore, #tpu.memory_space<semaphore_mem>>)
      %add3A_95 = arith.constant 1 : i32
      %add3A_96 = arith.addi %add3A_64, %add3A_95 : i32
      %mul3A_97 = arith.constant 80 : i32
      %mul3A_98 = arith.muli %add3A_96, %mul3A_97 : i32
      %add3A_99 = arith.addi %mul3A_2, %mul3A_98 : i32
      %dma_start3A_100 = tpu.memref_slice %arg4[%add3A_99] : memref<320000xi32, #tpu.memory_space<hbm>> -> memref<80xi32, #tpu.memory_space<hbm>>
      %dma_start3A_101 = tpu.memref_slice %arg4[%add3A_99] : memref<320000xi32, #tpu.memory_space<hbm>> -> memref<80xi32, #tpu.memory_space<hbm>>
      tpu.enqueue_dma source(%dma_start3A_101 : memref<80xi32, #tpu.memory_space<hbm>>) target(%arg8 : memref<80xi32, #tpu.memory_space<vmem>>) target_semaphore(%arg16 : memref<!tpu.dma_semaphore, #tpu.memory_space<semaphore_mem>>)
      %dma_start3A_102 = tpu.memref_slice %arg5[%add3A_99] : memref<320000xi32, #tpu.memory_space<hbm>> -> memref<80xi32, #tpu.memory_space<hbm>>
      %dma_start3A_103 = tpu.memref_slice %arg5[%add3A_99] : memref<320000xi32, #tpu.memory_space<hbm>> -> memref<80xi32, #tpu.memory_space<hbm>>
      tpu.enqueue_dma source(%dma_start3A_103 : memref<80xi32, #tpu.memory_space<hbm>>) target(%arg9 : memref<80xi32, #tpu.memory_space<vmem>>) target_semaphore(%arg16 : memref<!tpu.dma_semaphore, #tpu.memory_space<semaphore_mem>>)
      %add3A_104 = arith.constant 1 : i32
      %add3A_105 = arith.addi %add3A_64, %add3A_104 : i32
      %dma_wait3A_106 = tpu.memref_slice %arg4[%mul3A_2] : memref<320000xi32, #tpu.memory_space<hbm>> -> memref<80xi32, #tpu.memory_space<hbm>>
      %dma_wait3A_107 = tpu.memref_slice %arg4[%mul3A_2] : memref<320000xi32, #tpu.memory_space<hbm>> -> memref<80xi32, #tpu.memory_space<hbm>>
      tpu.wait_dma2 semaphore(%arg16 : memref<!tpu.dma_semaphore, #tpu.memory_space<semaphore_mem>>) src(%dma_wait3A_107 : memref<80xi32, #tpu.memory_space<hbm>>) dst(%arg8 : memref<80xi32, #tpu.memory_space<vmem>>)
      %dma_wait3A_108 = tpu.memref_slice %arg5[%mul3A_2] : memref<320000xi32, #tpu.memory_space<hbm>> -> memref<80xi32, #tpu.memory_space<hbm>>
      %dma_wait3A_109 = tpu.memref_slice %arg5[%mul3A_2] : memref<320000xi32, #tpu.memory_space<hbm>> -> memref<80xi32, #tpu.memory_space<hbm>>
      tpu.wait_dma2 semaphore(%arg16 : memref<!tpu.dma_semaphore, #tpu.memory_space<semaphore_mem>>) src(%dma_wait3A_109 : memref<80xi32, #tpu.memory_space<hbm>>) dst(%arg9 : memref<80xi32, #tpu.memory_space<vmem>>)
      %dma_wait3A_110 = arith.constant 0 : i32
      %dma_wait3A_111 = tpu.memref_slice %arg6[%mul3A_2, %dma_wait3A_110] : memref<320000x128xf32, #tpu.memory_space<hbm>> -> memref<80x128xf32, #tpu.memory_space<hbm>>
      %dma_wait3A_112 = arith.constant 0 : i32
      %dma_wait3A_113 = tpu.memref_slice %arg6[%mul3A_2, %dma_wait3A_112] : memref<320000x128xf32, #tpu.memory_space<hbm>> -> memref<80x128xf32, #tpu.memory_space<hbm>>
      tpu.wait_dma2 semaphore(%arg22 : memref<!tpu.dma_semaphore, #tpu.memory_space<semaphore_mem>>) src(%arg12 : memref<80x128xf32, #tpu.memory_space<vmem>>) dst(%dma_wait3A_113 : memref<80x128xf32, #tpu.memory_space<hbm>>)
      %dma_wait3A_114 = arith.constant 0 : i32
      %dma_wait3A_115 = tpu.memref_slice %arg7[%mul3A_2, %dma_wait3A_114] : memref<320000x128xf32, #tpu.memory_space<hbm>> -> memref<80x128xf32, #tpu.memory_space<hbm>>
      %dma_wait3A_116 = arith.constant 0 : i32
      %dma_wait3A_117 = tpu.memref_slice %arg7[%mul3A_2, %dma_wait3A_116] : memref<320000x128xf32, #tpu.memory_space<hbm>> -> memref<80x128xf32, #tpu.memory_space<hbm>>
      tpu.wait_dma2 semaphore(%arg24 : memref<!tpu.dma_semaphore, #tpu.memory_space<semaphore_mem>>) src(%arg13 : memref<80x128xf32, #tpu.memory_space<vmem>>) dst(%dma_wait3A_117 : memref<80x128xf32, #tpu.memory_space<hbm>>)
      %dma_start3A_118 = arith.constant 0 : i32
      %dma_start3A_119 = arith.constant 0 : i32
      %dma_start3A_120 = tpu.memref_slice %arg2[%dma_start3A_118, %dma_start3A_119] : memref<10000x128xf32, #tpu.memory_space<hbm>> -> memref<10000x128xf32, #tpu.memory_space<hbm>>
      tpu.enqueue_indirect_dma source(%dma_start3A_120 : memref<10000x128xf32, #tpu.memory_space<hbm>>) target(%arg12 : memref<80x128xf32, #tpu.memory_space<vmem>>) offsets(%arg8 : memref<80xi32, #tpu.memory_space<vmem>>) semaphore(%arg18 : memref<!tpu.dma_semaphore, #tpu.memory_space<semaphore_mem>>)
      %dma_start3A_121 = arith.constant 0 : i32
      %dma_start3A_122 = arith.constant 0 : i32
      %dma_start3A_123 = tpu.memref_slice %arg3[%dma_start3A_121, %dma_start3A_122] : memref<10000x128xf32, #tpu.memory_space<hbm>> -> memref<10000x128xf32, #tpu.memory_space<hbm>>
      tpu.enqueue_indirect_dma source(%dma_start3A_123 : memref<10000x128xf32, #tpu.memory_space<hbm>>) target(%arg13 : memref<80x128xf32, #tpu.memory_space<vmem>>) offsets(%arg9 : memref<80xi32, #tpu.memory_space<vmem>>) semaphore(%arg20 : memref<!tpu.dma_semaphore, #tpu.memory_space<semaphore_mem>>)
      %dma_wait3A_124 = arith.constant 0 : i32
      %dma_wait3A_125 = arith.constant 0 : i32
      %dma_wait3A_126 = tpu.memref_slice %arg2[%dma_wait3A_124, %dma_wait3A_125] : memref<10000x128xf32, #tpu.memory_space<hbm>> -> memref<10000x128xf32, #tpu.memory_space<hbm>>
      tpu.wait_indirect_dma semaphore(%arg19 : memref<!tpu.dma_semaphore, #tpu.memory_space<semaphore_mem>>) src(%dma_wait3A_126 : memref<10000x128xf32, #tpu.memory_space<hbm>>) dst(%arg14 : memref<80x128xf32, #tpu.memory_space<vmem>>)
      %dma_wait3A_127 = arith.constant 0 : i32
      %dma_wait3A_128 = arith.constant 0 : i32
      %dma_wait3A_129 = tpu.memref_slice %arg3[%dma_wait3A_127, %dma_wait3A_128] : memref<10000x128xf32, #tpu.memory_space<hbm>> -> memref<10000x128xf32, #tpu.memory_space<hbm>>
      tpu.wait_indirect_dma semaphore(%arg21 : memref<!tpu.dma_semaphore, #tpu.memory_space<semaphore_mem>>) src(%dma_wait3A_129 : memref<10000x128xf32, #tpu.memory_space<hbm>>) dst(%arg15 : memref<80x128xf32, #tpu.memory_space<vmem>>)
      %sub3A_130 = arith.constant 1 : i32
      %sub3A_131 = arith.subi %add3A_105, %sub3A_130 : i32
      %mul3A_132 = arith.constant 80 : i32
      %mul3A_133 = arith.muli %sub3A_131, %mul3A_132 : i32
      %add3A_134 = arith.addi %mul3A_2, %mul3A_133 : i32
      %dma_start3A_135 = arith.constant 0 : i32
      %dma_start3A_136 = tpu.memref_slice %arg6[%add3A_134, %dma_start3A_135] : memref<320000x128xf32, #tpu.memory_space<hbm>> -> memref<80x128xf32, #tpu.memory_space<hbm>>
      %dma_start3A_137 = arith.constant 0 : i32
      %dma_start3A_138 = tpu.memref_slice %arg6[%add3A_134, %dma_start3A_137] : memref<320000x128xf32, #tpu.memory_space<hbm>> -> memref<80x128xf32, #tpu.memory_space<hbm>>
      tpu.enqueue_dma source(%arg14 : memref<80x128xf32, #tpu.memory_space<vmem>>) target(%dma_start3A_138 : memref<80x128xf32, #tpu.memory_space<hbm>>) target_semaphore(%arg23 : memref<!tpu.dma_semaphore, #tpu.memory_space<semaphore_mem>>)
      %dma_start3A_139 = arith.constant 0 : i32
      %dma_start3A_140 = tpu.memref_slice %arg7[%add3A_134, %dma_start3A_139] : memref<320000x128xf32, #tpu.memory_space<hbm>> -> memref<80x128xf32, #tpu.memory_space<hbm>>
      %dma_start3A_141 = arith.constant 0 : i32
      %dma_start3A_142 = tpu.memref_slice %arg7[%add3A_134, %dma_start3A_141] : memref<320000x128xf32, #tpu.memory_space<hbm>> -> memref<80x128xf32, #tpu.memory_space<hbm>>
      tpu.enqueue_dma source(%arg15 : memref<80x128xf32, #tpu.memory_space<vmem>>) target(%dma_start3A_142 : memref<80x128xf32, #tpu.memory_space<hbm>>) target_semaphore(%arg25 : memref<!tpu.dma_semaphore, #tpu.memory_space<semaphore_mem>>)
      %lt3A = arith.constant 61 : i32
      %lt3A_143 = arith.cmpi slt, %scan3A_60, %lt3A : i32
      %convert_element_type3A_144 = arith.extui %lt3A_143 : i1 to i32
      %cond3A_145 = arith.constant 0 : i32
      %cond3A_146 = arith.cmpi ne, %convert_element_type3A_144, %cond3A_145 : i32
      scf.if %cond3A_146 {
        %add3A_147 = arith.constant 1 : i32
        %add3A_148 = arith.addi %add3A_105, %add3A_147 : i32
        %mul3A_149 = arith.constant 80 : i32
        %mul3A_150 = arith.muli %add3A_148, %mul3A_149 : i32
        %add3A_151 = arith.addi %mul3A_2, %mul3A_150 : i32
        %dma_start3A_152 = tpu.memref_slice %arg4[%add3A_151] : memref<320000xi32, #tpu.memory_space<hbm>> -> memref<80xi32, #tpu.memory_space<hbm>>
        %dma_start3A_153 = tpu.memref_slice %arg4[%add3A_151] : memref<320000xi32, #tpu.memory_space<hbm>> -> memref<80xi32, #tpu.memory_space<hbm>>
        tpu.enqueue_dma source(%dma_start3A_153 : memref<80xi32, #tpu.memory_space<hbm>>) target(%arg10 : memref<80xi32, #tpu.memory_space<vmem>>) target_semaphore(%arg17 : memref<!tpu.dma_semaphore, #tpu.memory_space<semaphore_mem>>)
        %dma_start3A_154 = tpu.memref_slice %arg5[%add3A_151] : memref<320000xi32, #tpu.memory_space<hbm>> -> memref<80xi32, #tpu.memory_space<hbm>>
        %dma_start3A_155 = tpu.memref_slice %arg5[%add3A_151] : memref<320000xi32, #tpu.memory_space<hbm>> -> memref<80xi32, #tpu.memory_space<hbm>>
        tpu.enqueue_dma source(%dma_start3A_155 : memref<80xi32, #tpu.memory_space<hbm>>) target(%arg11 : memref<80xi32, #tpu.memory_space<vmem>>) target_semaphore(%arg17 : memref<!tpu.dma_semaphore, #tpu.memory_space<semaphore_mem>>)
      } else {
      }
    }
    %scan3A_27 = arith.constant 62 : i32
    %dma_wait3A_28 = arith.constant 0 : i32
    %dma_wait3A_29 = arith.constant 0 : i32
    %dma_wait3A_30 = tpu.memref_slice %arg2[%dma_wait3A_28, %dma_wait3A_29] : memref<10000x128xf32, #tpu.memory_space<hbm>> -> memref<10000x128xf32, #tpu.memory_space<hbm>>
    tpu.wait_indirect_dma semaphore(%arg18 : memref<!tpu.dma_semaphore, #tpu.memory_space<semaphore_mem>>) src(%dma_wait3A_30 : memref<10000x128xf32, #tpu.memory_space<hbm>>) dst(%arg12 : memref<80x128xf32, #tpu.memory_space<vmem>>)
    %dma_wait3A_31 = arith.constant 0 : i32
    %dma_wait3A_32 = arith.constant 0 : i32
    %dma_wait3A_33 = tpu.memref_slice %arg3[%dma_wait3A_31, %dma_wait3A_32] : memref<10000x128xf32, #tpu.memory_space<hbm>> -> memref<10000x128xf32, #tpu.memory_space<hbm>>
    tpu.wait_indirect_dma semaphore(%arg20 : memref<!tpu.dma_semaphore, #tpu.memory_space<semaphore_mem>>) src(%dma_wait3A_33 : memref<10000x128xf32, #tpu.memory_space<hbm>>) dst(%arg13 : memref<80x128xf32, #tpu.memory_space<vmem>>)
    %add3A_34 = arith.constant 9920 : i32
    %add3A_35 = arith.addi %mul3A_2, %add3A_34 : i32
    %dma_start3A_36 = arith.constant 0 : i32
    %dma_start3A_37 = tpu.memref_slice %arg6[%add3A_35, %dma_start3A_36] : memref<320000x128xf32, #tpu.memory_space<hbm>> -> memref<80x128xf32, #tpu.memory_space<hbm>>
    %dma_start3A_38 = arith.constant 0 : i32
    %dma_start3A_39 = tpu.memref_slice %arg6[%add3A_35, %dma_start3A_38] : memref<320000x128xf32, #tpu.memory_space<hbm>> -> memref<80x128xf32, #tpu.memory_space<hbm>>
    tpu.enqueue_dma source(%arg12 : memref<80x128xf32, #tpu.memory_space<vmem>>) target(%dma_start3A_39 : memref<80x128xf32, #tpu.memory_space<hbm>>) target_semaphore(%arg22 : memref<!tpu.dma_semaphore, #tpu.memory_space<semaphore_mem>>)
    %dma_start3A_40 = arith.constant 0 : i32
    %dma_start3A_41 = tpu.memref_slice %arg7[%add3A_35, %dma_start3A_40] : memref<320000x128xf32, #tpu.memory_space<hbm>> -> memref<80x128xf32, #tpu.memory_space<hbm>>
    %dma_start3A_42 = arith.constant 0 : i32
    %dma_start3A_43 = tpu.memref_slice %arg7[%add3A_35, %dma_start3A_42] : memref<320000x128xf32, #tpu.memory_space<hbm>> -> memref<80x128xf32, #tpu.memory_space<hbm>>
    tpu.enqueue_dma source(%arg13 : memref<80x128xf32, #tpu.memory_space<vmem>>) target(%dma_start3A_43 : memref<80x128xf32, #tpu.memory_space<hbm>>) target_semaphore(%arg24 : memref<!tpu.dma_semaphore, #tpu.memory_space<semaphore_mem>>)
    %dma_wait3A_44 = arith.constant 0 : i32
    %dma_wait3A_45 = tpu.memref_slice %arg6[%mul3A_2, %dma_wait3A_44] : memref<320000x128xf32, #tpu.memory_space<hbm>> -> memref<80x128xf32, #tpu.memory_space<hbm>>
    %dma_wait3A_46 = arith.constant 0 : i32
    %dma_wait3A_47 = tpu.memref_slice %arg6[%mul3A_2, %dma_wait3A_46] : memref<320000x128xf32, #tpu.memory_space<hbm>> -> memref<80x128xf32, #tpu.memory_space<hbm>>
    tpu.wait_dma2 semaphore(%arg23 : memref<!tpu.dma_semaphore, #tpu.memory_space<semaphore_mem>>) src(%arg14 : memref<80x128xf32, #tpu.memory_space<vmem>>) dst(%dma_wait3A_47 : memref<80x128xf32, #tpu.memory_space<hbm>>)
    %dma_wait3A_48 = arith.constant 0 : i32
    %dma_wait3A_49 = tpu.memref_slice %arg7[%mul3A_2, %dma_wait3A_48] : memref<320000x128xf32, #tpu.memory_space<hbm>> -> memref<80x128xf32, #tpu.memory_space<hbm>>
    %dma_wait3A_50 = arith.constant 0 : i32
    %dma_wait3A_51 = tpu.memref_slice %arg7[%mul3A_2, %dma_wait3A_50] : memref<320000x128xf32, #tpu.memory_space<hbm>> -> memref<80x128xf32, #tpu.memory_space<hbm>>
    tpu.wait_dma2 semaphore(%arg25 : memref<!tpu.dma_semaphore, #tpu.memory_space<semaphore_mem>>) src(%arg15 : memref<80x128xf32, #tpu.memory_space<vmem>>) dst(%dma_wait3A_51 : memref<80x128xf32, #tpu.memory_space<hbm>>)
    %dma_wait3A_52 = arith.constant 0 : i32
    %dma_wait3A_53 = tpu.memref_slice %arg6[%mul3A_2, %dma_wait3A_52] : memref<320000x128xf32, #tpu.memory_space<hbm>> -> memref<80x128xf32, #tpu.memory_space<hbm>>
    %dma_wait3A_54 = arith.constant 0 : i32
    %dma_wait3A_55 = tpu.memref_slice %arg6[%mul3A_2, %dma_wait3A_54] : memref<320000x128xf32, #tpu.memory_space<hbm>> -> memref<80x128xf32, #tpu.memory_space<hbm>>
    tpu.wait_dma2 semaphore(%arg22 : memref<!tpu.dma_semaphore, #tpu.memory_space<semaphore_mem>>) src(%arg12 : memref<80x128xf32, #tpu.memory_space<vmem>>) dst(%dma_wait3A_55 : memref<80x128xf32, #tpu.memory_space<hbm>>)
    %dma_wait3A_56 = arith.constant 0 : i32
    %dma_wait3A_57 = tpu.memref_slice %arg7[%mul3A_2, %dma_wait3A_56] : memref<320000x128xf32, #tpu.memory_space<hbm>> -> memref<80x128xf32, #tpu.memory_space<hbm>>
    %dma_wait3A_58 = arith.constant 0 : i32
    %dma_wait3A_59 = tpu.memref_slice %arg7[%mul3A_2, %dma_wait3A_58] : memref<320000x128xf32, #tpu.memory_space<hbm>> -> memref<80x128xf32, #tpu.memory_space<hbm>>
    tpu.wait_dma2 semaphore(%arg24 : memref<!tpu.dma_semaphore, #tpu.memory_space<semaphore_mem>>) src(%arg13 : memref<80x128xf32, #tpu.memory_space<vmem>>) dst(%dma_wait3A_59 : memref<80x128xf32, #tpu.memory_space<hbm>>)
    return
  }
}

#map = affine_map<(d0, d1) -> (0, 0)>
#map1 = affine_map<(d0, d1) -> (0)>
#map2 = affine_map<(d0, d1) -> (0, 0, 0)>
module attributes {stable_mosaic.version = 14 : i64} {
  func.func @scatter_call(%arg0: i32, %arg1: i32, %arg2: memref<320000x128xf32, #tpu.memory_space<hbm>>, %arg3: memref<320000xi32, #tpu.memory_space<hbm>>, %arg4: memref<2x10112x128xf32, #tpu.memory_space<hbm>>, %arg5: memref<80xi32, #tpu.memory_space<vmem>>, %arg6: memref<80xi32, #tpu.memory_space<vmem>>, %arg7: memref<80x128xf32, #tpu.memory_space<vmem>>, %arg8: memref<80x128xf32, #tpu.memory_space<vmem>>, %arg9: memref<128x128xf32, #tpu.memory_space<vmem>>, %arg10: memref<10112x128xf32, #tpu.memory_space<vmem_shared>>, %arg11: memref<!tpu.dma_semaphore, #tpu.memory_space<semaphore_mem>>, %arg12: memref<!tpu.dma_semaphore, #tpu.memory_space<semaphore_mem>>, %arg13: memref<!tpu.dma_semaphore, #tpu.memory_space<semaphore_mem>>, %arg14: memref<!tpu.dma_semaphore, #tpu.memory_space<semaphore_mem>>) attributes {dimension_semantics = [#tpu.dimension_semantics<core_parallel>, #tpu.dimension_semantics<subcore_parallel>], iteration_bounds = array<i64: 2, 16>, scalar_prefetch = 0 : i64, scratch_operands = 10 : i64, tpu.core_type = #tpu.core_type<sc_vector_subcore>, window_params = [{transform_indices = #map}, {transform_indices = #map1}, {transform_indices = #map2}]} {
    %mul3A = arith.constant 2 : i32
    %mul3A_0 = arith.muli %arg1, %mul3A : i32
    %add3A = arith.addi %mul3A_0, %arg0 : i32
    %mul3A_1 = arith.constant 10000 : i32
    %mul3A_2 = arith.muli %add3A, %mul3A_1 : i32
    %broadcast_in_dim3A = arith.constant 0.000000e+00 : f32
    %broadcast_in_dim3A_3 = vector.broadcast %broadcast_in_dim3A : f32 to vector<16xf32>
    %scan3A = arith.constant 0 : i32
    %scan3A_4 = arith.constant 0 : i32
    %scan3A_5 = arith.constant 128 : i32
    %scan3A_6 = arith.addi %scan3A_4, %scan3A_5 : i32
    %scan3A_7 = arith.constant 1 : i32
    scf.for %scan3A_80 = %scan3A_4 to %scan3A_6 step %scan3A_7  : i32 {
      %swap3A = arith.index_cast %scan3A_80 : i32 to index
      %swap3A_81 = arith.constant 0 : index
      %swap3A_82 = tpu.vector_load %arg9[%swap3A, %swap3A_81] {strides = array<i32>} : memref<128x128xf32, #tpu.memory_space<vmem>>, vector<1x16xf32>,
      %swap3A_83 = vector.shape_cast %swap3A_82 : vector<1x16xf32> to vector<16xf32>
      %swap3A_84 = vector.shape_cast %broadcast_in_dim3A_3 : vector<16xf32> to vector<1x16xf32>
      tpu.vector_store %arg9[%swap3A, %swap3A_81], %swap3A_84 {strides = array<i32>} : memref<128x128xf32, #tpu.memory_space<vmem>>, vector<1x16xf32>,
      %swap3A_85 = arith.index_cast %scan3A_80 : i32 to index
      %swap3A_86 = arith.constant 16 : index
      %swap3A_87 = tpu.vector_load %arg9[%swap3A_85, %swap3A_86] {strides = array<i32>} : memref<128x128xf32, #tpu.memory_space<vmem>>, vector<1x16xf32>,
      %swap3A_88 = vector.shape_cast %swap3A_87 : vector<1x16xf32> to vector<16xf32>
      %swap3A_89 = vector.shape_cast %broadcast_in_dim3A_3 : vector<16xf32> to vector<1x16xf32>
      tpu.vector_store %arg9[%swap3A_85, %swap3A_86], %swap3A_89 {strides = array<i32>} : memref<128x128xf32, #tpu.memory_space<vmem>>, vector<1x16xf32>,
      %swap3A_90 = arith.index_cast %scan3A_80 : i32 to index
      %swap3A_91 = arith.constant 32 : index
      %swap3A_92 = tpu.vector_load %arg9[%swap3A_90, %swap3A_91] {strides = array<i32>} : memref<128x128xf32, #tpu.memory_space<vmem>>, vector<1x16xf32>,
      %swap3A_93 = vector.shape_cast %swap3A_92 : vector<1x16xf32> to vector<16xf32>
      %swap3A_94 = vector.shape_cast %broadcast_in_dim3A_3 : vector<16xf32> to vector<1x16xf32>
      tpu.vector_store %arg9[%swap3A_90, %swap3A_91], %swap3A_94 {strides = array<i32>} : memref<128x128xf32, #tpu.memory_space<vmem>>, vector<1x16xf32>,
      %swap3A_95 = arith.index_cast %scan3A_80 : i32 to index
      %swap3A_96 = arith.constant 48 : index
      %swap3A_97 = tpu.vector_load %arg9[%swap3A_95, %swap3A_96] {strides = array<i32>} : memref<128x128xf32, #tpu.memory_space<vmem>>, vector<1x16xf32>,
      %swap3A_98 = vector.shape_cast %swap3A_97 : vector<1x16xf32> to vector<16xf32>
      %swap3A_99 = vector.shape_cast %broadcast_in_dim3A_3 : vector<16xf32> to vector<1x16xf32>
      tpu.vector_store %arg9[%swap3A_95, %swap3A_96], %swap3A_99 {strides = array<i32>} : memref<128x128xf32, #tpu.memory_space<vmem>>, vector<1x16xf32>,
      %swap3A_100 = arith.index_cast %scan3A_80 : i32 to index
      %swap3A_101 = arith.constant 64 : index
      %swap3A_102 = tpu.vector_load %arg9[%swap3A_100, %swap3A_101] {strides = array<i32>} : memref<128x128xf32, #tpu.memory_space<vmem>>, vector<1x16xf32>,
      %swap3A_103 = vector.shape_cast %swap3A_102 : vector<1x16xf32> to vector<16xf32>
      %swap3A_104 = vector.shape_cast %broadcast_in_dim3A_3 : vector<16xf32> to vector<1x16xf32>
      tpu.vector_store %arg9[%swap3A_100, %swap3A_101], %swap3A_104 {strides = array<i32>} : memref<128x128xf32, #tpu.memory_space<vmem>>, vector<1x16xf32>,
      %swap3A_105 = arith.index_cast %scan3A_80 : i32 to index
      %swap3A_106 = arith.constant 80 : index
      %swap3A_107 = tpu.vector_load %arg9[%swap3A_105, %swap3A_106] {strides = array<i32>} : memref<128x128xf32, #tpu.memory_space<vmem>>, vector<1x16xf32>,
      %swap3A_108 = vector.shape_cast %swap3A_107 : vector<1x16xf32> to vector<16xf32>
      %swap3A_109 = vector.shape_cast %broadcast_in_dim3A_3 : vector<16xf32> to vector<1x16xf32>
      tpu.vector_store %arg9[%swap3A_105, %swap3A_106], %swap3A_109 {strides = array<i32>} : memref<128x128xf32, #tpu.memory_space<vmem>>, vector<1x16xf32>,
      %swap3A_110 = arith.index_cast %scan3A_80 : i32 to index
      %swap3A_111 = arith.constant 96 : index
      %swap3A_112 = tpu.vector_load %arg9[%swap3A_110, %swap3A_111] {strides = array<i32>} : memref<128x128xf32, #tpu.memory_space<vmem>>, vector<1x16xf32>,
      %swap3A_113 = vector.shape_cast %swap3A_112 : vector<1x16xf32> to vector<16xf32>
      %swap3A_114 = vector.shape_cast %broadcast_in_dim3A_3 : vector<16xf32> to vector<1x16xf32>
      tpu.vector_store %arg9[%swap3A_110, %swap3A_111], %swap3A_114 {strides = array<i32>} : memref<128x128xf32, #tpu.memory_space<vmem>>, vector<1x16xf32>,
      %swap3A_115 = arith.index_cast %scan3A_80 : i32 to index
      %swap3A_116 = arith.constant 112 : index
      %swap3A_117 = tpu.vector_load %arg9[%swap3A_115, %swap3A_116] {strides = array<i32>} : memref<128x128xf32, #tpu.memory_space<vmem>>, vector<1x16xf32>,
      %swap3A_118 = vector.shape_cast %swap3A_117 : vector<1x16xf32> to vector<16xf32>
      %swap3A_119 = vector.shape_cast %broadcast_in_dim3A_3 : vector<16xf32> to vector<1x16xf32>
      tpu.vector_store %arg9[%swap3A_115, %swap3A_116], %swap3A_119 {strides = array<i32>} : memref<128x128xf32, #tpu.memory_space<vmem>>, vector<1x16xf32>,
    }
    %scan3A_8 = arith.constant 128 : i32
    %mul3A_9 = arith.constant 632 : i32
    %mul3A_10 = arith.muli %arg1, %mul3A_9 : i32
    %add3A_11 = arith.constant 0 : i32
    %add3A_12 = arith.addi %mul3A_10, %add3A_11 : i32
    "tpu.region"() ({
      %run_scoped3A = tpu.sem_alloc : memref<!tpu.dma_semaphore, #tpu.memory_space<semaphore_mem>>
      %dma_start3A_80 = arith.constant 0 : i32
      %dma_start3A_81 = tpu.memref_slice %arg10[%add3A_12, %dma_start3A_80] : memref<10112x128xf32, #tpu.memory_space<vmem_shared>> -> memref<128x128xf32, #tpu.memory_space<vmem_shared>>
      %dma_start3A_82 = arith.constant 0 : i32
      %dma_start3A_83 = tpu.memref_slice %arg10[%add3A_12, %dma_start3A_82] : memref<10112x128xf32, #tpu.memory_space<vmem_shared>> -> memref<128x128xf32, #tpu.memory_space<vmem_shared>>
      tpu.enqueue_dma source(%arg9 : memref<128x128xf32, #tpu.memory_space<vmem>>) target(%dma_start3A_83 : memref<128x128xf32, #tpu.memory_space<vmem_shared>>) target_semaphore(%run_scoped3A : memref<!tpu.dma_semaphore, #tpu.memory_space<semaphore_mem>>)
      %dma_wait3A_84 = arith.constant 0 : i32
      %dma_wait3A_85 = tpu.memref_slice %arg10[%add3A_12, %dma_wait3A_84] : memref<10112x128xf32, #tpu.memory_space<vmem_shared>> -> memref<128x128xf32, #tpu.memory_space<vmem_shared>>
      %dma_wait3A_86 = arith.constant 0 : i32
      %dma_wait3A_87 = tpu.memref_slice %arg10[%add3A_12, %dma_wait3A_86] : memref<10112x128xf32, #tpu.memory_space<vmem_shared>> -> memref<128x128xf32, #tpu.memory_space<vmem_shared>>
      tpu.wait_dma2 semaphore(%run_scoped3A : memref<!tpu.dma_semaphore, #tpu.memory_space<semaphore_mem>>) src(%arg9 : memref<128x128xf32, #tpu.memory_space<vmem>>) dst(%dma_wait3A_87 : memref<128x128xf32, #tpu.memory_space<vmem_shared>>)
      tpu.yield
    }) : () -> ()
    %mul3A_13 = arith.constant 632 : i32
    %mul3A_14 = arith.muli %arg1, %mul3A_13 : i32
    %add3A_15 = arith.constant 128 : i32
    %add3A_16 = arith.addi %mul3A_14, %add3A_15 : i32
    "tpu.region"() ({
      %run_scoped3A = tpu.sem_alloc : memref<!tpu.dma_semaphore, #tpu.memory_space<semaphore_mem>>
      %dma_start3A_80 = arith.constant 0 : i32
      %dma_start3A_81 = tpu.memref_slice %arg10[%add3A_16, %dma_start3A_80] : memref<10112x128xf32, #tpu.memory_space<vmem_shared>> -> memref<128x128xf32, #tpu.memory_space<vmem_shared>>
      %dma_start3A_82 = arith.constant 0 : i32
      %dma_start3A_83 = tpu.memref_slice %arg10[%add3A_16, %dma_start3A_82] : memref<10112x128xf32, #tpu.memory_space<vmem_shared>> -> memref<128x128xf32, #tpu.memory_space<vmem_shared>>
      tpu.enqueue_dma source(%arg9 : memref<128x128xf32, #tpu.memory_space<vmem>>) target(%dma_start3A_83 : memref<128x128xf32, #tpu.memory_space<vmem_shared>>) target_semaphore(%run_scoped3A : memref<!tpu.dma_semaphore, #tpu.memory_space<semaphore_mem>>)
      %dma_wait3A_84 = arith.constant 0 : i32
      %dma_wait3A_85 = tpu.memref_slice %arg10[%add3A_16, %dma_wait3A_84] : memref<10112x128xf32, #tpu.memory_space<vmem_shared>> -> memref<128x128xf32, #tpu.memory_space<vmem_shared>>
      %dma_wait3A_86 = arith.constant 0 : i32
      %dma_wait3A_87 = tpu.memref_slice %arg10[%add3A_16, %dma_wait3A_86] : memref<10112x128xf32, #tpu.memory_space<vmem_shared>> -> memref<128x128xf32, #tpu.memory_space<vmem_shared>>
      tpu.wait_dma2 semaphore(%run_scoped3A : memref<!tpu.dma_semaphore, #tpu.memory_space<semaphore_mem>>) src(%arg9 : memref<128x128xf32, #tpu.memory_space<vmem>>) dst(%dma_wait3A_87 : memref<128x128xf32, #tpu.memory_space<vmem_shared>>)
      tpu.yield
    }) : () -> ()
    %mul3A_17 = arith.constant 632 : i32
    %mul3A_18 = arith.muli %arg1, %mul3A_17 : i32
    %add3A_19 = arith.constant 256 : i32
    %add3A_20 = arith.addi %mul3A_18, %add3A_19 : i32
    "tpu.region"() ({
      %run_scoped3A = tpu.sem_alloc : memref<!tpu.dma_semaphore, #tpu.memory_space<semaphore_mem>>
      %dma_start3A_80 = arith.constant 0 : i32
      %dma_start3A_81 = tpu.memref_slice %arg10[%add3A_20, %dma_start3A_80] : memref<10112x128xf32, #tpu.memory_space<vmem_shared>> -> memref<128x128xf32, #tpu.memory_space<vmem_shared>>
      %dma_start3A_82 = arith.constant 0 : i32
      %dma_start3A_83 = tpu.memref_slice %arg10[%add3A_20, %dma_start3A_82] : memref<10112x128xf32, #tpu.memory_space<vmem_shared>> -> memref<128x128xf32, #tpu.memory_space<vmem_shared>>
      tpu.enqueue_dma source(%arg9 : memref<128x128xf32, #tpu.memory_space<vmem>>) target(%dma_start3A_83 : memref<128x128xf32, #tpu.memory_space<vmem_shared>>) target_semaphore(%run_scoped3A : memref<!tpu.dma_semaphore, #tpu.memory_space<semaphore_mem>>)
      %dma_wait3A_84 = arith.constant 0 : i32
      %dma_wait3A_85 = tpu.memref_slice %arg10[%add3A_20, %dma_wait3A_84] : memref<10112x128xf32, #tpu.memory_space<vmem_shared>> -> memref<128x128xf32, #tpu.memory_space<vmem_shared>>
      %dma_wait3A_86 = arith.constant 0 : i32
      %dma_wait3A_87 = tpu.memref_slice %arg10[%add3A_20, %dma_wait3A_86] : memref<10112x128xf32, #tpu.memory_space<vmem_shared>> -> memref<128x128xf32, #tpu.memory_space<vmem_shared>>
      tpu.wait_dma2 semaphore(%run_scoped3A : memref<!tpu.dma_semaphore, #tpu.memory_space<semaphore_mem>>) src(%arg9 : memref<128x128xf32, #tpu.memory_space<vmem>>) dst(%dma_wait3A_87 : memref<128x128xf32, #tpu.memory_space<vmem_shared>>)
      tpu.yield
    }) : () -> ()
    %mul3A_21 = arith.constant 632 : i32
    %mul3A_22 = arith.muli %arg1, %mul3A_21 : i32
    %add3A_23 = arith.constant 384 : i32
    %add3A_24 = arith.addi %mul3A_22, %add3A_23 : i32
    "tpu.region"() ({
      %run_scoped3A = tpu.sem_alloc : memref<!tpu.dma_semaphore, #tpu.memory_space<semaphore_mem>>
      %dma_start3A_80 = arith.constant 0 : i32
      %dma_start3A_81 = tpu.memref_slice %arg10[%add3A_24, %dma_start3A_80] : memref<10112x128xf32, #tpu.memory_space<vmem_shared>> -> memref<128x128xf32, #tpu.memory_space<vmem_shared>>
      %dma_start3A_82 = arith.constant 0 : i32
      %dma_start3A_83 = tpu.memref_slice %arg10[%add3A_24, %dma_start3A_82] : memref<10112x128xf32, #tpu.memory_space<vmem_shared>> -> memref<128x128xf32, #tpu.memory_space<vmem_shared>>
      tpu.enqueue_dma source(%arg9 : memref<128x128xf32, #tpu.memory_space<vmem>>) target(%dma_start3A_83 : memref<128x128xf32, #tpu.memory_space<vmem_shared>>) target_semaphore(%run_scoped3A : memref<!tpu.dma_semaphore, #tpu.memory_space<semaphore_mem>>)
      %dma_wait3A_84 = arith.constant 0 : i32
      %dma_wait3A_85 = tpu.memref_slice %arg10[%add3A_24, %dma_wait3A_84] : memref<10112x128xf32, #tpu.memory_space<vmem_shared>> -> memref<128x128xf32, #tpu.memory_space<vmem_shared>>
      %dma_wait3A_86 = arith.constant 0 : i32
      %dma_wait3A_87 = tpu.memref_slice %arg10[%add3A_24, %dma_wait3A_86] : memref<10112x128xf32, #tpu.memory_space<vmem_shared>> -> memref<128x128xf32, #tpu.memory_space<vmem_shared>>
      tpu.wait_dma2 semaphore(%run_scoped3A : memref<!tpu.dma_semaphore, #tpu.memory_space<semaphore_mem>>) src(%arg9 : memref<128x128xf32, #tpu.memory_space<vmem>>) dst(%dma_wait3A_87 : memref<128x128xf32, #tpu.memory_space<vmem_shared>>)
      tpu.yield
    }) : () -> ()
    %mul3A_25 = arith.constant 632 : i32
    %mul3A_26 = arith.muli %arg1, %mul3A_25 : i32
    %add3A_27 = arith.constant 632 : i32
    %add3A_28 = arith.addi %mul3A_26, %add3A_27 : i32
    %sub3A = arith.constant 120 : i32
    %sub3A_29 = arith.subi %add3A_28, %sub3A : i32
    "tpu.region"() ({
      %run_scoped3A = tpu.sem_alloc : memref<!tpu.dma_semaphore, #tpu.memory_space<semaphore_mem>>
      %dma_start3A_80 = arith.constant 0 : i32
      %dma_start3A_81 = arith.constant 0 : i32
      %dma_start3A_82 = tpu.memref_slice %arg9[%dma_start3A_80, %dma_start3A_81] : memref<128x128xf32, #tpu.memory_space<vmem>> -> memref<120x128xf32, #tpu.memory_space<vmem>>
      %dma_start3A_83 = arith.constant 0 : i32
      %dma_start3A_84 = tpu.memref_slice %arg10[%sub3A_29, %dma_start3A_83] : memref<10112x128xf32, #tpu.memory_space<vmem_shared>> -> memref<120x128xf32, #tpu.memory_space<vmem_shared>>
      %dma_start3A_85 = arith.constant 0 : i32
      %dma_start3A_86 = tpu.memref_slice %arg10[%sub3A_29, %dma_start3A_85] : memref<10112x128xf32, #tpu.memory_space<vmem_shared>> -> memref<120x128xf32, #tpu.memory_space<vmem_shared>>
      %dma_start3A_87 = arith.constant 0 : i32
      %dma_start3A_88 = arith.constant 0 : i32
      %dma_start3A_89 = tpu.memref_slice %arg9[%dma_start3A_87, %dma_start3A_88] : memref<128x128xf32, #tpu.memory_space<vmem>> -> memref<120x128xf32, #tpu.memory_space<vmem>>
      tpu.enqueue_dma source(%dma_start3A_89 : memref<120x128xf32, #tpu.memory_space<vmem>>) target(%dma_start3A_86 : memref<120x128xf32, #tpu.memory_space<vmem_shared>>) target_semaphore(%run_scoped3A : memref<!tpu.dma_semaphore, #tpu.memory_space<semaphore_mem>>)
      %dma_wait3A_90 = arith.constant 0 : i32
      %dma_wait3A_91 = arith.constant 0 : i32
      %dma_wait3A_92 = tpu.memref_slice %arg9[%dma_wait3A_90, %dma_wait3A_91] : memref<128x128xf32, #tpu.memory_space<vmem>> -> memref<120x128xf32, #tpu.memory_space<vmem>>
      %dma_wait3A_93 = arith.constant 0 : i32
      %dma_wait3A_94 = tpu.memref_slice %arg10[%sub3A_29, %dma_wait3A_93] : memref<10112x128xf32, #tpu.memory_space<vmem_shared>> -> memref<120x128xf32, #tpu.memory_space<vmem_shared>>
      %dma_wait3A_95 = arith.constant 0 : i32
      %dma_wait3A_96 = tpu.memref_slice %arg10[%sub3A_29, %dma_wait3A_95] : memref<10112x128xf32, #tpu.memory_space<vmem_shared>> -> memref<120x128xf32, #tpu.memory_space<vmem_shared>>
      %dma_wait3A_97 = arith.constant 0 : i32
      %dma_wait3A_98 = arith.constant 0 : i32
      %dma_wait3A_99 = tpu.memref_slice %arg9[%dma_wait3A_97, %dma_wait3A_98] : memref<128x128xf32, #tpu.memory_space<vmem>> -> memref<120x128xf32, #tpu.memory_space<vmem>>
      tpu.wait_dma2 semaphore(%run_scoped3A : memref<!tpu.dma_semaphore, #tpu.memory_space<semaphore_mem>>) src(%dma_wait3A_99 : memref<120x128xf32, #tpu.memory_space<vmem>>) dst(%dma_wait3A_96 : memref<120x128xf32, #tpu.memory_space<vmem_shared>>)
      tpu.yield
    }) : () -> ()
    %barrier3A = arith.constant 0 : index
    tpu.barrier barrier_id(%barrier3A)
    %add3A_30 = arith.constant 0 : i32
    %add3A_31 = arith.addi %mul3A_2, %add3A_30 : i32
    %dma_start3A = tpu.memref_slice %arg3[%add3A_31] : memref<320000xi32, #tpu.memory_space<hbm>> -> memref<80xi32, #tpu.memory_space<hbm>>
    %dma_start3A_32 = tpu.memref_slice %arg3[%add3A_31] : memref<320000xi32, #tpu.memory_space<hbm>> -> memref<80xi32, #tpu.memory_space<hbm>>
    tpu.enqueue_dma source(%dma_start3A_32 : memref<80xi32, #tpu.memory_space<hbm>>) target(%arg5 : memref<80xi32, #tpu.memory_space<vmem>>) target_semaphore(%arg11 : memref<!tpu.dma_semaphore, #tpu.memory_space<semaphore_mem>>)
    %dma_start3A_33 = arith.constant 0 : i32
    %dma_start3A_34 = tpu.memref_slice %arg2[%add3A_31, %dma_start3A_33] : memref<320000x128xf32, #tpu.memory_space<hbm>> -> memref<80x128xf32, #tpu.memory_space<hbm>>
    %dma_start3A_35 = arith.constant 0 : i32
    %dma_start3A_36 = tpu.memref_slice %arg2[%add3A_31, %dma_start3A_35] : memref<320000x128xf32, #tpu.memory_space<hbm>> -> memref<80x128xf32, #tpu.memory_space<hbm>>
    tpu.enqueue_dma source(%dma_start3A_36 : memref<80x128xf32, #tpu.memory_space<hbm>>) target(%arg7 : memref<80x128xf32, #tpu.memory_space<vmem>>) target_semaphore(%arg11 : memref<!tpu.dma_semaphore, #tpu.memory_space<semaphore_mem>>)
    %scan3A_37 = arith.constant 0 : i32
    %scan3A_38 = arith.constant 0 : i32
    %scan3A_39 = arith.constant 62 : i32
    %scan3A_40 = arith.addi %scan3A_38, %scan3A_39 : i32
    %scan3A_41 = arith.constant 1 : i32
    scf.for %scan3A_80 = %scan3A_38 to %scan3A_40 step %scan3A_41  : i32 {
      %dma_wait3A_81 = tpu.memref_slice %arg3[%mul3A_2] : memref<320000xi32, #tpu.memory_space<hbm>> -> memref<80xi32, #tpu.memory_space<hbm>>
      %dma_wait3A_82 = tpu.memref_slice %arg3[%mul3A_2] : memref<320000xi32, #tpu.memory_space<hbm>> -> memref<80xi32, #tpu.memory_space<hbm>>
      tpu.wait_dma2 semaphore(%arg11 : memref<!tpu.dma_semaphore, #tpu.memory_space<semaphore_mem>>) src(%dma_wait3A_82 : memref<80xi32, #tpu.memory_space<hbm>>) dst(%arg5 : memref<80xi32, #tpu.memory_space<vmem>>)
      %dma_wait3A_83 = arith.constant 0 : i32
      %dma_wait3A_84 = tpu.memref_slice %arg2[%mul3A_2, %dma_wait3A_83] : memref<320000x128xf32, #tpu.memory_space<hbm>> -> memref<80x128xf32, #tpu.memory_space<hbm>>
      %dma_wait3A_85 = arith.constant 0 : i32
      %dma_wait3A_86 = tpu.memref_slice %arg2[%mul3A_2, %dma_wait3A_85] : memref<320000x128xf32, #tpu.memory_space<hbm>> -> memref<80x128xf32, #tpu.memory_space<hbm>>
      tpu.wait_dma2 semaphore(%arg11 : memref<!tpu.dma_semaphore, #tpu.memory_space<semaphore_mem>>) src(%dma_wait3A_86 : memref<80x128xf32, #tpu.memory_space<hbm>>) dst(%arg7 : memref<80x128xf32, #tpu.memory_space<vmem>>)
      %dma_start3A_87 = arith.constant 0 : i32
      %dma_start3A_88 = arith.constant 0 : i32
      %dma_start3A_89 = tpu.memref_slice %arg10[%dma_start3A_87, %dma_start3A_88] : memref<10112x128xf32, #tpu.memory_space<vmem_shared>> -> memref<10112x128xf32, #tpu.memory_space<vmem_shared>>
      tpu.enqueue_indirect_dma source(%arg7 : memref<80x128xf32, #tpu.memory_space<vmem>>) target(%dma_start3A_89 : memref<10112x128xf32, #tpu.memory_space<vmem_shared>>) offsets(%arg5 : memref<80xi32, #tpu.memory_space<vmem>>) semaphore(%arg13 : memref<!tpu.dma_semaphore, #tpu.memory_space<semaphore_mem>>) {add = true}
      %gt3A = arith.constant 0 : i32
      %gt3A_90 = arith.cmpi sgt, %scan3A_80, %gt3A : i32
      %convert_element_type3A = arith.extui %gt3A_90 : i1 to i32
      %cond3A = arith.constant 0 : i32
      %cond3A_91 = arith.cmpi ne, %convert_element_type3A, %cond3A : i32
      scf.if %cond3A_91 {
        %dma_wait3A_130 = arith.constant 0 : i32
        %dma_wait3A_131 = arith.constant 0 : i32
        %dma_wait3A_132 = tpu.memref_slice %arg10[%dma_wait3A_130, %dma_wait3A_131] : memref<10112x128xf32, #tpu.memory_space<vmem_shared>> -> memref<10112x128xf32, #tpu.memory_space<vmem_shared>>
        tpu.wait_indirect_dma semaphore(%arg14 : memref<!tpu.dma_semaphore, #tpu.memory_space<semaphore_mem>>) src(%arg8 : memref<80x128xf32, #tpu.memory_space<vmem>>) dst(%dma_wait3A_132 : memref<10112x128xf32, #tpu.memory_space<vmem_shared>>)
      } else {
      }
      %mul3A_92 = arith.constant 2 : i32
      %mul3A_93 = arith.muli %mul3A_92, %scan3A_80 : i32
      %add3A_94 = arith.constant 1 : i32
      %add3A_95 = arith.addi %mul3A_93, %add3A_94 : i32
      %mul3A_96 = arith.constant 80 : i32
      %mul3A_97 = arith.muli %add3A_95, %mul3A_96 : i32
      %add3A_98 = arith.addi %mul3A_2, %mul3A_97 : i32
      %dma_start3A_99 = tpu.memref_slice %arg3[%add3A_98] : memref<320000xi32, #tpu.memory_space<hbm>> -> memref<80xi32, #tpu.memory_space<hbm>>
      %dma_start3A_100 = tpu.memref_slice %arg3[%add3A_98] : memref<320000xi32, #tpu.memory_space<hbm>> -> memref<80xi32, #tpu.memory_space<hbm>>
      tpu.enqueue_dma source(%dma_start3A_100 : memref<80xi32, #tpu.memory_space<hbm>>) target(%arg6 : memref<80xi32, #tpu.memory_space<vmem>>) target_semaphore(%arg12 : memref<!tpu.dma_semaphore, #tpu.memory_space<semaphore_mem>>)
      %dma_start3A_101 = arith.constant 0 : i32
      %dma_start3A_102 = tpu.memref_slice %arg2[%add3A_98, %dma_start3A_101] : memref<320000x128xf32, #tpu.memory_space<hbm>> -> memref<80x128xf32, #tpu.memory_space<hbm>>
      %dma_start3A_103 = arith.constant 0 : i32
      %dma_start3A_104 = tpu.memref_slice %arg2[%add3A_98, %dma_start3A_103] : memref<320000x128xf32, #tpu.memory_space<hbm>> -> memref<80x128xf32, #tpu.memory_space<hbm>>
      tpu.enqueue_dma source(%dma_start3A_104 : memref<80x128xf32, #tpu.memory_space<hbm>>) target(%arg8 : memref<80x128xf32, #tpu.memory_space<vmem>>) target_semaphore(%arg12 : memref<!tpu.dma_semaphore, #tpu.memory_space<semaphore_mem>>)
      %dma_wait3A_105 = tpu.memref_slice %arg3[%mul3A_2] : memref<320000xi32, #tpu.memory_space<hbm>> -> memref<80xi32, #tpu.memory_space<hbm>>
      %dma_wait3A_106 = tpu.memref_slice %arg3[%mul3A_2] : memref<320000xi32, #tpu.memory_space<hbm>> -> memref<80xi32, #tpu.memory_space<hbm>>
      tpu.wait_dma2 semaphore(%arg12 : memref<!tpu.dma_semaphore, #tpu.memory_space<semaphore_mem>>) src(%dma_wait3A_106 : memref<80xi32, #tpu.memory_space<hbm>>) dst(%arg6 : memref<80xi32, #tpu.memory_space<vmem>>)
      %dma_wait3A_107 = arith.constant 0 : i32
      %dma_wait3A_108 = tpu.memref_slice %arg2[%mul3A_2, %dma_wait3A_107] : memref<320000x128xf32, #tpu.memory_space<hbm>> -> memref<80x128xf32, #tpu.memory_space<hbm>>
      %dma_wait3A_109 = arith.constant 0 : i32
      %dma_wait3A_110 = tpu.memref_slice %arg2[%mul3A_2, %dma_wait3A_109] : memref<320000x128xf32, #tpu.memory_space<hbm>> -> memref<80x128xf32, #tpu.memory_space<hbm>>
      tpu.wait_dma2 semaphore(%arg12 : memref<!tpu.dma_semaphore, #tpu.memory_space<semaphore_mem>>) src(%dma_wait3A_110 : memref<80x128xf32, #tpu.memory_space<hbm>>) dst(%arg8 : memref<80x128xf32, #tpu.memory_space<vmem>>)
      %dma_start3A_111 = arith.constant 0 : i32
      %dma_start3A_112 = arith.constant 0 : i32
      %dma_start3A_113 = tpu.memref_slice %arg10[%dma_start3A_111, %dma_start3A_112] : memref<10112x128xf32, #tpu.memory_space<vmem_shared>> -> memref<10112x128xf32, #tpu.memory_space<vmem_shared>>
      tpu.enqueue_indirect_dma source(%arg8 : memref<80x128xf32, #tpu.memory_space<vmem>>) target(%dma_start3A_113 : memref<10112x128xf32, #tpu.memory_space<vmem_shared>>) offsets(%arg6 : memref<80xi32, #tpu.memory_space<vmem>>) semaphore(%arg14 : memref<!tpu.dma_semaphore, #tpu.memory_space<semaphore_mem>>) {add = true}
      %dma_wait3A_114 = arith.constant 0 : i32
      %dma_wait3A_115 = arith.constant 0 : i32
      %dma_wait3A_116 = tpu.memref_slice %arg10[%dma_wait3A_114, %dma_wait3A_115] : memref<10112x128xf32, #tpu.memory_space<vmem_shared>> -> memref<10112x128xf32, #tpu.memory_space<vmem_shared>>
      tpu.wait_indirect_dma semaphore(%arg13 : memref<!tpu.dma_semaphore, #tpu.memory_space<semaphore_mem>>) src(%arg7 : memref<80x128xf32, #tpu.memory_space<vmem>>) dst(%dma_wait3A_116 : memref<10112x128xf32, #tpu.memory_space<vmem_shared>>)
      %mul3A_117 = arith.constant 2 : i32
      %mul3A_118 = arith.muli %mul3A_117, %scan3A_80 : i32
      %add3A_119 = arith.constant 2 : i32
      %add3A_120 = arith.addi %mul3A_118, %add3A_119 : i32
      %mul3A_121 = arith.constant 80 : i32
      %mul3A_122 = arith.muli %add3A_120, %mul3A_121 : i32
      %add3A_123 = arith.addi %mul3A_2, %mul3A_122 : i32
      %dma_start3A_124 = tpu.memref_slice %arg3[%add3A_123] : memref<320000xi32, #tpu.memory_space<hbm>> -> memref<80xi32, #tpu.memory_space<hbm>>
      %dma_start3A_125 = tpu.memref_slice %arg3[%add3A_123] : memref<320000xi32, #tpu.memory_space<hbm>> -> memref<80xi32, #tpu.memory_space<hbm>>
      tpu.enqueue_dma source(%dma_start3A_125 : memref<80xi32, #tpu.memory_space<hbm>>) target(%arg5 : memref<80xi32, #tpu.memory_space<vmem>>) target_semaphore(%arg11 : memref<!tpu.dma_semaphore, #tpu.memory_space<semaphore_mem>>)
      %dma_start3A_126 = arith.constant 0 : i32
      %dma_start3A_127 = tpu.memref_slice %arg2[%add3A_123, %dma_start3A_126] : memref<320000x128xf32, #tpu.memory_space<hbm>> -> memref<80x128xf32, #tpu.memory_space<hbm>>
      %dma_start3A_128 = arith.constant 0 : i32
      %dma_start3A_129 = tpu.memref_slice %arg2[%add3A_123, %dma_start3A_128] : memref<320000x128xf32, #tpu.memory_space<hbm>> -> memref<80x128xf32, #tpu.memory_space<hbm>>
      tpu.enqueue_dma source(%dma_start3A_129 : memref<80x128xf32, #tpu.memory_space<hbm>>) target(%arg7 : memref<80x128xf32, #tpu.memory_space<vmem>>) target_semaphore(%arg11 : memref<!tpu.dma_semaphore, #tpu.memory_space<semaphore_mem>>)
    }
    %scan3A_42 = arith.constant 62 : i32
    %dma_wait3A = tpu.memref_slice %arg3[%mul3A_2] : memref<320000xi32, #tpu.memory_space<hbm>> -> memref<80xi32, #tpu.memory_space<hbm>>
    %dma_wait3A_43 = tpu.memref_slice %arg3[%mul3A_2] : memref<320000xi32, #tpu.memory_space<hbm>> -> memref<80xi32, #tpu.memory_space<hbm>>
    tpu.wait_dma2 semaphore(%arg11 : memref<!tpu.dma_semaphore, #tpu.memory_space<semaphore_mem>>) src(%dma_wait3A_43 : memref<80xi32, #tpu.memory_space<hbm>>) dst(%arg5 : memref<80xi32, #tpu.memory_space<vmem>>)
    %dma_wait3A_44 = arith.constant 0 : i32
    %dma_wait3A_45 = tpu.memref_slice %arg2[%mul3A_2, %dma_wait3A_44] : memref<320000x128xf32, #tpu.memory_space<hbm>> -> memref<80x128xf32, #tpu.memory_space<hbm>>
    %dma_wait3A_46 = arith.constant 0 : i32
    %dma_wait3A_47 = tpu.memref_slice %arg2[%mul3A_2, %dma_wait3A_46] : memref<320000x128xf32, #tpu.memory_space<hbm>> -> memref<80x128xf32, #tpu.memory_space<hbm>>
    tpu.wait_dma2 semaphore(%arg11 : memref<!tpu.dma_semaphore, #tpu.memory_space<semaphore_mem>>) src(%dma_wait3A_47 : memref<80x128xf32, #tpu.memory_space<hbm>>) dst(%arg7 : memref<80x128xf32, #tpu.memory_space<vmem>>)
    %dma_start3A_48 = arith.constant 0 : i32
    %dma_start3A_49 = arith.constant 0 : i32
    %dma_start3A_50 = tpu.memref_slice %arg10[%dma_start3A_48, %dma_start3A_49] : memref<10112x128xf32, #tpu.memory_space<vmem_shared>> -> memref<10112x128xf32, #tpu.memory_space<vmem_shared>>
    tpu.enqueue_indirect_dma source(%arg7 : memref<80x128xf32, #tpu.memory_space<vmem>>) target(%dma_start3A_50 : memref<10112x128xf32, #tpu.memory_space<vmem_shared>>) offsets(%arg5 : memref<80xi32, #tpu.memory_space<vmem>>) semaphore(%arg13 : memref<!tpu.dma_semaphore, #tpu.memory_space<semaphore_mem>>) {add = true}
    %dma_wait3A_51 = arith.constant 0 : i32
    %dma_wait3A_52 = arith.constant 0 : i32
    %dma_wait3A_53 = tpu.memref_slice %arg10[%dma_wait3A_51, %dma_wait3A_52] : memref<10112x128xf32, #tpu.memory_space<vmem_shared>> -> memref<10112x128xf32, #tpu.memory_space<vmem_shared>>
    tpu.wait_indirect_dma semaphore(%arg14 : memref<!tpu.dma_semaphore, #tpu.memory_space<semaphore_mem>>) src(%arg8 : memref<80x128xf32, #tpu.memory_space<vmem>>) dst(%dma_wait3A_53 : memref<10112x128xf32, #tpu.memory_space<vmem_shared>>)
    %dma_wait3A_54 = arith.constant 0 : i32
    %dma_wait3A_55 = arith.constant 0 : i32
    %dma_wait3A_56 = tpu.memref_slice %arg10[%dma_wait3A_54, %dma_wait3A_55] : memref<10112x128xf32, #tpu.memory_space<vmem_shared>> -> memref<10112x128xf32, #tpu.memory_space<vmem_shared>>
    tpu.wait_indirect_dma semaphore(%arg13 : memref<!tpu.dma_semaphore, #tpu.memory_space<semaphore_mem>>) src(%arg7 : memref<80x128xf32, #tpu.memory_space<vmem>>) dst(%dma_wait3A_56 : memref<10112x128xf32, #tpu.memory_space<vmem_shared>>)
    %barrier3A_57 = arith.constant 0 : index
    tpu.barrier barrier_id(%barrier3A_57)
    %mul3A_58 = arith.constant 632 : i32
    %mul3A_59 = arith.muli %arg1, %mul3A_58 : i32
    %add3A_60 = arith.constant 0 : i32
    %add3A_61 = arith.addi %mul3A_59, %add3A_60 : i32
    "tpu.region"() ({
      %run_scoped3A = tpu.sem_alloc : memref<!tpu.dma_semaphore, #tpu.memory_space<semaphore_mem>>
      %dma_start3A_80 = arith.constant 0 : i32
      %dma_start3A_81 = tpu.memref_slice %arg10[%add3A_61, %dma_start3A_80] : memref<10112x128xf32, #tpu.memory_space<vmem_shared>> -> memref<128x128xf32, #tpu.memory_space<vmem_shared>>
      %dma_start3A_82 = arith.constant 0 : i32
      %dma_start3A_83 = tpu.memref_slice %arg10[%add3A_61, %dma_start3A_82] : memref<10112x128xf32, #tpu.memory_space<vmem_shared>> -> memref<128x128xf32, #tpu.memory_space<vmem_shared>>
      tpu.enqueue_dma source(%dma_start3A_83 : memref<128x128xf32, #tpu.memory_space<vmem_shared>>) target(%arg9 : memref<128x128xf32, #tpu.memory_space<vmem>>) target_semaphore(%run_scoped3A : memref<!tpu.dma_semaphore, #tpu.memory_space<semaphore_mem>>)
      %dma_wait3A_84 = arith.constant 0 : i32
      %dma_wait3A_85 = tpu.memref_slice %arg10[%add3A_61, %dma_wait3A_84] : memref<10112x128xf32, #tpu.memory_space<vmem_shared>> -> memref<128x128xf32, #tpu.memory_space<vmem_shared>>
      %dma_wait3A_86 = arith.constant 0 : i32
      %dma_wait3A_87 = tpu.memref_slice %arg10[%add3A_61, %dma_wait3A_86] : memref<10112x128xf32, #tpu.memory_space<vmem_shared>> -> memref<128x128xf32, #tpu.memory_space<vmem_shared>>
      tpu.wait_dma2 semaphore(%run_scoped3A : memref<!tpu.dma_semaphore, #tpu.memory_space<semaphore_mem>>) src(%dma_wait3A_87 : memref<128x128xf32, #tpu.memory_space<vmem_shared>>) dst(%arg9 : memref<128x128xf32, #tpu.memory_space<vmem>>)
      tpu.yield
    }) : () -> ()
    "tpu.region"() ({
      %run_scoped3A = tpu.sem_alloc : memref<!tpu.dma_semaphore, #tpu.memory_space<semaphore_mem>>
      %dma_start3A_80 = arith.constant 0 : i32
      %dma_start3A_81 = tpu.memref_slice %arg4[%arg0, %add3A_61, %dma_start3A_80] : memref<2x10112x128xf32, #tpu.memory_space<hbm>> -> memref<1x128x128xf32, #tpu.memory_space<hbm>>
      %dma_start3A_82 = tpu.memref_squeeze %dma_start3A_81 : memref<1x128x128xf32, #tpu.memory_space<hbm>> -> memref<128x128xf32, #tpu.memory_space<hbm>>
      %dma_start3A_83 = arith.constant 0 : i32
      %dma_start3A_84 = tpu.memref_slice %arg4[%arg0, %add3A_61, %dma_start3A_83] : memref<2x10112x128xf32, #tpu.memory_space<hbm>> -> memref<1x128x128xf32, #tpu.memory_space<hbm>>
      %dma_start3A_85 = tpu.memref_squeeze %dma_start3A_84 : memref<1x128x128xf32, #tpu.memory_space<hbm>> -> memref<128x128xf32, #tpu.memory_space<hbm>>
      tpu.enqueue_dma source(%arg9 : memref<128x128xf32, #tpu.memory_space<vmem>>) target(%dma_start3A_85 : memref<128x128xf32, #tpu.memory_space<hbm>>) target_semaphore(%run_scoped3A : memref<!tpu.dma_semaphore, #tpu.memory_space<semaphore_mem>>)
      %dma_wait3A_86 = arith.constant 0 : i32
      %dma_wait3A_87 = tpu.memref_slice %arg4[%arg0, %add3A_61, %dma_wait3A_86] : memref<2x10112x128xf32, #tpu.memory_space<hbm>> -> memref<1x128x128xf32, #tpu.memory_space<hbm>>
      %dma_wait3A_88 = tpu.memref_squeeze %dma_wait3A_87 : memref<1x128x128xf32, #tpu.memory_space<hbm>> -> memref<128x128xf32, #tpu.memory_space<hbm>>
      %dma_wait3A_89 = arith.constant 0 : i32
      %dma_wait3A_90 = tpu.memref_slice %arg4[%arg0, %add3A_61, %dma_wait3A_89] : memref<2x10112x128xf32, #tpu.memory_space<hbm>> -> memref<1x128x128xf32, #tpu.memory_space<hbm>>
      %dma_wait3A_91 = tpu.memref_squeeze %dma_wait3A_90 : memref<1x128x128xf32, #tpu.memory_space<hbm>> -> memref<128x128xf32, #tpu.memory_space<hbm>>
      tpu.wait_dma2 semaphore(%run_scoped3A : memref<!tpu.dma_semaphore, #tpu.memory_space<semaphore_mem>>) src(%arg9 : memref<128x128xf32, #tpu.memory_space<vmem>>) dst(%dma_wait3A_91 : memref<128x128xf32, #tpu.memory_space<hbm>>)
      tpu.yield
    }) : () -> ()
    %mul3A_62 = arith.constant 632 : i32
    %mul3A_63 = arith.muli %arg1, %mul3A_62 : i32
    %add3A_64 = arith.constant 128 : i32
    %add3A_65 = arith.addi %mul3A_63, %add3A_64 : i32
    "tpu.region"() ({
      %run_scoped3A = tpu.sem_alloc : memref<!tpu.dma_semaphore, #tpu.memory_space<semaphore_mem>>
      %dma_start3A_80 = arith.constant 0 : i32
      %dma_start3A_81 = tpu.memref_slice %arg10[%add3A_65, %dma_start3A_80] : memref<10112x128xf32, #tpu.memory_space<vmem_shared>> -> memref<128x128xf32, #tpu.memory_space<vmem_shared>>
      %dma_start3A_82 = arith.constant 0 : i32
      %dma_start3A_83 = tpu.memref_slice %arg10[%add3A_65, %dma_start3A_82] : memref<10112x128xf32, #tpu.memory_space<vmem_shared>> -> memref<128x128xf32, #tpu.memory_space<vmem_shared>>
      tpu.enqueue_dma source(%dma_start3A_83 : memref<128x128xf32, #tpu.memory_space<vmem_shared>>) target(%arg9 : memref<128x128xf32, #tpu.memory_space<vmem>>) target_semaphore(%run_scoped3A : memref<!tpu.dma_semaphore, #tpu.memory_space<semaphore_mem>>)
      %dma_wait3A_84 = arith.constant 0 : i32
      %dma_wait3A_85 = tpu.memref_slice %arg10[%add3A_65, %dma_wait3A_84] : memref<10112x128xf32, #tpu.memory_space<vmem_shared>> -> memref<128x128xf32, #tpu.memory_space<vmem_shared>>
      %dma_wait3A_86 = arith.constant 0 : i32
      %dma_wait3A_87 = tpu.memref_slice %arg10[%add3A_65, %dma_wait3A_86] : memref<10112x128xf32, #tpu.memory_space<vmem_shared>> -> memref<128x128xf32, #tpu.memory_space<vmem_shared>>
      tpu.wait_dma2 semaphore(%run_scoped3A : memref<!tpu.dma_semaphore, #tpu.memory_space<semaphore_mem>>) src(%dma_wait3A_87 : memref<128x128xf32, #tpu.memory_space<vmem_shared>>) dst(%arg9 : memref<128x128xf32, #tpu.memory_space<vmem>>)
      tpu.yield
    }) : () -> ()
    "tpu.region"() ({
      %run_scoped3A = tpu.sem_alloc : memref<!tpu.dma_semaphore, #tpu.memory_space<semaphore_mem>>
      %dma_start3A_80 = arith.constant 0 : i32
      %dma_start3A_81 = tpu.memref_slice %arg4[%arg0, %add3A_65, %dma_start3A_80] : memref<2x10112x128xf32, #tpu.memory_space<hbm>> -> memref<1x128x128xf32, #tpu.memory_space<hbm>>
      %dma_start3A_82 = tpu.memref_squeeze %dma_start3A_81 : memref<1x128x128xf32, #tpu.memory_space<hbm>> -> memref<128x128xf32, #tpu.memory_space<hbm>>
      %dma_start3A_83 = arith.constant 0 : i32
      %dma_start3A_84 = tpu.memref_slice %arg4[%arg0, %add3A_65, %dma_start3A_83] : memref<2x10112x128xf32, #tpu.memory_space<hbm>> -> memref<1x128x128xf32, #tpu.memory_space<hbm>>
      %dma_start3A_85 = tpu.memref_squeeze %dma_start3A_84 : memref<1x128x128xf32, #tpu.memory_space<hbm>> -> memref<128x128xf32, #tpu.memory_space<hbm>>
      tpu.enqueue_dma source(%arg9 : memref<128x128xf32, #tpu.memory_space<vmem>>) target(%dma_start3A_85 : memref<128x128xf32, #tpu.memory_space<hbm>>) target_semaphore(%run_scoped3A : memref<!tpu.dma_semaphore, #tpu.memory_space<semaphore_mem>>)
      %dma_wait3A_86 = arith.constant 0 : i32
      %dma_wait3A_87 = tpu.memref_slice %arg4[%arg0, %add3A_65, %dma_wait3A_86] : memref<2x10112x128xf32, #tpu.memory_space<hbm>> -> memref<1x128x128xf32, #tpu.memory_space<hbm>>
      %dma_wait3A_88 = tpu.memref_squeeze %dma_wait3A_87 : memref<1x128x128xf32, #tpu.memory_space<hbm>> -> memref<128x128xf32, #tpu.memory_space<hbm>>
      %dma_wait3A_89 = arith.constant 0 : i32
      %dma_wait3A_90 = tpu.memref_slice %arg4[%arg0, %add3A_65, %dma_wait3A_89] : memref<2x10112x128xf32, #tpu.memory_space<hbm>> -> memref<1x128x128xf32, #tpu.memory_space<hbm>>
      %dma_wait3A_91 = tpu.memref_squeeze %dma_wait3A_90 : memref<1x128x128xf32, #tpu.memory_space<hbm>> -> memref<128x128xf32, #tpu.memory_space<hbm>>
      tpu.wait_dma2 semaphore(%run_scoped3A : memref<!tpu.dma_semaphore, #tpu.memory_space<semaphore_mem>>) src(%arg9 : memref<128x128xf32, #tpu.memory_space<vmem>>) dst(%dma_wait3A_91 : memref<128x128xf32, #tpu.memory_space<hbm>>)
      tpu.yield
    }) : () -> ()
    %mul3A_66 = arith.constant 632 : i32
    %mul3A_67 = arith.muli %arg1, %mul3A_66 : i32
    %add3A_68 = arith.constant 256 : i32
    %add3A_69 = arith.addi %mul3A_67, %add3A_68 : i32
    "tpu.region"() ({
      %run_scoped3A = tpu.sem_alloc : memref<!tpu.dma_semaphore, #tpu.memory_space<semaphore_mem>>
      %dma_start3A_80 = arith.constant 0 : i32
      %dma_start3A_81 = tpu.memref_slice %arg10[%add3A_69, %dma_start3A_80] : memref<10112x128xf32, #tpu.memory_space<vmem_shared>> -> memref<128x128xf32, #tpu.memory_space<vmem_shared>>
      %dma_start3A_82 = arith.constant 0 : i32
      %dma_start3A_83 = tpu.memref_slice %arg10[%add3A_69, %dma_start3A_82] : memref<10112x128xf32, #tpu.memory_space<vmem_shared>> -> memref<128x128xf32, #tpu.memory_space<vmem_shared>>
      tpu.enqueue_dma source(%dma_start3A_83 : memref<128x128xf32, #tpu.memory_space<vmem_shared>>) target(%arg9 : memref<128x128xf32, #tpu.memory_space<vmem>>) target_semaphore(%run_scoped3A : memref<!tpu.dma_semaphore, #tpu.memory_space<semaphore_mem>>)
      %dma_wait3A_84 = arith.constant 0 : i32
      %dma_wait3A_85 = tpu.memref_slice %arg10[%add3A_69, %dma_wait3A_84] : memref<10112x128xf32, #tpu.memory_space<vmem_shared>> -> memref<128x128xf32, #tpu.memory_space<vmem_shared>>
      %dma_wait3A_86 = arith.constant 0 : i32
      %dma_wait3A_87 = tpu.memref_slice %arg10[%add3A_69, %dma_wait3A_86] : memref<10112x128xf32, #tpu.memory_space<vmem_shared>> -> memref<128x128xf32, #tpu.memory_space<vmem_shared>>
      tpu.wait_dma2 semaphore(%run_scoped3A : memref<!tpu.dma_semaphore, #tpu.memory_space<semaphore_mem>>) src(%dma_wait3A_87 : memref<128x128xf32, #tpu.memory_space<vmem_shared>>) dst(%arg9 : memref<128x128xf32, #tpu.memory_space<vmem>>)
      tpu.yield
    }) : () -> ()
    "tpu.region"() ({
      %run_scoped3A = tpu.sem_alloc : memref<!tpu.dma_semaphore, #tpu.memory_space<semaphore_mem>>
      %dma_start3A_80 = arith.constant 0 : i32
      %dma_start3A_81 = tpu.memref_slice %arg4[%arg0, %add3A_69, %dma_start3A_80] : memref<2x10112x128xf32, #tpu.memory_space<hbm>> -> memref<1x128x128xf32, #tpu.memory_space<hbm>>
      %dma_start3A_82 = tpu.memref_squeeze %dma_start3A_81 : memref<1x128x128xf32, #tpu.memory_space<hbm>> -> memref<128x128xf32, #tpu.memory_space<hbm>>
      %dma_start3A_83 = arith.constant 0 : i32
      %dma_start3A_84 = tpu.memref_slice %arg4[%arg0, %add3A_69, %dma_start3A_83] : memref<2x10112x128xf32, #tpu.memory_space<hbm>> -> memref<1x128x128xf32, #tpu.memory_space<hbm>>
      %dma_start3A_85 = tpu.memref_squeeze %dma_start3A_84 : memref<1x128x128xf32, #tpu.memory_space<hbm>> -> memref<128x128xf32, #tpu.memory_space<hbm>>
      tpu.enqueue_dma source(%arg9 : memref<128x128xf32, #tpu.memory_space<vmem>>) target(%dma_start3A_85 : memref<128x128xf32, #tpu.memory_space<hbm>>) target_semaphore(%run_scoped3A : memref<!tpu.dma_semaphore, #tpu.memory_space<semaphore_mem>>)
      %dma_wait3A_86 = arith.constant 0 : i32
      %dma_wait3A_87 = tpu.memref_slice %arg4[%arg0, %add3A_69, %dma_wait3A_86] : memref<2x10112x128xf32, #tpu.memory_space<hbm>> -> memref<1x128x128xf32, #tpu.memory_space<hbm>>
      %dma_wait3A_88 = tpu.memref_squeeze %dma_wait3A_87 : memref<1x128x128xf32, #tpu.memory_space<hbm>> -> memref<128x128xf32, #tpu.memory_space<hbm>>
      %dma_wait3A_89 = arith.constant 0 : i32
      %dma_wait3A_90 = tpu.memref_slice %arg4[%arg0, %add3A_69, %dma_wait3A_89] : memref<2x10112x128xf32, #tpu.memory_space<hbm>> -> memref<1x128x128xf32, #tpu.memory_space<hbm>>
      %dma_wait3A_91 = tpu.memref_squeeze %dma_wait3A_90 : memref<1x128x128xf32, #tpu.memory_space<hbm>> -> memref<128x128xf32, #tpu.memory_space<hbm>>
      tpu.wait_dma2 semaphore(%run_scoped3A : memref<!tpu.dma_semaphore, #tpu.memory_space<semaphore_mem>>) src(%arg9 : memref<128x128xf32, #tpu.memory_space<vmem>>) dst(%dma_wait3A_91 : memref<128x128xf32, #tpu.memory_space<hbm>>)
      tpu.yield
    }) : () -> ()
    %mul3A_70 = arith.constant 632 : i32
    %mul3A_71 = arith.muli %arg1, %mul3A_70 : i32
    %add3A_72 = arith.constant 384 : i32
    %add3A_73 = arith.addi %mul3A_71, %add3A_72 : i32
    "tpu.region"() ({
      %run_scoped3A = tpu.sem_alloc : memref<!tpu.dma_semaphore, #tpu.memory_space<semaphore_mem>>
      %dma_start3A_80 = arith.constant 0 : i32
      %dma_start3A_81 = tpu.memref_slice %arg10[%add3A_73, %dma_start3A_80] : memref<10112x128xf32, #tpu.memory_space<vmem_shared>> -> memref<128x128xf32, #tpu.memory_space<vmem_shared>>
      %dma_start3A_82 = arith.constant 0 : i32
      %dma_start3A_83 = tpu.memref_slice %arg10[%add3A_73, %dma_start3A_82] : memref<10112x128xf32, #tpu.memory_space<vmem_shared>> -> memref<128x128xf32, #tpu.memory_space<vmem_shared>>
      tpu.enqueue_dma source(%dma_start3A_83 : memref<128x128xf32, #tpu.memory_space<vmem_shared>>) target(%arg9 : memref<128x128xf32, #tpu.memory_space<vmem>>) target_semaphore(%run_scoped3A : memref<!tpu.dma_semaphore, #tpu.memory_space<semaphore_mem>>)
      %dma_wait3A_84 = arith.constant 0 : i32
      %dma_wait3A_85 = tpu.memref_slice %arg10[%add3A_73, %dma_wait3A_84] : memref<10112x128xf32, #tpu.memory_space<vmem_shared>> -> memref<128x128xf32, #tpu.memory_space<vmem_shared>>
      %dma_wait3A_86 = arith.constant 0 : i32
      %dma_wait3A_87 = tpu.memref_slice %arg10[%add3A_73, %dma_wait3A_86] : memref<10112x128xf32, #tpu.memory_space<vmem_shared>> -> memref<128x128xf32, #tpu.memory_space<vmem_shared>>
      tpu.wait_dma2 semaphore(%run_scoped3A : memref<!tpu.dma_semaphore, #tpu.memory_space<semaphore_mem>>) src(%dma_wait3A_87 : memref<128x128xf32, #tpu.memory_space<vmem_shared>>) dst(%arg9 : memref<128x128xf32, #tpu.memory_space<vmem>>)
      tpu.yield
    }) : () -> ()
    "tpu.region"() ({
      %run_scoped3A = tpu.sem_alloc : memref<!tpu.dma_semaphore, #tpu.memory_space<semaphore_mem>>
      %dma_start3A_80 = arith.constant 0 : i32
      %dma_start3A_81 = tpu.memref_slice %arg4[%arg0, %add3A_73, %dma_start3A_80] : memref<2x10112x128xf32, #tpu.memory_space<hbm>> -> memref<1x128x128xf32, #tpu.memory_space<hbm>>
      %dma_start3A_82 = tpu.memref_squeeze %dma_start3A_81 : memref<1x128x128xf32, #tpu.memory_space<hbm>> -> memref<128x128xf32, #tpu.memory_space<hbm>>
      %dma_start3A_83 = arith.constant 0 : i32
      %dma_start3A_84 = tpu.memref_slice %arg4[%arg0, %add3A_73, %dma_start3A_83] : memref<2x10112x128xf32, #tpu.memory_space<hbm>> -> memref<1x128x128xf32, #tpu.memory_space<hbm>>
      %dma_start3A_85 = tpu.memref_squeeze %dma_start3A_84 : memref<1x128x128xf32, #tpu.memory_space<hbm>> -> memref<128x128xf32, #tpu.memory_space<hbm>>
      tpu.enqueue_dma source(%arg9 : memref<128x128xf32, #tpu.memory_space<vmem>>) target(%dma_start3A_85 : memref<128x128xf32, #tpu.memory_space<hbm>>) target_semaphore(%run_scoped3A : memref<!tpu.dma_semaphore, #tpu.memory_space<semaphore_mem>>)
      %dma_wait3A_86 = arith.constant 0 : i32
      %dma_wait3A_87 = tpu.memref_slice %arg4[%arg0, %add3A_73, %dma_wait3A_86] : memref<2x10112x128xf32, #tpu.memory_space<hbm>> -> memref<1x128x128xf32, #tpu.memory_space<hbm>>
      %dma_wait3A_88 = tpu.memref_squeeze %dma_wait3A_87 : memref<1x128x128xf32, #tpu.memory_space<hbm>> -> memref<128x128xf32, #tpu.memory_space<hbm>>
      %dma_wait3A_89 = arith.constant 0 : i32
      %dma_wait3A_90 = tpu.memref_slice %arg4[%arg0, %add3A_73, %dma_wait3A_89] : memref<2x10112x128xf32, #tpu.memory_space<hbm>> -> memref<1x128x128xf32, #tpu.memory_space<hbm>>
      %dma_wait3A_91 = tpu.memref_squeeze %dma_wait3A_90 : memref<1x128x128xf32, #tpu.memory_space<hbm>> -> memref<128x128xf32, #tpu.memory_space<hbm>>
      tpu.wait_dma2 semaphore(%run_scoped3A : memref<!tpu.dma_semaphore, #tpu.memory_space<semaphore_mem>>) src(%arg9 : memref<128x128xf32, #tpu.memory_space<vmem>>) dst(%dma_wait3A_91 : memref<128x128xf32, #tpu.memory_space<hbm>>)
      tpu.yield
    }) : () -> ()
    %mul3A_74 = arith.constant 632 : i32
    %mul3A_75 = arith.muli %arg1, %mul3A_74 : i32
    %add3A_76 = arith.constant 632 : i32
    %add3A_77 = arith.addi %mul3A_75, %add3A_76 : i32
    %sub3A_78 = arith.constant 120 : i32
    %sub3A_79 = arith.subi %add3A_77, %sub3A_78 : i32
    "tpu.region"() ({
      %run_scoped3A = tpu.sem_alloc : memref<!tpu.dma_semaphore, #tpu.memory_space<semaphore_mem>>
      %dma_start3A_80 = arith.constant 0 : i32
      %dma_start3A_81 = arith.constant 0 : i32
      %dma_start3A_82 = tpu.memref_slice %arg9[%dma_start3A_80, %dma_start3A_81] : memref<128x128xf32, #tpu.memory_space<vmem>> -> memref<120x128xf32, #tpu.memory_space<vmem>>
      %dma_start3A_83 = arith.constant 0 : i32
      %dma_start3A_84 = tpu.memref_slice %arg10[%sub3A_79, %dma_start3A_83] : memref<10112x128xf32, #tpu.memory_space<vmem_shared>> -> memref<120x128xf32, #tpu.memory_space<vmem_shared>>
      %dma_start3A_85 = arith.constant 0 : i32
      %dma_start3A_86 = arith.constant 0 : i32
      %dma_start3A_87 = tpu.memref_slice %arg9[%dma_start3A_85, %dma_start3A_86] : memref<128x128xf32, #tpu.memory_space<vmem>> -> memref<120x128xf32, #tpu.memory_space<vmem>>
      %dma_start3A_88 = arith.constant 0 : i32
      %dma_start3A_89 = tpu.memref_slice %arg10[%sub3A_79, %dma_start3A_88] : memref<10112x128xf32, #tpu.memory_space<vmem_shared>> -> memref<120x128xf32, #tpu.memory_space<vmem_shared>>
      tpu.enqueue_dma source(%dma_start3A_89 : memref<120x128xf32, #tpu.memory_space<vmem_shared>>) target(%dma_start3A_87 : memref<120x128xf32, #tpu.memory_space<vmem>>) target_semaphore(%run_scoped3A : memref<!tpu.dma_semaphore, #tpu.memory_space<semaphore_mem>>)
      %dma_wait3A_90 = arith.constant 0 : i32
      %dma_wait3A_91 = arith.constant 0 : i32
      %dma_wait3A_92 = tpu.memref_slice %arg9[%dma_wait3A_90, %dma_wait3A_91] : memref<128x128xf32, #tpu.memory_space<vmem>> -> memref<120x128xf32, #tpu.memory_space<vmem>>
      %dma_wait3A_93 = arith.constant 0 : i32
      %dma_wait3A_94 = tpu.memref_slice %arg10[%sub3A_79, %dma_wait3A_93] : memref<10112x128xf32, #tpu.memory_space<vmem_shared>> -> memref<120x128xf32, #tpu.memory_space<vmem_shared>>
      %dma_wait3A_95 = arith.constant 0 : i32
      %dma_wait3A_96 = arith.constant 0 : i32
      %dma_wait3A_97 = tpu.memref_slice %arg9[%dma_wait3A_95, %dma_wait3A_96] : memref<128x128xf32, #tpu.memory_space<vmem>> -> memref<120x128xf32, #tpu.memory_space<vmem>>
      %dma_wait3A_98 = arith.constant 0 : i32
      %dma_wait3A_99 = tpu.memref_slice %arg10[%sub3A_79, %dma_wait3A_98] : memref<10112x128xf32, #tpu.memory_space<vmem_shared>> -> memref<120x128xf32, #tpu.memory_space<vmem_shared>>
      tpu.wait_dma2 semaphore(%run_scoped3A : memref<!tpu.dma_semaphore, #tpu.memory_space<semaphore_mem>>) src(%dma_wait3A_99 : memref<120x128xf32, #tpu.memory_space<vmem_shared>>) dst(%dma_wait3A_97 : memref<120x128xf32, #tpu.memory_space<vmem>>)
      tpu.yield
    }) : () -> ()
    "tpu.region"() ({
      %run_scoped3A = tpu.sem_alloc : memref<!tpu.dma_semaphore, #tpu.memory_space<semaphore_mem>>
      %dma_start3A_80 = arith.constant 0 : i32
      %dma_start3A_81 = arith.constant 0 : i32
      %dma_start3A_82 = tpu.memref_slice %arg9[%dma_start3A_80, %dma_start3A_81] : memref<128x128xf32, #tpu.memory_space<vmem>> -> memref<120x128xf32, #tpu.memory_space<vmem>>
      %dma_start3A_83 = arith.constant 0 : i32
      %dma_start3A_84 = tpu.memref_slice %arg4[%arg0, %sub3A_79, %dma_start3A_83] : memref<2x10112x128xf32, #tpu.memory_space<hbm>> -> memref<1x120x128xf32, #tpu.memory_space<hbm>>
      %dma_start3A_85 = tpu.memref_squeeze %dma_start3A_84 : memref<1x120x128xf32, #tpu.memory_space<hbm>> -> memref<120x128xf32, #tpu.memory_space<hbm>>
      %dma_start3A_86 = arith.constant 0 : i32
      %dma_start3A_87 = tpu.memref_slice %arg4[%arg0, %sub3A_79, %dma_start3A_86] : memref<2x10112x128xf32, #tpu.memory_space<hbm>> -> memref<1x120x128xf32, #tpu.memory_space<hbm>>
      %dma_start3A_88 = tpu.memref_squeeze %dma_start3A_87 : memref<1x120x128xf32, #tpu.memory_space<hbm>> -> memref<120x128xf32, #tpu.memory_space<hbm>>
      %dma_start3A_89 = arith.constant 0 : i32
      %dma_start3A_90 = arith.constant 0 : i32
      %dma_start3A_91 = tpu.memref_slice %arg9[%dma_start3A_89, %dma_start3A_90] : memref<128x128xf32, #tpu.memory_space<vmem>> -> memref<120x128xf32, #tpu.memory_space<vmem>>
      tpu.enqueue_dma source(%dma_start3A_91 : memref<120x128xf32, #tpu.memory_space<vmem>>) target(%dma_start3A_88 : memref<120x128xf32, #tpu.memory_space<hbm>>) target_semaphore(%run_scoped3A : memref<!tpu.dma_semaphore, #tpu.memory_space<semaphore_mem>>)
      %dma_wait3A_92 = arith.constant 0 : i32
      %dma_wait3A_93 = arith.constant 0 : i32
      %dma_wait3A_94 = tpu.memref_slice %arg9[%dma_wait3A_92, %dma_wait3A_93] : memref<128x128xf32, #tpu.memory_space<vmem>> -> memref<120x128xf32, #tpu.memory_space<vmem>>
      %dma_wait3A_95 = arith.constant 0 : i32
      %dma_wait3A_96 = tpu.memref_slice %arg4[%arg0, %sub3A_79, %dma_wait3A_95] : memref<2x10112x128xf32, #tpu.memory_space<hbm>> -> memref<1x120x128xf32, #tpu.memory_space<hbm>>
      %dma_wait3A_97 = tpu.memref_squeeze %dma_wait3A_96 : memref<1x120x128xf32, #tpu.memory_space<hbm>> -> memref<120x128xf32, #tpu.memory_space<hbm>>
      %dma_wait3A_98 = arith.constant 0 : i32
      %dma_wait3A_99 = tpu.memref_slice %arg4[%arg0, %sub3A_79, %dma_wait3A_98] : memref<2x10112x128xf32, #tpu.memory_space<hbm>> -> memref<1x120x128xf32, #tpu.memory_space<hbm>>
      %dma_wait3A_100 = tpu.memref_squeeze %dma_wait3A_99 : memref<1x120x128xf32, #tpu.memory_space<hbm>> -> memref<120x128xf32, #tpu.memory_space<hbm>>
      %dma_wait3A_101 = arith.constant 0 : i32
      %dma_wait3A_102 = arith.constant 0 : i32
      %dma_wait3A_103 = tpu.memref_slice %arg9[%dma_wait3A_101, %dma_wait3A_102] : memref<128x128xf32, #tpu.memory_space<vmem>> -> memref<120x128xf32, #tpu.memory_space<vmem>>
      tpu.wait_dma2 semaphore(%run_scoped3A : memref<!tpu.dma_semaphore, #tpu.memory_space<semaphore_mem>>) src(%dma_wait3A_103 : memref<120x128xf32, #tpu.memory_space<vmem>>) dst(%dma_wait3A_100 : memref<120x128xf32, #tpu.memory_space<hbm>>)
      tpu.yield
    }) : () -> ()
    return
  }
}

#map = affine_map<(d0, d1) -> (0, 0)>
#map1 = affine_map<(d0, d1) -> (0)>
module attributes {stable_mosaic.version = 14 : i64} {
  func.func @gather_call(%arg0: i32, %arg1: i32, %arg2: memref<10000x128xf32, #tpu.memory_space<hbm>>, %arg3: memref<10000x128xf32, #tpu.memory_space<hbm>>, %arg4: memref<320000xi32, #tpu.memory_space<hbm>>, %arg5: memref<320000xi32, #tpu.memory_space<hbm>>, %arg6: memref<320000x128xf32, #tpu.memory_space<hbm>>, %arg7: memref<320000x128xf32, #tpu.memory_space<hbm>>, %arg8: memref<80xi32, #tpu.memory_space<vmem>>, %arg9: memref<80xi32, #tpu.memory_space<vmem>>, %arg10: memref<80xi32, #tpu.memory_space<vmem>>, %arg11: memref<80xi32, #tpu.memory_space<vmem>>, %arg12: memref<80x128xf32, #tpu.memory_space<vmem>>, %arg13: memref<80x128xf32, #tpu.memory_space<vmem>>, %arg14: memref<80x128xf32, #tpu.memory_space<vmem>>, %arg15: memref<80x128xf32, #tpu.memory_space<vmem>>, %arg16: memref<!tpu.dma_semaphore, #tpu.memory_space<semaphore_mem>>, %arg17: memref<!tpu.dma_semaphore, #tpu.memory_space<semaphore_mem>>, %arg18: memref<!tpu.dma_semaphore, #tpu.memory_space<semaphore_mem>>, %arg19: memref<!tpu.dma_semaphore, #tpu.memory_space<semaphore_mem>>, %arg20: memref<!tpu.dma_semaphore, #tpu.memory_space<semaphore_mem>>, %arg21: memref<!tpu.dma_semaphore, #tpu.memory_space<semaphore_mem>>, %arg22: memref<!tpu.dma_semaphore, #tpu.memory_space<semaphore_mem>>, %arg23: memref<!tpu.dma_semaphore, #tpu.memory_space<semaphore_mem>>, %arg24: memref<!tpu.dma_semaphore, #tpu.memory_space<semaphore_mem>>, %arg25: memref<!tpu.dma_semaphore, #tpu.memory_space<semaphore_mem>>) attributes {dimension_semantics = [#tpu.dimension_semantics<core_parallel>, #tpu.dimension_semantics<subcore_parallel>], iteration_bounds = array<i64: 2, 16>, scalar_prefetch = 0 : i64, scratch_operands = 18 : i64, tpu.core_type = #tpu.core_type<sc_vector_subcore>, window_params = [{transform_indices = #map}, {transform_indices = #map}, {transform_indices = #map1}, {transform_indices = #map1}, {transform_indices = #map}, {transform_indices = #map}]} {
    %mul3A = arith.constant 2 : i32
    %mul3A_0 = arith.muli %arg1, %mul3A : i32
    %add3A = arith.addi %mul3A_0, %arg0 : i32
    %mul3A_1 = arith.constant 10000 : i32
    %mul3A_2 = arith.muli %add3A, %mul3A_1 : i32
    %add3A_3 = arith.constant 0 : i32
    %add3A_4 = arith.addi %mul3A_2, %add3A_3 : i32
    %dma_start3A = tpu.memref_slice %arg4[%add3A_4] : memref<320000xi32, #tpu.memory_space<hbm>> -> memref<80xi32, #tpu.memory_space<hbm>>
    %dma_start3A_5 = tpu.memref_slice %arg4[%add3A_4] : memref<320000xi32, #tpu.memory_space<hbm>> -> memref<80xi32, #tpu.memory_space<hbm>>
    tpu.enqueue_dma source(%dma_start3A_5 : memref<80xi32, #tpu.memory_space<hbm>>) target(%arg8 : memref<80xi32, #tpu.memory_space<vmem>>) target_semaphore(%arg16 : memref<!tpu.dma_semaphore, #tpu.memory_space<semaphore_mem>>)
    %dma_start3A_6 = tpu.memref_slice %arg5[%add3A_4] : memref<320000xi32, #tpu.memory_space<hbm>> -> memref<80xi32, #tpu.memory_space<hbm>>
    %dma_start3A_7 = tpu.memref_slice %arg5[%add3A_4] : memref<320000xi32, #tpu.memory_space<hbm>> -> memref<80xi32, #tpu.memory_space<hbm>>
    tpu.enqueue_dma source(%dma_start3A_7 : memref<80xi32, #tpu.memory_space<hbm>>) target(%arg9 : memref<80xi32, #tpu.memory_space<vmem>>) target_semaphore(%arg16 : memref<!tpu.dma_semaphore, #tpu.memory_space<semaphore_mem>>)
    %dma_wait3A = tpu.memref_slice %arg4[%mul3A_2] : memref<320000xi32, #tpu.memory_space<hbm>> -> memref<80xi32, #tpu.memory_space<hbm>>
    %dma_wait3A_8 = tpu.memref_slice %arg4[%mul3A_2] : memref<320000xi32, #tpu.memory_space<hbm>> -> memref<80xi32, #tpu.memory_space<hbm>>
    tpu.wait_dma2 semaphore(%arg16 : memref<!tpu.dma_semaphore, #tpu.memory_space<semaphore_mem>>) src(%dma_wait3A_8 : memref<80xi32, #tpu.memory_space<hbm>>) dst(%arg8 : memref<80xi32, #tpu.memory_space<vmem>>)
    %dma_wait3A_9 = tpu.memref_slice %arg5[%mul3A_2] : memref<320000xi32, #tpu.memory_space<hbm>> -> memref<80xi32, #tpu.memory_space<hbm>>
    %dma_wait3A_10 = tpu.memref_slice %arg5[%mul3A_2] : memref<320000xi32, #tpu.memory_space<hbm>> -> memref<80xi32, #tpu.memory_space<hbm>>
    tpu.wait_dma2 semaphore(%arg16 : memref<!tpu.dma_semaphore, #tpu.memory_space<semaphore_mem>>) src(%dma_wait3A_10 : memref<80xi32, #tpu.memory_space<hbm>>) dst(%arg9 : memref<80xi32, #tpu.memory_space<vmem>>)
    %dma_start3A_11 = arith.constant 0 : i32
    %dma_start3A_12 = arith.constant 0 : i32
    %dma_start3A_13 = tpu.memref_slice %arg2[%dma_start3A_11, %dma_start3A_12] : memref<10000x128xf32, #tpu.memory_space<hbm>> -> memref<10000x128xf32, #tpu.memory_space<hbm>>
    tpu.enqueue_indirect_dma source(%dma_start3A_13 : memref<10000x128xf32, #tpu.memory_space<hbm>>) target(%arg12 : memref<80x128xf32, #tpu.memory_space<vmem>>) offsets(%arg8 : memref<80xi32, #tpu.memory_space<vmem>>) semaphore(%arg18 : memref<!tpu.dma_semaphore, #tpu.memory_space<semaphore_mem>>)
    %dma_start3A_14 = arith.constant 0 : i32
    %dma_start3A_15 = arith.constant 0 : i32
    %dma_start3A_16 = tpu.memref_slice %arg3[%dma_start3A_14, %dma_start3A_15] : memref<10000x128xf32, #tpu.memory_space<hbm>> -> memref<10000x128xf32, #tpu.memory_space<hbm>>
    tpu.enqueue_indirect_dma source(%dma_start3A_16 : memref<10000x128xf32, #tpu.memory_space<hbm>>) target(%arg13 : memref<80x128xf32, #tpu.memory_space<vmem>>) offsets(%arg9 : memref<80xi32, #tpu.memory_space<vmem>>) semaphore(%arg20 : memref<!tpu.dma_semaphore, #tpu.memory_space<semaphore_mem>>)
    %add3A_17 = arith.constant 80 : i32
    %add3A_18 = arith.addi %mul3A_2, %add3A_17 : i32
    %dma_start3A_19 = tpu.memref_slice %arg4[%add3A_18] : memref<320000xi32, #tpu.memory_space<hbm>> -> memref<80xi32, #tpu.memory_space<hbm>>
    %dma_start3A_20 = tpu.memref_slice %arg4[%add3A_18] : memref<320000xi32, #tpu.memory_space<hbm>> -> memref<80xi32, #tpu.memory_space<hbm>>
    tpu.enqueue_dma source(%dma_start3A_20 : memref<80xi32, #tpu.memory_space<hbm>>) target(%arg10 : memref<80xi32, #tpu.memory_space<vmem>>) target_semaphore(%arg17 : memref<!tpu.dma_semaphore, #tpu.memory_space<semaphore_mem>>)
    %dma_start3A_21 = tpu.memref_slice %arg5[%add3A_18] : memref<320000xi32, #tpu.memory_space<hbm>> -> memref<80xi32, #tpu.memory_space<hbm>>
    %dma_start3A_22 = tpu.memref_slice %arg5[%add3A_18] : memref<320000xi32, #tpu.memory_space<hbm>> -> memref<80xi32, #tpu.memory_space<hbm>>
    tpu.enqueue_dma source(%dma_start3A_22 : memref<80xi32, #tpu.memory_space<hbm>>) target(%arg11 : memref<80xi32, #tpu.memory_space<vmem>>) target_semaphore(%arg17 : memref<!tpu.dma_semaphore, #tpu.memory_space<semaphore_mem>>)
    %scan3A = arith.constant 0 : i32
    %scan3A_23 = arith.constant 0 : i32
    %scan3A_24 = arith.constant 62 : i32
    %scan3A_25 = arith.addi %scan3A_23, %scan3A_24 : i32
    %scan3A_26 = arith.constant 1 : i32
    scf.for %scan3A_60 = %scan3A_23 to %scan3A_25 step %scan3A_26  : i32 {
      %mul3A_61 = arith.constant 2 : i32
      %mul3A_62 = arith.muli %mul3A_61, %scan3A_60 : i32
      %add3A_63 = arith.constant 1 : i32
      %add3A_64 = arith.addi %mul3A_62, %add3A_63 : i32
      %dma_wait3A_65 = tpu.memref_slice %arg4[%mul3A_2] : memref<320000xi32, #tpu.memory_space<hbm>> -> memref<80xi32, #tpu.memory_space<hbm>>
      %dma_wait3A_66 = tpu.memref_slice %arg4[%mul3A_2] : memref<320000xi32, #tpu.memory_space<hbm>> -> memref<80xi32, #tpu.memory_space<hbm>>
      tpu.wait_dma2 semaphore(%arg17 : memref<!tpu.dma_semaphore, #tpu.memory_space<semaphore_mem>>) src(%dma_wait3A_66 : memref<80xi32, #tpu.memory_space<hbm>>) dst(%arg10 : memref<80xi32, #tpu.memory_space<vmem>>)
      %dma_wait3A_67 = tpu.memref_slice %arg5[%mul3A_2] : memref<320000xi32, #tpu.memory_space<hbm>> -> memref<80xi32, #tpu.memory_space<hbm>>
      %dma_wait3A_68 = tpu.memref_slice %arg5[%mul3A_2] : memref<320000xi32, #tpu.memory_space<hbm>> -> memref<80xi32, #tpu.memory_space<hbm>>
      tpu.wait_dma2 semaphore(%arg17 : memref<!tpu.dma_semaphore, #tpu.memory_space<semaphore_mem>>) src(%dma_wait3A_68 : memref<80xi32, #tpu.memory_space<hbm>>) dst(%arg11 : memref<80xi32, #tpu.memory_space<vmem>>)
      %gt3A = arith.constant 0 : i32
      %gt3A_69 = arith.cmpi sgt, %scan3A_60, %gt3A : i32
      %convert_element_type3A = arith.extui %gt3A_69 : i1 to i32
      %cond3A = arith.constant 0 : i32
      %cond3A_70 = arith.cmpi ne, %convert_element_type3A, %cond3A : i32
      scf.if %cond3A_70 {
        %dma_wait3A_147 = arith.constant 0 : i32
        %dma_wait3A_148 = tpu.memref_slice %arg6[%mul3A_2, %dma_wait3A_147] : memref<320000x128xf32, #tpu.memory_space<hbm>> -> memref<80x128xf32, #tpu.memory_space<hbm>>
        %dma_wait3A_149 = arith.constant 0 : i32
        %dma_wait3A_150 = tpu.memref_slice %arg6[%mul3A_2, %dma_wait3A_149] : memref<320000x128xf32, #tpu.memory_space<hbm>> -> memref<80x128xf32, #tpu.memory_space<hbm>>
        tpu.wait_dma2 semaphore(%arg23 : memref<!tpu.dma_semaphore, #tpu.memory_space<semaphore_mem>>) src(%arg14 : memref<80x128xf32, #tpu.memory_space<vmem>>) dst(%dma_wait3A_150 : memref<80x128xf32, #tpu.memory_space<hbm>>)
        %dma_wait3A_151 = arith.constant 0 : i32
        %dma_wait3A_152 = tpu.memref_slice %arg7[%mul3A_2, %dma_wait3A_151] : memref<320000x128xf32, #tpu.memory_space<hbm>> -> memref<80x128xf32, #tpu.memory_space<hbm>>
        %dma_wait3A_153 = arith.constant 0 : i32
        %dma_wait3A_154 = tpu.memref_slice %arg7[%mul3A_2, %dma_wait3A_153] : memref<320000x128xf32, #tpu.memory_space<hbm>> -> memref<80x128xf32, #tpu.memory_space<hbm>>
        tpu.wait_dma2 semaphore(%arg25 : memref<!tpu.dma_semaphore, #tpu.memory_space<semaphore_mem>>) src(%arg15 : memref<80x128xf32, #tpu.memory_space<vmem>>) dst(%dma_wait3A_154 : memref<80x128xf32, #tpu.memory_space<hbm>>)
      } else {
      }
      %dma_start3A_71 = arith.constant 0 : i32
      %dma_start3A_72 = arith.constant 0 : i32
      %dma_start3A_73 = tpu.memref_slice %arg2[%dma_start3A_71, %dma_start3A_72] : memref<10000x128xf32, #tpu.memory_space<hbm>> -> memref<10000x128xf32, #tpu.memory_space<hbm>>
      tpu.enqueue_indirect_dma source(%dma_start3A_73 : memref<10000x128xf32, #tpu.memory_space<hbm>>) target(%arg14 : memref<80x128xf32, #tpu.memory_space<vmem>>) offsets(%arg10 : memref<80xi32, #tpu.memory_space<vmem>>) semaphore(%arg19 : memref<!tpu.dma_semaphore, #tpu.memory_space<semaphore_mem>>)
      %dma_start3A_74 = arith.constant 0 : i32
      %dma_start3A_75 = arith.constant 0 : i32
      %dma_start3A_76 = tpu.memref_slice %arg3[%dma_start3A_74, %dma_start3A_75] : memref<10000x128xf32, #tpu.memory_space<hbm>> -> memref<10000x128xf32, #tpu.memory_space<hbm>>
      tpu.enqueue_indirect_dma source(%dma_start3A_76 : memref<10000x128xf32, #tpu.memory_space<hbm>>) target(%arg15 : memref<80x128xf32, #tpu.memory_space<vmem>>) offsets(%arg11 : memref<80xi32, #tpu.memory_space<vmem>>) semaphore(%arg21 : memref<!tpu.dma_semaphore, #tpu.memory_space<semaphore_mem>>)
      %dma_wait3A_77 = arith.constant 0 : i32
      %dma_wait3A_78 = arith.constant 0 : i32
      %dma_wait3A_79 = tpu.memref_slice %arg2[%dma_wait3A_77, %dma_wait3A_78] : memref<10000x128xf32, #tpu.memory_space<hbm>> -> memref<10000x128xf32, #tpu.memory_space<hbm>>
      tpu.wait_indirect_dma semaphore(%arg18 : memref<!tpu.dma_semaphore, #tpu.memory_space<semaphore_mem>>) src(%dma_wait3A_79 : memref<10000x128xf32, #tpu.memory_space<hbm>>) dst(%arg12 : memref<80x128xf32, #tpu.memory_space<vmem>>)
      %dma_wait3A_80 = arith.constant 0 : i32
      %dma_wait3A_81 = arith.constant 0 : i32
      %dma_wait3A_82 = tpu.memref_slice %arg3[%dma_wait3A_80, %dma_wait3A_81] : memref<10000x128xf32, #tpu.memory_space<hbm>> -> memref<10000x128xf32, #tpu.memory_space<hbm>>
      tpu.wait_indirect_dma semaphore(%arg20 : memref<!tpu.dma_semaphore, #tpu.memory_space<semaphore_mem>>) src(%dma_wait3A_82 : memref<10000x128xf32, #tpu.memory_space<hbm>>) dst(%arg13 : memref<80x128xf32, #tpu.memory_space<vmem>>)
      %sub3A = arith.constant 1 : i32
      %sub3A_83 = arith.subi %add3A_64, %sub3A : i32
      %mul3A_84 = arith.constant 80 : i32
      %mul3A_85 = arith.muli %sub3A_83, %mul3A_84 : i32
      %add3A_86 = arith.addi %mul3A_2, %mul3A_85 : i32
      %dma_start3A_87 = arith.constant 0 : i32
      %dma_start3A_88 = tpu.memref_slice %arg6[%add3A_86, %dma_start3A_87] : memref<320000x128xf32, #tpu.memory_space<hbm>> -> memref<80x128xf32, #tpu.memory_space<hbm>>
      %dma_start3A_89 = arith.constant 0 : i32
      %dma_start3A_90 = tpu.memref_slice %arg6[%add3A_86, %dma_start3A_89] : memref<320000x128xf32, #tpu.memory_space<hbm>> -> memref<80x128xf32, #tpu.memory_space<hbm>>
      tpu.enqueue_dma source(%arg12 : memref<80x128xf32, #tpu.memory_space<vmem>>) target(%dma_start3A_90 : memref<80x128xf32, #tpu.memory_space<hbm>>) target_semaphore(%arg22 : memref<!tpu.dma_semaphore, #tpu.memory_space<semaphore_mem>>)
      %dma_start3A_91 = arith.constant 0 : i32
      %dma_start3A_92 = tpu.memref_slice %arg7[%add3A_86, %dma_start3A_91] : memref<320000x128xf32, #tpu.memory_space<hbm>> -> memref<80x128xf32, #tpu.memory_space<hbm>>
      %dma_start3A_93 = arith.constant 0 : i32
      %dma_start3A_94 = tpu.memref_slice %arg7[%add3A_86, %dma_start3A_93] : memref<320000x128xf32, #tpu.memory_space<hbm>> -> memref<80x128xf32, #tpu.memory_space<hbm>>
      tpu.enqueue_dma source(%arg13 : memref<80x128xf32, #tpu.memory_space<vmem>>) target(%dma_start3A_94 : memref<80x128xf32, #tpu.memory_space<hbm>>) target_semaphore(%arg24 : memref<!tpu.dma_semaphore, #tpu.memory_space<semaphore_mem>>)
      %add3A_95 = arith.constant 1 : i32
      %add3A_96 = arith.addi %add3A_64, %add3A_95 : i32
      %mul3A_97 = arith.constant 80 : i32
      %mul3A_98 = arith.muli %add3A_96, %mul3A_97 : i32
      %add3A_99 = arith.addi %mul3A_2, %mul3A_98 : i32
      %dma_start3A_100 = tpu.memref_slice %arg4[%add3A_99] : memref<320000xi32, #tpu.memory_space<hbm>> -> memref<80xi32, #tpu.memory_space<hbm>>
      %dma_start3A_101 = tpu.memref_slice %arg4[%add3A_99] : memref<320000xi32, #tpu.memory_space<hbm>> -> memref<80xi32, #tpu.memory_space<hbm>>
      tpu.enqueue_dma source(%dma_start3A_101 : memref<80xi32, #tpu.memory_space<hbm>>) target(%arg8 : memref<80xi32, #tpu.memory_space<vmem>>) target_semaphore(%arg16 : memref<!tpu.dma_semaphore, #tpu.memory_space<semaphore_mem>>)
      %dma_start3A_102 = tpu.memref_slice %arg5[%add3A_99] : memref<320000xi32, #tpu.memory_space<hbm>> -> memref<80xi32, #tpu.memory_space<hbm>>
      %dma_start3A_103 = tpu.memref_slice %arg5[%add3A_99] : memref<320000xi32, #tpu.memory_space<hbm>> -> memref<80xi32, #tpu.memory_space<hbm>>
      tpu.enqueue_dma source(%dma_start3A_103 : memref<80xi32, #tpu.memory_space<hbm>>) target(%arg9 : memref<80xi32, #tpu.memory_space<vmem>>) target_semaphore(%arg16 : memref<!tpu.dma_semaphore, #tpu.memory_space<semaphore_mem>>)
      %add3A_104 = arith.constant 1 : i32
      %add3A_105 = arith.addi %add3A_64, %add3A_104 : i32
      %dma_wait3A_106 = tpu.memref_slice %arg4[%mul3A_2] : memref<320000xi32, #tpu.memory_space<hbm>> -> memref<80xi32, #tpu.memory_space<hbm>>
      %dma_wait3A_107 = tpu.memref_slice %arg4[%mul3A_2] : memref<320000xi32, #tpu.memory_space<hbm>> -> memref<80xi32, #tpu.memory_space<hbm>>
      tpu.wait_dma2 semaphore(%arg16 : memref<!tpu.dma_semaphore, #tpu.memory_space<semaphore_mem>>) src(%dma_wait3A_107 : memref<80xi32, #tpu.memory_space<hbm>>) dst(%arg8 : memref<80xi32, #tpu.memory_space<vmem>>)
      %dma_wait3A_108 = tpu.memref_slice %arg5[%mul3A_2] : memref<320000xi32, #tpu.memory_space<hbm>> -> memref<80xi32, #tpu.memory_space<hbm>>
      %dma_wait3A_109 = tpu.memref_slice %arg5[%mul3A_2] : memref<320000xi32, #tpu.memory_space<hbm>> -> memref<80xi32, #tpu.memory_space<hbm>>
      tpu.wait_dma2 semaphore(%arg16 : memref<!tpu.dma_semaphore, #tpu.memory_space<semaphore_mem>>) src(%dma_wait3A_109 : memref<80xi32, #tpu.memory_space<hbm>>) dst(%arg9 : memref<80xi32, #tpu.memory_space<vmem>>)
      %dma_wait3A_110 = arith.constant 0 : i32
      %dma_wait3A_111 = tpu.memref_slice %arg6[%mul3A_2, %dma_wait3A_110] : memref<320000x128xf32, #tpu.memory_space<hbm>> -> memref<80x128xf32, #tpu.memory_space<hbm>>
      %dma_wait3A_112 = arith.constant 0 : i32
      %dma_wait3A_113 = tpu.memref_slice %arg6[%mul3A_2, %dma_wait3A_112] : memref<320000x128xf32, #tpu.memory_space<hbm>> -> memref<80x128xf32, #tpu.memory_space<hbm>>
      tpu.wait_dma2 semaphore(%arg22 : memref<!tpu.dma_semaphore, #tpu.memory_space<semaphore_mem>>) src(%arg12 : memref<80x128xf32, #tpu.memory_space<vmem>>) dst(%dma_wait3A_113 : memref<80x128xf32, #tpu.memory_space<hbm>>)
      %dma_wait3A_114 = arith.constant 0 : i32
      %dma_wait3A_115 = tpu.memref_slice %arg7[%mul3A_2, %dma_wait3A_114] : memref<320000x128xf32, #tpu.memory_space<hbm>> -> memref<80x128xf32, #tpu.memory_space<hbm>>
      %dma_wait3A_116 = arith.constant 0 : i32
      %dma_wait3A_117 = tpu.memref_slice %arg7[%mul3A_2, %dma_wait3A_116] : memref<320000x128xf32, #tpu.memory_space<hbm>> -> memref<80x128xf32, #tpu.memory_space<hbm>>
      tpu.wait_dma2 semaphore(%arg24 : memref<!tpu.dma_semaphore, #tpu.memory_space<semaphore_mem>>) src(%arg13 : memref<80x128xf32, #tpu.memory_space<vmem>>) dst(%dma_wait3A_117 : memref<80x128xf32, #tpu.memory_space<hbm>>)
      %dma_start3A_118 = arith.constant 0 : i32
      %dma_start3A_119 = arith.constant 0 : i32
      %dma_start3A_120 = tpu.memref_slice %arg2[%dma_start3A_118, %dma_start3A_119] : memref<10000x128xf32, #tpu.memory_space<hbm>> -> memref<10000x128xf32, #tpu.memory_space<hbm>>
      tpu.enqueue_indirect_dma source(%dma_start3A_120 : memref<10000x128xf32, #tpu.memory_space<hbm>>) target(%arg12 : memref<80x128xf32, #tpu.memory_space<vmem>>) offsets(%arg8 : memref<80xi32, #tpu.memory_space<vmem>>) semaphore(%arg18 : memref<!tpu.dma_semaphore, #tpu.memory_space<semaphore_mem>>)
      %dma_start3A_121 = arith.constant 0 : i32
      %dma_start3A_122 = arith.constant 0 : i32
      %dma_start3A_123 = tpu.memref_slice %arg3[%dma_start3A_121, %dma_start3A_122] : memref<10000x128xf32, #tpu.memory_space<hbm>> -> memref<10000x128xf32, #tpu.memory_space<hbm>>
      tpu.enqueue_indirect_dma source(%dma_start3A_123 : memref<10000x128xf32, #tpu.memory_space<hbm>>) target(%arg13 : memref<80x128xf32, #tpu.memory_space<vmem>>) offsets(%arg9 : memref<80xi32, #tpu.memory_space<vmem>>) semaphore(%arg20 : memref<!tpu.dma_semaphore, #tpu.memory_space<semaphore_mem>>)
      %dma_wait3A_124 = arith.constant 0 : i32
      %dma_wait3A_125 = arith.constant 0 : i32
      %dma_wait3A_126 = tpu.memref_slice %arg2[%dma_wait3A_124, %dma_wait3A_125] : memref<10000x128xf32, #tpu.memory_space<hbm>> -> memref<10000x128xf32, #tpu.memory_space<hbm>>
      tpu.wait_indirect_dma semaphore(%arg19 : memref<!tpu.dma_semaphore, #tpu.memory_space<semaphore_mem>>) src(%dma_wait3A_126 : memref<10000x128xf32, #tpu.memory_space<hbm>>) dst(%arg14 : memref<80x128xf32, #tpu.memory_space<vmem>>)
      %dma_wait3A_127 = arith.constant 0 : i32
      %dma_wait3A_128 = arith.constant 0 : i32
      %dma_wait3A_129 = tpu.memref_slice %arg3[%dma_wait3A_127, %dma_wait3A_128] : memref<10000x128xf32, #tpu.memory_space<hbm>> -> memref<10000x128xf32, #tpu.memory_space<hbm>>
      tpu.wait_indirect_dma semaphore(%arg21 : memref<!tpu.dma_semaphore, #tpu.memory_space<semaphore_mem>>) src(%dma_wait3A_129 : memref<10000x128xf32, #tpu.memory_space<hbm>>) dst(%arg15 : memref<80x128xf32, #tpu.memory_space<vmem>>)
      %sub3A_130 = arith.constant 1 : i32
      %sub3A_131 = arith.subi %add3A_105, %sub3A_130 : i32
      %mul3A_132 = arith.constant 80 : i32
      %mul3A_133 = arith.muli %sub3A_131, %mul3A_132 : i32
      %add3A_134 = arith.addi %mul3A_2, %mul3A_133 : i32
      %dma_start3A_135 = arith.constant 0 : i32
      %dma_start3A_136 = tpu.memref_slice %arg6[%add3A_134, %dma_start3A_135] : memref<320000x128xf32, #tpu.memory_space<hbm>> -> memref<80x128xf32, #tpu.memory_space<hbm>>
      %dma_start3A_137 = arith.constant 0 : i32
      %dma_start3A_138 = tpu.memref_slice %arg6[%add3A_134, %dma_start3A_137] : memref<320000x128xf32, #tpu.memory_space<hbm>> -> memref<80x128xf32, #tpu.memory_space<hbm>>
      tpu.enqueue_dma source(%arg14 : memref<80x128xf32, #tpu.memory_space<vmem>>) target(%dma_start3A_138 : memref<80x128xf32, #tpu.memory_space<hbm>>) target_semaphore(%arg23 : memref<!tpu.dma_semaphore, #tpu.memory_space<semaphore_mem>>)
      %dma_start3A_139 = arith.constant 0 : i32
      %dma_start3A_140 = tpu.memref_slice %arg7[%add3A_134, %dma_start3A_139] : memref<320000x128xf32, #tpu.memory_space<hbm>> -> memref<80x128xf32, #tpu.memory_space<hbm>>
      %dma_start3A_141 = arith.constant 0 : i32
      %dma_start3A_142 = tpu.memref_slice %arg7[%add3A_134, %dma_start3A_141] : memref<320000x128xf32, #tpu.memory_space<hbm>> -> memref<80x128xf32, #tpu.memory_space<hbm>>
      tpu.enqueue_dma source(%arg15 : memref<80x128xf32, #tpu.memory_space<vmem>>) target(%dma_start3A_142 : memref<80x128xf32, #tpu.memory_space<hbm>>) target_semaphore(%arg25 : memref<!tpu.dma_semaphore, #tpu.memory_space<semaphore_mem>>)
      %lt3A = arith.constant 61 : i32
      %lt3A_143 = arith.cmpi slt, %scan3A_60, %lt3A : i32
      %convert_element_type3A_144 = arith.extui %lt3A_143 : i1 to i32
      %cond3A_145 = arith.constant 0 : i32
      %cond3A_146 = arith.cmpi ne, %convert_element_type3A_144, %cond3A_145 : i32
      scf.if %cond3A_146 {
        %add3A_147 = arith.constant 1 : i32
        %add3A_148 = arith.addi %add3A_105, %add3A_147 : i32
        %mul3A_149 = arith.constant 80 : i32
        %mul3A_150 = arith.muli %add3A_148, %mul3A_149 : i32
        %add3A_151 = arith.addi %mul3A_2, %mul3A_150 : i32
        %dma_start3A_152 = tpu.memref_slice %arg4[%add3A_151] : memref<320000xi32, #tpu.memory_space<hbm>> -> memref<80xi32, #tpu.memory_space<hbm>>
        %dma_start3A_153 = tpu.memref_slice %arg4[%add3A_151] : memref<320000xi32, #tpu.memory_space<hbm>> -> memref<80xi32, #tpu.memory_space<hbm>>
        tpu.enqueue_dma source(%dma_start3A_153 : memref<80xi32, #tpu.memory_space<hbm>>) target(%arg10 : memref<80xi32, #tpu.memory_space<vmem>>) target_semaphore(%arg17 : memref<!tpu.dma_semaphore, #tpu.memory_space<semaphore_mem>>)
        %dma_start3A_154 = tpu.memref_slice %arg5[%add3A_151] : memref<320000xi32, #tpu.memory_space<hbm>> -> memref<80xi32, #tpu.memory_space<hbm>>
        %dma_start3A_155 = tpu.memref_slice %arg5[%add3A_151] : memref<320000xi32, #tpu.memory_space<hbm>> -> memref<80xi32, #tpu.memory_space<hbm>>
        tpu.enqueue_dma source(%dma_start3A_155 : memref<80xi32, #tpu.memory_space<hbm>>) target(%arg11 : memref<80xi32, #tpu.memory_space<vmem>>) target_semaphore(%arg17 : memref<!tpu.dma_semaphore, #tpu.memory_space<semaphore_mem>>)
      } else {
      }
    }
    %scan3A_27 = arith.constant 62 : i32
    %dma_wait3A_28 = arith.constant 0 : i32
    %dma_wait3A_29 = arith.constant 0 : i32
    %dma_wait3A_30 = tpu.memref_slice %arg2[%dma_wait3A_28, %dma_wait3A_29] : memref<10000x128xf32, #tpu.memory_space<hbm>> -> memref<10000x128xf32, #tpu.memory_space<hbm>>
    tpu.wait_indirect_dma semaphore(%arg18 : memref<!tpu.dma_semaphore, #tpu.memory_space<semaphore_mem>>) src(%dma_wait3A_30 : memref<10000x128xf32, #tpu.memory_space<hbm>>) dst(%arg12 : memref<80x128xf32, #tpu.memory_space<vmem>>)
    %dma_wait3A_31 = arith.constant 0 : i32
    %dma_wait3A_32 = arith.constant 0 : i32
    %dma_wait3A_33 = tpu.memref_slice %arg3[%dma_wait3A_31, %dma_wait3A_32] : memref<10000x128xf32, #tpu.memory_space<hbm>> -> memref<10000x128xf32, #tpu.memory_space<hbm>>
    tpu.wait_indirect_dma semaphore(%arg20 : memref<!tpu.dma_semaphore, #tpu.memory_space<semaphore_mem>>) src(%dma_wait3A_33 : memref<10000x128xf32, #tpu.memory_space<hbm>>) dst(%arg13 : memref<80x128xf32, #tpu.memory_space<vmem>>)
    %add3A_34 = arith.constant 9920 : i32
    %add3A_35 = arith.addi %mul3A_2, %add3A_34 : i32
    %dma_start3A_36 = arith.constant 0 : i32
    %dma_start3A_37 = tpu.memref_slice %arg6[%add3A_35, %dma_start3A_36] : memref<320000x128xf32, #tpu.memory_space<hbm>> -> memref<80x128xf32, #tpu.memory_space<hbm>>
    %dma_start3A_38 = arith.constant 0 : i32
    %dma_start3A_39 = tpu.memref_slice %arg6[%add3A_35, %dma_start3A_38] : memref<320000x128xf32, #tpu.memory_space<hbm>> -> memref<80x128xf32, #tpu.memory_space<hbm>>
    tpu.enqueue_dma source(%arg12 : memref<80x128xf32, #tpu.memory_space<vmem>>) target(%dma_start3A_39 : memref<80x128xf32, #tpu.memory_space<hbm>>) target_semaphore(%arg22 : memref<!tpu.dma_semaphore, #tpu.memory_space<semaphore_mem>>)
    %dma_start3A_40 = arith.constant 0 : i32
    %dma_start3A_41 = tpu.memref_slice %arg7[%add3A_35, %dma_start3A_40] : memref<320000x128xf32, #tpu.memory_space<hbm>> -> memref<80x128xf32, #tpu.memory_space<hbm>>
    %dma_start3A_42 = arith.constant 0 : i32
    %dma_start3A_43 = tpu.memref_slice %arg7[%add3A_35, %dma_start3A_42] : memref<320000x128xf32, #tpu.memory_space<hbm>> -> memref<80x128xf32, #tpu.memory_space<hbm>>
    tpu.enqueue_dma source(%arg13 : memref<80x128xf32, #tpu.memory_space<vmem>>) target(%dma_start3A_43 : memref<80x128xf32, #tpu.memory_space<hbm>>) target_semaphore(%arg24 : memref<!tpu.dma_semaphore, #tpu.memory_space<semaphore_mem>>)
    %dma_wait3A_44 = arith.constant 0 : i32
    %dma_wait3A_45 = tpu.memref_slice %arg6[%mul3A_2, %dma_wait3A_44] : memref<320000x128xf32, #tpu.memory_space<hbm>> -> memref<80x128xf32, #tpu.memory_space<hbm>>
    %dma_wait3A_46 = arith.constant 0 : i32
    %dma_wait3A_47 = tpu.memref_slice %arg6[%mul3A_2, %dma_wait3A_46] : memref<320000x128xf32, #tpu.memory_space<hbm>> -> memref<80x128xf32, #tpu.memory_space<hbm>>
    tpu.wait_dma2 semaphore(%arg23 : memref<!tpu.dma_semaphore, #tpu.memory_space<semaphore_mem>>) src(%arg14 : memref<80x128xf32, #tpu.memory_space<vmem>>) dst(%dma_wait3A_47 : memref<80x128xf32, #tpu.memory_space<hbm>>)
    %dma_wait3A_48 = arith.constant 0 : i32
    %dma_wait3A_49 = tpu.memref_slice %arg7[%mul3A_2, %dma_wait3A_48] : memref<320000x128xf32, #tpu.memory_space<hbm>> -> memref<80x128xf32, #tpu.memory_space<hbm>>
    %dma_wait3A_50 = arith.constant 0 : i32
    %dma_wait3A_51 = tpu.memref_slice %arg7[%mul3A_2, %dma_wait3A_50] : memref<320000x128xf32, #tpu.memory_space<hbm>> -> memref<80x128xf32, #tpu.memory_space<hbm>>
    tpu.wait_dma2 semaphore(%arg25 : memref<!tpu.dma_semaphore, #tpu.memory_space<semaphore_mem>>) src(%arg15 : memref<80x128xf32, #tpu.memory_space<vmem>>) dst(%dma_wait3A_51 : memref<80x128xf32, #tpu.memory_space<hbm>>)
    %dma_wait3A_52 = arith.constant 0 : i32
    %dma_wait3A_53 = tpu.memref_slice %arg6[%mul3A_2, %dma_wait3A_52] : memref<320000x128xf32, #tpu.memory_space<hbm>> -> memref<80x128xf32, #tpu.memory_space<hbm>>
    %dma_wait3A_54 = arith.constant 0 : i32
    %dma_wait3A_55 = tpu.memref_slice %arg6[%mul3A_2, %dma_wait3A_54] : memref<320000x128xf32, #tpu.memory_space<hbm>> -> memref<80x128xf32, #tpu.memory_space<hbm>>
    tpu.wait_dma2 semaphore(%arg22 : memref<!tpu.dma_semaphore, #tpu.memory_space<semaphore_mem>>) src(%arg12 : memref<80x128xf32, #tpu.memory_space<vmem>>) dst(%dma_wait3A_55 : memref<80x128xf32, #tpu.memory_space<hbm>>)
    %dma_wait3A_56 = arith.constant 0 : i32
    %dma_wait3A_57 = tpu.memref_slice %arg7[%mul3A_2, %dma_wait3A_56] : memref<320000x128xf32, #tpu.memory_space<hbm>> -> memref<80x128xf32, #tpu.memory_space<hbm>>
    %dma_wait3A_58 = arith.constant 0 : i32
    %dma_wait3A_59 = tpu.memref_slice %arg7[%mul3A_2, %dma_wait3A_58] : memref<320000x128xf32, #tpu.memory_space<hbm>> -> memref<80x128xf32, #tpu.memory_space<hbm>>
    tpu.wait_dma2 semaphore(%arg24 : memref<!tpu.dma_semaphore, #tpu.memory_space<semaphore_mem>>) src(%arg13 : memref<80x128xf32, #tpu.memory_space<vmem>>) dst(%dma_wait3A_59 : memref<80x128xf32, #tpu.memory_space<hbm>>)
    return
  }
}

#map = affine_map<(d0, d1) -> (0, 0)>
#map1 = affine_map<(d0, d1) -> (0)>
#map2 = affine_map<(d0, d1) -> (0, 0, 0)>
module attributes {stable_mosaic.version = 14 : i64} {
  func.func @scatter_call(%arg0: i32, %arg1: i32, %arg2: memref<320000x128xf32, #tpu.memory_space<hbm>>, %arg3: memref<320000xi32, #tpu.memory_space<hbm>>, %arg4: memref<2x10112x128xf32, #tpu.memory_space<hbm>>, %arg5: memref<80xi32, #tpu.memory_space<vmem>>, %arg6: memref<80xi32, #tpu.memory_space<vmem>>, %arg7: memref<80x128xf32, #tpu.memory_space<vmem>>, %arg8: memref<80x128xf32, #tpu.memory_space<vmem>>, %arg9: memref<128x128xf32, #tpu.memory_space<vmem>>, %arg10: memref<10112x128xf32, #tpu.memory_space<vmem_shared>>, %arg11: memref<!tpu.dma_semaphore, #tpu.memory_space<semaphore_mem>>, %arg12: memref<!tpu.dma_semaphore, #tpu.memory_space<semaphore_mem>>, %arg13: memref<!tpu.dma_semaphore, #tpu.memory_space<semaphore_mem>>, %arg14: memref<!tpu.dma_semaphore, #tpu.memory_space<semaphore_mem>>) attributes {dimension_semantics = [#tpu.dimension_semantics<core_parallel>, #tpu.dimension_semantics<subcore_parallel>], iteration_bounds = array<i64: 2, 16>, scalar_prefetch = 0 : i64, scratch_operands = 10 : i64, tpu.core_type = #tpu.core_type<sc_vector_subcore>, window_params = [{transform_indices = #map}, {transform_indices = #map1}, {transform_indices = #map2}]} {
    %mul3A = arith.constant 2 : i32
    %mul3A_0 = arith.muli %arg1, %mul3A : i32
    %add3A = arith.addi %mul3A_0, %arg0 : i32
    %mul3A_1 = arith.constant 10000 : i32
    %mul3A_2 = arith.muli %add3A, %mul3A_1 : i32
    %broadcast_in_dim3A = arith.constant 0.000000e+00 : f32
    %broadcast_in_dim3A_3 = vector.broadcast %broadcast_in_dim3A : f32 to vector<16xf32>
    %scan3A = arith.constant 0 : i32
    %scan3A_4 = arith.constant 0 : i32
    %scan3A_5 = arith.constant 128 : i32
    %scan3A_6 = arith.addi %scan3A_4, %scan3A_5 : i32
    %scan3A_7 = arith.constant 1 : i32
    scf.for %scan3A_80 = %scan3A_4 to %scan3A_6 step %scan3A_7  : i32 {
      %swap3A = arith.index_cast %scan3A_80 : i32 to index
      %swap3A_81 = arith.constant 0 : index
      %swap3A_82 = tpu.vector_load %arg9[%swap3A, %swap3A_81] {strides = array<i32>} : memref<128x128xf32, #tpu.memory_space<vmem>>, vector<1x16xf32>,
      %swap3A_83 = vector.shape_cast %swap3A_82 : vector<1x16xf32> to vector<16xf32>
      %swap3A_84 = vector.shape_cast %broadcast_in_dim3A_3 : vector<16xf32> to vector<1x16xf32>
      tpu.vector_store %arg9[%swap3A, %swap3A_81], %swap3A_84 {strides = array<i32>} : memref<128x128xf32, #tpu.memory_space<vmem>>, vector<1x16xf32>,
      %swap3A_85 = arith.index_cast %scan3A_80 : i32 to index
      %swap3A_86 = arith.constant 16 : index
      %swap3A_87 = tpu.vector_load %arg9[%swap3A_85, %swap3A_86] {strides = array<i32>} : memref<128x128xf32, #tpu.memory_space<vmem>>, vector<1x16xf32>,
      %swap3A_88 = vector.shape_cast %swap3A_87 : vector<1x16xf32> to vector<16xf32>
      %swap3A_89 = vector.shape_cast %broadcast_in_dim3A_3 : vector<16xf32> to vector<1x16xf32>
      tpu.vector_store %arg9[%swap3A_85, %swap3A_86], %swap3A_89 {strides = array<i32>} : memref<128x128xf32, #tpu.memory_space<vmem>>, vector<1x16xf32>,
      %swap3A_90 = arith.index_cast %scan3A_80 : i32 to index
      %swap3A_91 = arith.constant 32 : index
      %swap3A_92 = tpu.vector_load %arg9[%swap3A_90, %swap3A_91] {strides = array<i32>} : memref<128x128xf32, #tpu.memory_space<vmem>>, vector<1x16xf32>,
      %swap3A_93 = vector.shape_cast %swap3A_92 : vector<1x16xf32> to vector<16xf32>
      %swap3A_94 = vector.shape_cast %broadcast_in_dim3A_3 : vector<16xf32> to vector<1x16xf32>
      tpu.vector_store %arg9[%swap3A_90, %swap3A_91], %swap3A_94 {strides = array<i32>} : memref<128x128xf32, #tpu.memory_space<vmem>>, vector<1x16xf32>,
      %swap3A_95 = arith.index_cast %scan3A_80 : i32 to index
      %swap3A_96 = arith.constant 48 : index
      %swap3A_97 = tpu.vector_load %arg9[%swap3A_95, %swap3A_96] {strides = array<i32>} : memref<128x128xf32, #tpu.memory_space<vmem>>, vector<1x16xf32>,
      %swap3A_98 = vector.shape_cast %swap3A_97 : vector<1x16xf32> to vector<16xf32>
      %swap3A_99 = vector.shape_cast %broadcast_in_dim3A_3 : vector<16xf32> to vector<1x16xf32>
      tpu.vector_store %arg9[%swap3A_95, %swap3A_96], %swap3A_99 {strides = array<i32>} : memref<128x128xf32, #tpu.memory_space<vmem>>, vector<1x16xf32>,
      %swap3A_100 = arith.index_cast %scan3A_80 : i32 to index
      %swap3A_101 = arith.constant 64 : index
      %swap3A_102 = tpu.vector_load %arg9[%swap3A_100, %swap3A_101] {strides = array<i32>} : memref<128x128xf32, #tpu.memory_space<vmem>>, vector<1x16xf32>,
      %swap3A_103 = vector.shape_cast %swap3A_102 : vector<1x16xf32> to vector<16xf32>
      %swap3A_104 = vector.shape_cast %broadcast_in_dim3A_3 : vector<16xf32> to vector<1x16xf32>
      tpu.vector_store %arg9[%swap3A_100, %swap3A_101], %swap3A_104 {strides = array<i32>} : memref<128x128xf32, #tpu.memory_space<vmem>>, vector<1x16xf32>,
      %swap3A_105 = arith.index_cast %scan3A_80 : i32 to index
      %swap3A_106 = arith.constant 80 : index
      %swap3A_107 = tpu.vector_load %arg9[%swap3A_105, %swap3A_106] {strides = array<i32>} : memref<128x128xf32, #tpu.memory_space<vmem>>, vector<1x16xf32>,
      %swap3A_108 = vector.shape_cast %swap3A_107 : vector<1x16xf32> to vector<16xf32>
      %swap3A_109 = vector.shape_cast %broadcast_in_dim3A_3 : vector<16xf32> to vector<1x16xf32>
      tpu.vector_store %arg9[%swap3A_105, %swap3A_106], %swap3A_109 {strides = array<i32>} : memref<128x128xf32, #tpu.memory_space<vmem>>, vector<1x16xf32>,
      %swap3A_110 = arith.index_cast %scan3A_80 : i32 to index
      %swap3A_111 = arith.constant 96 : index
      %swap3A_112 = tpu.vector_load %arg9[%swap3A_110, %swap3A_111] {strides = array<i32>} : memref<128x128xf32, #tpu.memory_space<vmem>>, vector<1x16xf32>,
      %swap3A_113 = vector.shape_cast %swap3A_112 : vector<1x16xf32> to vector<16xf32>
      %swap3A_114 = vector.shape_cast %broadcast_in_dim3A_3 : vector<16xf32> to vector<1x16xf32>
      tpu.vector_store %arg9[%swap3A_110, %swap3A_111], %swap3A_114 {strides = array<i32>} : memref<128x128xf32, #tpu.memory_space<vmem>>, vector<1x16xf32>,
      %swap3A_115 = arith.index_cast %scan3A_80 : i32 to index
      %swap3A_116 = arith.constant 112 : index
      %swap3A_117 = tpu.vector_load %arg9[%swap3A_115, %swap3A_116] {strides = array<i32>} : memref<128x128xf32, #tpu.memory_space<vmem>>, vector<1x16xf32>,
      %swap3A_118 = vector.shape_cast %swap3A_117 : vector<1x16xf32> to vector<16xf32>
      %swap3A_119 = vector.shape_cast %broadcast_in_dim3A_3 : vector<16xf32> to vector<1x16xf32>
      tpu.vector_store %arg9[%swap3A_115, %swap3A_116], %swap3A_119 {strides = array<i32>} : memref<128x128xf32, #tpu.memory_space<vmem>>, vector<1x16xf32>,
    }
    %scan3A_8 = arith.constant 128 : i32
    %mul3A_9 = arith.constant 632 : i32
    %mul3A_10 = arith.muli %arg1, %mul3A_9 : i32
    %add3A_11 = arith.constant 0 : i32
    %add3A_12 = arith.addi %mul3A_10, %add3A_11 : i32
    "tpu.region"() ({
      %run_scoped3A = tpu.sem_alloc : memref<!tpu.dma_semaphore, #tpu.memory_space<semaphore_mem>>
      %dma_start3A_80 = arith.constant 0 : i32
      %dma_start3A_81 = tpu.memref_slice %arg10[%add3A_12, %dma_start3A_80] : memref<10112x128xf32, #tpu.memory_space<vmem_shared>> -> memref<128x128xf32, #tpu.memory_space<vmem_shared>>
      %dma_start3A_82 = arith.constant 0 : i32
      %dma_start3A_83 = tpu.memref_slice %arg10[%add3A_12, %dma_start3A_82] : memref<10112x128xf32, #tpu.memory_space<vmem_shared>> -> memref<128x128xf32, #tpu.memory_space<vmem_shared>>
      tpu.enqueue_dma source(%arg9 : memref<128x128xf32, #tpu.memory_space<vmem>>) target(%dma_start3A_83 : memref<128x128xf32, #tpu.memory_space<vmem_shared>>) target_semaphore(%run_scoped3A : memref<!tpu.dma_semaphore, #tpu.memory_space<semaphore_mem>>)
      %dma_wait3A_84 = arith.constant 0 : i32
      %dma_wait3A_85 = tpu.memref_slice %arg10[%add3A_12, %dma_wait3A_84] : memref<10112x128xf32, #tpu.memory_space<vmem_shared>> -> memref<128x128xf32, #tpu.memory_space<vmem_shared>>
      %dma_wait3A_86 = arith.constant 0 : i32
      %dma_wait3A_87 = tpu.memref_slice %arg10[%add3A_12, %dma_wait3A_86] : memref<10112x128xf32, #tpu.memory_space<vmem_shared>> -> memref<128x128xf32, #tpu.memory_space<vmem_shared>>
      tpu.wait_dma2 semaphore(%run_scoped3A : memref<!tpu.dma_semaphore, #tpu.memory_space<semaphore_mem>>) src(%arg9 : memref<128x128xf32, #tpu.memory_space<vmem>>) dst(%dma_wait3A_87 : memref<128x128xf32, #tpu.memory_space<vmem_shared>>)
      tpu.yield
    }) : () -> ()
    %mul3A_13 = arith.constant 632 : i32
    %mul3A_14 = arith.muli %arg1, %mul3A_13 : i32
    %add3A_15 = arith.constant 128 : i32
    %add3A_16 = arith.addi %mul3A_14, %add3A_15 : i32
    "tpu.region"() ({
      %run_scoped3A = tpu.sem_alloc : memref<!tpu.dma_semaphore, #tpu.memory_space<semaphore_mem>>
      %dma_start3A_80 = arith.constant 0 : i32
      %dma_start3A_81 = tpu.memref_slice %arg10[%add3A_16, %dma_start3A_80] : memref<10112x128xf32, #tpu.memory_space<vmem_shared>> -> memref<128x128xf32, #tpu.memory_space<vmem_shared>>
      %dma_start3A_82 = arith.constant 0 : i32
      %dma_start3A_83 = tpu.memref_slice %arg10[%add3A_16, %dma_start3A_82] : memref<10112x128xf32, #tpu.memory_space<vmem_shared>> -> memref<128x128xf32, #tpu.memory_space<vmem_shared>>
      tpu.enqueue_dma source(%arg9 : memref<128x128xf32, #tpu.memory_space<vmem>>) target(%dma_start3A_83 : memref<128x128xf32, #tpu.memory_space<vmem_shared>>) target_semaphore(%run_scoped3A : memref<!tpu.dma_semaphore, #tpu.memory_space<semaphore_mem>>)
      %dma_wait3A_84 = arith.constant 0 : i32
      %dma_wait3A_85 = tpu.memref_slice %arg10[%add3A_16, %dma_wait3A_84] : memref<10112x128xf32, #tpu.memory_space<vmem_shared>> -> memref<128x128xf32, #tpu.memory_space<vmem_shared>>
      %dma_wait3A_86 = arith.constant 0 : i32
      %dma_wait3A_87 = tpu.memref_slice %arg10[%add3A_16, %dma_wait3A_86] : memref<10112x128xf32, #tpu.memory_space<vmem_shared>> -> memref<128x128xf32, #tpu.memory_space<vmem_shared>>
      tpu.wait_dma2 semaphore(%run_scoped3A : memref<!tpu.dma_semaphore, #tpu.memory_space<semaphore_mem>>) src(%arg9 : memref<128x128xf32, #tpu.memory_space<vmem>>) dst(%dma_wait3A_87 : memref<128x128xf32, #tpu.memory_space<vmem_shared>>)
      tpu.yield
    }) : () -> ()
    %mul3A_17 = arith.constant 632 : i32
    %mul3A_18 = arith.muli %arg1, %mul3A_17 : i32
    %add3A_19 = arith.constant 256 : i32
    %add3A_20 = arith.addi %mul3A_18, %add3A_19 : i32
    "tpu.region"() ({
      %run_scoped3A = tpu.sem_alloc : memref<!tpu.dma_semaphore, #tpu.memory_space<semaphore_mem>>
      %dma_start3A_80 = arith.constant 0 : i32
      %dma_start3A_81 = tpu.memref_slice %arg10[%add3A_20, %dma_start3A_80] : memref<10112x128xf32, #tpu.memory_space<vmem_shared>> -> memref<128x128xf32, #tpu.memory_space<vmem_shared>>
      %dma_start3A_82 = arith.constant 0 : i32
      %dma_start3A_83 = tpu.memref_slice %arg10[%add3A_20, %dma_start3A_82] : memref<10112x128xf32, #tpu.memory_space<vmem_shared>> -> memref<128x128xf32, #tpu.memory_space<vmem_shared>>
      tpu.enqueue_dma source(%arg9 : memref<128x128xf32, #tpu.memory_space<vmem>>) target(%dma_start3A_83 : memref<128x128xf32, #tpu.memory_space<vmem_shared>>) target_semaphore(%run_scoped3A : memref<!tpu.dma_semaphore, #tpu.memory_space<semaphore_mem>>)
      %dma_wait3A_84 = arith.constant 0 : i32
      %dma_wait3A_85 = tpu.memref_slice %arg10[%add3A_20, %dma_wait3A_84] : memref<10112x128xf32, #tpu.memory_space<vmem_shared>> -> memref<128x128xf32, #tpu.memory_space<vmem_shared>>
      %dma_wait3A_86 = arith.constant 0 : i32
      %dma_wait3A_87 = tpu.memref_slice %arg10[%add3A_20, %dma_wait3A_86] : memref<10112x128xf32, #tpu.memory_space<vmem_shared>> -> memref<128x128xf32, #tpu.memory_space<vmem_shared>>
      tpu.wait_dma2 semaphore(%run_scoped3A : memref<!tpu.dma_semaphore, #tpu.memory_space<semaphore_mem>>) src(%arg9 : memref<128x128xf32, #tpu.memory_space<vmem>>) dst(%dma_wait3A_87 : memref<128x128xf32, #tpu.memory_space<vmem_shared>>)
      tpu.yield
    }) : () -> ()
    %mul3A_21 = arith.constant 632 : i32
    %mul3A_22 = arith.muli %arg1, %mul3A_21 : i32
    %add3A_23 = arith.constant 384 : i32
    %add3A_24 = arith.addi %mul3A_22, %add3A_23 : i32
    "tpu.region"() ({
      %run_scoped3A = tpu.sem_alloc : memref<!tpu.dma_semaphore, #tpu.memory_space<semaphore_mem>>
      %dma_start3A_80 = arith.constant 0 : i32
      %dma_start3A_81 = tpu.memref_slice %arg10[%add3A_24, %dma_start3A_80] : memref<10112x128xf32, #tpu.memory_space<vmem_shared>> -> memref<128x128xf32, #tpu.memory_space<vmem_shared>>
      %dma_start3A_82 = arith.constant 0 : i32
      %dma_start3A_83 = tpu.memref_slice %arg10[%add3A_24, %dma_start3A_82] : memref<10112x128xf32, #tpu.memory_space<vmem_shared>> -> memref<128x128xf32, #tpu.memory_space<vmem_shared>>
      tpu.enqueue_dma source(%arg9 : memref<128x128xf32, #tpu.memory_space<vmem>>) target(%dma_start3A_83 : memref<128x128xf32, #tpu.memory_space<vmem_shared>>) target_semaphore(%run_scoped3A : memref<!tpu.dma_semaphore, #tpu.memory_space<semaphore_mem>>)
      %dma_wait3A_84 = arith.constant 0 : i32
      %dma_wait3A_85 = tpu.memref_slice %arg10[%add3A_24, %dma_wait3A_84] : memref<10112x128xf32, #tpu.memory_space<vmem_shared>> -> memref<128x128xf32, #tpu.memory_space<vmem_shared>>
      %dma_wait3A_86 = arith.constant 0 : i32
      %dma_wait3A_87 = tpu.memref_slice %arg10[%add3A_24, %dma_wait3A_86] : memref<10112x128xf32, #tpu.memory_space<vmem_shared>> -> memref<128x128xf32, #tpu.memory_space<vmem_shared>>
      tpu.wait_dma2 semaphore(%run_scoped3A : memref<!tpu.dma_semaphore, #tpu.memory_space<semaphore_mem>>) src(%arg9 : memref<128x128xf32, #tpu.memory_space<vmem>>) dst(%dma_wait3A_87 : memref<128x128xf32, #tpu.memory_space<vmem_shared>>)
      tpu.yield
    }) : () -> ()
    %mul3A_25 = arith.constant 632 : i32
    %mul3A_26 = arith.muli %arg1, %mul3A_25 : i32
    %add3A_27 = arith.constant 632 : i32
    %add3A_28 = arith.addi %mul3A_26, %add3A_27 : i32
    %sub3A = arith.constant 120 : i32
    %sub3A_29 = arith.subi %add3A_28, %sub3A : i32
    "tpu.region"() ({
      %run_scoped3A = tpu.sem_alloc : memref<!tpu.dma_semaphore, #tpu.memory_space<semaphore_mem>>
      %dma_start3A_80 = arith.constant 0 : i32
      %dma_start3A_81 = arith.constant 0 : i32
      %dma_start3A_82 = tpu.memref_slice %arg9[%dma_start3A_80, %dma_start3A_81] : memref<128x128xf32, #tpu.memory_space<vmem>> -> memref<120x128xf32, #tpu.memory_space<vmem>>
      %dma_start3A_83 = arith.constant 0 : i32
      %dma_start3A_84 = tpu.memref_slice %arg10[%sub3A_29, %dma_start3A_83] : memref<10112x128xf32, #tpu.memory_space<vmem_shared>> -> memref<120x128xf32, #tpu.memory_space<vmem_shared>>
      %dma_start3A_85 = arith.constant 0 : i32
      %dma_start3A_86 = tpu.memref_slice %arg10[%sub3A_29, %dma_start3A_85] : memref<10112x128xf32, #tpu.memory_space<vmem_shared>> -> memref<120x128xf32, #tpu.memory_space<vmem_shared>>
      %dma_start3A_87 = arith.constant 0 : i32
      %dma_start3A_88 = arith.constant 0 : i32
      %dma_start3A_89 = tpu.memref_slice %arg9[%dma_start3A_87, %dma_start3A_88] : memref<128x128xf32, #tpu.memory_space<vmem>> -> memref<120x128xf32, #tpu.memory_space<vmem>>
      tpu.enqueue_dma source(%dma_start3A_89 : memref<120x128xf32, #tpu.memory_space<vmem>>) target(%dma_start3A_86 : memref<120x128xf32, #tpu.memory_space<vmem_shared>>) target_semaphore(%run_scoped3A : memref<!tpu.dma_semaphore, #tpu.memory_space<semaphore_mem>>)
      %dma_wait3A_90 = arith.constant 0 : i32
      %dma_wait3A_91 = arith.constant 0 : i32
      %dma_wait3A_92 = tpu.memref_slice %arg9[%dma_wait3A_90, %dma_wait3A_91] : memref<128x128xf32, #tpu.memory_space<vmem>> -> memref<120x128xf32, #tpu.memory_space<vmem>>
      %dma_wait3A_93 = arith.constant 0 : i32
      %dma_wait3A_94 = tpu.memref_slice %arg10[%sub3A_29, %dma_wait3A_93] : memref<10112x128xf32, #tpu.memory_space<vmem_shared>> -> memref<120x128xf32, #tpu.memory_space<vmem_shared>>
      %dma_wait3A_95 = arith.constant 0 : i32
      %dma_wait3A_96 = tpu.memref_slice %arg10[%sub3A_29, %dma_wait3A_95] : memref<10112x128xf32, #tpu.memory_space<vmem_shared>> -> memref<120x128xf32, #tpu.memory_space<vmem_shared>>
      %dma_wait3A_97 = arith.constant 0 : i32
      %dma_wait3A_98 = arith.constant 0 : i32
      %dma_wait3A_99 = tpu.memref_slice %arg9[%dma_wait3A_97, %dma_wait3A_98] : memref<128x128xf32, #tpu.memory_space<vmem>> -> memref<120x128xf32, #tpu.memory_space<vmem>>
      tpu.wait_dma2 semaphore(%run_scoped3A : memref<!tpu.dma_semaphore, #tpu.memory_space<semaphore_mem>>) src(%dma_wait3A_99 : memref<120x128xf32, #tpu.memory_space<vmem>>) dst(%dma_wait3A_96 : memref<120x128xf32, #tpu.memory_space<vmem_shared>>)
      tpu.yield
    }) : () -> ()
    %barrier3A = arith.constant 0 : index
    tpu.barrier barrier_id(%barrier3A)
    %add3A_30 = arith.constant 0 : i32
    %add3A_31 = arith.addi %mul3A_2, %add3A_30 : i32
    %dma_start3A = tpu.memref_slice %arg3[%add3A_31] : memref<320000xi32, #tpu.memory_space<hbm>> -> memref<80xi32, #tpu.memory_space<hbm>>
    %dma_start3A_32 = tpu.memref_slice %arg3[%add3A_31] : memref<320000xi32, #tpu.memory_space<hbm>> -> memref<80xi32, #tpu.memory_space<hbm>>
    tpu.enqueue_dma source(%dma_start3A_32 : memref<80xi32, #tpu.memory_space<hbm>>) target(%arg5 : memref<80xi32, #tpu.memory_space<vmem>>) target_semaphore(%arg11 : memref<!tpu.dma_semaphore, #tpu.memory_space<semaphore_mem>>)
    %dma_start3A_33 = arith.constant 0 : i32
    %dma_start3A_34 = tpu.memref_slice %arg2[%add3A_31, %dma_start3A_33] : memref<320000x128xf32, #tpu.memory_space<hbm>> -> memref<80x128xf32, #tpu.memory_space<hbm>>
    %dma_start3A_35 = arith.constant 0 : i32
    %dma_start3A_36 = tpu.memref_slice %arg2[%add3A_31, %dma_start3A_35] : memref<320000x128xf32, #tpu.memory_space<hbm>> -> memref<80x128xf32, #tpu.memory_space<hbm>>
    tpu.enqueue_dma source(%dma_start3A_36 : memref<80x128xf32, #tpu.memory_space<hbm>>) target(%arg7 : memref<80x128xf32, #tpu.memory_space<vmem>>) target_semaphore(%arg11 : memref<!tpu.dma_semaphore, #tpu.memory_space<semaphore_mem>>)
    %scan3A_37 = arith.constant 0 : i32
    %scan3A_38 = arith.constant 0 : i32
    %scan3A_39 = arith.constant 62 : i32
    %scan3A_40 = arith.addi %scan3A_38, %scan3A_39 : i32
    %scan3A_41 = arith.constant 1 : i32
    scf.for %scan3A_80 = %scan3A_38 to %scan3A_40 step %scan3A_41  : i32 {
      %dma_wait3A_81 = tpu.memref_slice %arg3[%mul3A_2] : memref<320000xi32, #tpu.memory_space<hbm>> -> memref<80xi32, #tpu.memory_space<hbm>>
      %dma_wait3A_82 = tpu.memref_slice %arg3[%mul3A_2] : memref<320000xi32, #tpu.memory_space<hbm>> -> memref<80xi32, #tpu.memory_space<hbm>>
      tpu.wait_dma2 semaphore(%arg11 : memref<!tpu.dma_semaphore, #tpu.memory_space<semaphore_mem>>) src(%dma_wait3A_82 : memref<80xi32, #tpu.memory_space<hbm>>) dst(%arg5 : memref<80xi32, #tpu.memory_space<vmem>>)
      %dma_wait3A_83 = arith.constant 0 : i32
      %dma_wait3A_84 = tpu.memref_slice %arg2[%mul3A_2, %dma_wait3A_83] : memref<320000x128xf32, #tpu.memory_space<hbm>> -> memref<80x128xf32, #tpu.memory_space<hbm>>
      %dma_wait3A_85 = arith.constant 0 : i32
      %dma_wait3A_86 = tpu.memref_slice %arg2[%mul3A_2, %dma_wait3A_85] : memref<320000x128xf32, #tpu.memory_space<hbm>> -> memref<80x128xf32, #tpu.memory_space<hbm>>
      tpu.wait_dma2 semaphore(%arg11 : memref<!tpu.dma_semaphore, #tpu.memory_space<semaphore_mem>>) src(%dma_wait3A_86 : memref<80x128xf32, #tpu.memory_space<hbm>>) dst(%arg7 : memref<80x128xf32, #tpu.memory_space<vmem>>)
      %dma_start3A_87 = arith.constant 0 : i32
      %dma_start3A_88 = arith.constant 0 : i32
      %dma_start3A_89 = tpu.memref_slice %arg10[%dma_start3A_87, %dma_start3A_88] : memref<10112x128xf32, #tpu.memory_space<vmem_shared>> -> memref<10112x128xf32, #tpu.memory_space<vmem_shared>>
      tpu.enqueue_indirect_dma source(%arg7 : memref<80x128xf32, #tpu.memory_space<vmem>>) target(%dma_start3A_89 : memref<10112x128xf32, #tpu.memory_space<vmem_shared>>) offsets(%arg5 : memref<80xi32, #tpu.memory_space<vmem>>) semaphore(%arg13 : memref<!tpu.dma_semaphore, #tpu.memory_space<semaphore_mem>>) {add = true}
      %gt3A = arith.constant 0 : i32
      %gt3A_90 = arith.cmpi sgt, %scan3A_80, %gt3A : i32
      %convert_element_type3A = arith.extui %gt3A_90 : i1 to i32
      %cond3A = arith.constant 0 : i32
      %cond3A_91 = arith.cmpi ne, %convert_element_type3A, %cond3A : i32
      scf.if %cond3A_91 {
        %dma_wait3A_130 = arith.constant 0 : i32
        %dma_wait3A_131 = arith.constant 0 : i32
        %dma_wait3A_132 = tpu.memref_slice %arg10[%dma_wait3A_130, %dma_wait3A_131] : memref<10112x128xf32, #tpu.memory_space<vmem_shared>> -> memref<10112x128xf32, #tpu.memory_space<vmem_shared>>
        tpu.wait_indirect_dma semaphore(%arg14 : memref<!tpu.dma_semaphore, #tpu.memory_space<semaphore_mem>>) src(%arg8 : memref<80x128xf32, #tpu.memory_space<vmem>>) dst(%dma_wait3A_132 : memref<10112x128xf32, #tpu.memory_space<vmem_shared>>)
      } else {
      }
      %mul3A_92 = arith.constant 2 : i32
      %mul3A_93 = arith.muli %mul3A_92, %scan3A_80 : i32
      %add3A_94 = arith.constant 1 : i32
      %add3A_95 = arith.addi %mul3A_93, %add3A_94 : i32
      %mul3A_96 = arith.constant 80 : i32
      %mul3A_97 = arith.muli %add3A_95, %mul3A_96 : i32
      %add3A_98 = arith.addi %mul3A_2, %mul3A_97 : i32
      %dma_start3A_99 = tpu.memref_slice %arg3[%add3A_98] : memref<320000xi32, #tpu.memory_space<hbm>> -> memref<80xi32, #tpu.memory_space<hbm>>
      %dma_start3A_100 = tpu.memref_slice %arg3[%add3A_98] : memref<320000xi32, #tpu.memory_space<hbm>> -> memref<80xi32, #tpu.memory_space<hbm>>
      tpu.enqueue_dma source(%dma_start3A_100 : memref<80xi32, #tpu.memory_space<hbm>>) target(%arg6 : memref<80xi32, #tpu.memory_space<vmem>>) target_semaphore(%arg12 : memref<!tpu.dma_semaphore, #tpu.memory_space<semaphore_mem>>)
      %dma_start3A_101 = arith.constant 0 : i32
      %dma_start3A_102 = tpu.memref_slice %arg2[%add3A_98, %dma_start3A_101] : memref<320000x128xf32, #tpu.memory_space<hbm>> -> memref<80x128xf32, #tpu.memory_space<hbm>>
      %dma_start3A_103 = arith.constant 0 : i32
      %dma_start3A_104 = tpu.memref_slice %arg2[%add3A_98, %dma_start3A_103] : memref<320000x128xf32, #tpu.memory_space<hbm>> -> memref<80x128xf32, #tpu.memory_space<hbm>>
      tpu.enqueue_dma source(%dma_start3A_104 : memref<80x128xf32, #tpu.memory_space<hbm>>) target(%arg8 : memref<80x128xf32, #tpu.memory_space<vmem>>) target_semaphore(%arg12 : memref<!tpu.dma_semaphore, #tpu.memory_space<semaphore_mem>>)
      %dma_wait3A_105 = tpu.memref_slice %arg3[%mul3A_2] : memref<320000xi32, #tpu.memory_space<hbm>> -> memref<80xi32, #tpu.memory_space<hbm>>
      %dma_wait3A_106 = tpu.memref_slice %arg3[%mul3A_2] : memref<320000xi32, #tpu.memory_space<hbm>> -> memref<80xi32, #tpu.memory_space<hbm>>
      tpu.wait_dma2 semaphore(%arg12 : memref<!tpu.dma_semaphore, #tpu.memory_space<semaphore_mem>>) src(%dma_wait3A_106 : memref<80xi32, #tpu.memory_space<hbm>>) dst(%arg6 : memref<80xi32, #tpu.memory_space<vmem>>)
      %dma_wait3A_107 = arith.constant 0 : i32
      %dma_wait3A_108 = tpu.memref_slice %arg2[%mul3A_2, %dma_wait3A_107] : memref<320000x128xf32, #tpu.memory_space<hbm>> -> memref<80x128xf32, #tpu.memory_space<hbm>>
      %dma_wait3A_109 = arith.constant 0 : i32
      %dma_wait3A_110 = tpu.memref_slice %arg2[%mul3A_2, %dma_wait3A_109] : memref<320000x128xf32, #tpu.memory_space<hbm>> -> memref<80x128xf32, #tpu.memory_space<hbm>>
      tpu.wait_dma2 semaphore(%arg12 : memref<!tpu.dma_semaphore, #tpu.memory_space<semaphore_mem>>) src(%dma_wait3A_110 : memref<80x128xf32, #tpu.memory_space<hbm>>) dst(%arg8 : memref<80x128xf32, #tpu.memory_space<vmem>>)
      %dma_start3A_111 = arith.constant 0 : i32
      %dma_start3A_112 = arith.constant 0 : i32
      %dma_start3A_113 = tpu.memref_slice %arg10[%dma_start3A_111, %dma_start3A_112] : memref<10112x128xf32, #tpu.memory_space<vmem_shared>> -> memref<10112x128xf32, #tpu.memory_space<vmem_shared>>
      tpu.enqueue_indirect_dma source(%arg8 : memref<80x128xf32, #tpu.memory_space<vmem>>) target(%dma_start3A_113 : memref<10112x128xf32, #tpu.memory_space<vmem_shared>>) offsets(%arg6 : memref<80xi32, #tpu.memory_space<vmem>>) semaphore(%arg14 : memref<!tpu.dma_semaphore, #tpu.memory_space<semaphore_mem>>) {add = true}
      %dma_wait3A_114 = arith.constant 0 : i32
      %dma_wait3A_115 = arith.constant 0 : i32
      %dma_wait3A_116 = tpu.memref_slice %arg10[%dma_wait3A_114, %dma_wait3A_115] : memref<10112x128xf32, #tpu.memory_space<vmem_shared>> -> memref<10112x128xf32, #tpu.memory_space<vmem_shared>>
      tpu.wait_indirect_dma semaphore(%arg13 : memref<!tpu.dma_semaphore, #tpu.memory_space<semaphore_mem>>) src(%arg7 : memref<80x128xf32, #tpu.memory_space<vmem>>) dst(%dma_wait3A_116 : memref<10112x128xf32, #tpu.memory_space<vmem_shared>>)
      %mul3A_117 = arith.constant 2 : i32
      %mul3A_118 = arith.muli %mul3A_117, %scan3A_80 : i32
      %add3A_119 = arith.constant 2 : i32
      %add3A_120 = arith.addi %mul3A_118, %add3A_119 : i32
      %mul3A_121 = arith.constant 80 : i32
      %mul3A_122 = arith.muli %add3A_120, %mul3A_121 : i32
      %add3A_123 = arith.addi %mul3A_2, %mul3A_122 : i32
      %dma_start3A_124 = tpu.memref_slice %arg3[%add3A_123] : memref<320000xi32, #tpu.memory_space<hbm>> -> memref<80xi32, #tpu.memory_space<hbm>>
      %dma_start3A_125 = tpu.memref_slice %arg3[%add3A_123] : memref<320000xi32, #tpu.memory_space<hbm>> -> memref<80xi32, #tpu.memory_space<hbm>>
      tpu.enqueue_dma source(%dma_start3A_125 : memref<80xi32, #tpu.memory_space<hbm>>) target(%arg5 : memref<80xi32, #tpu.memory_space<vmem>>) target_semaphore(%arg11 : memref<!tpu.dma_semaphore, #tpu.memory_space<semaphore_mem>>)
      %dma_start3A_126 = arith.constant 0 : i32
      %dma_start3A_127 = tpu.memref_slice %arg2[%add3A_123, %dma_start3A_126] : memref<320000x128xf32, #tpu.memory_space<hbm>> -> memref<80x128xf32, #tpu.memory_space<hbm>>
      %dma_start3A_128 = arith.constant 0 : i32
      %dma_start3A_129 = tpu.memref_slice %arg2[%add3A_123, %dma_start3A_128] : memref<320000x128xf32, #tpu.memory_space<hbm>> -> memref<80x128xf32, #tpu.memory_space<hbm>>
      tpu.enqueue_dma source(%dma_start3A_129 : memref<80x128xf32, #tpu.memory_space<hbm>>) target(%arg7 : memref<80x128xf32, #tpu.memory_space<vmem>>) target_semaphore(%arg11 : memref<!tpu.dma_semaphore, #tpu.memory_space<semaphore_mem>>)
    }
    %scan3A_42 = arith.constant 62 : i32
    %dma_wait3A = tpu.memref_slice %arg3[%mul3A_2] : memref<320000xi32, #tpu.memory_space<hbm>> -> memref<80xi32, #tpu.memory_space<hbm>>
    %dma_wait3A_43 = tpu.memref_slice %arg3[%mul3A_2] : memref<320000xi32, #tpu.memory_space<hbm>> -> memref<80xi32, #tpu.memory_space<hbm>>
    tpu.wait_dma2 semaphore(%arg11 : memref<!tpu.dma_semaphore, #tpu.memory_space<semaphore_mem>>) src(%dma_wait3A_43 : memref<80xi32, #tpu.memory_space<hbm>>) dst(%arg5 : memref<80xi32, #tpu.memory_space<vmem>>)
    %dma_wait3A_44 = arith.constant 0 : i32
    %dma_wait3A_45 = tpu.memref_slice %arg2[%mul3A_2, %dma_wait3A_44] : memref<320000x128xf32, #tpu.memory_space<hbm>> -> memref<80x128xf32, #tpu.memory_space<hbm>>
    %dma_wait3A_46 = arith.constant 0 : i32
    %dma_wait3A_47 = tpu.memref_slice %arg2[%mul3A_2, %dma_wait3A_46] : memref<320000x128xf32, #tpu.memory_space<hbm>> -> memref<80x128xf32, #tpu.memory_space<hbm>>
    tpu.wait_dma2 semaphore(%arg11 : memref<!tpu.dma_semaphore, #tpu.memory_space<semaphore_mem>>) src(%dma_wait3A_47 : memref<80x128xf32, #tpu.memory_space<hbm>>) dst(%arg7 : memref<80x128xf32, #tpu.memory_space<vmem>>)
    %dma_start3A_48 = arith.constant 0 : i32
    %dma_start3A_49 = arith.constant 0 : i32
    %dma_start3A_50 = tpu.memref_slice %arg10[%dma_start3A_48, %dma_start3A_49] : memref<10112x128xf32, #tpu.memory_space<vmem_shared>> -> memref<10112x128xf32, #tpu.memory_space<vmem_shared>>
    tpu.enqueue_indirect_dma source(%arg7 : memref<80x128xf32, #tpu.memory_space<vmem>>) target(%dma_start3A_50 : memref<10112x128xf32, #tpu.memory_space<vmem_shared>>) offsets(%arg5 : memref<80xi32, #tpu.memory_space<vmem>>) semaphore(%arg13 : memref<!tpu.dma_semaphore, #tpu.memory_space<semaphore_mem>>) {add = true}
    %dma_wait3A_51 = arith.constant 0 : i32
    %dma_wait3A_52 = arith.constant 0 : i32
    %dma_wait3A_53 = tpu.memref_slice %arg10[%dma_wait3A_51, %dma_wait3A_52] : memref<10112x128xf32, #tpu.memory_space<vmem_shared>> -> memref<10112x128xf32, #tpu.memory_space<vmem_shared>>
    tpu.wait_indirect_dma semaphore(%arg14 : memref<!tpu.dma_semaphore, #tpu.memory_space<semaphore_mem>>) src(%arg8 : memref<80x128xf32, #tpu.memory_space<vmem>>) dst(%dma_wait3A_53 : memref<10112x128xf32, #tpu.memory_space<vmem_shared>>)
    %dma_wait3A_54 = arith.constant 0 : i32
    %dma_wait3A_55 = arith.constant 0 : i32
    %dma_wait3A_56 = tpu.memref_slice %arg10[%dma_wait3A_54, %dma_wait3A_55] : memref<10112x128xf32, #tpu.memory_space<vmem_shared>> -> memref<10112x128xf32, #tpu.memory_space<vmem_shared>>
    tpu.wait_indirect_dma semaphore(%arg13 : memref<!tpu.dma_semaphore, #tpu.memory_space<semaphore_mem>>) src(%arg7 : memref<80x128xf32, #tpu.memory_space<vmem>>) dst(%dma_wait3A_56 : memref<10112x128xf32, #tpu.memory_space<vmem_shared>>)
    %barrier3A_57 = arith.constant 0 : index
    tpu.barrier barrier_id(%barrier3A_57)
    %mul3A_58 = arith.constant 632 : i32
    %mul3A_59 = arith.muli %arg1, %mul3A_58 : i32
    %add3A_60 = arith.constant 0 : i32
    %add3A_61 = arith.addi %mul3A_59, %add3A_60 : i32
    "tpu.region"() ({
      %run_scoped3A = tpu.sem_alloc : memref<!tpu.dma_semaphore, #tpu.memory_space<semaphore_mem>>
      %dma_start3A_80 = arith.constant 0 : i32
      %dma_start3A_81 = tpu.memref_slice %arg10[%add3A_61, %dma_start3A_80] : memref<10112x128xf32, #tpu.memory_space<vmem_shared>> -> memref<128x128xf32, #tpu.memory_space<vmem_shared>>
      %dma_start3A_82 = arith.constant 0 : i32
      %dma_start3A_83 = tpu.memref_slice %arg10[%add3A_61, %dma_start3A_82] : memref<10112x128xf32, #tpu.memory_space<vmem_shared>> -> memref<128x128xf32, #tpu.memory_space<vmem_shared>>
      tpu.enqueue_dma source(%dma_start3A_83 : memref<128x128xf32, #tpu.memory_space<vmem_shared>>) target(%arg9 : memref<128x128xf32, #tpu.memory_space<vmem>>) target_semaphore(%run_scoped3A : memref<!tpu.dma_semaphore, #tpu.memory_space<semaphore_mem>>)
      %dma_wait3A_84 = arith.constant 0 : i32
      %dma_wait3A_85 = tpu.memref_slice %arg10[%add3A_61, %dma_wait3A_84] : memref<10112x128xf32, #tpu.memory_space<vmem_shared>> -> memref<128x128xf32, #tpu.memory_space<vmem_shared>>
      %dma_wait3A_86 = arith.constant 0 : i32
      %dma_wait3A_87 = tpu.memref_slice %arg10[%add3A_61, %dma_wait3A_86] : memref<10112x128xf32, #tpu.memory_space<vmem_shared>> -> memref<128x128xf32, #tpu.memory_space<vmem_shared>>
      tpu.wait_dma2 semaphore(%run_scoped3A : memref<!tpu.dma_semaphore, #tpu.memory_space<semaphore_mem>>) src(%dma_wait3A_87 : memref<128x128xf32, #tpu.memory_space<vmem_shared>>) dst(%arg9 : memref<128x128xf32, #tpu.memory_space<vmem>>)
      tpu.yield
    }) : () -> ()
    "tpu.region"() ({
      %run_scoped3A = tpu.sem_alloc : memref<!tpu.dma_semaphore, #tpu.memory_space<semaphore_mem>>
      %dma_start3A_80 = arith.constant 0 : i32
      %dma_start3A_81 = tpu.memref_slice %arg4[%arg0, %add3A_61, %dma_start3A_80] : memref<2x10112x128xf32, #tpu.memory_space<hbm>> -> memref<1x128x128xf32, #tpu.memory_space<hbm>>
      %dma_start3A_82 = tpu.memref_squeeze %dma_start3A_81 : memref<1x128x128xf32, #tpu.memory_space<hbm>> -> memref<128x128xf32, #tpu.memory_space<hbm>>
      %dma_start3A_83 = arith.constant 0 : i32
      %dma_start3A_84 = tpu.memref_slice %arg4[%arg0, %add3A_61, %dma_start3A_83] : memref<2x10112x128xf32, #tpu.memory_space<hbm>> -> memref<1x128x128xf32, #tpu.memory_space<hbm>>
      %dma_start3A_85 = tpu.memref_squeeze %dma_start3A_84 : memref<1x128x128xf32, #tpu.memory_space<hbm>> -> memref<128x128xf32, #tpu.memory_space<hbm>>
      tpu.enqueue_dma source(%arg9 : memref<128x128xf32, #tpu.memory_space<vmem>>) target(%dma_start3A_85 : memref<128x128xf32, #tpu.memory_space<hbm>>) target_semaphore(%run_scoped3A : memref<!tpu.dma_semaphore, #tpu.memory_space<semaphore_mem>>)
      %dma_wait3A_86 = arith.constant 0 : i32
      %dma_wait3A_87 = tpu.memref_slice %arg4[%arg0, %add3A_61, %dma_wait3A_86] : memref<2x10112x128xf32, #tpu.memory_space<hbm>> -> memref<1x128x128xf32, #tpu.memory_space<hbm>>
      %dma_wait3A_88 = tpu.memref_squeeze %dma_wait3A_87 : memref<1x128x128xf32, #tpu.memory_space<hbm>> -> memref<128x128xf32, #tpu.memory_space<hbm>>
      %dma_wait3A_89 = arith.constant 0 : i32
      %dma_wait3A_90 = tpu.memref_slice %arg4[%arg0, %add3A_61, %dma_wait3A_89] : memref<2x10112x128xf32, #tpu.memory_space<hbm>> -> memref<1x128x128xf32, #tpu.memory_space<hbm>>
      %dma_wait3A_91 = tpu.memref_squeeze %dma_wait3A_90 : memref<1x128x128xf32, #tpu.memory_space<hbm>> -> memref<128x128xf32, #tpu.memory_space<hbm>>
      tpu.wait_dma2 semaphore(%run_scoped3A : memref<!tpu.dma_semaphore, #tpu.memory_space<semaphore_mem>>) src(%arg9 : memref<128x128xf32, #tpu.memory_space<vmem>>) dst(%dma_wait3A_91 : memref<128x128xf32, #tpu.memory_space<hbm>>)
      tpu.yield
    }) : () -> ()
    %mul3A_62 = arith.constant 632 : i32
    %mul3A_63 = arith.muli %arg1, %mul3A_62 : i32
    %add3A_64 = arith.constant 128 : i32
    %add3A_65 = arith.addi %mul3A_63, %add3A_64 : i32
    "tpu.region"() ({
      %run_scoped3A = tpu.sem_alloc : memref<!tpu.dma_semaphore, #tpu.memory_space<semaphore_mem>>
      %dma_start3A_80 = arith.constant 0 : i32
      %dma_start3A_81 = tpu.memref_slice %arg10[%add3A_65, %dma_start3A_80] : memref<10112x128xf32, #tpu.memory_space<vmem_shared>> -> memref<128x128xf32, #tpu.memory_space<vmem_shared>>
      %dma_start3A_82 = arith.constant 0 : i32
      %dma_start3A_83 = tpu.memref_slice %arg10[%add3A_65, %dma_start3A_82] : memref<10112x128xf32, #tpu.memory_space<vmem_shared>> -> memref<128x128xf32, #tpu.memory_space<vmem_shared>>
      tpu.enqueue_dma source(%dma_start3A_83 : memref<128x128xf32, #tpu.memory_space<vmem_shared>>) target(%arg9 : memref<128x128xf32, #tpu.memory_space<vmem>>) target_semaphore(%run_scoped3A : memref<!tpu.dma_semaphore, #tpu.memory_space<semaphore_mem>>)
      %dma_wait3A_84 = arith.constant 0 : i32
      %dma_wait3A_85 = tpu.memref_slice %arg10[%add3A_65, %dma_wait3A_84] : memref<10112x128xf32, #tpu.memory_space<vmem_shared>> -> memref<128x128xf32, #tpu.memory_space<vmem_shared>>
      %dma_wait3A_86 = arith.constant 0 : i32
      %dma_wait3A_87 = tpu.memref_slice %arg10[%add3A_65, %dma_wait3A_86] : memref<10112x128xf32, #tpu.memory_space<vmem_shared>> -> memref<128x128xf32, #tpu.memory_space<vmem_shared>>
      tpu.wait_dma2 semaphore(%run_scoped3A : memref<!tpu.dma_semaphore, #tpu.memory_space<semaphore_mem>>) src(%dma_wait3A_87 : memref<128x128xf32, #tpu.memory_space<vmem_shared>>) dst(%arg9 : memref<128x128xf32, #tpu.memory_space<vmem>>)
      tpu.yield
    }) : () -> ()
    "tpu.region"() ({
      %run_scoped3A = tpu.sem_alloc : memref<!tpu.dma_semaphore, #tpu.memory_space<semaphore_mem>>
      %dma_start3A_80 = arith.constant 0 : i32
      %dma_start3A_81 = tpu.memref_slice %arg4[%arg0, %add3A_65, %dma_start3A_80] : memref<2x10112x128xf32, #tpu.memory_space<hbm>> -> memref<1x128x128xf32, #tpu.memory_space<hbm>>
      %dma_start3A_82 = tpu.memref_squeeze %dma_start3A_81 : memref<1x128x128xf32, #tpu.memory_space<hbm>> -> memref<128x128xf32, #tpu.memory_space<hbm>>
      %dma_start3A_83 = arith.constant 0 : i32
      %dma_start3A_84 = tpu.memref_slice %arg4[%arg0, %add3A_65, %dma_start3A_83] : memref<2x10112x128xf32, #tpu.memory_space<hbm>> -> memref<1x128x128xf32, #tpu.memory_space<hbm>>
      %dma_start3A_85 = tpu.memref_squeeze %dma_start3A_84 : memref<1x128x128xf32, #tpu.memory_space<hbm>> -> memref<128x128xf32, #tpu.memory_space<hbm>>
      tpu.enqueue_dma source(%arg9 : memref<128x128xf32, #tpu.memory_space<vmem>>) target(%dma_start3A_85 : memref<128x128xf32, #tpu.memory_space<hbm>>) target_semaphore(%run_scoped3A : memref<!tpu.dma_semaphore, #tpu.memory_space<semaphore_mem>>)
      %dma_wait3A_86 = arith.constant 0 : i32
      %dma_wait3A_87 = tpu.memref_slice %arg4[%arg0, %add3A_65, %dma_wait3A_86] : memref<2x10112x128xf32, #tpu.memory_space<hbm>> -> memref<1x128x128xf32, #tpu.memory_space<hbm>>
      %dma_wait3A_88 = tpu.memref_squeeze %dma_wait3A_87 : memref<1x128x128xf32, #tpu.memory_space<hbm>> -> memref<128x128xf32, #tpu.memory_space<hbm>>
      %dma_wait3A_89 = arith.constant 0 : i32
      %dma_wait3A_90 = tpu.memref_slice %arg4[%arg0, %add3A_65, %dma_wait3A_89] : memref<2x10112x128xf32, #tpu.memory_space<hbm>> -> memref<1x128x128xf32, #tpu.memory_space<hbm>>
      %dma_wait3A_91 = tpu.memref_squeeze %dma_wait3A_90 : memref<1x128x128xf32, #tpu.memory_space<hbm>> -> memref<128x128xf32, #tpu.memory_space<hbm>>
      tpu.wait_dma2 semaphore(%run_scoped3A : memref<!tpu.dma_semaphore, #tpu.memory_space<semaphore_mem>>) src(%arg9 : memref<128x128xf32, #tpu.memory_space<vmem>>) dst(%dma_wait3A_91 : memref<128x128xf32, #tpu.memory_space<hbm>>)
      tpu.yield
    }) : () -> ()
    %mul3A_66 = arith.constant 632 : i32
    %mul3A_67 = arith.muli %arg1, %mul3A_66 : i32
    %add3A_68 = arith.constant 256 : i32
    %add3A_69 = arith.addi %mul3A_67, %add3A_68 : i32
    "tpu.region"() ({
      %run_scoped3A = tpu.sem_alloc : memref<!tpu.dma_semaphore, #tpu.memory_space<semaphore_mem>>
      %dma_start3A_80 = arith.constant 0 : i32
      %dma_start3A_81 = tpu.memref_slice %arg10[%add3A_69, %dma_start3A_80] : memref<10112x128xf32, #tpu.memory_space<vmem_shared>> -> memref<128x128xf32, #tpu.memory_space<vmem_shared>>
      %dma_start3A_82 = arith.constant 0 : i32
      %dma_start3A_83 = tpu.memref_slice %arg10[%add3A_69, %dma_start3A_82] : memref<10112x128xf32, #tpu.memory_space<vmem_shared>> -> memref<128x128xf32, #tpu.memory_space<vmem_shared>>
      tpu.enqueue_dma source(%dma_start3A_83 : memref<128x128xf32, #tpu.memory_space<vmem_shared>>) target(%arg9 : memref<128x128xf32, #tpu.memory_space<vmem>>) target_semaphore(%run_scoped3A : memref<!tpu.dma_semaphore, #tpu.memory_space<semaphore_mem>>)
      %dma_wait3A_84 = arith.constant 0 : i32
      %dma_wait3A_85 = tpu.memref_slice %arg10[%add3A_69, %dma_wait3A_84] : memref<10112x128xf32, #tpu.memory_space<vmem_shared>> -> memref<128x128xf32, #tpu.memory_space<vmem_shared>>
      %dma_wait3A_86 = arith.constant 0 : i32
      %dma_wait3A_87 = tpu.memref_slice %arg10[%add3A_69, %dma_wait3A_86] : memref<10112x128xf32, #tpu.memory_space<vmem_shared>> -> memref<128x128xf32, #tpu.memory_space<vmem_shared>>
      tpu.wait_dma2 semaphore(%run_scoped3A : memref<!tpu.dma_semaphore, #tpu.memory_space<semaphore_mem>>) src(%dma_wait3A_87 : memref<128x128xf32, #tpu.memory_space<vmem_shared>>) dst(%arg9 : memref<128x128xf32, #tpu.memory_space<vmem>>)
      tpu.yield
    }) : () -> ()
    "tpu.region"() ({
      %run_scoped3A = tpu.sem_alloc : memref<!tpu.dma_semaphore, #tpu.memory_space<semaphore_mem>>
      %dma_start3A_80 = arith.constant 0 : i32
      %dma_start3A_81 = tpu.memref_slice %arg4[%arg0, %add3A_69, %dma_start3A_80] : memref<2x10112x128xf32, #tpu.memory_space<hbm>> -> memref<1x128x128xf32, #tpu.memory_space<hbm>>
      %dma_start3A_82 = tpu.memref_squeeze %dma_start3A_81 : memref<1x128x128xf32, #tpu.memory_space<hbm>> -> memref<128x128xf32, #tpu.memory_space<hbm>>
      %dma_start3A_83 = arith.constant 0 : i32
      %dma_start3A_84 = tpu.memref_slice %arg4[%arg0, %add3A_69, %dma_start3A_83] : memref<2x10112x128xf32, #tpu.memory_space<hbm>> -> memref<1x128x128xf32, #tpu.memory_space<hbm>>
      %dma_start3A_85 = tpu.memref_squeeze %dma_start3A_84 : memref<1x128x128xf32, #tpu.memory_space<hbm>> -> memref<128x128xf32, #tpu.memory_space<hbm>>
      tpu.enqueue_dma source(%arg9 : memref<128x128xf32, #tpu.memory_space<vmem>>) target(%dma_start3A_85 : memref<128x128xf32, #tpu.memory_space<hbm>>) target_semaphore(%run_scoped3A : memref<!tpu.dma_semaphore, #tpu.memory_space<semaphore_mem>>)
      %dma_wait3A_86 = arith.constant 0 : i32
      %dma_wait3A_87 = tpu.memref_slice %arg4[%arg0, %add3A_69, %dma_wait3A_86] : memref<2x10112x128xf32, #tpu.memory_space<hbm>> -> memref<1x128x128xf32, #tpu.memory_space<hbm>>
      %dma_wait3A_88 = tpu.memref_squeeze %dma_wait3A_87 : memref<1x128x128xf32, #tpu.memory_space<hbm>> -> memref<128x128xf32, #tpu.memory_space<hbm>>
      %dma_wait3A_89 = arith.constant 0 : i32
      %dma_wait3A_90 = tpu.memref_slice %arg4[%arg0, %add3A_69, %dma_wait3A_89] : memref<2x10112x128xf32, #tpu.memory_space<hbm>> -> memref<1x128x128xf32, #tpu.memory_space<hbm>>
      %dma_wait3A_91 = tpu.memref_squeeze %dma_wait3A_90 : memref<1x128x128xf32, #tpu.memory_space<hbm>> -> memref<128x128xf32, #tpu.memory_space<hbm>>
      tpu.wait_dma2 semaphore(%run_scoped3A : memref<!tpu.dma_semaphore, #tpu.memory_space<semaphore_mem>>) src(%arg9 : memref<128x128xf32, #tpu.memory_space<vmem>>) dst(%dma_wait3A_91 : memref<128x128xf32, #tpu.memory_space<hbm>>)
      tpu.yield
    }) : () -> ()
    %mul3A_70 = arith.constant 632 : i32
    %mul3A_71 = arith.muli %arg1, %mul3A_70 : i32
    %add3A_72 = arith.constant 384 : i32
    %add3A_73 = arith.addi %mul3A_71, %add3A_72 : i32
    "tpu.region"() ({
      %run_scoped3A = tpu.sem_alloc : memref<!tpu.dma_semaphore, #tpu.memory_space<semaphore_mem>>
      %dma_start3A_80 = arith.constant 0 : i32
      %dma_start3A_81 = tpu.memref_slice %arg10[%add3A_73, %dma_start3A_80] : memref<10112x128xf32, #tpu.memory_space<vmem_shared>> -> memref<128x128xf32, #tpu.memory_space<vmem_shared>>
      %dma_start3A_82 = arith.constant 0 : i32
      %dma_start3A_83 = tpu.memref_slice %arg10[%add3A_73, %dma_start3A_82] : memref<10112x128xf32, #tpu.memory_space<vmem_shared>> -> memref<128x128xf32, #tpu.memory_space<vmem_shared>>
      tpu.enqueue_dma source(%dma_start3A_83 : memref<128x128xf32, #tpu.memory_space<vmem_shared>>) target(%arg9 : memref<128x128xf32, #tpu.memory_space<vmem>>) target_semaphore(%run_scoped3A : memref<!tpu.dma_semaphore, #tpu.memory_space<semaphore_mem>>)
      %dma_wait3A_84 = arith.constant 0 : i32
      %dma_wait3A_85 = tpu.memref_slice %arg10[%add3A_73, %dma_wait3A_84] : memref<10112x128xf32, #tpu.memory_space<vmem_shared>> -> memref<128x128xf32, #tpu.memory_space<vmem_shared>>
      %dma_wait3A_86 = arith.constant 0 : i32
      %dma_wait3A_87 = tpu.memref_slice %arg10[%add3A_73, %dma_wait3A_86] : memref<10112x128xf32, #tpu.memory_space<vmem_shared>> -> memref<128x128xf32, #tpu.memory_space<vmem_shared>>
      tpu.wait_dma2 semaphore(%run_scoped3A : memref<!tpu.dma_semaphore, #tpu.memory_space<semaphore_mem>>) src(%dma_wait3A_87 : memref<128x128xf32, #tpu.memory_space<vmem_shared>>) dst(%arg9 : memref<128x128xf32, #tpu.memory_space<vmem>>)
      tpu.yield
    }) : () -> ()
    "tpu.region"() ({
      %run_scoped3A = tpu.sem_alloc : memref<!tpu.dma_semaphore, #tpu.memory_space<semaphore_mem>>
      %dma_start3A_80 = arith.constant 0 : i32
      %dma_start3A_81 = tpu.memref_slice %arg4[%arg0, %add3A_73, %dma_start3A_80] : memref<2x10112x128xf32, #tpu.memory_space<hbm>> -> memref<1x128x128xf32, #tpu.memory_space<hbm>>
      %dma_start3A_82 = tpu.memref_squeeze %dma_start3A_81 : memref<1x128x128xf32, #tpu.memory_space<hbm>> -> memref<128x128xf32, #tpu.memory_space<hbm>>
      %dma_start3A_83 = arith.constant 0 : i32
      %dma_start3A_84 = tpu.memref_slice %arg4[%arg0, %add3A_73, %dma_start3A_83] : memref<2x10112x128xf32, #tpu.memory_space<hbm>> -> memref<1x128x128xf32, #tpu.memory_space<hbm>>
      %dma_start3A_85 = tpu.memref_squeeze %dma_start3A_84 : memref<1x128x128xf32, #tpu.memory_space<hbm>> -> memref<128x128xf32, #tpu.memory_space<hbm>>
      tpu.enqueue_dma source(%arg9 : memref<128x128xf32, #tpu.memory_space<vmem>>) target(%dma_start3A_85 : memref<128x128xf32, #tpu.memory_space<hbm>>) target_semaphore(%run_scoped3A : memref<!tpu.dma_semaphore, #tpu.memory_space<semaphore_mem>>)
      %dma_wait3A_86 = arith.constant 0 : i32
      %dma_wait3A_87 = tpu.memref_slice %arg4[%arg0, %add3A_73, %dma_wait3A_86] : memref<2x10112x128xf32, #tpu.memory_space<hbm>> -> memref<1x128x128xf32, #tpu.memory_space<hbm>>
      %dma_wait3A_88 = tpu.memref_squeeze %dma_wait3A_87 : memref<1x128x128xf32, #tpu.memory_space<hbm>> -> memref<128x128xf32, #tpu.memory_space<hbm>>
      %dma_wait3A_89 = arith.constant 0 : i32
      %dma_wait3A_90 = tpu.memref_slice %arg4[%arg0, %add3A_73, %dma_wait3A_89] : memref<2x10112x128xf32, #tpu.memory_space<hbm>> -> memref<1x128x128xf32, #tpu.memory_space<hbm>>
      %dma_wait3A_91 = tpu.memref_squeeze %dma_wait3A_90 : memref<1x128x128xf32, #tpu.memory_space<hbm>> -> memref<128x128xf32, #tpu.memory_space<hbm>>
      tpu.wait_dma2 semaphore(%run_scoped3A : memref<!tpu.dma_semaphore, #tpu.memory_space<semaphore_mem>>) src(%arg9 : memref<128x128xf32, #tpu.memory_space<vmem>>) dst(%dma_wait3A_91 : memref<128x128xf32, #tpu.memory_space<hbm>>)
      tpu.yield
    }) : () -> ()
    %mul3A_74 = arith.constant 632 : i32
    %mul3A_75 = arith.muli %arg1, %mul3A_74 : i32
    %add3A_76 = arith.constant 632 : i32
    %add3A_77 = arith.addi %mul3A_75, %add3A_76 : i32
    %sub3A_78 = arith.constant 120 : i32
    %sub3A_79 = arith.subi %add3A_77, %sub3A_78 : i32
    "tpu.region"() ({
      %run_scoped3A = tpu.sem_alloc : memref<!tpu.dma_semaphore, #tpu.memory_space<semaphore_mem>>
      %dma_start3A_80 = arith.constant 0 : i32
      %dma_start3A_81 = arith.constant 0 : i32
      %dma_start3A_82 = tpu.memref_slice %arg9[%dma_start3A_80, %dma_start3A_81] : memref<128x128xf32, #tpu.memory_space<vmem>> -> memref<120x128xf32, #tpu.memory_space<vmem>>
      %dma_start3A_83 = arith.constant 0 : i32
      %dma_start3A_84 = tpu.memref_slice %arg10[%sub3A_79, %dma_start3A_83] : memref<10112x128xf32, #tpu.memory_space<vmem_shared>> -> memref<120x128xf32, #tpu.memory_space<vmem_shared>>
      %dma_start3A_85 = arith.constant 0 : i32
      %dma_start3A_86 = arith.constant 0 : i32
      %dma_start3A_87 = tpu.memref_slice %arg9[%dma_start3A_85, %dma_start3A_86] : memref<128x128xf32, #tpu.memory_space<vmem>> -> memref<120x128xf32, #tpu.memory_space<vmem>>
      %dma_start3A_88 = arith.constant 0 : i32
      %dma_start3A_89 = tpu.memref_slice %arg10[%sub3A_79, %dma_start3A_88] : memref<10112x128xf32, #tpu.memory_space<vmem_shared>> -> memref<120x128xf32, #tpu.memory_space<vmem_shared>>
      tpu.enqueue_dma source(%dma_start3A_89 : memref<120x128xf32, #tpu.memory_space<vmem_shared>>) target(%dma_start3A_87 : memref<120x128xf32, #tpu.memory_space<vmem>>) target_semaphore(%run_scoped3A : memref<!tpu.dma_semaphore, #tpu.memory_space<semaphore_mem>>)
      %dma_wait3A_90 = arith.constant 0 : i32
      %dma_wait3A_91 = arith.constant 0 : i32
      %dma_wait3A_92 = tpu.memref_slice %arg9[%dma_wait3A_90, %dma_wait3A_91] : memref<128x128xf32, #tpu.memory_space<vmem>> -> memref<120x128xf32, #tpu.memory_space<vmem>>
      %dma_wait3A_93 = arith.constant 0 : i32
      %dma_wait3A_94 = tpu.memref_slice %arg10[%sub3A_79, %dma_wait3A_93] : memref<10112x128xf32, #tpu.memory_space<vmem_shared>> -> memref<120x128xf32, #tpu.memory_space<vmem_shared>>
      %dma_wait3A_95 = arith.constant 0 : i32
      %dma_wait3A_96 = arith.constant 0 : i32
      %dma_wait3A_97 = tpu.memref_slice %arg9[%dma_wait3A_95, %dma_wait3A_96] : memref<128x128xf32, #tpu.memory_space<vmem>> -> memref<120x128xf32, #tpu.memory_space<vmem>>
      %dma_wait3A_98 = arith.constant 0 : i32
      %dma_wait3A_99 = tpu.memref_slice %arg10[%sub3A_79, %dma_wait3A_98] : memref<10112x128xf32, #tpu.memory_space<vmem_shared>> -> memref<120x128xf32, #tpu.memory_space<vmem_shared>>
      tpu.wait_dma2 semaphore(%run_scoped3A : memref<!tpu.dma_semaphore, #tpu.memory_space<semaphore_mem>>) src(%dma_wait3A_99 : memref<120x128xf32, #tpu.memory_space<vmem_shared>>) dst(%dma_wait3A_97 : memref<120x128xf32, #tpu.memory_space<vmem>>)
      tpu.yield
    }) : () -> ()
    "tpu.region"() ({
      %run_scoped3A = tpu.sem_alloc : memref<!tpu.dma_semaphore, #tpu.memory_space<semaphore_mem>>
      %dma_start3A_80 = arith.constant 0 : i32
      %dma_start3A_81 = arith.constant 0 : i32
      %dma_start3A_82 = tpu.memref_slice %arg9[%dma_start3A_80, %dma_start3A_81] : memref<128x128xf32, #tpu.memory_space<vmem>> -> memref<120x128xf32, #tpu.memory_space<vmem>>
      %dma_start3A_83 = arith.constant 0 : i32
      %dma_start3A_84 = tpu.memref_slice %arg4[%arg0, %sub3A_79, %dma_start3A_83] : memref<2x10112x128xf32, #tpu.memory_space<hbm>> -> memref<1x120x128xf32, #tpu.memory_space<hbm>>
      %dma_start3A_85 = tpu.memref_squeeze %dma_start3A_84 : memref<1x120x128xf32, #tpu.memory_space<hbm>> -> memref<120x128xf32, #tpu.memory_space<hbm>>
      %dma_start3A_86 = arith.constant 0 : i32
      %dma_start3A_87 = tpu.memref_slice %arg4[%arg0, %sub3A_79, %dma_start3A_86] : memref<2x10112x128xf32, #tpu.memory_space<hbm>> -> memref<1x120x128xf32, #tpu.memory_space<hbm>>
      %dma_start3A_88 = tpu.memref_squeeze %dma_start3A_87 : memref<1x120x128xf32, #tpu.memory_space<hbm>> -> memref<120x128xf32, #tpu.memory_space<hbm>>
      %dma_start3A_89 = arith.constant 0 : i32
      %dma_start3A_90 = arith.constant 0 : i32
      %dma_start3A_91 = tpu.memref_slice %arg9[%dma_start3A_89, %dma_start3A_90] : memref<128x128xf32, #tpu.memory_space<vmem>> -> memref<120x128xf32, #tpu.memory_space<vmem>>
      tpu.enqueue_dma source(%dma_start3A_91 : memref<120x128xf32, #tpu.memory_space<vmem>>) target(%dma_start3A_88 : memref<120x128xf32, #tpu.memory_space<hbm>>) target_semaphore(%run_scoped3A : memref<!tpu.dma_semaphore, #tpu.memory_space<semaphore_mem>>)
      %dma_wait3A_92 = arith.constant 0 : i32
      %dma_wait3A_93 = arith.constant 0 : i32
      %dma_wait3A_94 = tpu.memref_slice %arg9[%dma_wait3A_92, %dma_wait3A_93] : memref<128x128xf32, #tpu.memory_space<vmem>> -> memref<120x128xf32, #tpu.memory_space<vmem>>
      %dma_wait3A_95 = arith.constant 0 : i32
      %dma_wait3A_96 = tpu.memref_slice %arg4[%arg0, %sub3A_79, %dma_wait3A_95] : memref<2x10112x128xf32, #tpu.memory_space<hbm>> -> memref<1x120x128xf32, #tpu.memory_space<hbm>>
      %dma_wait3A_97 = tpu.memref_squeeze %dma_wait3A_96 : memref<1x120x128xf32, #tpu.memory_space<hbm>> -> memref<120x128xf32, #tpu.memory_space<hbm>>
      %dma_wait3A_98 = arith.constant 0 : i32
      %dma_wait3A_99 = tpu.memref_slice %arg4[%arg0, %sub3A_79, %dma_wait3A_98] : memref<2x10112x128xf32, #tpu.memory_space<hbm>> -> memref<1x120x128xf32, #tpu.memory_space<hbm>>
      %dma_wait3A_100 = tpu.memref_squeeze %dma_wait3A_99 : memref<1x120x128xf32, #tpu.memory_space<hbm>> -> memref<120x128xf32, #tpu.memory_space<hbm>>
      %dma_wait3A_101 = arith.constant 0 : i32
      %dma_wait3A_102 = arith.constant 0 : i32
      %dma_wait3A_103 = tpu.memref_slice %arg9[%dma_wait3A_101, %dma_wait3A_102] : memref<128x128xf32, #tpu.memory_space<vmem>> -> memref<120x128xf32, #tpu.memory_space<vmem>>
      tpu.wait_dma2 semaphore(%run_scoped3A : memref<!tpu.dma_semaphore, #tpu.memory_space<semaphore_mem>>) src(%dma_wait3A_103 : memref<120x128xf32, #tpu.memory_space<vmem>>) dst(%dma_wait3A_100 : memref<120x128xf32, #tpu.memory_space<hbm>>)
      tpu.yield
    }) : () -> ()
    return
  }
}

#map = affine_map<(d0, d1) -> (0, 0)>
#map1 = affine_map<(d0, d1) -> (0)>
module attributes {stable_mosaic.version = 14 : i64} {
  func.func @gather_call(%arg0: i32, %arg1: i32, %arg2: memref<10000x128xf32, #tpu.memory_space<hbm>>, %arg3: memref<10000x128xf32, #tpu.memory_space<hbm>>, %arg4: memref<320000xi32, #tpu.memory_space<hbm>>, %arg5: memref<320000xi32, #tpu.memory_space<hbm>>, %arg6: memref<320000x128xf32, #tpu.memory_space<hbm>>, %arg7: memref<320000x128xf32, #tpu.memory_space<hbm>>, %arg8: memref<80xi32, #tpu.memory_space<vmem>>, %arg9: memref<80xi32, #tpu.memory_space<vmem>>, %arg10: memref<80xi32, #tpu.memory_space<vmem>>, %arg11: memref<80xi32, #tpu.memory_space<vmem>>, %arg12: memref<80x128xf32, #tpu.memory_space<vmem>>, %arg13: memref<80x128xf32, #tpu.memory_space<vmem>>, %arg14: memref<80x128xf32, #tpu.memory_space<vmem>>, %arg15: memref<80x128xf32, #tpu.memory_space<vmem>>, %arg16: memref<!tpu.dma_semaphore, #tpu.memory_space<semaphore_mem>>, %arg17: memref<!tpu.dma_semaphore, #tpu.memory_space<semaphore_mem>>, %arg18: memref<!tpu.dma_semaphore, #tpu.memory_space<semaphore_mem>>, %arg19: memref<!tpu.dma_semaphore, #tpu.memory_space<semaphore_mem>>, %arg20: memref<!tpu.dma_semaphore, #tpu.memory_space<semaphore_mem>>, %arg21: memref<!tpu.dma_semaphore, #tpu.memory_space<semaphore_mem>>, %arg22: memref<!tpu.dma_semaphore, #tpu.memory_space<semaphore_mem>>, %arg23: memref<!tpu.dma_semaphore, #tpu.memory_space<semaphore_mem>>, %arg24: memref<!tpu.dma_semaphore, #tpu.memory_space<semaphore_mem>>, %arg25: memref<!tpu.dma_semaphore, #tpu.memory_space<semaphore_mem>>) attributes {dimension_semantics = [#tpu.dimension_semantics<core_parallel>, #tpu.dimension_semantics<subcore_parallel>], iteration_bounds = array<i64: 2, 16>, scalar_prefetch = 0 : i64, scratch_operands = 18 : i64, tpu.core_type = #tpu.core_type<sc_vector_subcore>, window_params = [{transform_indices = #map}, {transform_indices = #map}, {transform_indices = #map1}, {transform_indices = #map1}, {transform_indices = #map}, {transform_indices = #map}]} {
    %mul3A = arith.constant 2 : i32
    %mul3A_0 = arith.muli %arg1, %mul3A : i32
    %add3A = arith.addi %mul3A_0, %arg0 : i32
    %mul3A_1 = arith.constant 10000 : i32
    %mul3A_2 = arith.muli %add3A, %mul3A_1 : i32
    %add3A_3 = arith.constant 0 : i32
    %add3A_4 = arith.addi %mul3A_2, %add3A_3 : i32
    %dma_start3A = tpu.memref_slice %arg4[%add3A_4] : memref<320000xi32, #tpu.memory_space<hbm>> -> memref<80xi32, #tpu.memory_space<hbm>>
    %dma_start3A_5 = tpu.memref_slice %arg4[%add3A_4] : memref<320000xi32, #tpu.memory_space<hbm>> -> memref<80xi32, #tpu.memory_space<hbm>>
    tpu.enqueue_dma source(%dma_start3A_5 : memref<80xi32, #tpu.memory_space<hbm>>) target(%arg8 : memref<80xi32, #tpu.memory_space<vmem>>) target_semaphore(%arg16 : memref<!tpu.dma_semaphore, #tpu.memory_space<semaphore_mem>>)
    %dma_start3A_6 = tpu.memref_slice %arg5[%add3A_4] : memref<320000xi32, #tpu.memory_space<hbm>> -> memref<80xi32, #tpu.memory_space<hbm>>
    %dma_start3A_7 = tpu.memref_slice %arg5[%add3A_4] : memref<320000xi32, #tpu.memory_space<hbm>> -> memref<80xi32, #tpu.memory_space<hbm>>
    tpu.enqueue_dma source(%dma_start3A_7 : memref<80xi32, #tpu.memory_space<hbm>>) target(%arg9 : memref<80xi32, #tpu.memory_space<vmem>>) target_semaphore(%arg16 : memref<!tpu.dma_semaphore, #tpu.memory_space<semaphore_mem>>)
    %dma_wait3A = tpu.memref_slice %arg4[%mul3A_2] : memref<320000xi32, #tpu.memory_space<hbm>> -> memref<80xi32, #tpu.memory_space<hbm>>
    %dma_wait3A_8 = tpu.memref_slice %arg4[%mul3A_2] : memref<320000xi32, #tpu.memory_space<hbm>> -> memref<80xi32, #tpu.memory_space<hbm>>
    tpu.wait_dma2 semaphore(%arg16 : memref<!tpu.dma_semaphore, #tpu.memory_space<semaphore_mem>>) src(%dma_wait3A_8 : memref<80xi32, #tpu.memory_space<hbm>>) dst(%arg8 : memref<80xi32, #tpu.memory_space<vmem>>)
    %dma_wait3A_9 = tpu.memref_slice %arg5[%mul3A_2] : memref<320000xi32, #tpu.memory_space<hbm>> -> memref<80xi32, #tpu.memory_space<hbm>>
    %dma_wait3A_10 = tpu.memref_slice %arg5[%mul3A_2] : memref<320000xi32, #tpu.memory_space<hbm>> -> memref<80xi32, #tpu.memory_space<hbm>>
    tpu.wait_dma2 semaphore(%arg16 : memref<!tpu.dma_semaphore, #tpu.memory_space<semaphore_mem>>) src(%dma_wait3A_10 : memref<80xi32, #tpu.memory_space<hbm>>) dst(%arg9 : memref<80xi32, #tpu.memory_space<vmem>>)
    %dma_start3A_11 = arith.constant 0 : i32
    %dma_start3A_12 = arith.constant 0 : i32
    %dma_start3A_13 = tpu.memref_slice %arg2[%dma_start3A_11, %dma_start3A_12] : memref<10000x128xf32, #tpu.memory_space<hbm>> -> memref<10000x128xf32, #tpu.memory_space<hbm>>
    tpu.enqueue_indirect_dma source(%dma_start3A_13 : memref<10000x128xf32, #tpu.memory_space<hbm>>) target(%arg12 : memref<80x128xf32, #tpu.memory_space<vmem>>) offsets(%arg8 : memref<80xi32, #tpu.memory_space<vmem>>) semaphore(%arg18 : memref<!tpu.dma_semaphore, #tpu.memory_space<semaphore_mem>>)
    %dma_start3A_14 = arith.constant 0 : i32
    %dma_start3A_15 = arith.constant 0 : i32
    %dma_start3A_16 = tpu.memref_slice %arg3[%dma_start3A_14, %dma_start3A_15] : memref<10000x128xf32, #tpu.memory_space<hbm>> -> memref<10000x128xf32, #tpu.memory_space<hbm>>
    tpu.enqueue_indirect_dma source(%dma_start3A_16 : memref<10000x128xf32, #tpu.memory_space<hbm>>) target(%arg13 : memref<80x128xf32, #tpu.memory_space<vmem>>) offsets(%arg9 : memref<80xi32, #tpu.memory_space<vmem>>) semaphore(%arg20 : memref<!tpu.dma_semaphore, #tpu.memory_space<semaphore_mem>>)
    %add3A_17 = arith.constant 80 : i32
    %add3A_18 = arith.addi %mul3A_2, %add3A_17 : i32
    %dma_start3A_19 = tpu.memref_slice %arg4[%add3A_18] : memref<320000xi32, #tpu.memory_space<hbm>> -> memref<80xi32, #tpu.memory_space<hbm>>
    %dma_start3A_20 = tpu.memref_slice %arg4[%add3A_18] : memref<320000xi32, #tpu.memory_space<hbm>> -> memref<80xi32, #tpu.memory_space<hbm>>
    tpu.enqueue_dma source(%dma_start3A_20 : memref<80xi32, #tpu.memory_space<hbm>>) target(%arg10 : memref<80xi32, #tpu.memory_space<vmem>>) target_semaphore(%arg17 : memref<!tpu.dma_semaphore, #tpu.memory_space<semaphore_mem>>)
    %dma_start3A_21 = tpu.memref_slice %arg5[%add3A_18] : memref<320000xi32, #tpu.memory_space<hbm>> -> memref<80xi32, #tpu.memory_space<hbm>>
    %dma_start3A_22 = tpu.memref_slice %arg5[%add3A_18] : memref<320000xi32, #tpu.memory_space<hbm>> -> memref<80xi32, #tpu.memory_space<hbm>>
    tpu.enqueue_dma source(%dma_start3A_22 : memref<80xi32, #tpu.memory_space<hbm>>) target(%arg11 : memref<80xi32, #tpu.memory_space<vmem>>) target_semaphore(%arg17 : memref<!tpu.dma_semaphore, #tpu.memory_space<semaphore_mem>>)
    %scan3A = arith.constant 0 : i32
    %scan3A_23 = arith.constant 0 : i32
    %scan3A_24 = arith.constant 62 : i32
    %scan3A_25 = arith.addi %scan3A_23, %scan3A_24 : i32
    %scan3A_26 = arith.constant 1 : i32
    scf.for %scan3A_60 = %scan3A_23 to %scan3A_25 step %scan3A_26  : i32 {
      %mul3A_61 = arith.constant 2 : i32
      %mul3A_62 = arith.muli %mul3A_61, %scan3A_60 : i32
      %add3A_63 = arith.constant 1 : i32
      %add3A_64 = arith.addi %mul3A_62, %add3A_63 : i32
      %dma_wait3A_65 = tpu.memref_slice %arg4[%mul3A_2] : memref<320000xi32, #tpu.memory_space<hbm>> -> memref<80xi32, #tpu.memory_space<hbm>>
      %dma_wait3A_66 = tpu.memref_slice %arg4[%mul3A_2] : memref<320000xi32, #tpu.memory_space<hbm>> -> memref<80xi32, #tpu.memory_space<hbm>>
      tpu.wait_dma2 semaphore(%arg17 : memref<!tpu.dma_semaphore, #tpu.memory_space<semaphore_mem>>) src(%dma_wait3A_66 : memref<80xi32, #tpu.memory_space<hbm>>) dst(%arg10 : memref<80xi32, #tpu.memory_space<vmem>>)
      %dma_wait3A_67 = tpu.memref_slice %arg5[%mul3A_2] : memref<320000xi32, #tpu.memory_space<hbm>> -> memref<80xi32, #tpu.memory_space<hbm>>
      %dma_wait3A_68 = tpu.memref_slice %arg5[%mul3A_2] : memref<320000xi32, #tpu.memory_space<hbm>> -> memref<80xi32, #tpu.memory_space<hbm>>
      tpu.wait_dma2 semaphore(%arg17 : memref<!tpu.dma_semaphore, #tpu.memory_space<semaphore_mem>>) src(%dma_wait3A_68 : memref<80xi32, #tpu.memory_space<hbm>>) dst(%arg11 : memref<80xi32, #tpu.memory_space<vmem>>)
      %gt3A = arith.constant 0 : i32
      %gt3A_69 = arith.cmpi sgt, %scan3A_60, %gt3A : i32
      %convert_element_type3A = arith.extui %gt3A_69 : i1 to i32
      %cond3A = arith.constant 0 : i32
      %cond3A_70 = arith.cmpi ne, %convert_element_type3A, %cond3A : i32
      scf.if %cond3A_70 {
        %dma_wait3A_147 = arith.constant 0 : i32
        %dma_wait3A_148 = tpu.memref_slice %arg6[%mul3A_2, %dma_wait3A_147] : memref<320000x128xf32, #tpu.memory_space<hbm>> -> memref<80x128xf32, #tpu.memory_space<hbm>>
        %dma_wait3A_149 = arith.constant 0 : i32
        %dma_wait3A_150 = tpu.memref_slice %arg6[%mul3A_2, %dma_wait3A_149] : memref<320000x128xf32, #tpu.memory_space<hbm>> -> memref<80x128xf32, #tpu.memory_space<hbm>>
        tpu.wait_dma2 semaphore(%arg23 : memref<!tpu.dma_semaphore, #tpu.memory_space<semaphore_mem>>) src(%arg14 : memref<80x128xf32, #tpu.memory_space<vmem>>) dst(%dma_wait3A_150 : memref<80x128xf32, #tpu.memory_space<hbm>>)
        %dma_wait3A_151 = arith.constant 0 : i32
        %dma_wait3A_152 = tpu.memref_slice %arg7[%mul3A_2, %dma_wait3A_151] : memref<320000x128xf32, #tpu.memory_space<hbm>> -> memref<80x128xf32, #tpu.memory_space<hbm>>
        %dma_wait3A_153 = arith.constant 0 : i32
        %dma_wait3A_154 = tpu.memref_slice %arg7[%mul3A_2, %dma_wait3A_153] : memref<320000x128xf32, #tpu.memory_space<hbm>> -> memref<80x128xf32, #tpu.memory_space<hbm>>
        tpu.wait_dma2 semaphore(%arg25 : memref<!tpu.dma_semaphore, #tpu.memory_space<semaphore_mem>>) src(%arg15 : memref<80x128xf32, #tpu.memory_space<vmem>>) dst(%dma_wait3A_154 : memref<80x128xf32, #tpu.memory_space<hbm>>)
      } else {
      }
      %dma_start3A_71 = arith.constant 0 : i32
      %dma_start3A_72 = arith.constant 0 : i32
      %dma_start3A_73 = tpu.memref_slice %arg2[%dma_start3A_71, %dma_start3A_72] : memref<10000x128xf32, #tpu.memory_space<hbm>> -> memref<10000x128xf32, #tpu.memory_space<hbm>>
      tpu.enqueue_indirect_dma source(%dma_start3A_73 : memref<10000x128xf32, #tpu.memory_space<hbm>>) target(%arg14 : memref<80x128xf32, #tpu.memory_space<vmem>>) offsets(%arg10 : memref<80xi32, #tpu.memory_space<vmem>>) semaphore(%arg19 : memref<!tpu.dma_semaphore, #tpu.memory_space<semaphore_mem>>)
      %dma_start3A_74 = arith.constant 0 : i32
      %dma_start3A_75 = arith.constant 0 : i32
      %dma_start3A_76 = tpu.memref_slice %arg3[%dma_start3A_74, %dma_start3A_75] : memref<10000x128xf32, #tpu.memory_space<hbm>> -> memref<10000x128xf32, #tpu.memory_space<hbm>>
      tpu.enqueue_indirect_dma source(%dma_start3A_76 : memref<10000x128xf32, #tpu.memory_space<hbm>>) target(%arg15 : memref<80x128xf32, #tpu.memory_space<vmem>>) offsets(%arg11 : memref<80xi32, #tpu.memory_space<vmem>>) semaphore(%arg21 : memref<!tpu.dma_semaphore, #tpu.memory_space<semaphore_mem>>)
      %dma_wait3A_77 = arith.constant 0 : i32
      %dma_wait3A_78 = arith.constant 0 : i32
      %dma_wait3A_79 = tpu.memref_slice %arg2[%dma_wait3A_77, %dma_wait3A_78] : memref<10000x128xf32, #tpu.memory_space<hbm>> -> memref<10000x128xf32, #tpu.memory_space<hbm>>
      tpu.wait_indirect_dma semaphore(%arg18 : memref<!tpu.dma_semaphore, #tpu.memory_space<semaphore_mem>>) src(%dma_wait3A_79 : memref<10000x128xf32, #tpu.memory_space<hbm>>) dst(%arg12 : memref<80x128xf32, #tpu.memory_space<vmem>>)
      %dma_wait3A_80 = arith.constant 0 : i32
      %dma_wait3A_81 = arith.constant 0 : i32
      %dma_wait3A_82 = tpu.memref_slice %arg3[%dma_wait3A_80, %dma_wait3A_81] : memref<10000x128xf32, #tpu.memory_space<hbm>> -> memref<10000x128xf32, #tpu.memory_space<hbm>>
      tpu.wait_indirect_dma semaphore(%arg20 : memref<!tpu.dma_semaphore, #tpu.memory_space<semaphore_mem>>) src(%dma_wait3A_82 : memref<10000x128xf32, #tpu.memory_space<hbm>>) dst(%arg13 : memref<80x128xf32, #tpu.memory_space<vmem>>)
      %sub3A = arith.constant 1 : i32
      %sub3A_83 = arith.subi %add3A_64, %sub3A : i32
      %mul3A_84 = arith.constant 80 : i32
      %mul3A_85 = arith.muli %sub3A_83, %mul3A_84 : i32
      %add3A_86 = arith.addi %mul3A_2, %mul3A_85 : i32
      %dma_start3A_87 = arith.constant 0 : i32
      %dma_start3A_88 = tpu.memref_slice %arg6[%add3A_86, %dma_start3A_87] : memref<320000x128xf32, #tpu.memory_space<hbm>> -> memref<80x128xf32, #tpu.memory_space<hbm>>
      %dma_start3A_89 = arith.constant 0 : i32
      %dma_start3A_90 = tpu.memref_slice %arg6[%add3A_86, %dma_start3A_89] : memref<320000x128xf32, #tpu.memory_space<hbm>> -> memref<80x128xf32, #tpu.memory_space<hbm>>
      tpu.enqueue_dma source(%arg12 : memref<80x128xf32, #tpu.memory_space<vmem>>) target(%dma_start3A_90 : memref<80x128xf32, #tpu.memory_space<hbm>>) target_semaphore(%arg22 : memref<!tpu.dma_semaphore, #tpu.memory_space<semaphore_mem>>)
      %dma_start3A_91 = arith.constant 0 : i32
      %dma_start3A_92 = tpu.memref_slice %arg7[%add3A_86, %dma_start3A_91] : memref<320000x128xf32, #tpu.memory_space<hbm>> -> memref<80x128xf32, #tpu.memory_space<hbm>>
      %dma_start3A_93 = arith.constant 0 : i32
      %dma_start3A_94 = tpu.memref_slice %arg7[%add3A_86, %dma_start3A_93] : memref<320000x128xf32, #tpu.memory_space<hbm>> -> memref<80x128xf32, #tpu.memory_space<hbm>>
      tpu.enqueue_dma source(%arg13 : memref<80x128xf32, #tpu.memory_space<vmem>>) target(%dma_start3A_94 : memref<80x128xf32, #tpu.memory_space<hbm>>) target_semaphore(%arg24 : memref<!tpu.dma_semaphore, #tpu.memory_space<semaphore_mem>>)
      %add3A_95 = arith.constant 1 : i32
      %add3A_96 = arith.addi %add3A_64, %add3A_95 : i32
      %mul3A_97 = arith.constant 80 : i32
      %mul3A_98 = arith.muli %add3A_96, %mul3A_97 : i32
      %add3A_99 = arith.addi %mul3A_2, %mul3A_98 : i32
      %dma_start3A_100 = tpu.memref_slice %arg4[%add3A_99] : memref<320000xi32, #tpu.memory_space<hbm>> -> memref<80xi32, #tpu.memory_space<hbm>>
      %dma_start3A_101 = tpu.memref_slice %arg4[%add3A_99] : memref<320000xi32, #tpu.memory_space<hbm>> -> memref<80xi32, #tpu.memory_space<hbm>>
      tpu.enqueue_dma source(%dma_start3A_101 : memref<80xi32, #tpu.memory_space<hbm>>) target(%arg8 : memref<80xi32, #tpu.memory_space<vmem>>) target_semaphore(%arg16 : memref<!tpu.dma_semaphore, #tpu.memory_space<semaphore_mem>>)
      %dma_start3A_102 = tpu.memref_slice %arg5[%add3A_99] : memref<320000xi32, #tpu.memory_space<hbm>> -> memref<80xi32, #tpu.memory_space<hbm>>
      %dma_start3A_103 = tpu.memref_slice %arg5[%add3A_99] : memref<320000xi32, #tpu.memory_space<hbm>> -> memref<80xi32, #tpu.memory_space<hbm>>
      tpu.enqueue_dma source(%dma_start3A_103 : memref<80xi32, #tpu.memory_space<hbm>>) target(%arg9 : memref<80xi32, #tpu.memory_space<vmem>>) target_semaphore(%arg16 : memref<!tpu.dma_semaphore, #tpu.memory_space<semaphore_mem>>)
      %add3A_104 = arith.constant 1 : i32
      %add3A_105 = arith.addi %add3A_64, %add3A_104 : i32
      %dma_wait3A_106 = tpu.memref_slice %arg4[%mul3A_2] : memref<320000xi32, #tpu.memory_space<hbm>> -> memref<80xi32, #tpu.memory_space<hbm>>
      %dma_wait3A_107 = tpu.memref_slice %arg4[%mul3A_2] : memref<320000xi32, #tpu.memory_space<hbm>> -> memref<80xi32, #tpu.memory_space<hbm>>
      tpu.wait_dma2 semaphore(%arg16 : memref<!tpu.dma_semaphore, #tpu.memory_space<semaphore_mem>>) src(%dma_wait3A_107 : memref<80xi32, #tpu.memory_space<hbm>>) dst(%arg8 : memref<80xi32, #tpu.memory_space<vmem>>)
      %dma_wait3A_108 = tpu.memref_slice %arg5[%mul3A_2] : memref<320000xi32, #tpu.memory_space<hbm>> -> memref<80xi32, #tpu.memory_space<hbm>>
      %dma_wait3A_109 = tpu.memref_slice %arg5[%mul3A_2] : memref<320000xi32, #tpu.memory_space<hbm>> -> memref<80xi32, #tpu.memory_space<hbm>>
      tpu.wait_dma2 semaphore(%arg16 : memref<!tpu.dma_semaphore, #tpu.memory_space<semaphore_mem>>) src(%dma_wait3A_109 : memref<80xi32, #tpu.memory_space<hbm>>) dst(%arg9 : memref<80xi32, #tpu.memory_space<vmem>>)
      %dma_wait3A_110 = arith.constant 0 : i32
      %dma_wait3A_111 = tpu.memref_slice %arg6[%mul3A_2, %dma_wait3A_110] : memref<320000x128xf32, #tpu.memory_space<hbm>> -> memref<80x128xf32, #tpu.memory_space<hbm>>
      %dma_wait3A_112 = arith.constant 0 : i32
      %dma_wait3A_113 = tpu.memref_slice %arg6[%mul3A_2, %dma_wait3A_112] : memref<320000x128xf32, #tpu.memory_space<hbm>> -> memref<80x128xf32, #tpu.memory_space<hbm>>
      tpu.wait_dma2 semaphore(%arg22 : memref<!tpu.dma_semaphore, #tpu.memory_space<semaphore_mem>>) src(%arg12 : memref<80x128xf32, #tpu.memory_space<vmem>>) dst(%dma_wait3A_113 : memref<80x128xf32, #tpu.memory_space<hbm>>)
      %dma_wait3A_114 = arith.constant 0 : i32
      %dma_wait3A_115 = tpu.memref_slice %arg7[%mul3A_2, %dma_wait3A_114] : memref<320000x128xf32, #tpu.memory_space<hbm>> -> memref<80x128xf32, #tpu.memory_space<hbm>>
      %dma_wait3A_116 = arith.constant 0 : i32
      %dma_wait3A_117 = tpu.memref_slice %arg7[%mul3A_2, %dma_wait3A_116] : memref<320000x128xf32, #tpu.memory_space<hbm>> -> memref<80x128xf32, #tpu.memory_space<hbm>>
      tpu.wait_dma2 semaphore(%arg24 : memref<!tpu.dma_semaphore, #tpu.memory_space<semaphore_mem>>) src(%arg13 : memref<80x128xf32, #tpu.memory_space<vmem>>) dst(%dma_wait3A_117 : memref<80x128xf32, #tpu.memory_space<hbm>>)
      %dma_start3A_118 = arith.constant 0 : i32
      %dma_start3A_119 = arith.constant 0 : i32
      %dma_start3A_120 = tpu.memref_slice %arg2[%dma_start3A_118, %dma_start3A_119] : memref<10000x128xf32, #tpu.memory_space<hbm>> -> memref<10000x128xf32, #tpu.memory_space<hbm>>
      tpu.enqueue_indirect_dma source(%dma_start3A_120 : memref<10000x128xf32, #tpu.memory_space<hbm>>) target(%arg12 : memref<80x128xf32, #tpu.memory_space<vmem>>) offsets(%arg8 : memref<80xi32, #tpu.memory_space<vmem>>) semaphore(%arg18 : memref<!tpu.dma_semaphore, #tpu.memory_space<semaphore_mem>>)
      %dma_start3A_121 = arith.constant 0 : i32
      %dma_start3A_122 = arith.constant 0 : i32
      %dma_start3A_123 = tpu.memref_slice %arg3[%dma_start3A_121, %dma_start3A_122] : memref<10000x128xf32, #tpu.memory_space<hbm>> -> memref<10000x128xf32, #tpu.memory_space<hbm>>
      tpu.enqueue_indirect_dma source(%dma_start3A_123 : memref<10000x128xf32, #tpu.memory_space<hbm>>) target(%arg13 : memref<80x128xf32, #tpu.memory_space<vmem>>) offsets(%arg9 : memref<80xi32, #tpu.memory_space<vmem>>) semaphore(%arg20 : memref<!tpu.dma_semaphore, #tpu.memory_space<semaphore_mem>>)
      %dma_wait3A_124 = arith.constant 0 : i32
      %dma_wait3A_125 = arith.constant 0 : i32
      %dma_wait3A_126 = tpu.memref_slice %arg2[%dma_wait3A_124, %dma_wait3A_125] : memref<10000x128xf32, #tpu.memory_space<hbm>> -> memref<10000x128xf32, #tpu.memory_space<hbm>>
      tpu.wait_indirect_dma semaphore(%arg19 : memref<!tpu.dma_semaphore, #tpu.memory_space<semaphore_mem>>) src(%dma_wait3A_126 : memref<10000x128xf32, #tpu.memory_space<hbm>>) dst(%arg14 : memref<80x128xf32, #tpu.memory_space<vmem>>)
      %dma_wait3A_127 = arith.constant 0 : i32
      %dma_wait3A_128 = arith.constant 0 : i32
      %dma_wait3A_129 = tpu.memref_slice %arg3[%dma_wait3A_127, %dma_wait3A_128] : memref<10000x128xf32, #tpu.memory_space<hbm>> -> memref<10000x128xf32, #tpu.memory_space<hbm>>
      tpu.wait_indirect_dma semaphore(%arg21 : memref<!tpu.dma_semaphore, #tpu.memory_space<semaphore_mem>>) src(%dma_wait3A_129 : memref<10000x128xf32, #tpu.memory_space<hbm>>) dst(%arg15 : memref<80x128xf32, #tpu.memory_space<vmem>>)
      %sub3A_130 = arith.constant 1 : i32
      %sub3A_131 = arith.subi %add3A_105, %sub3A_130 : i32
      %mul3A_132 = arith.constant 80 : i32
      %mul3A_133 = arith.muli %sub3A_131, %mul3A_132 : i32
      %add3A_134 = arith.addi %mul3A_2, %mul3A_133 : i32
      %dma_start3A_135 = arith.constant 0 : i32
      %dma_start3A_136 = tpu.memref_slice %arg6[%add3A_134, %dma_start3A_135] : memref<320000x128xf32, #tpu.memory_space<hbm>> -> memref<80x128xf32, #tpu.memory_space<hbm>>
      %dma_start3A_137 = arith.constant 0 : i32
      %dma_start3A_138 = tpu.memref_slice %arg6[%add3A_134, %dma_start3A_137] : memref<320000x128xf32, #tpu.memory_space<hbm>> -> memref<80x128xf32, #tpu.memory_space<hbm>>
      tpu.enqueue_dma source(%arg14 : memref<80x128xf32, #tpu.memory_space<vmem>>) target(%dma_start3A_138 : memref<80x128xf32, #tpu.memory_space<hbm>>) target_semaphore(%arg23 : memref<!tpu.dma_semaphore, #tpu.memory_space<semaphore_mem>>)
      %dma_start3A_139 = arith.constant 0 : i32
      %dma_start3A_140 = tpu.memref_slice %arg7[%add3A_134, %dma_start3A_139] : memref<320000x128xf32, #tpu.memory_space<hbm>> -> memref<80x128xf32, #tpu.memory_space<hbm>>
      %dma_start3A_141 = arith.constant 0 : i32
      %dma_start3A_142 = tpu.memref_slice %arg7[%add3A_134, %dma_start3A_141] : memref<320000x128xf32, #tpu.memory_space<hbm>> -> memref<80x128xf32, #tpu.memory_space<hbm>>
      tpu.enqueue_dma source(%arg15 : memref<80x128xf32, #tpu.memory_space<vmem>>) target(%dma_start3A_142 : memref<80x128xf32, #tpu.memory_space<hbm>>) target_semaphore(%arg25 : memref<!tpu.dma_semaphore, #tpu.memory_space<semaphore_mem>>)
      %lt3A = arith.constant 61 : i32
      %lt3A_143 = arith.cmpi slt, %scan3A_60, %lt3A : i32
      %convert_element_type3A_144 = arith.extui %lt3A_143 : i1 to i32
      %cond3A_145 = arith.constant 0 : i32
      %cond3A_146 = arith.cmpi ne, %convert_element_type3A_144, %cond3A_145 : i32
      scf.if %cond3A_146 {
        %add3A_147 = arith.constant 1 : i32
        %add3A_148 = arith.addi %add3A_105, %add3A_147 : i32
        %mul3A_149 = arith.constant 80 : i32
        %mul3A_150 = arith.muli %add3A_148, %mul3A_149 : i32
        %add3A_151 = arith.addi %mul3A_2, %mul3A_150 : i32
        %dma_start3A_152 = tpu.memref_slice %arg4[%add3A_151] : memref<320000xi32, #tpu.memory_space<hbm>> -> memref<80xi32, #tpu.memory_space<hbm>>
        %dma_start3A_153 = tpu.memref_slice %arg4[%add3A_151] : memref<320000xi32, #tpu.memory_space<hbm>> -> memref<80xi32, #tpu.memory_space<hbm>>
        tpu.enqueue_dma source(%dma_start3A_153 : memref<80xi32, #tpu.memory_space<hbm>>) target(%arg10 : memref<80xi32, #tpu.memory_space<vmem>>) target_semaphore(%arg17 : memref<!tpu.dma_semaphore, #tpu.memory_space<semaphore_mem>>)
        %dma_start3A_154 = tpu.memref_slice %arg5[%add3A_151] : memref<320000xi32, #tpu.memory_space<hbm>> -> memref<80xi32, #tpu.memory_space<hbm>>
        %dma_start3A_155 = tpu.memref_slice %arg5[%add3A_151] : memref<320000xi32, #tpu.memory_space<hbm>> -> memref<80xi32, #tpu.memory_space<hbm>>
        tpu.enqueue_dma source(%dma_start3A_155 : memref<80xi32, #tpu.memory_space<hbm>>) target(%arg11 : memref<80xi32, #tpu.memory_space<vmem>>) target_semaphore(%arg17 : memref<!tpu.dma_semaphore, #tpu.memory_space<semaphore_mem>>)
      } else {
      }
    }
    %scan3A_27 = arith.constant 62 : i32
    %dma_wait3A_28 = arith.constant 0 : i32
    %dma_wait3A_29 = arith.constant 0 : i32
    %dma_wait3A_30 = tpu.memref_slice %arg2[%dma_wait3A_28, %dma_wait3A_29] : memref<10000x128xf32, #tpu.memory_space<hbm>> -> memref<10000x128xf32, #tpu.memory_space<hbm>>
    tpu.wait_indirect_dma semaphore(%arg18 : memref<!tpu.dma_semaphore, #tpu.memory_space<semaphore_mem>>) src(%dma_wait3A_30 : memref<10000x128xf32, #tpu.memory_space<hbm>>) dst(%arg12 : memref<80x128xf32, #tpu.memory_space<vmem>>)
    %dma_wait3A_31 = arith.constant 0 : i32
    %dma_wait3A_32 = arith.constant 0 : i32
    %dma_wait3A_33 = tpu.memref_slice %arg3[%dma_wait3A_31, %dma_wait3A_32] : memref<10000x128xf32, #tpu.memory_space<hbm>> -> memref<10000x128xf32, #tpu.memory_space<hbm>>
    tpu.wait_indirect_dma semaphore(%arg20 : memref<!tpu.dma_semaphore, #tpu.memory_space<semaphore_mem>>) src(%dma_wait3A_33 : memref<10000x128xf32, #tpu.memory_space<hbm>>) dst(%arg13 : memref<80x128xf32, #tpu.memory_space<vmem>>)
    %add3A_34 = arith.constant 9920 : i32
    %add3A_35 = arith.addi %mul3A_2, %add3A_34 : i32
    %dma_start3A_36 = arith.constant 0 : i32
    %dma_start3A_37 = tpu.memref_slice %arg6[%add3A_35, %dma_start3A_36] : memref<320000x128xf32, #tpu.memory_space<hbm>> -> memref<80x128xf32, #tpu.memory_space<hbm>>
    %dma_start3A_38 = arith.constant 0 : i32
    %dma_start3A_39 = tpu.memref_slice %arg6[%add3A_35, %dma_start3A_38] : memref<320000x128xf32, #tpu.memory_space<hbm>> -> memref<80x128xf32, #tpu.memory_space<hbm>>
    tpu.enqueue_dma source(%arg12 : memref<80x128xf32, #tpu.memory_space<vmem>>) target(%dma_start3A_39 : memref<80x128xf32, #tpu.memory_space<hbm>>) target_semaphore(%arg22 : memref<!tpu.dma_semaphore, #tpu.memory_space<semaphore_mem>>)
    %dma_start3A_40 = arith.constant 0 : i32
    %dma_start3A_41 = tpu.memref_slice %arg7[%add3A_35, %dma_start3A_40] : memref<320000x128xf32, #tpu.memory_space<hbm>> -> memref<80x128xf32, #tpu.memory_space<hbm>>
    %dma_start3A_42 = arith.constant 0 : i32
    %dma_start3A_43 = tpu.memref_slice %arg7[%add3A_35, %dma_start3A_42] : memref<320000x128xf32, #tpu.memory_space<hbm>> -> memref<80x128xf32, #tpu.memory_space<hbm>>
    tpu.enqueue_dma source(%arg13 : memref<80x128xf32, #tpu.memory_space<vmem>>) target(%dma_start3A_43 : memref<80x128xf32, #tpu.memory_space<hbm>>) target_semaphore(%arg24 : memref<!tpu.dma_semaphore, #tpu.memory_space<semaphore_mem>>)
    %dma_wait3A_44 = arith.constant 0 : i32
    %dma_wait3A_45 = tpu.memref_slice %arg6[%mul3A_2, %dma_wait3A_44] : memref<320000x128xf32, #tpu.memory_space<hbm>> -> memref<80x128xf32, #tpu.memory_space<hbm>>
    %dma_wait3A_46 = arith.constant 0 : i32
    %dma_wait3A_47 = tpu.memref_slice %arg6[%mul3A_2, %dma_wait3A_46] : memref<320000x128xf32, #tpu.memory_space<hbm>> -> memref<80x128xf32, #tpu.memory_space<hbm>>
    tpu.wait_dma2 semaphore(%arg23 : memref<!tpu.dma_semaphore, #tpu.memory_space<semaphore_mem>>) src(%arg14 : memref<80x128xf32, #tpu.memory_space<vmem>>) dst(%dma_wait3A_47 : memref<80x128xf32, #tpu.memory_space<hbm>>)
    %dma_wait3A_48 = arith.constant 0 : i32
    %dma_wait3A_49 = tpu.memref_slice %arg7[%mul3A_2, %dma_wait3A_48] : memref<320000x128xf32, #tpu.memory_space<hbm>> -> memref<80x128xf32, #tpu.memory_space<hbm>>
    %dma_wait3A_50 = arith.constant 0 : i32
    %dma_wait3A_51 = tpu.memref_slice %arg7[%mul3A_2, %dma_wait3A_50] : memref<320000x128xf32, #tpu.memory_space<hbm>> -> memref<80x128xf32, #tpu.memory_space<hbm>>
    tpu.wait_dma2 semaphore(%arg25 : memref<!tpu.dma_semaphore, #tpu.memory_space<semaphore_mem>>) src(%arg15 : memref<80x128xf32, #tpu.memory_space<vmem>>) dst(%dma_wait3A_51 : memref<80x128xf32, #tpu.memory_space<hbm>>)
    %dma_wait3A_52 = arith.constant 0 : i32
    %dma_wait3A_53 = tpu.memref_slice %arg6[%mul3A_2, %dma_wait3A_52] : memref<320000x128xf32, #tpu.memory_space<hbm>> -> memref<80x128xf32, #tpu.memory_space<hbm>>
    %dma_wait3A_54 = arith.constant 0 : i32
    %dma_wait3A_55 = tpu.memref_slice %arg6[%mul3A_2, %dma_wait3A_54] : memref<320000x128xf32, #tpu.memory_space<hbm>> -> memref<80x128xf32, #tpu.memory_space<hbm>>
    tpu.wait_dma2 semaphore(%arg22 : memref<!tpu.dma_semaphore, #tpu.memory_space<semaphore_mem>>) src(%arg12 : memref<80x128xf32, #tpu.memory_space<vmem>>) dst(%dma_wait3A_55 : memref<80x128xf32, #tpu.memory_space<hbm>>)
    %dma_wait3A_56 = arith.constant 0 : i32
    %dma_wait3A_57 = tpu.memref_slice %arg7[%mul3A_2, %dma_wait3A_56] : memref<320000x128xf32, #tpu.memory_space<hbm>> -> memref<80x128xf32, #tpu.memory_space<hbm>>
    %dma_wait3A_58 = arith.constant 0 : i32
    %dma_wait3A_59 = tpu.memref_slice %arg7[%mul3A_2, %dma_wait3A_58] : memref<320000x128xf32, #tpu.memory_space<hbm>> -> memref<80x128xf32, #tpu.memory_space<hbm>>
    tpu.wait_dma2 semaphore(%arg24 : memref<!tpu.dma_semaphore, #tpu.memory_space<semaphore_mem>>) src(%arg13 : memref<80x128xf32, #tpu.memory_space<vmem>>) dst(%dma_wait3A_59 : memref<80x128xf32, #tpu.memory_space<hbm>>)
    return
  }
}

#map = affine_map<(d0, d1) -> (0, 0)>
#map1 = affine_map<(d0, d1) -> (0)>
#map2 = affine_map<(d0, d1) -> (0, 0, 0)>
module attributes {stable_mosaic.version = 14 : i64} {
  func.func @scatter_call(%arg0: i32, %arg1: i32, %arg2: memref<320000x128xf32, #tpu.memory_space<hbm>>, %arg3: memref<320000xi32, #tpu.memory_space<hbm>>, %arg4: memref<2x10112x128xf32, #tpu.memory_space<hbm>>, %arg5: memref<80xi32, #tpu.memory_space<vmem>>, %arg6: memref<80xi32, #tpu.memory_space<vmem>>, %arg7: memref<80x128xf32, #tpu.memory_space<vmem>>, %arg8: memref<80x128xf32, #tpu.memory_space<vmem>>, %arg9: memref<128x128xf32, #tpu.memory_space<vmem>>, %arg10: memref<10112x128xf32, #tpu.memory_space<vmem_shared>>, %arg11: memref<!tpu.dma_semaphore, #tpu.memory_space<semaphore_mem>>, %arg12: memref<!tpu.dma_semaphore, #tpu.memory_space<semaphore_mem>>, %arg13: memref<!tpu.dma_semaphore, #tpu.memory_space<semaphore_mem>>, %arg14: memref<!tpu.dma_semaphore, #tpu.memory_space<semaphore_mem>>) attributes {dimension_semantics = [#tpu.dimension_semantics<core_parallel>, #tpu.dimension_semantics<subcore_parallel>], iteration_bounds = array<i64: 2, 16>, scalar_prefetch = 0 : i64, scratch_operands = 10 : i64, tpu.core_type = #tpu.core_type<sc_vector_subcore>, window_params = [{transform_indices = #map}, {transform_indices = #map1}, {transform_indices = #map2}]} {
    %mul3A = arith.constant 2 : i32
    %mul3A_0 = arith.muli %arg1, %mul3A : i32
    %add3A = arith.addi %mul3A_0, %arg0 : i32
    %mul3A_1 = arith.constant 10000 : i32
    %mul3A_2 = arith.muli %add3A, %mul3A_1 : i32
    %broadcast_in_dim3A = arith.constant 0.000000e+00 : f32
    %broadcast_in_dim3A_3 = vector.broadcast %broadcast_in_dim3A : f32 to vector<16xf32>
    %scan3A = arith.constant 0 : i32
    %scan3A_4 = arith.constant 0 : i32
    %scan3A_5 = arith.constant 128 : i32
    %scan3A_6 = arith.addi %scan3A_4, %scan3A_5 : i32
    %scan3A_7 = arith.constant 1 : i32
    scf.for %scan3A_80 = %scan3A_4 to %scan3A_6 step %scan3A_7  : i32 {
      %swap3A = arith.index_cast %scan3A_80 : i32 to index
      %swap3A_81 = arith.constant 0 : index
      %swap3A_82 = tpu.vector_load %arg9[%swap3A, %swap3A_81] {strides = array<i32>} : memref<128x128xf32, #tpu.memory_space<vmem>>, vector<1x16xf32>,
      %swap3A_83 = vector.shape_cast %swap3A_82 : vector<1x16xf32> to vector<16xf32>
      %swap3A_84 = vector.shape_cast %broadcast_in_dim3A_3 : vector<16xf32> to vector<1x16xf32>
      tpu.vector_store %arg9[%swap3A, %swap3A_81], %swap3A_84 {strides = array<i32>} : memref<128x128xf32, #tpu.memory_space<vmem>>, vector<1x16xf32>,
      %swap3A_85 = arith.index_cast %scan3A_80 : i32 to index
      %swap3A_86 = arith.constant 16 : index
      %swap3A_87 = tpu.vector_load %arg9[%swap3A_85, %swap3A_86] {strides = array<i32>} : memref<128x128xf32, #tpu.memory_space<vmem>>, vector<1x16xf32>,
      %swap3A_88 = vector.shape_cast %swap3A_87 : vector<1x16xf32> to vector<16xf32>
      %swap3A_89 = vector.shape_cast %broadcast_in_dim3A_3 : vector<16xf32> to vector<1x16xf32>
      tpu.vector_store %arg9[%swap3A_85, %swap3A_86], %swap3A_89 {strides = array<i32>} : memref<128x128xf32, #tpu.memory_space<vmem>>, vector<1x16xf32>,
      %swap3A_90 = arith.index_cast %scan3A_80 : i32 to index
      %swap3A_91 = arith.constant 32 : index
      %swap3A_92 = tpu.vector_load %arg9[%swap3A_90, %swap3A_91] {strides = array<i32>} : memref<128x128xf32, #tpu.memory_space<vmem>>, vector<1x16xf32>,
      %swap3A_93 = vector.shape_cast %swap3A_92 : vector<1x16xf32> to vector<16xf32>
      %swap3A_94 = vector.shape_cast %broadcast_in_dim3A_3 : vector<16xf32> to vector<1x16xf32>
      tpu.vector_store %arg9[%swap3A_90, %swap3A_91], %swap3A_94 {strides = array<i32>} : memref<128x128xf32, #tpu.memory_space<vmem>>, vector<1x16xf32>,
      %swap3A_95 = arith.index_cast %scan3A_80 : i32 to index
      %swap3A_96 = arith.constant 48 : index
      %swap3A_97 = tpu.vector_load %arg9[%swap3A_95, %swap3A_96] {strides = array<i32>} : memref<128x128xf32, #tpu.memory_space<vmem>>, vector<1x16xf32>,
      %swap3A_98 = vector.shape_cast %swap3A_97 : vector<1x16xf32> to vector<16xf32>
      %swap3A_99 = vector.shape_cast %broadcast_in_dim3A_3 : vector<16xf32> to vector<1x16xf32>
      tpu.vector_store %arg9[%swap3A_95, %swap3A_96], %swap3A_99 {strides = array<i32>} : memref<128x128xf32, #tpu.memory_space<vmem>>, vector<1x16xf32>,
      %swap3A_100 = arith.index_cast %scan3A_80 : i32 to index
      %swap3A_101 = arith.constant 64 : index
      %swap3A_102 = tpu.vector_load %arg9[%swap3A_100, %swap3A_101] {strides = array<i32>} : memref<128x128xf32, #tpu.memory_space<vmem>>, vector<1x16xf32>,
      %swap3A_103 = vector.shape_cast %swap3A_102 : vector<1x16xf32> to vector<16xf32>
      %swap3A_104 = vector.shape_cast %broadcast_in_dim3A_3 : vector<16xf32> to vector<1x16xf32>
      tpu.vector_store %arg9[%swap3A_100, %swap3A_101], %swap3A_104 {strides = array<i32>} : memref<128x128xf32, #tpu.memory_space<vmem>>, vector<1x16xf32>,
      %swap3A_105 = arith.index_cast %scan3A_80 : i32 to index
      %swap3A_106 = arith.constant 80 : index
      %swap3A_107 = tpu.vector_load %arg9[%swap3A_105, %swap3A_106] {strides = array<i32>} : memref<128x128xf32, #tpu.memory_space<vmem>>, vector<1x16xf32>,
      %swap3A_108 = vector.shape_cast %swap3A_107 : vector<1x16xf32> to vector<16xf32>
      %swap3A_109 = vector.shape_cast %broadcast_in_dim3A_3 : vector<16xf32> to vector<1x16xf32>
      tpu.vector_store %arg9[%swap3A_105, %swap3A_106], %swap3A_109 {strides = array<i32>} : memref<128x128xf32, #tpu.memory_space<vmem>>, vector<1x16xf32>,
      %swap3A_110 = arith.index_cast %scan3A_80 : i32 to index
      %swap3A_111 = arith.constant 96 : index
      %swap3A_112 = tpu.vector_load %arg9[%swap3A_110, %swap3A_111] {strides = array<i32>} : memref<128x128xf32, #tpu.memory_space<vmem>>, vector<1x16xf32>,
      %swap3A_113 = vector.shape_cast %swap3A_112 : vector<1x16xf32> to vector<16xf32>
      %swap3A_114 = vector.shape_cast %broadcast_in_dim3A_3 : vector<16xf32> to vector<1x16xf32>
      tpu.vector_store %arg9[%swap3A_110, %swap3A_111], %swap3A_114 {strides = array<i32>} : memref<128x128xf32, #tpu.memory_space<vmem>>, vector<1x16xf32>,
      %swap3A_115 = arith.index_cast %scan3A_80 : i32 to index
      %swap3A_116 = arith.constant 112 : index
      %swap3A_117 = tpu.vector_load %arg9[%swap3A_115, %swap3A_116] {strides = array<i32>} : memref<128x128xf32, #tpu.memory_space<vmem>>, vector<1x16xf32>,
      %swap3A_118 = vector.shape_cast %swap3A_117 : vector<1x16xf32> to vector<16xf32>
      %swap3A_119 = vector.shape_cast %broadcast_in_dim3A_3 : vector<16xf32> to vector<1x16xf32>
      tpu.vector_store %arg9[%swap3A_115, %swap3A_116], %swap3A_119 {strides = array<i32>} : memref<128x128xf32, #tpu.memory_space<vmem>>, vector<1x16xf32>,
    }
    %scan3A_8 = arith.constant 128 : i32
    %mul3A_9 = arith.constant 632 : i32
    %mul3A_10 = arith.muli %arg1, %mul3A_9 : i32
    %add3A_11 = arith.constant 0 : i32
    %add3A_12 = arith.addi %mul3A_10, %add3A_11 : i32
    "tpu.region"() ({
      %run_scoped3A = tpu.sem_alloc : memref<!tpu.dma_semaphore, #tpu.memory_space<semaphore_mem>>
      %dma_start3A_80 = arith.constant 0 : i32
      %dma_start3A_81 = tpu.memref_slice %arg10[%add3A_12, %dma_start3A_80] : memref<10112x128xf32, #tpu.memory_space<vmem_shared>> -> memref<128x128xf32, #tpu.memory_space<vmem_shared>>
      %dma_start3A_82 = arith.constant 0 : i32
      %dma_start3A_83 = tpu.memref_slice %arg10[%add3A_12, %dma_start3A_82] : memref<10112x128xf32, #tpu.memory_space<vmem_shared>> -> memref<128x128xf32, #tpu.memory_space<vmem_shared>>
      tpu.enqueue_dma source(%arg9 : memref<128x128xf32, #tpu.memory_space<vmem>>) target(%dma_start3A_83 : memref<128x128xf32, #tpu.memory_space<vmem_shared>>) target_semaphore(%run_scoped3A : memref<!tpu.dma_semaphore, #tpu.memory_space<semaphore_mem>>)
      %dma_wait3A_84 = arith.constant 0 : i32
      %dma_wait3A_85 = tpu.memref_slice %arg10[%add3A_12, %dma_wait3A_84] : memref<10112x128xf32, #tpu.memory_space<vmem_shared>> -> memref<128x128xf32, #tpu.memory_space<vmem_shared>>
      %dma_wait3A_86 = arith.constant 0 : i32
      %dma_wait3A_87 = tpu.memref_slice %arg10[%add3A_12, %dma_wait3A_86] : memref<10112x128xf32, #tpu.memory_space<vmem_shared>> -> memref<128x128xf32, #tpu.memory_space<vmem_shared>>
      tpu.wait_dma2 semaphore(%run_scoped3A : memref<!tpu.dma_semaphore, #tpu.memory_space<semaphore_mem>>) src(%arg9 : memref<128x128xf32, #tpu.memory_space<vmem>>) dst(%dma_wait3A_87 : memref<128x128xf32, #tpu.memory_space<vmem_shared>>)
      tpu.yield
    }) : () -> ()
    %mul3A_13 = arith.constant 632 : i32
    %mul3A_14 = arith.muli %arg1, %mul3A_13 : i32
    %add3A_15 = arith.constant 128 : i32
    %add3A_16 = arith.addi %mul3A_14, %add3A_15 : i32
    "tpu.region"() ({
      %run_scoped3A = tpu.sem_alloc : memref<!tpu.dma_semaphore, #tpu.memory_space<semaphore_mem>>
      %dma_start3A_80 = arith.constant 0 : i32
      %dma_start3A_81 = tpu.memref_slice %arg10[%add3A_16, %dma_start3A_80] : memref<10112x128xf32, #tpu.memory_space<vmem_shared>> -> memref<128x128xf32, #tpu.memory_space<vmem_shared>>
      %dma_start3A_82 = arith.constant 0 : i32
      %dma_start3A_83 = tpu.memref_slice %arg10[%add3A_16, %dma_start3A_82] : memref<10112x128xf32, #tpu.memory_space<vmem_shared>> -> memref<128x128xf32, #tpu.memory_space<vmem_shared>>
      tpu.enqueue_dma source(%arg9 : memref<128x128xf32, #tpu.memory_space<vmem>>) target(%dma_start3A_83 : memref<128x128xf32, #tpu.memory_space<vmem_shared>>) target_semaphore(%run_scoped3A : memref<!tpu.dma_semaphore, #tpu.memory_space<semaphore_mem>>)
      %dma_wait3A_84 = arith.constant 0 : i32
      %dma_wait3A_85 = tpu.memref_slice %arg10[%add3A_16, %dma_wait3A_84] : memref<10112x128xf32, #tpu.memory_space<vmem_shared>> -> memref<128x128xf32, #tpu.memory_space<vmem_shared>>
      %dma_wait3A_86 = arith.constant 0 : i32
      %dma_wait3A_87 = tpu.memref_slice %arg10[%add3A_16, %dma_wait3A_86] : memref<10112x128xf32, #tpu.memory_space<vmem_shared>> -> memref<128x128xf32, #tpu.memory_space<vmem_shared>>
      tpu.wait_dma2 semaphore(%run_scoped3A : memref<!tpu.dma_semaphore, #tpu.memory_space<semaphore_mem>>) src(%arg9 : memref<128x128xf32, #tpu.memory_space<vmem>>) dst(%dma_wait3A_87 : memref<128x128xf32, #tpu.memory_space<vmem_shared>>)
      tpu.yield
    }) : () -> ()
    %mul3A_17 = arith.constant 632 : i32
    %mul3A_18 = arith.muli %arg1, %mul3A_17 : i32
    %add3A_19 = arith.constant 256 : i32
    %add3A_20 = arith.addi %mul3A_18, %add3A_19 : i32
    "tpu.region"() ({
      %run_scoped3A = tpu.sem_alloc : memref<!tpu.dma_semaphore, #tpu.memory_space<semaphore_mem>>
      %dma_start3A_80 = arith.constant 0 : i32
      %dma_start3A_81 = tpu.memref_slice %arg10[%add3A_20, %dma_start3A_80] : memref<10112x128xf32, #tpu.memory_space<vmem_shared>> -> memref<128x128xf32, #tpu.memory_space<vmem_shared>>
      %dma_start3A_82 = arith.constant 0 : i32
      %dma_start3A_83 = tpu.memref_slice %arg10[%add3A_20, %dma_start3A_82] : memref<10112x128xf32, #tpu.memory_space<vmem_shared>> -> memref<128x128xf32, #tpu.memory_space<vmem_shared>>
      tpu.enqueue_dma source(%arg9 : memref<128x128xf32, #tpu.memory_space<vmem>>) target(%dma_start3A_83 : memref<128x128xf32, #tpu.memory_space<vmem_shared>>) target_semaphore(%run_scoped3A : memref<!tpu.dma_semaphore, #tpu.memory_space<semaphore_mem>>)
      %dma_wait3A_84 = arith.constant 0 : i32
      %dma_wait3A_85 = tpu.memref_slice %arg10[%add3A_20, %dma_wait3A_84] : memref<10112x128xf32, #tpu.memory_space<vmem_shared>> -> memref<128x128xf32, #tpu.memory_space<vmem_shared>>
      %dma_wait3A_86 = arith.constant 0 : i32
      %dma_wait3A_87 = tpu.memref_slice %arg10[%add3A_20, %dma_wait3A_86] : memref<10112x128xf32, #tpu.memory_space<vmem_shared>> -> memref<128x128xf32, #tpu.memory_space<vmem_shared>>
      tpu.wait_dma2 semaphore(%run_scoped3A : memref<!tpu.dma_semaphore, #tpu.memory_space<semaphore_mem>>) src(%arg9 : memref<128x128xf32, #tpu.memory_space<vmem>>) dst(%dma_wait3A_87 : memref<128x128xf32, #tpu.memory_space<vmem_shared>>)
      tpu.yield
    }) : () -> ()
    %mul3A_21 = arith.constant 632 : i32
    %mul3A_22 = arith.muli %arg1, %mul3A_21 : i32
    %add3A_23 = arith.constant 384 : i32
    %add3A_24 = arith.addi %mul3A_22, %add3A_23 : i32
    "tpu.region"() ({
      %run_scoped3A = tpu.sem_alloc : memref<!tpu.dma_semaphore, #tpu.memory_space<semaphore_mem>>
      %dma_start3A_80 = arith.constant 0 : i32
      %dma_start3A_81 = tpu.memref_slice %arg10[%add3A_24, %dma_start3A_80] : memref<10112x128xf32, #tpu.memory_space<vmem_shared>> -> memref<128x128xf32, #tpu.memory_space<vmem_shared>>
      %dma_start3A_82 = arith.constant 0 : i32
      %dma_start3A_83 = tpu.memref_slice %arg10[%add3A_24, %dma_start3A_82] : memref<10112x128xf32, #tpu.memory_space<vmem_shared>> -> memref<128x128xf32, #tpu.memory_space<vmem_shared>>
      tpu.enqueue_dma source(%arg9 : memref<128x128xf32, #tpu.memory_space<vmem>>) target(%dma_start3A_83 : memref<128x128xf32, #tpu.memory_space<vmem_shared>>) target_semaphore(%run_scoped3A : memref<!tpu.dma_semaphore, #tpu.memory_space<semaphore_mem>>)
      %dma_wait3A_84 = arith.constant 0 : i32
      %dma_wait3A_85 = tpu.memref_slice %arg10[%add3A_24, %dma_wait3A_84] : memref<10112x128xf32, #tpu.memory_space<vmem_shared>> -> memref<128x128xf32, #tpu.memory_space<vmem_shared>>
      %dma_wait3A_86 = arith.constant 0 : i32
      %dma_wait3A_87 = tpu.memref_slice %arg10[%add3A_24, %dma_wait3A_86] : memref<10112x128xf32, #tpu.memory_space<vmem_shared>> -> memref<128x128xf32, #tpu.memory_space<vmem_shared>>
      tpu.wait_dma2 semaphore(%run_scoped3A : memref<!tpu.dma_semaphore, #tpu.memory_space<semaphore_mem>>) src(%arg9 : memref<128x128xf32, #tpu.memory_space<vmem>>) dst(%dma_wait3A_87 : memref<128x128xf32, #tpu.memory_space<vmem_shared>>)
      tpu.yield
    }) : () -> ()
    %mul3A_25 = arith.constant 632 : i32
    %mul3A_26 = arith.muli %arg1, %mul3A_25 : i32
    %add3A_27 = arith.constant 632 : i32
    %add3A_28 = arith.addi %mul3A_26, %add3A_27 : i32
    %sub3A = arith.constant 120 : i32
    %sub3A_29 = arith.subi %add3A_28, %sub3A : i32
    "tpu.region"() ({
      %run_scoped3A = tpu.sem_alloc : memref<!tpu.dma_semaphore, #tpu.memory_space<semaphore_mem>>
      %dma_start3A_80 = arith.constant 0 : i32
      %dma_start3A_81 = arith.constant 0 : i32
      %dma_start3A_82 = tpu.memref_slice %arg9[%dma_start3A_80, %dma_start3A_81] : memref<128x128xf32, #tpu.memory_space<vmem>> -> memref<120x128xf32, #tpu.memory_space<vmem>>
      %dma_start3A_83 = arith.constant 0 : i32
      %dma_start3A_84 = tpu.memref_slice %arg10[%sub3A_29, %dma_start3A_83] : memref<10112x128xf32, #tpu.memory_space<vmem_shared>> -> memref<120x128xf32, #tpu.memory_space<vmem_shared>>
      %dma_start3A_85 = arith.constant 0 : i32
      %dma_start3A_86 = tpu.memref_slice %arg10[%sub3A_29, %dma_start3A_85] : memref<10112x128xf32, #tpu.memory_space<vmem_shared>> -> memref<120x128xf32, #tpu.memory_space<vmem_shared>>
      %dma_start3A_87 = arith.constant 0 : i32
      %dma_start3A_88 = arith.constant 0 : i32
      %dma_start3A_89 = tpu.memref_slice %arg9[%dma_start3A_87, %dma_start3A_88] : memref<128x128xf32, #tpu.memory_space<vmem>> -> memref<120x128xf32, #tpu.memory_space<vmem>>
      tpu.enqueue_dma source(%dma_start3A_89 : memref<120x128xf32, #tpu.memory_space<vmem>>) target(%dma_start3A_86 : memref<120x128xf32, #tpu.memory_space<vmem_shared>>) target_semaphore(%run_scoped3A : memref<!tpu.dma_semaphore, #tpu.memory_space<semaphore_mem>>)
      %dma_wait3A_90 = arith.constant 0 : i32
      %dma_wait3A_91 = arith.constant 0 : i32
      %dma_wait3A_92 = tpu.memref_slice %arg9[%dma_wait3A_90, %dma_wait3A_91] : memref<128x128xf32, #tpu.memory_space<vmem>> -> memref<120x128xf32, #tpu.memory_space<vmem>>
      %dma_wait3A_93 = arith.constant 0 : i32
      %dma_wait3A_94 = tpu.memref_slice %arg10[%sub3A_29, %dma_wait3A_93] : memref<10112x128xf32, #tpu.memory_space<vmem_shared>> -> memref<120x128xf32, #tpu.memory_space<vmem_shared>>
      %dma_wait3A_95 = arith.constant 0 : i32
      %dma_wait3A_96 = tpu.memref_slice %arg10[%sub3A_29, %dma_wait3A_95] : memref<10112x128xf32, #tpu.memory_space<vmem_shared>> -> memref<120x128xf32, #tpu.memory_space<vmem_shared>>
      %dma_wait3A_97 = arith.constant 0 : i32
      %dma_wait3A_98 = arith.constant 0 : i32
      %dma_wait3A_99 = tpu.memref_slice %arg9[%dma_wait3A_97, %dma_wait3A_98] : memref<128x128xf32, #tpu.memory_space<vmem>> -> memref<120x128xf32, #tpu.memory_space<vmem>>
      tpu.wait_dma2 semaphore(%run_scoped3A : memref<!tpu.dma_semaphore, #tpu.memory_space<semaphore_mem>>) src(%dma_wait3A_99 : memref<120x128xf32, #tpu.memory_space<vmem>>) dst(%dma_wait3A_96 : memref<120x128xf32, #tpu.memory_space<vmem_shared>>)
      tpu.yield
    }) : () -> ()
    %barrier3A = arith.constant 0 : index
    tpu.barrier barrier_id(%barrier3A)
    %add3A_30 = arith.constant 0 : i32
    %add3A_31 = arith.addi %mul3A_2, %add3A_30 : i32
    %dma_start3A = tpu.memref_slice %arg3[%add3A_31] : memref<320000xi32, #tpu.memory_space<hbm>> -> memref<80xi32, #tpu.memory_space<hbm>>
    %dma_start3A_32 = tpu.memref_slice %arg3[%add3A_31] : memref<320000xi32, #tpu.memory_space<hbm>> -> memref<80xi32, #tpu.memory_space<hbm>>
    tpu.enqueue_dma source(%dma_start3A_32 : memref<80xi32, #tpu.memory_space<hbm>>) target(%arg5 : memref<80xi32, #tpu.memory_space<vmem>>) target_semaphore(%arg11 : memref<!tpu.dma_semaphore, #tpu.memory_space<semaphore_mem>>)
    %dma_start3A_33 = arith.constant 0 : i32
    %dma_start3A_34 = tpu.memref_slice %arg2[%add3A_31, %dma_start3A_33] : memref<320000x128xf32, #tpu.memory_space<hbm>> -> memref<80x128xf32, #tpu.memory_space<hbm>>
    %dma_start3A_35 = arith.constant 0 : i32
    %dma_start3A_36 = tpu.memref_slice %arg2[%add3A_31, %dma_start3A_35] : memref<320000x128xf32, #tpu.memory_space<hbm>> -> memref<80x128xf32, #tpu.memory_space<hbm>>
    tpu.enqueue_dma source(%dma_start3A_36 : memref<80x128xf32, #tpu.memory_space<hbm>>) target(%arg7 : memref<80x128xf32, #tpu.memory_space<vmem>>) target_semaphore(%arg11 : memref<!tpu.dma_semaphore, #tpu.memory_space<semaphore_mem>>)
    %scan3A_37 = arith.constant 0 : i32
    %scan3A_38 = arith.constant 0 : i32
    %scan3A_39 = arith.constant 62 : i32
    %scan3A_40 = arith.addi %scan3A_38, %scan3A_39 : i32
    %scan3A_41 = arith.constant 1 : i32
    scf.for %scan3A_80 = %scan3A_38 to %scan3A_40 step %scan3A_41  : i32 {
      %dma_wait3A_81 = tpu.memref_slice %arg3[%mul3A_2] : memref<320000xi32, #tpu.memory_space<hbm>> -> memref<80xi32, #tpu.memory_space<hbm>>
      %dma_wait3A_82 = tpu.memref_slice %arg3[%mul3A_2] : memref<320000xi32, #tpu.memory_space<hbm>> -> memref<80xi32, #tpu.memory_space<hbm>>
      tpu.wait_dma2 semaphore(%arg11 : memref<!tpu.dma_semaphore, #tpu.memory_space<semaphore_mem>>) src(%dma_wait3A_82 : memref<80xi32, #tpu.memory_space<hbm>>) dst(%arg5 : memref<80xi32, #tpu.memory_space<vmem>>)
      %dma_wait3A_83 = arith.constant 0 : i32
      %dma_wait3A_84 = tpu.memref_slice %arg2[%mul3A_2, %dma_wait3A_83] : memref<320000x128xf32, #tpu.memory_space<hbm>> -> memref<80x128xf32, #tpu.memory_space<hbm>>
      %dma_wait3A_85 = arith.constant 0 : i32
      %dma_wait3A_86 = tpu.memref_slice %arg2[%mul3A_2, %dma_wait3A_85] : memref<320000x128xf32, #tpu.memory_space<hbm>> -> memref<80x128xf32, #tpu.memory_space<hbm>>
      tpu.wait_dma2 semaphore(%arg11 : memref<!tpu.dma_semaphore, #tpu.memory_space<semaphore_mem>>) src(%dma_wait3A_86 : memref<80x128xf32, #tpu.memory_space<hbm>>) dst(%arg7 : memref<80x128xf32, #tpu.memory_space<vmem>>)
      %dma_start3A_87 = arith.constant 0 : i32
      %dma_start3A_88 = arith.constant 0 : i32
      %dma_start3A_89 = tpu.memref_slice %arg10[%dma_start3A_87, %dma_start3A_88] : memref<10112x128xf32, #tpu.memory_space<vmem_shared>> -> memref<10112x128xf32, #tpu.memory_space<vmem_shared>>
      tpu.enqueue_indirect_dma source(%arg7 : memref<80x128xf32, #tpu.memory_space<vmem>>) target(%dma_start3A_89 : memref<10112x128xf32, #tpu.memory_space<vmem_shared>>) offsets(%arg5 : memref<80xi32, #tpu.memory_space<vmem>>) semaphore(%arg13 : memref<!tpu.dma_semaphore, #tpu.memory_space<semaphore_mem>>) {add = true}
      %gt3A = arith.constant 0 : i32
      %gt3A_90 = arith.cmpi sgt, %scan3A_80, %gt3A : i32
      %convert_element_type3A = arith.extui %gt3A_90 : i1 to i32
      %cond3A = arith.constant 0 : i32
      %cond3A_91 = arith.cmpi ne, %convert_element_type3A, %cond3A : i32
      scf.if %cond3A_91 {
        %dma_wait3A_130 = arith.constant 0 : i32
        %dma_wait3A_131 = arith.constant 0 : i32
        %dma_wait3A_132 = tpu.memref_slice %arg10[%dma_wait3A_130, %dma_wait3A_131] : memref<10112x128xf32, #tpu.memory_space<vmem_shared>> -> memref<10112x128xf32, #tpu.memory_space<vmem_shared>>
        tpu.wait_indirect_dma semaphore(%arg14 : memref<!tpu.dma_semaphore, #tpu.memory_space<semaphore_mem>>) src(%arg8 : memref<80x128xf32, #tpu.memory_space<vmem>>) dst(%dma_wait3A_132 : memref<10112x128xf32, #tpu.memory_space<vmem_shared>>)
      } else {
      }
      %mul3A_92 = arith.constant 2 : i32
      %mul3A_93 = arith.muli %mul3A_92, %scan3A_80 : i32
      %add3A_94 = arith.constant 1 : i32
      %add3A_95 = arith.addi %mul3A_93, %add3A_94 : i32
      %mul3A_96 = arith.constant 80 : i32
      %mul3A_97 = arith.muli %add3A_95, %mul3A_96 : i32
      %add3A_98 = arith.addi %mul3A_2, %mul3A_97 : i32
      %dma_start3A_99 = tpu.memref_slice %arg3[%add3A_98] : memref<320000xi32, #tpu.memory_space<hbm>> -> memref<80xi32, #tpu.memory_space<hbm>>
      %dma_start3A_100 = tpu.memref_slice %arg3[%add3A_98] : memref<320000xi32, #tpu.memory_space<hbm>> -> memref<80xi32, #tpu.memory_space<hbm>>
      tpu.enqueue_dma source(%dma_start3A_100 : memref<80xi32, #tpu.memory_space<hbm>>) target(%arg6 : memref<80xi32, #tpu.memory_space<vmem>>) target_semaphore(%arg12 : memref<!tpu.dma_semaphore, #tpu.memory_space<semaphore_mem>>)
      %dma_start3A_101 = arith.constant 0 : i32
      %dma_start3A_102 = tpu.memref_slice %arg2[%add3A_98, %dma_start3A_101] : memref<320000x128xf32, #tpu.memory_space<hbm>> -> memref<80x128xf32, #tpu.memory_space<hbm>>
      %dma_start3A_103 = arith.constant 0 : i32
      %dma_start3A_104 = tpu.memref_slice %arg2[%add3A_98, %dma_start3A_103] : memref<320000x128xf32, #tpu.memory_space<hbm>> -> memref<80x128xf32, #tpu.memory_space<hbm>>
      tpu.enqueue_dma source(%dma_start3A_104 : memref<80x128xf32, #tpu.memory_space<hbm>>) target(%arg8 : memref<80x128xf32, #tpu.memory_space<vmem>>) target_semaphore(%arg12 : memref<!tpu.dma_semaphore, #tpu.memory_space<semaphore_mem>>)
      %dma_wait3A_105 = tpu.memref_slice %arg3[%mul3A_2] : memref<320000xi32, #tpu.memory_space<hbm>> -> memref<80xi32, #tpu.memory_space<hbm>>
      %dma_wait3A_106 = tpu.memref_slice %arg3[%mul3A_2] : memref<320000xi32, #tpu.memory_space<hbm>> -> memref<80xi32, #tpu.memory_space<hbm>>
      tpu.wait_dma2 semaphore(%arg12 : memref<!tpu.dma_semaphore, #tpu.memory_space<semaphore_mem>>) src(%dma_wait3A_106 : memref<80xi32, #tpu.memory_space<hbm>>) dst(%arg6 : memref<80xi32, #tpu.memory_space<vmem>>)
      %dma_wait3A_107 = arith.constant 0 : i32
      %dma_wait3A_108 = tpu.memref_slice %arg2[%mul3A_2, %dma_wait3A_107] : memref<320000x128xf32, #tpu.memory_space<hbm>> -> memref<80x128xf32, #tpu.memory_space<hbm>>
      %dma_wait3A_109 = arith.constant 0 : i32
      %dma_wait3A_110 = tpu.memref_slice %arg2[%mul3A_2, %dma_wait3A_109] : memref<320000x128xf32, #tpu.memory_space<hbm>> -> memref<80x128xf32, #tpu.memory_space<hbm>>
      tpu.wait_dma2 semaphore(%arg12 : memref<!tpu.dma_semaphore, #tpu.memory_space<semaphore_mem>>) src(%dma_wait3A_110 : memref<80x128xf32, #tpu.memory_space<hbm>>) dst(%arg8 : memref<80x128xf32, #tpu.memory_space<vmem>>)
      %dma_start3A_111 = arith.constant 0 : i32
      %dma_start3A_112 = arith.constant 0 : i32
      %dma_start3A_113 = tpu.memref_slice %arg10[%dma_start3A_111, %dma_start3A_112] : memref<10112x128xf32, #tpu.memory_space<vmem_shared>> -> memref<10112x128xf32, #tpu.memory_space<vmem_shared>>
      tpu.enqueue_indirect_dma source(%arg8 : memref<80x128xf32, #tpu.memory_space<vmem>>) target(%dma_start3A_113 : memref<10112x128xf32, #tpu.memory_space<vmem_shared>>) offsets(%arg6 : memref<80xi32, #tpu.memory_space<vmem>>) semaphore(%arg14 : memref<!tpu.dma_semaphore, #tpu.memory_space<semaphore_mem>>) {add = true}
      %dma_wait3A_114 = arith.constant 0 : i32
      %dma_wait3A_115 = arith.constant 0 : i32
      %dma_wait3A_116 = tpu.memref_slice %arg10[%dma_wait3A_114, %dma_wait3A_115] : memref<10112x128xf32, #tpu.memory_space<vmem_shared>> -> memref<10112x128xf32, #tpu.memory_space<vmem_shared>>
      tpu.wait_indirect_dma semaphore(%arg13 : memref<!tpu.dma_semaphore, #tpu.memory_space<semaphore_mem>>) src(%arg7 : memref<80x128xf32, #tpu.memory_space<vmem>>) dst(%dma_wait3A_116 : memref<10112x128xf32, #tpu.memory_space<vmem_shared>>)
      %mul3A_117 = arith.constant 2 : i32
      %mul3A_118 = arith.muli %mul3A_117, %scan3A_80 : i32
      %add3A_119 = arith.constant 2 : i32
      %add3A_120 = arith.addi %mul3A_118, %add3A_119 : i32
      %mul3A_121 = arith.constant 80 : i32
      %mul3A_122 = arith.muli %add3A_120, %mul3A_121 : i32
      %add3A_123 = arith.addi %mul3A_2, %mul3A_122 : i32
      %dma_start3A_124 = tpu.memref_slice %arg3[%add3A_123] : memref<320000xi32, #tpu.memory_space<hbm>> -> memref<80xi32, #tpu.memory_space<hbm>>
      %dma_start3A_125 = tpu.memref_slice %arg3[%add3A_123] : memref<320000xi32, #tpu.memory_space<hbm>> -> memref<80xi32, #tpu.memory_space<hbm>>
      tpu.enqueue_dma source(%dma_start3A_125 : memref<80xi32, #tpu.memory_space<hbm>>) target(%arg5 : memref<80xi32, #tpu.memory_space<vmem>>) target_semaphore(%arg11 : memref<!tpu.dma_semaphore, #tpu.memory_space<semaphore_mem>>)
      %dma_start3A_126 = arith.constant 0 : i32
      %dma_start3A_127 = tpu.memref_slice %arg2[%add3A_123, %dma_start3A_126] : memref<320000x128xf32, #tpu.memory_space<hbm>> -> memref<80x128xf32, #tpu.memory_space<hbm>>
      %dma_start3A_128 = arith.constant 0 : i32
      %dma_start3A_129 = tpu.memref_slice %arg2[%add3A_123, %dma_start3A_128] : memref<320000x128xf32, #tpu.memory_space<hbm>> -> memref<80x128xf32, #tpu.memory_space<hbm>>
      tpu.enqueue_dma source(%dma_start3A_129 : memref<80x128xf32, #tpu.memory_space<hbm>>) target(%arg7 : memref<80x128xf32, #tpu.memory_space<vmem>>) target_semaphore(%arg11 : memref<!tpu.dma_semaphore, #tpu.memory_space<semaphore_mem>>)
    }
    %scan3A_42 = arith.constant 62 : i32
    %dma_wait3A = tpu.memref_slice %arg3[%mul3A_2] : memref<320000xi32, #tpu.memory_space<hbm>> -> memref<80xi32, #tpu.memory_space<hbm>>
    %dma_wait3A_43 = tpu.memref_slice %arg3[%mul3A_2] : memref<320000xi32, #tpu.memory_space<hbm>> -> memref<80xi32, #tpu.memory_space<hbm>>
    tpu.wait_dma2 semaphore(%arg11 : memref<!tpu.dma_semaphore, #tpu.memory_space<semaphore_mem>>) src(%dma_wait3A_43 : memref<80xi32, #tpu.memory_space<hbm>>) dst(%arg5 : memref<80xi32, #tpu.memory_space<vmem>>)
    %dma_wait3A_44 = arith.constant 0 : i32
    %dma_wait3A_45 = tpu.memref_slice %arg2[%mul3A_2, %dma_wait3A_44] : memref<320000x128xf32, #tpu.memory_space<hbm>> -> memref<80x128xf32, #tpu.memory_space<hbm>>
    %dma_wait3A_46 = arith.constant 0 : i32
    %dma_wait3A_47 = tpu.memref_slice %arg2[%mul3A_2, %dma_wait3A_46] : memref<320000x128xf32, #tpu.memory_space<hbm>> -> memref<80x128xf32, #tpu.memory_space<hbm>>
    tpu.wait_dma2 semaphore(%arg11 : memref<!tpu.dma_semaphore, #tpu.memory_space<semaphore_mem>>) src(%dma_wait3A_47 : memref<80x128xf32, #tpu.memory_space<hbm>>) dst(%arg7 : memref<80x128xf32, #tpu.memory_space<vmem>>)
    %dma_start3A_48 = arith.constant 0 : i32
    %dma_start3A_49 = arith.constant 0 : i32
    %dma_start3A_50 = tpu.memref_slice %arg10[%dma_start3A_48, %dma_start3A_49] : memref<10112x128xf32, #tpu.memory_space<vmem_shared>> -> memref<10112x128xf32, #tpu.memory_space<vmem_shared>>
    tpu.enqueue_indirect_dma source(%arg7 : memref<80x128xf32, #tpu.memory_space<vmem>>) target(%dma_start3A_50 : memref<10112x128xf32, #tpu.memory_space<vmem_shared>>) offsets(%arg5 : memref<80xi32, #tpu.memory_space<vmem>>) semaphore(%arg13 : memref<!tpu.dma_semaphore, #tpu.memory_space<semaphore_mem>>) {add = true}
    %dma_wait3A_51 = arith.constant 0 : i32
    %dma_wait3A_52 = arith.constant 0 : i32
    %dma_wait3A_53 = tpu.memref_slice %arg10[%dma_wait3A_51, %dma_wait3A_52] : memref<10112x128xf32, #tpu.memory_space<vmem_shared>> -> memref<10112x128xf32, #tpu.memory_space<vmem_shared>>
    tpu.wait_indirect_dma semaphore(%arg14 : memref<!tpu.dma_semaphore, #tpu.memory_space<semaphore_mem>>) src(%arg8 : memref<80x128xf32, #tpu.memory_space<vmem>>) dst(%dma_wait3A_53 : memref<10112x128xf32, #tpu.memory_space<vmem_shared>>)
    %dma_wait3A_54 = arith.constant 0 : i32
    %dma_wait3A_55 = arith.constant 0 : i32
    %dma_wait3A_56 = tpu.memref_slice %arg10[%dma_wait3A_54, %dma_wait3A_55] : memref<10112x128xf32, #tpu.memory_space<vmem_shared>> -> memref<10112x128xf32, #tpu.memory_space<vmem_shared>>
    tpu.wait_indirect_dma semaphore(%arg13 : memref<!tpu.dma_semaphore, #tpu.memory_space<semaphore_mem>>) src(%arg7 : memref<80x128xf32, #tpu.memory_space<vmem>>) dst(%dma_wait3A_56 : memref<10112x128xf32, #tpu.memory_space<vmem_shared>>)
    %barrier3A_57 = arith.constant 0 : index
    tpu.barrier barrier_id(%barrier3A_57)
    %mul3A_58 = arith.constant 632 : i32
    %mul3A_59 = arith.muli %arg1, %mul3A_58 : i32
    %add3A_60 = arith.constant 0 : i32
    %add3A_61 = arith.addi %mul3A_59, %add3A_60 : i32
    "tpu.region"() ({
      %run_scoped3A = tpu.sem_alloc : memref<!tpu.dma_semaphore, #tpu.memory_space<semaphore_mem>>
      %dma_start3A_80 = arith.constant 0 : i32
      %dma_start3A_81 = tpu.memref_slice %arg10[%add3A_61, %dma_start3A_80] : memref<10112x128xf32, #tpu.memory_space<vmem_shared>> -> memref<128x128xf32, #tpu.memory_space<vmem_shared>>
      %dma_start3A_82 = arith.constant 0 : i32
      %dma_start3A_83 = tpu.memref_slice %arg10[%add3A_61, %dma_start3A_82] : memref<10112x128xf32, #tpu.memory_space<vmem_shared>> -> memref<128x128xf32, #tpu.memory_space<vmem_shared>>
      tpu.enqueue_dma source(%dma_start3A_83 : memref<128x128xf32, #tpu.memory_space<vmem_shared>>) target(%arg9 : memref<128x128xf32, #tpu.memory_space<vmem>>) target_semaphore(%run_scoped3A : memref<!tpu.dma_semaphore, #tpu.memory_space<semaphore_mem>>)
      %dma_wait3A_84 = arith.constant 0 : i32
      %dma_wait3A_85 = tpu.memref_slice %arg10[%add3A_61, %dma_wait3A_84] : memref<10112x128xf32, #tpu.memory_space<vmem_shared>> -> memref<128x128xf32, #tpu.memory_space<vmem_shared>>
      %dma_wait3A_86 = arith.constant 0 : i32
      %dma_wait3A_87 = tpu.memref_slice %arg10[%add3A_61, %dma_wait3A_86] : memref<10112x128xf32, #tpu.memory_space<vmem_shared>> -> memref<128x128xf32, #tpu.memory_space<vmem_shared>>
      tpu.wait_dma2 semaphore(%run_scoped3A : memref<!tpu.dma_semaphore, #tpu.memory_space<semaphore_mem>>) src(%dma_wait3A_87 : memref<128x128xf32, #tpu.memory_space<vmem_shared>>) dst(%arg9 : memref<128x128xf32, #tpu.memory_space<vmem>>)
      tpu.yield
    }) : () -> ()
    "tpu.region"() ({
      %run_scoped3A = tpu.sem_alloc : memref<!tpu.dma_semaphore, #tpu.memory_space<semaphore_mem>>
      %dma_start3A_80 = arith.constant 0 : i32
      %dma_start3A_81 = tpu.memref_slice %arg4[%arg0, %add3A_61, %dma_start3A_80] : memref<2x10112x128xf32, #tpu.memory_space<hbm>> -> memref<1x128x128xf32, #tpu.memory_space<hbm>>
      %dma_start3A_82 = tpu.memref_squeeze %dma_start3A_81 : memref<1x128x128xf32, #tpu.memory_space<hbm>> -> memref<128x128xf32, #tpu.memory_space<hbm>>
      %dma_start3A_83 = arith.constant 0 : i32
      %dma_start3A_84 = tpu.memref_slice %arg4[%arg0, %add3A_61, %dma_start3A_83] : memref<2x10112x128xf32, #tpu.memory_space<hbm>> -> memref<1x128x128xf32, #tpu.memory_space<hbm>>
      %dma_start3A_85 = tpu.memref_squeeze %dma_start3A_84 : memref<1x128x128xf32, #tpu.memory_space<hbm>> -> memref<128x128xf32, #tpu.memory_space<hbm>>
      tpu.enqueue_dma source(%arg9 : memref<128x128xf32, #tpu.memory_space<vmem>>) target(%dma_start3A_85 : memref<128x128xf32, #tpu.memory_space<hbm>>) target_semaphore(%run_scoped3A : memref<!tpu.dma_semaphore, #tpu.memory_space<semaphore_mem>>)
      %dma_wait3A_86 = arith.constant 0 : i32
      %dma_wait3A_87 = tpu.memref_slice %arg4[%arg0, %add3A_61, %dma_wait3A_86] : memref<2x10112x128xf32, #tpu.memory_space<hbm>> -> memref<1x128x128xf32, #tpu.memory_space<hbm>>
      %dma_wait3A_88 = tpu.memref_squeeze %dma_wait3A_87 : memref<1x128x128xf32, #tpu.memory_space<hbm>> -> memref<128x128xf32, #tpu.memory_space<hbm>>
      %dma_wait3A_89 = arith.constant 0 : i32
      %dma_wait3A_90 = tpu.memref_slice %arg4[%arg0, %add3A_61, %dma_wait3A_89] : memref<2x10112x128xf32, #tpu.memory_space<hbm>> -> memref<1x128x128xf32, #tpu.memory_space<hbm>>
      %dma_wait3A_91 = tpu.memref_squeeze %dma_wait3A_90 : memref<1x128x128xf32, #tpu.memory_space<hbm>> -> memref<128x128xf32, #tpu.memory_space<hbm>>
      tpu.wait_dma2 semaphore(%run_scoped3A : memref<!tpu.dma_semaphore, #tpu.memory_space<semaphore_mem>>) src(%arg9 : memref<128x128xf32, #tpu.memory_space<vmem>>) dst(%dma_wait3A_91 : memref<128x128xf32, #tpu.memory_space<hbm>>)
      tpu.yield
    }) : () -> ()
    %mul3A_62 = arith.constant 632 : i32
    %mul3A_63 = arith.muli %arg1, %mul3A_62 : i32
    %add3A_64 = arith.constant 128 : i32
    %add3A_65 = arith.addi %mul3A_63, %add3A_64 : i32
    "tpu.region"() ({
      %run_scoped3A = tpu.sem_alloc : memref<!tpu.dma_semaphore, #tpu.memory_space<semaphore_mem>>
      %dma_start3A_80 = arith.constant 0 : i32
      %dma_start3A_81 = tpu.memref_slice %arg10[%add3A_65, %dma_start3A_80] : memref<10112x128xf32, #tpu.memory_space<vmem_shared>> -> memref<128x128xf32, #tpu.memory_space<vmem_shared>>
      %dma_start3A_82 = arith.constant 0 : i32
      %dma_start3A_83 = tpu.memref_slice %arg10[%add3A_65, %dma_start3A_82] : memref<10112x128xf32, #tpu.memory_space<vmem_shared>> -> memref<128x128xf32, #tpu.memory_space<vmem_shared>>
      tpu.enqueue_dma source(%dma_start3A_83 : memref<128x128xf32, #tpu.memory_space<vmem_shared>>) target(%arg9 : memref<128x128xf32, #tpu.memory_space<vmem>>) target_semaphore(%run_scoped3A : memref<!tpu.dma_semaphore, #tpu.memory_space<semaphore_mem>>)
      %dma_wait3A_84 = arith.constant 0 : i32
      %dma_wait3A_85 = tpu.memref_slice %arg10[%add3A_65, %dma_wait3A_84] : memref<10112x128xf32, #tpu.memory_space<vmem_shared>> -> memref<128x128xf32, #tpu.memory_space<vmem_shared>>
      %dma_wait3A_86 = arith.constant 0 : i32
      %dma_wait3A_87 = tpu.memref_slice %arg10[%add3A_65, %dma_wait3A_86] : memref<10112x128xf32, #tpu.memory_space<vmem_shared>> -> memref<128x128xf32, #tpu.memory_space<vmem_shared>>
      tpu.wait_dma2 semaphore(%run_scoped3A : memref<!tpu.dma_semaphore, #tpu.memory_space<semaphore_mem>>) src(%dma_wait3A_87 : memref<128x128xf32, #tpu.memory_space<vmem_shared>>) dst(%arg9 : memref<128x128xf32, #tpu.memory_space<vmem>>)
      tpu.yield
    }) : () -> ()
    "tpu.region"() ({
      %run_scoped3A = tpu.sem_alloc : memref<!tpu.dma_semaphore, #tpu.memory_space<semaphore_mem>>
      %dma_start3A_80 = arith.constant 0 : i32
      %dma_start3A_81 = tpu.memref_slice %arg4[%arg0, %add3A_65, %dma_start3A_80] : memref<2x10112x128xf32, #tpu.memory_space<hbm>> -> memref<1x128x128xf32, #tpu.memory_space<hbm>>
      %dma_start3A_82 = tpu.memref_squeeze %dma_start3A_81 : memref<1x128x128xf32, #tpu.memory_space<hbm>> -> memref<128x128xf32, #tpu.memory_space<hbm>>
      %dma_start3A_83 = arith.constant 0 : i32
      %dma_start3A_84 = tpu.memref_slice %arg4[%arg0, %add3A_65, %dma_start3A_83] : memref<2x10112x128xf32, #tpu.memory_space<hbm>> -> memref<1x128x128xf32, #tpu.memory_space<hbm>>
      %dma_start3A_85 = tpu.memref_squeeze %dma_start3A_84 : memref<1x128x128xf32, #tpu.memory_space<hbm>> -> memref<128x128xf32, #tpu.memory_space<hbm>>
      tpu.enqueue_dma source(%arg9 : memref<128x128xf32, #tpu.memory_space<vmem>>) target(%dma_start3A_85 : memref<128x128xf32, #tpu.memory_space<hbm>>) target_semaphore(%run_scoped3A : memref<!tpu.dma_semaphore, #tpu.memory_space<semaphore_mem>>)
      %dma_wait3A_86 = arith.constant 0 : i32
      %dma_wait3A_87 = tpu.memref_slice %arg4[%arg0, %add3A_65, %dma_wait3A_86] : memref<2x10112x128xf32, #tpu.memory_space<hbm>> -> memref<1x128x128xf32, #tpu.memory_space<hbm>>
      %dma_wait3A_88 = tpu.memref_squeeze %dma_wait3A_87 : memref<1x128x128xf32, #tpu.memory_space<hbm>> -> memref<128x128xf32, #tpu.memory_space<hbm>>
      %dma_wait3A_89 = arith.constant 0 : i32
      %dma_wait3A_90 = tpu.memref_slice %arg4[%arg0, %add3A_65, %dma_wait3A_89] : memref<2x10112x128xf32, #tpu.memory_space<hbm>> -> memref<1x128x128xf32, #tpu.memory_space<hbm>>
      %dma_wait3A_91 = tpu.memref_squeeze %dma_wait3A_90 : memref<1x128x128xf32, #tpu.memory_space<hbm>> -> memref<128x128xf32, #tpu.memory_space<hbm>>
      tpu.wait_dma2 semaphore(%run_scoped3A : memref<!tpu.dma_semaphore, #tpu.memory_space<semaphore_mem>>) src(%arg9 : memref<128x128xf32, #tpu.memory_space<vmem>>) dst(%dma_wait3A_91 : memref<128x128xf32, #tpu.memory_space<hbm>>)
      tpu.yield
    }) : () -> ()
    %mul3A_66 = arith.constant 632 : i32
    %mul3A_67 = arith.muli %arg1, %mul3A_66 : i32
    %add3A_68 = arith.constant 256 : i32
    %add3A_69 = arith.addi %mul3A_67, %add3A_68 : i32
    "tpu.region"() ({
      %run_scoped3A = tpu.sem_alloc : memref<!tpu.dma_semaphore, #tpu.memory_space<semaphore_mem>>
      %dma_start3A_80 = arith.constant 0 : i32
      %dma_start3A_81 = tpu.memref_slice %arg10[%add3A_69, %dma_start3A_80] : memref<10112x128xf32, #tpu.memory_space<vmem_shared>> -> memref<128x128xf32, #tpu.memory_space<vmem_shared>>
      %dma_start3A_82 = arith.constant 0 : i32
      %dma_start3A_83 = tpu.memref_slice %arg10[%add3A_69, %dma_start3A_82] : memref<10112x128xf32, #tpu.memory_space<vmem_shared>> -> memref<128x128xf32, #tpu.memory_space<vmem_shared>>
      tpu.enqueue_dma source(%dma_start3A_83 : memref<128x128xf32, #tpu.memory_space<vmem_shared>>) target(%arg9 : memref<128x128xf32, #tpu.memory_space<vmem>>) target_semaphore(%run_scoped3A : memref<!tpu.dma_semaphore, #tpu.memory_space<semaphore_mem>>)
      %dma_wait3A_84 = arith.constant 0 : i32
      %dma_wait3A_85 = tpu.memref_slice %arg10[%add3A_69, %dma_wait3A_84] : memref<10112x128xf32, #tpu.memory_space<vmem_shared>> -> memref<128x128xf32, #tpu.memory_space<vmem_shared>>
      %dma_wait3A_86 = arith.constant 0 : i32
      %dma_wait3A_87 = tpu.memref_slice %arg10[%add3A_69, %dma_wait3A_86] : memref<10112x128xf32, #tpu.memory_space<vmem_shared>> -> memref<128x128xf32, #tpu.memory_space<vmem_shared>>
      tpu.wait_dma2 semaphore(%run_scoped3A : memref<!tpu.dma_semaphore, #tpu.memory_space<semaphore_mem>>) src(%dma_wait3A_87 : memref<128x128xf32, #tpu.memory_space<vmem_shared>>) dst(%arg9 : memref<128x128xf32, #tpu.memory_space<vmem>>)
      tpu.yield
    }) : () -> ()
    "tpu.region"() ({
      %run_scoped3A = tpu.sem_alloc : memref<!tpu.dma_semaphore, #tpu.memory_space<semaphore_mem>>
      %dma_start3A_80 = arith.constant 0 : i32
      %dma_start3A_81 = tpu.memref_slice %arg4[%arg0, %add3A_69, %dma_start3A_80] : memref<2x10112x128xf32, #tpu.memory_space<hbm>> -> memref<1x128x128xf32, #tpu.memory_space<hbm>>
      %dma_start3A_82 = tpu.memref_squeeze %dma_start3A_81 : memref<1x128x128xf32, #tpu.memory_space<hbm>> -> memref<128x128xf32, #tpu.memory_space<hbm>>
      %dma_start3A_83 = arith.constant 0 : i32
      %dma_start3A_84 = tpu.memref_slice %arg4[%arg0, %add3A_69, %dma_start3A_83] : memref<2x10112x128xf32, #tpu.memory_space<hbm>> -> memref<1x128x128xf32, #tpu.memory_space<hbm>>
      %dma_start3A_85 = tpu.memref_squeeze %dma_start3A_84 : memref<1x128x128xf32, #tpu.memory_space<hbm>> -> memref<128x128xf32, #tpu.memory_space<hbm>>
      tpu.enqueue_dma source(%arg9 : memref<128x128xf32, #tpu.memory_space<vmem>>) target(%dma_start3A_85 : memref<128x128xf32, #tpu.memory_space<hbm>>) target_semaphore(%run_scoped3A : memref<!tpu.dma_semaphore, #tpu.memory_space<semaphore_mem>>)
      %dma_wait3A_86 = arith.constant 0 : i32
      %dma_wait3A_87 = tpu.memref_slice %arg4[%arg0, %add3A_69, %dma_wait3A_86] : memref<2x10112x128xf32, #tpu.memory_space<hbm>> -> memref<1x128x128xf32, #tpu.memory_space<hbm>>
      %dma_wait3A_88 = tpu.memref_squeeze %dma_wait3A_87 : memref<1x128x128xf32, #tpu.memory_space<hbm>> -> memref<128x128xf32, #tpu.memory_space<hbm>>
      %dma_wait3A_89 = arith.constant 0 : i32
      %dma_wait3A_90 = tpu.memref_slice %arg4[%arg0, %add3A_69, %dma_wait3A_89] : memref<2x10112x128xf32, #tpu.memory_space<hbm>> -> memref<1x128x128xf32, #tpu.memory_space<hbm>>
      %dma_wait3A_91 = tpu.memref_squeeze %dma_wait3A_90 : memref<1x128x128xf32, #tpu.memory_space<hbm>> -> memref<128x128xf32, #tpu.memory_space<hbm>>
      tpu.wait_dma2 semaphore(%run_scoped3A : memref<!tpu.dma_semaphore, #tpu.memory_space<semaphore_mem>>) src(%arg9 : memref<128x128xf32, #tpu.memory_space<vmem>>) dst(%dma_wait3A_91 : memref<128x128xf32, #tpu.memory_space<hbm>>)
      tpu.yield
    }) : () -> ()
    %mul3A_70 = arith.constant 632 : i32
    %mul3A_71 = arith.muli %arg1, %mul3A_70 : i32
    %add3A_72 = arith.constant 384 : i32
    %add3A_73 = arith.addi %mul3A_71, %add3A_72 : i32
    "tpu.region"() ({
      %run_scoped3A = tpu.sem_alloc : memref<!tpu.dma_semaphore, #tpu.memory_space<semaphore_mem>>
      %dma_start3A_80 = arith.constant 0 : i32
      %dma_start3A_81 = tpu.memref_slice %arg10[%add3A_73, %dma_start3A_80] : memref<10112x128xf32, #tpu.memory_space<vmem_shared>> -> memref<128x128xf32, #tpu.memory_space<vmem_shared>>
      %dma_start3A_82 = arith.constant 0 : i32
      %dma_start3A_83 = tpu.memref_slice %arg10[%add3A_73, %dma_start3A_82] : memref<10112x128xf32, #tpu.memory_space<vmem_shared>> -> memref<128x128xf32, #tpu.memory_space<vmem_shared>>
      tpu.enqueue_dma source(%dma_start3A_83 : memref<128x128xf32, #tpu.memory_space<vmem_shared>>) target(%arg9 : memref<128x128xf32, #tpu.memory_space<vmem>>) target_semaphore(%run_scoped3A : memref<!tpu.dma_semaphore, #tpu.memory_space<semaphore_mem>>)
      %dma_wait3A_84 = arith.constant 0 : i32
      %dma_wait3A_85 = tpu.memref_slice %arg10[%add3A_73, %dma_wait3A_84] : memref<10112x128xf32, #tpu.memory_space<vmem_shared>> -> memref<128x128xf32, #tpu.memory_space<vmem_shared>>
      %dma_wait3A_86 = arith.constant 0 : i32
      %dma_wait3A_87 = tpu.memref_slice %arg10[%add3A_73, %dma_wait3A_86] : memref<10112x128xf32, #tpu.memory_space<vmem_shared>> -> memref<128x128xf32, #tpu.memory_space<vmem_shared>>
      tpu.wait_dma2 semaphore(%run_scoped3A : memref<!tpu.dma_semaphore, #tpu.memory_space<semaphore_mem>>) src(%dma_wait3A_87 : memref<128x128xf32, #tpu.memory_space<vmem_shared>>) dst(%arg9 : memref<128x128xf32, #tpu.memory_space<vmem>>)
      tpu.yield
    }) : () -> ()
    "tpu.region"() ({
      %run_scoped3A = tpu.sem_alloc : memref<!tpu.dma_semaphore, #tpu.memory_space<semaphore_mem>>
      %dma_start3A_80 = arith.constant 0 : i32
      %dma_start3A_81 = tpu.memref_slice %arg4[%arg0, %add3A_73, %dma_start3A_80] : memref<2x10112x128xf32, #tpu.memory_space<hbm>> -> memref<1x128x128xf32, #tpu.memory_space<hbm>>
      %dma_start3A_82 = tpu.memref_squeeze %dma_start3A_81 : memref<1x128x128xf32, #tpu.memory_space<hbm>> -> memref<128x128xf32, #tpu.memory_space<hbm>>
      %dma_start3A_83 = arith.constant 0 : i32
      %dma_start3A_84 = tpu.memref_slice %arg4[%arg0, %add3A_73, %dma_start3A_83] : memref<2x10112x128xf32, #tpu.memory_space<hbm>> -> memref<1x128x128xf32, #tpu.memory_space<hbm>>
      %dma_start3A_85 = tpu.memref_squeeze %dma_start3A_84 : memref<1x128x128xf32, #tpu.memory_space<hbm>> -> memref<128x128xf32, #tpu.memory_space<hbm>>
      tpu.enqueue_dma source(%arg9 : memref<128x128xf32, #tpu.memory_space<vmem>>) target(%dma_start3A_85 : memref<128x128xf32, #tpu.memory_space<hbm>>) target_semaphore(%run_scoped3A : memref<!tpu.dma_semaphore, #tpu.memory_space<semaphore_mem>>)
      %dma_wait3A_86 = arith.constant 0 : i32
      %dma_wait3A_87 = tpu.memref_slice %arg4[%arg0, %add3A_73, %dma_wait3A_86] : memref<2x10112x128xf32, #tpu.memory_space<hbm>> -> memref<1x128x128xf32, #tpu.memory_space<hbm>>
      %dma_wait3A_88 = tpu.memref_squeeze %dma_wait3A_87 : memref<1x128x128xf32, #tpu.memory_space<hbm>> -> memref<128x128xf32, #tpu.memory_space<hbm>>
      %dma_wait3A_89 = arith.constant 0 : i32
      %dma_wait3A_90 = tpu.memref_slice %arg4[%arg0, %add3A_73, %dma_wait3A_89] : memref<2x10112x128xf32, #tpu.memory_space<hbm>> -> memref<1x128x128xf32, #tpu.memory_space<hbm>>
      %dma_wait3A_91 = tpu.memref_squeeze %dma_wait3A_90 : memref<1x128x128xf32, #tpu.memory_space<hbm>> -> memref<128x128xf32, #tpu.memory_space<hbm>>
      tpu.wait_dma2 semaphore(%run_scoped3A : memref<!tpu.dma_semaphore, #tpu.memory_space<semaphore_mem>>) src(%arg9 : memref<128x128xf32, #tpu.memory_space<vmem>>) dst(%dma_wait3A_91 : memref<128x128xf32, #tpu.memory_space<hbm>>)
      tpu.yield
    }) : () -> ()
    %mul3A_74 = arith.constant 632 : i32
    %mul3A_75 = arith.muli %arg1, %mul3A_74 : i32
    %add3A_76 = arith.constant 632 : i32
    %add3A_77 = arith.addi %mul3A_75, %add3A_76 : i32
    %sub3A_78 = arith.constant 120 : i32
    %sub3A_79 = arith.subi %add3A_77, %sub3A_78 : i32
    "tpu.region"() ({
      %run_scoped3A = tpu.sem_alloc : memref<!tpu.dma_semaphore, #tpu.memory_space<semaphore_mem>>
      %dma_start3A_80 = arith.constant 0 : i32
      %dma_start3A_81 = arith.constant 0 : i32
      %dma_start3A_82 = tpu.memref_slice %arg9[%dma_start3A_80, %dma_start3A_81] : memref<128x128xf32, #tpu.memory_space<vmem>> -> memref<120x128xf32, #tpu.memory_space<vmem>>
      %dma_start3A_83 = arith.constant 0 : i32
      %dma_start3A_84 = tpu.memref_slice %arg10[%sub3A_79, %dma_start3A_83] : memref<10112x128xf32, #tpu.memory_space<vmem_shared>> -> memref<120x128xf32, #tpu.memory_space<vmem_shared>>
      %dma_start3A_85 = arith.constant 0 : i32
      %dma_start3A_86 = arith.constant 0 : i32
      %dma_start3A_87 = tpu.memref_slice %arg9[%dma_start3A_85, %dma_start3A_86] : memref<128x128xf32, #tpu.memory_space<vmem>> -> memref<120x128xf32, #tpu.memory_space<vmem>>
      %dma_start3A_88 = arith.constant 0 : i32
      %dma_start3A_89 = tpu.memref_slice %arg10[%sub3A_79, %dma_start3A_88] : memref<10112x128xf32, #tpu.memory_space<vmem_shared>> -> memref<120x128xf32, #tpu.memory_space<vmem_shared>>
      tpu.enqueue_dma source(%dma_start3A_89 : memref<120x128xf32, #tpu.memory_space<vmem_shared>>) target(%dma_start3A_87 : memref<120x128xf32, #tpu.memory_space<vmem>>) target_semaphore(%run_scoped3A : memref<!tpu.dma_semaphore, #tpu.memory_space<semaphore_mem>>)
      %dma_wait3A_90 = arith.constant 0 : i32
      %dma_wait3A_91 = arith.constant 0 : i32
      %dma_wait3A_92 = tpu.memref_slice %arg9[%dma_wait3A_90, %dma_wait3A_91] : memref<128x128xf32, #tpu.memory_space<vmem>> -> memref<120x128xf32, #tpu.memory_space<vmem>>
      %dma_wait3A_93 = arith.constant 0 : i32
      %dma_wait3A_94 = tpu.memref_slice %arg10[%sub3A_79, %dma_wait3A_93] : memref<10112x128xf32, #tpu.memory_space<vmem_shared>> -> memref<120x128xf32, #tpu.memory_space<vmem_shared>>
      %dma_wait3A_95 = arith.constant 0 : i32
      %dma_wait3A_96 = arith.constant 0 : i32
      %dma_wait3A_97 = tpu.memref_slice %arg9[%dma_wait3A_95, %dma_wait3A_96] : memref<128x128xf32, #tpu.memory_space<vmem>> -> memref<120x128xf32, #tpu.memory_space<vmem>>
      %dma_wait3A_98 = arith.constant 0 : i32
      %dma_wait3A_99 = tpu.memref_slice %arg10[%sub3A_79, %dma_wait3A_98] : memref<10112x128xf32, #tpu.memory_space<vmem_shared>> -> memref<120x128xf32, #tpu.memory_space<vmem_shared>>
      tpu.wait_dma2 semaphore(%run_scoped3A : memref<!tpu.dma_semaphore, #tpu.memory_space<semaphore_mem>>) src(%dma_wait3A_99 : memref<120x128xf32, #tpu.memory_space<vmem_shared>>) dst(%dma_wait3A_97 : memref<120x128xf32, #tpu.memory_space<vmem>>)
      tpu.yield
    }) : () -> ()
    "tpu.region"() ({
      %run_scoped3A = tpu.sem_alloc : memref<!tpu.dma_semaphore, #tpu.memory_space<semaphore_mem>>
      %dma_start3A_80 = arith.constant 0 : i32
      %dma_start3A_81 = arith.constant 0 : i32
      %dma_start3A_82 = tpu.memref_slice %arg9[%dma_start3A_80, %dma_start3A_81] : memref<128x128xf32, #tpu.memory_space<vmem>> -> memref<120x128xf32, #tpu.memory_space<vmem>>
      %dma_start3A_83 = arith.constant 0 : i32
      %dma_start3A_84 = tpu.memref_slice %arg4[%arg0, %sub3A_79, %dma_start3A_83] : memref<2x10112x128xf32, #tpu.memory_space<hbm>> -> memref<1x120x128xf32, #tpu.memory_space<hbm>>
      %dma_start3A_85 = tpu.memref_squeeze %dma_start3A_84 : memref<1x120x128xf32, #tpu.memory_space<hbm>> -> memref<120x128xf32, #tpu.memory_space<hbm>>
      %dma_start3A_86 = arith.constant 0 : i32
      %dma_start3A_87 = tpu.memref_slice %arg4[%arg0, %sub3A_79, %dma_start3A_86] : memref<2x10112x128xf32, #tpu.memory_space<hbm>> -> memref<1x120x128xf32, #tpu.memory_space<hbm>>
      %dma_start3A_88 = tpu.memref_squeeze %dma_start3A_87 : memref<1x120x128xf32, #tpu.memory_space<hbm>> -> memref<120x128xf32, #tpu.memory_space<hbm>>
      %dma_start3A_89 = arith.constant 0 : i32
      %dma_start3A_90 = arith.constant 0 : i32
      %dma_start3A_91 = tpu.memref_slice %arg9[%dma_start3A_89, %dma_start3A_90] : memref<128x128xf32, #tpu.memory_space<vmem>> -> memref<120x128xf32, #tpu.memory_space<vmem>>
      tpu.enqueue_dma source(%dma_start3A_91 : memref<120x128xf32, #tpu.memory_space<vmem>>) target(%dma_start3A_88 : memref<120x128xf32, #tpu.memory_space<hbm>>) target_semaphore(%run_scoped3A : memref<!tpu.dma_semaphore, #tpu.memory_space<semaphore_mem>>)
      %dma_wait3A_92 = arith.constant 0 : i32
      %dma_wait3A_93 = arith.constant 0 : i32
      %dma_wait3A_94 = tpu.memref_slice %arg9[%dma_wait3A_92, %dma_wait3A_93] : memref<128x128xf32, #tpu.memory_space<vmem>> -> memref<120x128xf32, #tpu.memory_space<vmem>>
      %dma_wait3A_95 = arith.constant 0 : i32
      %dma_wait3A_96 = tpu.memref_slice %arg4[%arg0, %sub3A_79, %dma_wait3A_95] : memref<2x10112x128xf32, #tpu.memory_space<hbm>> -> memref<1x120x128xf32, #tpu.memory_space<hbm>>
      %dma_wait3A_97 = tpu.memref_squeeze %dma_wait3A_96 : memref<1x120x128xf32, #tpu.memory_space<hbm>> -> memref<120x128xf32, #tpu.memory_space<hbm>>
      %dma_wait3A_98 = arith.constant 0 : i32
      %dma_wait3A_99 = tpu.memref_slice %arg4[%arg0, %sub3A_79, %dma_wait3A_98] : memref<2x10112x128xf32, #tpu.memory_space<hbm>> -> memref<1x120x128xf32, #tpu.memory_space<hbm>>
      %dma_wait3A_100 = tpu.memref_squeeze %dma_wait3A_99 : memref<1x120x128xf32, #tpu.memory_space<hbm>> -> memref<120x128xf32, #tpu.memory_space<hbm>>
      %dma_wait3A_101 = arith.constant 0 : i32
      %dma_wait3A_102 = arith.constant 0 : i32
      %dma_wait3A_103 = tpu.memref_slice %arg9[%dma_wait3A_101, %dma_wait3A_102] : memref<128x128xf32, #tpu.memory_space<vmem>> -> memref<120x128xf32, #tpu.memory_space<vmem>>
      tpu.wait_dma2 semaphore(%run_scoped3A : memref<!tpu.dma_semaphore, #tpu.memory_space<semaphore_mem>>) src(%dma_wait3A_103 : memref<120x128xf32, #tpu.memory_space<vmem>>) dst(%dma_wait3A_100 : memref<120x128xf32, #tpu.memory_space<hbm>>)
      tpu.yield
    }) : () -> ()
    return
  }
}

module attributes {stable_mosaic.version = 14 : i64} {
  func.func @_fc_body(%arg0: i32, %arg1: memref<2000x128xf32, #tpu.memory_space<vmem>>, %arg2: memref<128x128xf32, #tpu.memory_space<vmem>>, %arg3: memref<1x128xf32, #tpu.memory_space<vmem>>, %arg4: memref<2000x128xf32, #tpu.memory_space<vmem>>) attributes {dimension_semantics = [#tpu.dimension_semantics<arbitrary>], iteration_bounds = array<i64: 5>, scalar_prefetch = 0 : i64, scratch_operands = 0 : i64, tpu.core_type = #tpu.core_type<tc>, window_params = [{transform_indices = @transform_0, window_bounds = array<i64: 2000, 128>}, {pipeline_mode = #tpu.pipeline_mode<synchronous>, transform_indices = @transform_1, window_bounds = array<i64: 128, 128>}, {pipeline_mode = #tpu.pipeline_mode<synchronous>, transform_indices = @transform_2, window_bounds = array<i64: 1, 128>}, {transform_indices = @transform_3, window_bounds = array<i64: 2000, 128>}]} {
    %get3A = arith.constant 0 : index
    %get3A_0 = arith.constant 0 : index
    %get3A_1 = vector.load %arg1[%get3A, %get3A_0] : memref<2000x128xf32, #tpu.memory_space<vmem>>, vector<2000x128xf32>
    %get3A_2 = arith.constant 0 : index
    %get3A_3 = arith.constant 0 : index
    %get3A_4 = vector.load %arg2[%get3A_2, %get3A_3] : memref<128x128xf32, #tpu.memory_space<vmem>>, vector<128x128xf32>
    %dot_general3A = arith.constant dense<0.000000e+00> : vector<2000x128xf32>
    %dot_general3A_5 = tpu.matmul %get3A_1, %get3A_4, %dot_general3A {dimension_numbers = #tpu.dot_dimension_numbers<[1], [0], [0], [1], [0, 0, 1, 1], [], []>, precision = #tpu.contract_precision<fp32>, transpose_lhs_hint = false} : vector<2000x128xf32>, vector<128x128xf32>, vector<2000x128xf32> -> vector<2000x128xf32>
    %get3A_6 = arith.constant 0 : index
    %get3A_7 = arith.constant 0 : index
    %get3A_8 = vector.load %arg3[%get3A_6, %get3A_7] : memref<1x128xf32, #tpu.memory_space<vmem>>, vector<1x128xf32>
    %add3A = vector.broadcast %get3A_8 : vector<1x128xf32> to vector<2000x128xf32>
    %add3A_9 = arith.addf %dot_general3A_5, %add3A : vector<2000x128xf32>
    %swap3A = arith.constant 0 : index
    %swap3A_10 = arith.constant 0 : index
    %swap3A_11 = vector.load %arg4[%swap3A, %swap3A_10] : memref<2000x128xf32, #tpu.memory_space<vmem>>, vector<2000x128xf32>
    tpu.vector_store %arg4[%swap3A, %swap3A_10], %add3A_9 {strides = array<i32>} : memref<2000x128xf32, #tpu.memory_space<vmem>>, vector<2000x128xf32>,
    return
  }
  func.func @transform_0(%arg0: i32) -> (i32, i32) {
    %c0_i32 = arith.constant 0 : i32
    %c0_i32_0 = arith.constant 0 : i32
    return %arg0, %c0_i32 : i32, i32
  }
  func.func @transform_1(%arg0: i32) -> (i32, i32) {
    %c0_i32 = arith.constant 0 : i32
    %c0_i32_0 = arith.constant 0 : i32
    %c0_i32_1 = arith.constant 0 : i32
    return %c0_i32, %c0_i32_0 : i32, i32
  }
  func.func @transform_2(%arg0: i32) -> (i32, i32) {
    %c0_i32 = arith.constant 0 : i32
    %c0_i32_0 = arith.constant 0 : i32
    %c0_i32_1 = arith.constant 0 : i32
    return %c0_i32, %c0_i32_0 : i32, i32
  }
  func.func @transform_3(%arg0: i32) -> (i32, i32) {
    %c0_i32 = arith.constant 0 : i32
    %c0_i32_0 = arith.constant 0 : i32
    return %arg0, %c0_i32 : i32, i32
  }
}

module attributes {stable_mosaic.version = 14 : i64} {
  func.func @_ro_body(%arg0: i32, %arg1: memref<2000x128xf32, #tpu.memory_space<vmem>>, %arg2: memref<2000x128xf32, #tpu.memory_space<vmem>>, %arg3: memref<1x1x2000xi32, #tpu.memory_space<vmem>>, %arg4: memref<64x128xf32, #tpu.memory_space<vmem>>, %arg5: memref<128x128xf32, #tpu.memory_space<vmem>>, %arg6: memref<128x128xf32, #tpu.memory_space<vmem>>, %arg7: memref<1x128xf32, #tpu.memory_space<vmem>>, %arg8: memref<128x128xf32, #tpu.memory_space<vmem>>, %arg9: memref<128x128xf32, #tpu.memory_space<vmem>>, %arg10: memref<2000x128xf32, #tpu.memory_space<vmem>>, %arg11: memref<2000x128xf32, #tpu.memory_space<vmem>>, %arg12: memref<64x128xf32, #tpu.memory_space<vmem>>, %arg13: memref<64x8xf32, #tpu.memory_space<vmem>>) attributes {dimension_semantics = [#tpu.dimension_semantics<arbitrary>], iteration_bounds = array<i64: 5>, scalar_prefetch = 0 : i64, scratch_operands = 0 : i64, tpu.core_type = #tpu.core_type<tc>, window_params = [{transform_indices = @transform_0, window_bounds = array<i64: 2000, 128>}, {transform_indices = @transform_1, window_bounds = array<i64: 2000, 128>}, {transform_indices = @transform_2, window_bounds = array<i64: 1, 1, 2000>}, {pipeline_mode = #tpu.pipeline_mode<synchronous>, transform_indices = @transform_3, window_bounds = array<i64: 64, 128>}, {pipeline_mode = #tpu.pipeline_mode<synchronous>, transform_indices = @transform_4, window_bounds = array<i64: 128, 128>}, {pipeline_mode = #tpu.pipeline_mode<synchronous>, transform_indices = @transform_5, window_bounds = array<i64: 128, 128>}, {pipeline_mode = #tpu.pipeline_mode<synchronous>, transform_indices = @transform_6, window_bounds = array<i64: 1, 128>}, {pipeline_mode = #tpu.pipeline_mode<synchronous>, transform_indices = @transform_7, window_bounds = array<i64: 128, 128>}, {pipeline_mode = #tpu.pipeline_mode<synchronous>, transform_indices = @transform_8, window_bounds = array<i64: 128, 128>}, {transform_indices = @transform_9, window_bounds = array<i64: 2000, 128>}, {transform_indices = @transform_10, window_bounds = array<i64: 2000, 128>}, {pipeline_mode = #tpu.pipeline_mode<synchronous>, transform_indices = @transform_11, window_bounds = array<i64: 64, 128>}, {pipeline_mode = #tpu.pipeline_mode<synchronous>, transform_indices = @transform_12, window_bounds = array<i64: 64, 8>}]} {
    %get3A = arith.constant 0 : index
    %get3A_0 = arith.constant 0 : index
    %get3A_1 = vector.load %arg1[%get3A, %get3A_0] : memref<2000x128xf32, #tpu.memory_space<vmem>>, vector<2000x128xf32>
    %get3A_2 = arith.constant 0 : index
    %get3A_3 = arith.constant 0 : index
    %get3A_4 = vector.load %arg2[%get3A_2, %get3A_3] : memref<2000x128xf32, #tpu.memory_space<vmem>>, vector<2000x128xf32>
    %add3A = arith.addf %get3A_1, %get3A_4 : vector<2000x128xf32>
    %get3A_5 = arith.constant 0 : index
    %get3A_6 = arith.constant 0 : index
    %get3A_7 = arith.constant 0 : index
    %get3A_8 = vector.load %arg3[%get3A_5, %get3A_6, %get3A_7] : memref<1x1x2000xi32, #tpu.memory_space<vmem>>, vector<1x1x2000xi32>
    %get3A_9 = vector.shape_cast %get3A_8 : vector<1x1x2000xi32> to vector<2000xi32>
    %broadcast_in_dim3A = vector.shape_cast %get3A_9 : vector<2000xi32> to vector<2000x1xi32>
    %iota3A = tpu.iota {dimensions = array<i32: 1>} : vector<2000x64xi32>
    %eq3A = vector.broadcast %broadcast_in_dim3A : vector<2000x1xi32> to vector<2000x64xi32>
    %eq3A_10 = arith.cmpi eq, %eq3A, %iota3A : vector<2000x64xi32>
    %convert_element_type3A = arith.extui %eq3A_10 : vector<2000x64xi1> to vector<2000x64xi32>
    %convert_element_type3A_11 = arith.sitofp %convert_element_type3A : vector<2000x64xi32> to vector<2000x64xf32>
    %iota3A_12 = tpu.iota {dimensions = array<i32: 0>} : vector<64x2000xi32>
    %broadcast_in_dim3A_13 = vector.shape_cast %get3A_9 : vector<2000xi32> to vector<1x2000xi32>
    %eq3A_14 = vector.broadcast %broadcast_in_dim3A_13 : vector<1x2000xi32> to vector<64x2000xi32>
    %eq3A_15 = arith.cmpi eq, %iota3A_12, %eq3A_14 : vector<64x2000xi32>
    %convert_element_type3A_16 = arith.extui %eq3A_15 : vector<64x2000xi1> to vector<64x2000xi32>
    %convert_element_type3A_17 = arith.sitofp %convert_element_type3A_16 : vector<64x2000xi32> to vector<64x2000xf32>
    %get3A_18 = arith.constant 0 : index
    %get3A_19 = arith.constant 0 : index
    %get3A_20 = vector.load %arg4[%get3A_18, %get3A_19] : memref<64x128xf32, #tpu.memory_space<vmem>>, vector<64x128xf32>
    %dot_general3A = arith.constant dense<0.000000e+00> : vector<2000x128xf32>
    %dot_general3A_21 = tpu.matmul %convert_element_type3A_11, %get3A_20, %dot_general3A {dimension_numbers = #tpu.dot_dimension_numbers<[1], [0], [0], [1], [0, 0, 1, 1], [], []>, precision = #tpu.contract_precision<fp32>, transpose_lhs_hint = false} : vector<2000x64xf32>, vector<64x128xf32>, vector<2000x128xf32> -> vector<2000x128xf32>
    %get3A_22 = arith.constant 0 : index
    %get3A_23 = arith.constant 0 : index
    %get3A_24 = vector.load %arg5[%get3A_22, %get3A_23] : memref<128x128xf32, #tpu.memory_space<vmem>>, vector<128x128xf32>
    %dot_general3A_25 = arith.constant dense<0.000000e+00> : vector<2000x128xf32>
    %dot_general3A_26 = tpu.matmul %add3A, %get3A_24, %dot_general3A_25 {dimension_numbers = #tpu.dot_dimension_numbers<[1], [0], [0], [1], [0, 0, 1, 1], [], []>, precision = #tpu.contract_precision<fp32>, transpose_lhs_hint = false} : vector<2000x128xf32>, vector<128x128xf32>, vector<2000x128xf32> -> vector<2000x128xf32>
    %get3A_27 = arith.constant 0 : index
    %get3A_28 = arith.constant 0 : index
    %get3A_29 = vector.load %arg6[%get3A_27, %get3A_28] : memref<128x128xf32, #tpu.memory_space<vmem>>, vector<128x128xf32>
    %dot_general3A_30 = arith.constant dense<0.000000e+00> : vector<2000x128xf32>
    %dot_general3A_31 = tpu.matmul %dot_general3A_21, %get3A_29, %dot_general3A_30 {dimension_numbers = #tpu.dot_dimension_numbers<[1], [0], [0], [1], [0, 0, 1, 1], [], []>, precision = #tpu.contract_precision<fp32>, transpose_lhs_hint = false} : vector<2000x128xf32>, vector<128x128xf32>, vector<2000x128xf32> -> vector<2000x128xf32>
    %add3A_32 = arith.addf %dot_general3A_26, %dot_general3A_31 : vector<2000x128xf32>
    %get3A_33 = arith.constant 0 : index
    %get3A_34 = arith.constant 0 : index
    %get3A_35 = vector.load %arg7[%get3A_33, %get3A_34] : memref<1x128xf32, #tpu.memory_space<vmem>>, vector<1x128xf32>
    %add3A_36 = vector.broadcast %get3A_35 : vector<1x128xf32> to vector<2000x128xf32>
    %add3A_37 = arith.addf %add3A_32, %add3A_36 : vector<2000x128xf32>
    %logistic3A = arith.negf %add3A_37 : vector<2000x128xf32>
    %logistic3A_38 = math.exp %logistic3A : vector<2000x128xf32>
    %logistic3A_39 = arith.constant 1.000000e+00 : f32
    %logistic3A_40 = vector.broadcast %logistic3A_39 : f32 to vector<2000x128xf32>
    %logistic3A_41 = arith.addf %logistic3A_40, %logistic3A_38 : vector<2000x128xf32>
    %logistic3A_42 = arith.divf %logistic3A_40, %logistic3A_41 : vector<2000x128xf32>
    %mul3A = arith.mulf %logistic3A_42, %add3A : vector<2000x128xf32>
    %dot_general3A_43 = arith.constant dense<0.000000e+00> : vector<64x128xf32>
    %dot_general3A_44 = tpu.matmul %convert_element_type3A_17, %mul3A, %dot_general3A_43 {dimension_numbers = #tpu.dot_dimension_numbers<[1], [0], [0], [1], [0, 0, 1, 1], [], []>, precision = #tpu.contract_precision<fp32>, transpose_lhs_hint = false} : vector<64x2000xf32>, vector<2000x128xf32>, vector<64x128xf32> -> vector<64x128xf32>
    %mul3A_45 = arith.mulf %logistic3A_42, %logistic3A_42 : vector<2000x128xf32>
    %reduce_sum3A = arith.constant dense<0.000000e+00> : vector<2000xf32>
    %reduce_sum3A_46 = vector.multi_reduction <add>, %mul3A_45, %reduce_sum3A [1] : vector<2000x128xf32> to vector<2000xf32>
    %broadcast_in_dim3A_47 = vector.shape_cast %reduce_sum3A_46 : vector<2000xf32> to vector<2000x1xf32>
    %sqrt3A = math.sqrt %broadcast_in_dim3A_47 : vector<2000x1xf32>
    %iota3A_48 = tpu.iota {dimensions = array<i32: 1>} : vector<2000x8xi32>
    %eq3A_49 = arith.constant 0 : i32
    %eq3A_50 = vector.broadcast %eq3A_49 : i32 to vector<2000x8xi32>
    %eq3A_51 = arith.cmpi eq, %iota3A_48, %eq3A_50 : vector<2000x8xi32>
    %eq3A_52 = arith.constant 1 : i32
    %eq3A_53 = vector.broadcast %eq3A_52 : i32 to vector<2000x8xi32>
    %eq3A_54 = arith.cmpi eq, %iota3A_48, %eq3A_53 : vector<2000x8xi32>
    %jit3A = arith.constant 1.000000e+00 : f32
    %jit3A_55 = arith.constant 0.000000e+00 : f32
    %broadcast_in_dim3A_56 = vector.broadcast %jit3A : f32 to vector<2000x8xf32>
    %broadcast_in_dim3A_57 = vector.broadcast %jit3A_55 : f32 to vector<2000x8xf32>
    %select_n3A = arith.select %eq3A_54, %broadcast_in_dim3A_56, %broadcast_in_dim3A_57 : vector<2000x8xi1>, vector<2000x8xf32>
    %broadcast_in_dim3A_58 = vector.shape_cast %sqrt3A : vector<2000x1xf32> to vector<2000x1xf32>
    %broadcast_in_dim3A_59 = vector.broadcast %broadcast_in_dim3A_58 : vector<2000x1xf32> to vector<2000x8xf32>
    %select_n3A_60 = arith.select %eq3A_51, %broadcast_in_dim3A_59, %select_n3A : vector<2000x8xi1>, vector<2000x8xf32>
    %dot_general3A_61 = arith.constant dense<0.000000e+00> : vector<64x8xf32>
    %dot_general3A_62 = tpu.matmul %convert_element_type3A_17, %select_n3A_60, %dot_general3A_61 {dimension_numbers = #tpu.dot_dimension_numbers<[1], [0], [0], [1], [0, 0, 1, 1], [], []>, precision = #tpu.contract_precision<fp32>, transpose_lhs_hint = false} : vector<64x2000xf32>, vector<2000x8xf32>, vector<64x8xf32> -> vector<64x8xf32>
    %get3A_63 = arith.constant 0 : index
    %get3A_64 = arith.constant 0 : index
    %get3A_65 = vector.load %arg8[%get3A_63, %get3A_64] : memref<128x128xf32, #tpu.memory_space<vmem>>, vector<128x128xf32>
    %dot_general3A_66 = arith.constant dense<0.000000e+00> : vector<2000x128xf32>
    %dot_general3A_67 = tpu.matmul %add3A, %get3A_65, %dot_general3A_66 {dimension_numbers = #tpu.dot_dimension_numbers<[1], [0], [0], [1], [0, 0, 1, 1], [], []>, precision = #tpu.contract_precision<fp32>, transpose_lhs_hint = false} : vector<2000x128xf32>, vector<128x128xf32>, vector<2000x128xf32> -> vector<2000x128xf32>
    %swap3A = arith.constant 0 : index
    %swap3A_68 = arith.constant 0 : index
    %swap3A_69 = vector.load %arg10[%swap3A, %swap3A_68] : memref<2000x128xf32, #tpu.memory_space<vmem>>, vector<2000x128xf32>
    tpu.vector_store %arg10[%swap3A, %swap3A_68], %dot_general3A_67 {strides = array<i32>} : memref<2000x128xf32, #tpu.memory_space<vmem>>, vector<2000x128xf32>,
    %get3A_70 = arith.constant 0 : index
    %get3A_71 = arith.constant 0 : index
    %get3A_72 = vector.load %arg9[%get3A_70, %get3A_71] : memref<128x128xf32, #tpu.memory_space<vmem>>, vector<128x128xf32>
    %dot_general3A_73 = arith.constant dense<0.000000e+00> : vector<2000x128xf32>
    %dot_general3A_74 = tpu.matmul %add3A, %get3A_72, %dot_general3A_73 {dimension_numbers = #tpu.dot_dimension_numbers<[1], [0], [0], [1], [0, 0, 1, 1], [], []>, precision = #tpu.contract_precision<fp32>, transpose_lhs_hint = false} : vector<2000x128xf32>, vector<128x128xf32>, vector<2000x128xf32> -> vector<2000x128xf32>
    %swap3A_75 = arith.constant 0 : index
    %swap3A_76 = arith.constant 0 : index
    %swap3A_77 = vector.load %arg11[%swap3A_75, %swap3A_76] : memref<2000x128xf32, #tpu.memory_space<vmem>>, vector<2000x128xf32>
    tpu.vector_store %arg11[%swap3A_75, %swap3A_76], %dot_general3A_74 {strides = array<i32>} : memref<2000x128xf32, #tpu.memory_space<vmem>>, vector<2000x128xf32>,
    %eq3A_78 = arith.constant 0 : i32
    %eq3A_79 = arith.cmpi eq, %arg0, %eq3A_78 : i32
    %convert_element_type3A_80 = arith.extui %eq3A_79 : i1 to i32
    %cond3A = arith.constant 0 : i32
    %cond3A_81 = arith.cmpi ne, %convert_element_type3A_80, %cond3A : i32
    scf.if %cond3A_81 {
      %swap3A_86 = arith.constant 0 : index
      %swap3A_87 = arith.constant 0 : index
      %swap3A_88 = vector.load %arg12[%swap3A_86, %swap3A_87] : memref<64x128xf32, #tpu.memory_space<vmem>>, vector<64x128xf32>
      tpu.vector_store %arg12[%swap3A_86, %swap3A_87], %dot_general3A_44 {strides = array<i32>} : memref<64x128xf32, #tpu.memory_space<vmem>>, vector<64x128xf32>,
      %swap3A_89 = arith.constant 0 : index
      %swap3A_90 = arith.constant 0 : index
      %swap3A_91 = vector.load %arg13[%swap3A_89, %swap3A_90] : memref<64x8xf32, #tpu.memory_space<vmem>>, vector<64x8xf32>
      tpu.vector_store %arg13[%swap3A_89, %swap3A_90], %dot_general3A_62 {strides = array<i32>} : memref<64x8xf32, #tpu.memory_space<vmem>>, vector<64x8xf32>,
    } else {
    }
    %ne3A = arith.constant 0 : i32
    %ne3A_82 = arith.cmpi ne, %arg0, %ne3A : i32
    %convert_element_type3A_83 = arith.extui %ne3A_82 : i1 to i32
    %cond3A_84 = arith.constant 0 : i32
    %cond3A_85 = arith.cmpi ne, %convert_element_type3A_83, %cond3A_84 : i32
    scf.if %cond3A_85 {
      %get3A_86 = arith.constant 0 : index
      %get3A_87 = arith.constant 0 : index
      %get3A_88 = vector.load %arg12[%get3A_86, %get3A_87] : memref<64x128xf32, #tpu.memory_space<vmem>>, vector<64x128xf32>
      %add3A_89 = arith.addf %get3A_88, %dot_general3A_44 : vector<64x128xf32>
      %swap3A_90 = arith.constant 0 : index
      %swap3A_91 = arith.constant 0 : index
      %swap3A_92 = vector.load %arg12[%swap3A_90, %swap3A_91] : memref<64x128xf32, #tpu.memory_space<vmem>>, vector<64x128xf32>
      tpu.vector_store %arg12[%swap3A_90, %swap3A_91], %add3A_89 {strides = array<i32>} : memref<64x128xf32, #tpu.memory_space<vmem>>, vector<64x128xf32>,
      %get3A_93 = arith.constant 0 : index
      %get3A_94 = arith.constant 0 : index
      %get3A_95 = vector.load %arg13[%get3A_93, %get3A_94] : memref<64x8xf32, #tpu.memory_space<vmem>>, vector<64x8xf32>
      %add3A_96 = arith.addf %get3A_95, %dot_general3A_62 : vector<64x8xf32>
      %swap3A_97 = arith.constant 0 : index
      %swap3A_98 = arith.constant 0 : index
      %swap3A_99 = vector.load %arg13[%swap3A_97, %swap3A_98] : memref<64x8xf32, #tpu.memory_space<vmem>>, vector<64x8xf32>
      tpu.vector_store %arg13[%swap3A_97, %swap3A_98], %add3A_96 {strides = array<i32>} : memref<64x8xf32, #tpu.memory_space<vmem>>, vector<64x8xf32>,
    } else {
    }
    return
  }
  func.func @transform_0(%arg0: i32) -> (i32, i32) {
    %c0_i32 = arith.constant 0 : i32
    %c0_i32_0 = arith.constant 0 : i32
    return %arg0, %c0_i32 : i32, i32
  }
  func.func @transform_1(%arg0: i32) -> (i32, i32) {
    %c0_i32 = arith.constant 0 : i32
    %c0_i32_0 = arith.constant 0 : i32
    return %arg0, %c0_i32 : i32, i32
  }
  func.func @transform_2(%arg0: i32) -> (i32, i32, i32) {
    %c0_i32 = arith.constant 0 : i32
    %c0_i32_0 = arith.constant 0 : i32
    %c0_i32_1 = arith.constant 0 : i32
    return %arg0, %c0_i32, %c0_i32_0 : i32, i32, i32
  }
  func.func @transform_3(%arg0: i32) -> (i32, i32) {
    %c0_i32 = arith.constant 0 : i32
    %c0_i32_0 = arith.constant 0 : i32
    %c0_i32_1 = arith.constant 0 : i32
    return %c0_i32, %c0_i32_0 : i32, i32
  }
  func.func @transform_4(%arg0: i32) -> (i32, i32) {
    %c0_i32 = arith.constant 0 : i32
    %c0_i32_0 = arith.constant 0 : i32
    %c0_i32_1 = arith.constant 0 : i32
    return %c0_i32, %c0_i32_0 : i32, i32
  }
  func.func @transform_5(%arg0: i32) -> (i32, i32) {
    %c0_i32 = arith.constant 0 : i32
    %c0_i32_0 = arith.constant 0 : i32
    %c0_i32_1 = arith.constant 0 : i32
    return %c0_i32, %c0_i32_0 : i32, i32
  }
  func.func @transform_6(%arg0: i32) -> (i32, i32) {
    %c0_i32 = arith.constant 0 : i32
    %c0_i32_0 = arith.constant 0 : i32
    %c0_i32_1 = arith.constant 0 : i32
    return %c0_i32, %c0_i32_0 : i32, i32
  }
  func.func @transform_7(%arg0: i32) -> (i32, i32) {
    %c0_i32 = arith.constant 0 : i32
    %c0_i32_0 = arith.constant 0 : i32
    %c0_i32_1 = arith.constant 0 : i32
    return %c0_i32, %c0_i32_0 : i32, i32
  }
  func.func @transform_8(%arg0: i32) -> (i32, i32) {
    %c0_i32 = arith.constant 0 : i32
    %c0_i32_0 = arith.constant 0 : i32
    %c0_i32_1 = arith.constant 0 : i32
    return %c0_i32, %c0_i32_0 : i32, i32
  }
  func.func @transform_9(%arg0: i32) -> (i32, i32) {
    %c0_i32 = arith.constant 0 : i32
    %c0_i32_0 = arith.constant 0 : i32
    return %arg0, %c0_i32 : i32, i32
  }
  func.func @transform_10(%arg0: i32) -> (i32, i32) {
    %c0_i32 = arith.constant 0 : i32
    %c0_i32_0 = arith.constant 0 : i32
    return %arg0, %c0_i32 : i32, i32
  }
  func.func @transform_11(%arg0: i32) -> (i32, i32) {
    %c0_i32 = arith.constant 0 : i32
    %c0_i32_0 = arith.constant 0 : i32
    %c0_i32_1 = arith.constant 0 : i32
    return %c0_i32, %c0_i32_0 : i32, i32
  }
  func.func @transform_12(%arg0: i32) -> (i32, i32) {
    %c0_i32 = arith.constant 0 : i32
    %c0_i32_0 = arith.constant 0 : i32
    %c0_i32_1 = arith.constant 0 : i32
    return %c0_i32, %c0_i32_0 : i32, i32
  }
}

module attributes {stable_mosaic.version = 14 : i64} {
  func.func @_gru_body(%arg0: memref<64x128xf32, #tpu.memory_space<vmem>>, %arg1: memref<64x128xf32, #tpu.memory_space<vmem>>, %arg2: memref<64x8xf32, #tpu.memory_space<vmem>>, %arg3: memref<128x384xf32, #tpu.memory_space<vmem>>, %arg4: memref<1x384xf32, #tpu.memory_space<vmem>>, %arg5: memref<128x384xf32, #tpu.memory_space<vmem>>, %arg6: memref<1x384xf32, #tpu.memory_space<vmem>>, %arg7: memref<128x128xf32, #tpu.memory_space<vmem>>, %arg8: memref<1x128xf32, #tpu.memory_space<vmem>>, %arg9: memref<64x128xf32, #tpu.memory_space<vmem>>, %arg10: memref<64x128xf32, #tpu.memory_space<vmem>>, %arg11: memref<1x1xf32, #tpu.memory_space<vmem>>) attributes {dimension_semantics = [], scalar_prefetch = 0 : i64, scratch_operands = 0 : i64, tpu.core_type = #tpu.core_type<tc>} {
    %get3A = arith.constant 0 : index
    %get3A_0 = arith.constant 0 : index
    %get3A_1 = vector.load %arg0[%get3A, %get3A_0] : memref<64x128xf32, #tpu.memory_space<vmem>>, vector<64x128xf32>
    %get3A_2 = arith.constant 0 : index
    %get3A_3 = arith.constant 0 : index
    %get3A_4 = vector.load %arg3[%get3A_2, %get3A_3] : memref<128x384xf32, #tpu.memory_space<vmem>>, vector<128x384xf32>
    %dot_general3A = arith.constant dense<0.000000e+00> : vector<64x384xf32>
    %dot_general3A_5 = tpu.matmul %get3A_1, %get3A_4, %dot_general3A {dimension_numbers = #tpu.dot_dimension_numbers<[1], [0], [0], [1], [0, 0, 1, 1], [], []>, precision = #tpu.contract_precision<fp32>, transpose_lhs_hint = false} : vector<64x128xf32>, vector<128x384xf32>, vector<64x384xf32> -> vector<64x384xf32>
    %get3A_6 = arith.constant 0 : index
    %get3A_7 = arith.constant 0 : index
    %get3A_8 = vector.load %arg4[%get3A_6, %get3A_7] : memref<1x384xf32, #tpu.memory_space<vmem>>, vector<1x384xf32>
    %add3A = vector.broadcast %get3A_8 : vector<1x384xf32> to vector<64x384xf32>
    %add3A_9 = arith.addf %dot_general3A_5, %add3A : vector<64x384xf32>
    %get3A_10 = arith.constant 0 : index
    %get3A_11 = arith.constant 0 : index
    %get3A_12 = vector.load %arg1[%get3A_10, %get3A_11] : memref<64x128xf32, #tpu.memory_space<vmem>>, vector<64x128xf32>
    %get3A_13 = arith.constant 0 : index
    %get3A_14 = arith.constant 0 : index
    %get3A_15 = vector.load %arg5[%get3A_13, %get3A_14] : memref<128x384xf32, #tpu.memory_space<vmem>>, vector<128x384xf32>
    %dot_general3A_16 = arith.constant dense<0.000000e+00> : vector<64x384xf32>
    %dot_general3A_17 = tpu.matmul %get3A_12, %get3A_15, %dot_general3A_16 {dimension_numbers = #tpu.dot_dimension_numbers<[1], [0], [0], [1], [0, 0, 1, 1], [], []>, precision = #tpu.contract_precision<fp32>, transpose_lhs_hint = false} : vector<64x128xf32>, vector<128x384xf32>, vector<64x384xf32> -> vector<64x384xf32>
    %get3A_18 = arith.constant 0 : index
    %get3A_19 = arith.constant 0 : index
    %get3A_20 = vector.load %arg6[%get3A_18, %get3A_19] : memref<1x384xf32, #tpu.memory_space<vmem>>, vector<1x384xf32>
    %add3A_21 = vector.broadcast %get3A_20 : vector<1x384xf32> to vector<64x384xf32>
    %add3A_22 = arith.addf %dot_general3A_17, %add3A_21 : vector<64x384xf32>
    %slice3A = vector.extract_strided_slice %add3A_9 {offsets = [0, 0], sizes = [64, 128], strides = [1, 1]} : vector<64x384xf32> to vector<64x128xf32>
    %slice3A_23 = vector.extract_strided_slice %add3A_22 {offsets = [0, 0], sizes = [64, 128], strides = [1, 1]} : vector<64x384xf32> to vector<64x128xf32>
    %add3A_24 = arith.addf %slice3A, %slice3A_23 : vector<64x128xf32>
    %logistic3A = arith.negf %add3A_24 : vector<64x128xf32>
    %logistic3A_25 = math.exp %logistic3A : vector<64x128xf32>
    %logistic3A_26 = arith.constant 1.000000e+00 : f32
    %logistic3A_27 = vector.broadcast %logistic3A_26 : f32 to vector<64x128xf32>
    %logistic3A_28 = arith.addf %logistic3A_27, %logistic3A_25 : vector<64x128xf32>
    %logistic3A_29 = arith.divf %logistic3A_27, %logistic3A_28 : vector<64x128xf32>
    %slice3A_30 = vector.extract_strided_slice %add3A_9 {offsets = [0, 128], sizes = [64, 128], strides = [1, 1]} : vector<64x384xf32> to vector<64x128xf32>
    %slice3A_31 = vector.extract_strided_slice %add3A_22 {offsets = [0, 128], sizes = [64, 128], strides = [1, 1]} : vector<64x384xf32> to vector<64x128xf32>
    %add3A_32 = arith.addf %slice3A_30, %slice3A_31 : vector<64x128xf32>
    %logistic3A_33 = arith.negf %add3A_32 : vector<64x128xf32>
    %logistic3A_34 = math.exp %logistic3A_33 : vector<64x128xf32>
    %logistic3A_35 = arith.constant 1.000000e+00 : f32
    %logistic3A_36 = vector.broadcast %logistic3A_35 : f32 to vector<64x128xf32>
    %logistic3A_37 = arith.addf %logistic3A_36, %logistic3A_34 : vector<64x128xf32>
    %logistic3A_38 = arith.divf %logistic3A_36, %logistic3A_37 : vector<64x128xf32>
    %slice3A_39 = vector.extract_strided_slice %add3A_9 {offsets = [0, 256], sizes = [64, 128], strides = [1, 1]} : vector<64x384xf32> to vector<64x128xf32>
    %slice3A_40 = vector.extract_strided_slice %add3A_22 {offsets = [0, 256], sizes = [64, 128], strides = [1, 1]} : vector<64x384xf32> to vector<64x128xf32>
    %mul3A = arith.mulf %logistic3A_29, %slice3A_40 : vector<64x128xf32>
    %add3A_41 = arith.addf %slice3A_39, %mul3A : vector<64x128xf32>
    %tanh3A = math.tanh %add3A_41 : vector<64x128xf32>
    %sub3A = arith.constant 1.000000e+00 : f32
    %sub3A_42 = vector.broadcast %sub3A : f32 to vector<64x128xf32>
    %sub3A_43 = arith.subf %sub3A_42, %logistic3A_38 : vector<64x128xf32>
    %mul3A_44 = arith.mulf %sub3A_43, %tanh3A : vector<64x128xf32>
    %get3A_45 = arith.constant 0 : index
    %get3A_46 = arith.constant 0 : index
    %get3A_47 = vector.load %arg1[%get3A_45, %get3A_46] : memref<64x128xf32, #tpu.memory_space<vmem>>, vector<64x128xf32>
    %mul3A_48 = arith.mulf %logistic3A_38, %get3A_47 : vector<64x128xf32>
    %add3A_49 = arith.addf %mul3A_44, %mul3A_48 : vector<64x128xf32>
    %swap3A = arith.constant 0 : index
    %swap3A_50 = arith.constant 0 : index
    %swap3A_51 = vector.load %arg9[%swap3A, %swap3A_50] : memref<64x128xf32, #tpu.memory_space<vmem>>, vector<64x128xf32>
    tpu.vector_store %arg9[%swap3A, %swap3A_50], %add3A_49 {strides = array<i32>} : memref<64x128xf32, #tpu.memory_space<vmem>>, vector<64x128xf32>,
    %get3A_52 = arith.constant 0 : index
    %get3A_53 = arith.constant 0 : index
    %get3A_54 = vector.load %arg7[%get3A_52, %get3A_53] : memref<128x128xf32, #tpu.memory_space<vmem>>, vector<128x128xf32>
    %dot_general3A_55 = arith.constant dense<0.000000e+00> : vector<64x128xf32>
    %dot_general3A_56 = tpu.matmul %add3A_49, %get3A_54, %dot_general3A_55 {dimension_numbers = #tpu.dot_dimension_numbers<[1], [0], [0], [1], [0, 0, 1, 1], [], []>, precision = #tpu.contract_precision<fp32>, transpose_lhs_hint = false} : vector<64x128xf32>, vector<128x128xf32>, vector<64x128xf32> -> vector<64x128xf32>
    %get3A_57 = arith.constant 0 : index
    %get3A_58 = arith.constant 0 : index
    %get3A_59 = vector.load %arg8[%get3A_57, %get3A_58] : memref<1x128xf32, #tpu.memory_space<vmem>>, vector<1x128xf32>
    %add3A_60 = vector.broadcast %get3A_59 : vector<1x128xf32> to vector<64x128xf32>
    %add3A_61 = arith.addf %dot_general3A_56, %add3A_60 : vector<64x128xf32>
    %swap3A_62 = arith.constant 0 : index
    %swap3A_63 = arith.constant 0 : index
    %swap3A_64 = vector.load %arg10[%swap3A_62, %swap3A_63] : memref<64x128xf32, #tpu.memory_space<vmem>>, vector<64x128xf32>
    tpu.vector_store %arg10[%swap3A_62, %swap3A_63], %add3A_61 {strides = array<i32>} : memref<64x128xf32, #tpu.memory_space<vmem>>, vector<64x128xf32>,
    %get3A_65 = arith.constant 0 : index
    %get3A_66 = arith.constant 0 : index
    %get3A_67 = vector.load %arg2[%get3A_65, %get3A_66] : memref<64x8xf32, #tpu.memory_space<vmem>>, vector<64x8xf32>
    %slice3A_68 = vector.extract_strided_slice %get3A_67 {offsets = [0, 0], sizes = [64, 1], strides = [1, 1]} : vector<64x8xf32> to vector<64x1xf32>
    %slice3A_69 = vector.extract_strided_slice %get3A_67 {offsets = [0, 1], sizes = [64, 1], strides = [1, 1]} : vector<64x8xf32> to vector<64x1xf32>
    %max3A = arith.constant 1.000000e+00 : f32
    %max3A_70 = vector.broadcast %max3A : f32 to vector<64x1xf32>
    %max3A_71 = arith.maximumf %slice3A_69, %max3A_70 : vector<64x1xf32>
    %div3A = arith.divf %slice3A_68, %max3A_71 : vector<64x1xf32>
    %reduce_sum3A = vector.shape_cast %div3A : vector<64x1xf32> to vector<1x64x1xf32>
    %reduce_sum3A_72 = arith.constant dense<0.000000e+00> : vector<1xf32>
    %reduce_sum3A_73 = vector.multi_reduction <add>, %reduce_sum3A, %reduce_sum3A_72 [1, 2] : vector<1x64x1xf32> to vector<1xf32>
    %reduce_sum3A_74 = vector.shape_cast %reduce_sum3A_73 : vector<1xf32> to vector<1x1x1xf32>
    %reduce_sum3A_75 = vector.extract %reduce_sum3A_74[0, 0, 0] : f32 from vector<1x1x1xf32>
    %div3A_76 = arith.constant 6.400000e+01 : f32
    %div3A_77 = arith.divf %reduce_sum3A_75, %div3A_76 : f32
    %broadcast_in_dim3A = arith.constant 1.000000e+00 : f32
    %broadcast_in_dim3A_78 = vector.broadcast %broadcast_in_dim3A : f32 to vector<1x1xf32>
    %mul3A_79 = vector.broadcast %div3A_77 : f32 to vector<1x1xf32>
    %mul3A_80 = arith.mulf %mul3A_79, %broadcast_in_dim3A_78 : vector<1x1xf32>
    %swap3A_81 = arith.constant 0 : index
    %swap3A_82 = arith.constant 0 : index
    %swap3A_83 = vector.load %arg11[%swap3A_81, %swap3A_82] : memref<1x1xf32, #tpu.memory_space<vmem>>, vector<1x1xf32>
    tpu.vector_store %arg11[%swap3A_81, %swap3A_82], %mul3A_80 {strides = array<i32>} : memref<1x1xf32, #tpu.memory_space<vmem>>, vector<1x1xf32>,
    return
  }
}

module attributes {stable_mosaic.version = 14 : i64} {
  func.func @_acn_body(%arg0: i32, %arg1: memref<2000x128xf32, #tpu.memory_space<vmem>>, %arg2: memref<1x1x2000xi32, #tpu.memory_space<vmem>>, %arg3: memref<64x128xf32, #tpu.memory_space<vmem>>, %arg4: memref<2000x128xf32, #tpu.memory_space<vmem>>) attributes {dimension_semantics = [#tpu.dimension_semantics<arbitrary>], iteration_bounds = array<i64: 5>, scalar_prefetch = 0 : i64, scratch_operands = 0 : i64, tpu.core_type = #tpu.core_type<tc>, window_params = [{transform_indices = @transform_0, window_bounds = array<i64: 2000, 128>}, {transform_indices = @transform_1, window_bounds = array<i64: 1, 1, 2000>}, {pipeline_mode = #tpu.pipeline_mode<synchronous>, transform_indices = @transform_2, window_bounds = array<i64: 64, 128>}, {transform_indices = @transform_3, window_bounds = array<i64: 2000, 128>}]} {
    %get3A = arith.constant 0 : index
    %get3A_0 = arith.constant 0 : index
    %get3A_1 = arith.constant 0 : index
    %get3A_2 = vector.load %arg2[%get3A, %get3A_0, %get3A_1] : memref<1x1x2000xi32, #tpu.memory_space<vmem>>, vector<1x1x2000xi32>
    %get3A_3 = vector.shape_cast %get3A_2 : vector<1x1x2000xi32> to vector<2000xi32>
    %broadcast_in_dim3A = vector.shape_cast %get3A_3 : vector<2000xi32> to vector<2000x1xi32>
    %iota3A = tpu.iota {dimensions = array<i32: 1>} : vector<2000x64xi32>
    %eq3A = vector.broadcast %broadcast_in_dim3A : vector<2000x1xi32> to vector<2000x64xi32>
    %eq3A_4 = arith.cmpi eq, %eq3A, %iota3A : vector<2000x64xi32>
    %convert_element_type3A = arith.extui %eq3A_4 : vector<2000x64xi1> to vector<2000x64xi32>
    %convert_element_type3A_5 = arith.sitofp %convert_element_type3A : vector<2000x64xi32> to vector<2000x64xf32>
    %get3A_6 = arith.constant 0 : index
    %get3A_7 = arith.constant 0 : index
    %get3A_8 = vector.load %arg1[%get3A_6, %get3A_7] : memref<2000x128xf32, #tpu.memory_space<vmem>>, vector<2000x128xf32>
    %get3A_9 = arith.constant 0 : index
    %get3A_10 = arith.constant 0 : index
    %get3A_11 = vector.load %arg3[%get3A_9, %get3A_10] : memref<64x128xf32, #tpu.memory_space<vmem>>, vector<64x128xf32>
    %dot_general3A = arith.constant dense<0.000000e+00> : vector<2000x128xf32>
    %dot_general3A_12 = tpu.matmul %convert_element_type3A_5, %get3A_11, %dot_general3A {dimension_numbers = #tpu.dot_dimension_numbers<[1], [0], [0], [1], [0, 0, 1, 1], [], []>, precision = #tpu.contract_precision<fp32>, transpose_lhs_hint = false} : vector<2000x64xf32>, vector<64x128xf32>, vector<2000x128xf32> -> vector<2000x128xf32>
    %add3A = arith.addf %get3A_8, %dot_general3A_12 : vector<2000x128xf32>
    %swap3A = arith.constant 0 : index
    %swap3A_13 = arith.constant 0 : index
    %swap3A_14 = vector.load %arg4[%swap3A, %swap3A_13] : memref<2000x128xf32, #tpu.memory_space<vmem>>, vector<2000x128xf32>
    tpu.vector_store %arg4[%swap3A, %swap3A_13], %add3A {strides = array<i32>} : memref<2000x128xf32, #tpu.memory_space<vmem>>, vector<2000x128xf32>,
    return
  }
  func.func @transform_0(%arg0: i32) -> (i32, i32) {
    %c0_i32 = arith.constant 0 : i32
    %c0_i32_0 = arith.constant 0 : i32
    return %arg0, %c0_i32 : i32, i32
  }
  func.func @transform_1(%arg0: i32) -> (i32, i32, i32) {
    %c0_i32 = arith.constant 0 : i32
    %c0_i32_0 = arith.constant 0 : i32
    %c0_i32_1 = arith.constant 0 : i32
    return %arg0, %c0_i32, %c0_i32_0 : i32, i32, i32
  }
  func.func @transform_2(%arg0: i32) -> (i32, i32) {
    %c0_i32 = arith.constant 0 : i32
    %c0_i32_0 = arith.constant 0 : i32
    %c0_i32_1 = arith.constant 0 : i32
    return %c0_i32, %c0_i32_0 : i32, i32
  }
  func.func @transform_3(%arg0: i32) -> (i32, i32) {
    %c0_i32 = arith.constant 0 : i32
    %c0_i32_0 = arith.constant 0 : i32
    return %arg0, %c0_i32 : i32, i32
  }
}

module attributes {stable_mosaic.version = 14 : i64} {
  func.func @_edge_body(%arg0: i32, %arg1: memref<8000x128xf32, #tpu.memory_space<vmem>>, %arg2: memref<8000x128xf32, #tpu.memory_space<vmem>>, %arg3: memref<128x128xf32, #tpu.memory_space<vmem>>, %arg4: memref<1x128xf32, #tpu.memory_space<vmem>>, %arg5: memref<128x128xf32, #tpu.memory_space<vmem>>, %arg6: memref<1x128xf32, #tpu.memory_space<vmem>>, %arg7: memref<8000x128xf32, #tpu.memory_space<vmem>>, %arg8: memref<8000x1xf32, #tpu.memory_space<vmem>>) attributes {dimension_semantics = [#tpu.dimension_semantics<arbitrary>], iteration_bounds = array<i64: 40>, scalar_prefetch = 0 : i64, scratch_operands = 0 : i64, tpu.core_type = #tpu.core_type<tc>, window_params = [{transform_indices = @transform_0, window_bounds = array<i64: 8000, 128>}, {transform_indices = @transform_1, window_bounds = array<i64: 8000, 128>}, {pipeline_mode = #tpu.pipeline_mode<synchronous>, transform_indices = @transform_2, window_bounds = array<i64: 128, 128>}, {pipeline_mode = #tpu.pipeline_mode<synchronous>, transform_indices = @transform_3, window_bounds = array<i64: 1, 128>}, {pipeline_mode = #tpu.pipeline_mode<synchronous>, transform_indices = @transform_4, window_bounds = array<i64: 128, 128>}, {pipeline_mode = #tpu.pipeline_mode<synchronous>, transform_indices = @transform_5, window_bounds = array<i64: 1, 128>}, {transform_indices = @transform_6, window_bounds = array<i64: 8000, 128>}, {transform_indices = @transform_7, window_bounds = array<i64: 8000, 1>}]} {
    %get3A = arith.constant 0 : index
    %get3A_0 = arith.constant 0 : index
    %get3A_1 = vector.load %arg1[%get3A, %get3A_0] : memref<8000x128xf32, #tpu.memory_space<vmem>>, vector<8000x128xf32>
    %get3A_2 = arith.constant 0 : index
    %get3A_3 = arith.constant 0 : index
    %get3A_4 = vector.load %arg2[%get3A_2, %get3A_3] : memref<8000x128xf32, #tpu.memory_space<vmem>>, vector<8000x128xf32>
    %add3A = arith.addf %get3A_1, %get3A_4 : vector<8000x128xf32>
    %gt3A = arith.constant 0.000000e+00 : f32
    %gt3A_5 = vector.broadcast %gt3A : f32 to vector<8000x128xf32>
    %gt3A_6 = arith.cmpf ogt, %add3A, %gt3A_5 : vector<8000x128xf32>
    %mul3A = arith.constant 0.00999999977 : f32
    %mul3A_7 = vector.broadcast %mul3A : f32 to vector<8000x128xf32>
    %mul3A_8 = arith.mulf %mul3A_7, %add3A : vector<8000x128xf32>
    %select_n3A = arith.select %gt3A_6, %add3A, %mul3A_8 : vector<8000x128xi1>, vector<8000x128xf32>
    %get3A_9 = arith.constant 0 : index
    %get3A_10 = arith.constant 0 : index
    %get3A_11 = vector.load %arg3[%get3A_9, %get3A_10] : memref<128x128xf32, #tpu.memory_space<vmem>>, vector<128x128xf32>
    %dot_general3A = arith.constant dense<0.000000e+00> : vector<8000x128xf32>
    %dot_general3A_12 = tpu.matmul %select_n3A, %get3A_11, %dot_general3A {dimension_numbers = #tpu.dot_dimension_numbers<[1], [0], [0], [1], [0, 0, 1, 1], [], []>, transpose_lhs_hint = false} : vector<8000x128xf32>, vector<128x128xf32>, vector<8000x128xf32> -> vector<8000x128xf32>
    %get3A_13 = arith.constant 0 : index
    %get3A_14 = arith.constant 0 : index
    %get3A_15 = vector.load %arg4[%get3A_13, %get3A_14] : memref<1x128xf32, #tpu.memory_space<vmem>>, vector<1x128xf32>
    %add3A_16 = vector.broadcast %get3A_15 : vector<1x128xf32> to vector<8000x128xf32>
    %add3A_17 = arith.addf %dot_general3A_12, %add3A_16 : vector<8000x128xf32>
    %gt3A_18 = arith.constant 0.000000e+00 : f32
    %gt3A_19 = vector.broadcast %gt3A_18 : f32 to vector<8000x128xf32>
    %gt3A_20 = arith.cmpf ogt, %add3A_17, %gt3A_19 : vector<8000x128xf32>
    %mul3A_21 = arith.constant 0.00999999977 : f32
    %mul3A_22 = vector.broadcast %mul3A_21 : f32 to vector<8000x128xf32>
    %mul3A_23 = arith.mulf %mul3A_22, %add3A_17 : vector<8000x128xf32>
    %select_n3A_24 = arith.select %gt3A_20, %add3A_17, %mul3A_23 : vector<8000x128xi1>, vector<8000x128xf32>
    %get3A_25 = arith.constant 0 : index
    %get3A_26 = arith.constant 0 : index
    %get3A_27 = vector.load %arg5[%get3A_25, %get3A_26] : memref<128x128xf32, #tpu.memory_space<vmem>>, vector<128x128xf32>
    %dot_general3A_28 = arith.constant dense<0.000000e+00> : vector<8000x128xf32>
    %dot_general3A_29 = tpu.matmul %select_n3A_24, %get3A_27, %dot_general3A_28 {dimension_numbers = #tpu.dot_dimension_numbers<[1], [0], [0], [1], [0, 0, 1, 1], [], []>, transpose_lhs_hint = false} : vector<8000x128xf32>, vector<128x128xf32>, vector<8000x128xf32> -> vector<8000x128xf32>
    %get3A_30 = arith.constant 0 : index
    %get3A_31 = arith.constant 0 : index
    %get3A_32 = vector.load %arg6[%get3A_30, %get3A_31] : memref<1x128xf32, #tpu.memory_space<vmem>>, vector<1x128xf32>
    %add3A_33 = vector.broadcast %get3A_32 : vector<1x128xf32> to vector<8000x128xf32>
    %add3A_34 = arith.addf %dot_general3A_29, %add3A_33 : vector<8000x128xf32>
    %logistic3A = arith.negf %add3A_34 : vector<8000x128xf32>
    %logistic3A_35 = math.exp %logistic3A : vector<8000x128xf32>
    %logistic3A_36 = arith.constant 1.000000e+00 : f32
    %logistic3A_37 = vector.broadcast %logistic3A_36 : f32 to vector<8000x128xf32>
    %logistic3A_38 = arith.addf %logistic3A_37, %logistic3A_35 : vector<8000x128xf32>
    %logistic3A_39 = arith.divf %logistic3A_37, %logistic3A_38 : vector<8000x128xf32>
    %mul3A_40 = arith.mulf %logistic3A_39, %select_n3A_24 : vector<8000x128xf32>
    %mul3A_41 = arith.mulf %mul3A_40, %select_n3A_24 : vector<8000x128xf32>
    %swap3A = arith.constant 0 : index
    %swap3A_42 = arith.constant 0 : index
    %swap3A_43 = vector.load %arg7[%swap3A, %swap3A_42] : memref<8000x128xf32, #tpu.memory_space<vmem>>, vector<8000x128xf32>
    tpu.vector_store %arg7[%swap3A, %swap3A_42], %mul3A_41 {strides = array<i32>} : memref<8000x128xf32, #tpu.memory_space<vmem>>, vector<8000x128xf32>,
    %mul3A_44 = arith.mulf %mul3A_40, %mul3A_40 : vector<8000x128xf32>
    %reduce_sum3A = arith.constant dense<0.000000e+00> : vector<8000xf32>
    %reduce_sum3A_45 = vector.multi_reduction <add>, %mul3A_44, %reduce_sum3A [1] : vector<8000x128xf32> to vector<8000xf32>
    %broadcast_in_dim3A = vector.shape_cast %reduce_sum3A_45 : vector<8000xf32> to vector<8000x1xf32>
    %sqrt3A = math.sqrt %broadcast_in_dim3A : vector<8000x1xf32>
    %swap3A_46 = arith.constant 0 : index
    %swap3A_47 = arith.constant 0 : index
    %swap3A_48 = vector.load %arg8[%swap3A_46, %swap3A_47] : memref<8000x1xf32, #tpu.memory_space<vmem>>, vector<8000x1xf32>
    tpu.vector_store %arg8[%swap3A_46, %swap3A_47], %sqrt3A {strides = array<i32>} : memref<8000x1xf32, #tpu.memory_space<vmem>>, vector<8000x1xf32>,
    return
  }
  func.func @transform_0(%arg0: i32) -> (i32, i32) {
    %c0_i32 = arith.constant 0 : i32
    %c0_i32_0 = arith.constant 0 : i32
    return %arg0, %c0_i32 : i32, i32
  }
  func.func @transform_1(%arg0: i32) -> (i32, i32) {
    %c0_i32 = arith.constant 0 : i32
    %c0_i32_0 = arith.constant 0 : i32
    return %arg0, %c0_i32 : i32, i32
  }
  func.func @transform_2(%arg0: i32) -> (i32, i32) {
    %c0_i32 = arith.constant 0 : i32
    %c0_i32_0 = arith.constant 0 : i32
    %c0_i32_1 = arith.constant 0 : i32
    return %c0_i32, %c0_i32_0 : i32, i32
  }
  func.func @transform_3(%arg0: i32) -> (i32, i32) {
    %c0_i32 = arith.constant 0 : i32
    %c0_i32_0 = arith.constant 0 : i32
    %c0_i32_1 = arith.constant 0 : i32
    return %c0_i32, %c0_i32_0 : i32, i32
  }
  func.func @transform_4(%arg0: i32) -> (i32, i32) {
    %c0_i32 = arith.constant 0 : i32
    %c0_i32_0 = arith.constant 0 : i32
    %c0_i32_1 = arith.constant 0 : i32
    return %c0_i32, %c0_i32_0 : i32, i32
  }
  func.func @transform_5(%arg0: i32) -> (i32, i32) {
    %c0_i32 = arith.constant 0 : i32
    %c0_i32_0 = arith.constant 0 : i32
    %c0_i32_1 = arith.constant 0 : i32
    return %c0_i32, %c0_i32_0 : i32, i32
  }
  func.func @transform_6(%arg0: i32) -> (i32, i32) {
    %c0_i32 = arith.constant 0 : i32
    %c0_i32_0 = arith.constant 0 : i32
    return %arg0, %c0_i32 : i32, i32
  }
  func.func @transform_7(%arg0: i32) -> (i32, i32) {
    %c0_i32 = arith.constant 0 : i32
    %c0_i32_0 = arith.constant 0 : i32
    return %arg0, %c0_i32 : i32, i32
  }
}

module attributes {stable_mosaic.version = 14 : i64} {
  func.func @_ro_body(%arg0: i32, %arg1: memref<2000x128xf32, #tpu.memory_space<vmem>>, %arg2: memref<2000x128xf32, #tpu.memory_space<vmem>>, %arg3: memref<1x1x2000xi32, #tpu.memory_space<vmem>>, %arg4: memref<64x128xf32, #tpu.memory_space<vmem>>, %arg5: memref<128x128xf32, #tpu.memory_space<vmem>>, %arg6: memref<128x128xf32, #tpu.memory_space<vmem>>, %arg7: memref<1x128xf32, #tpu.memory_space<vmem>>, %arg8: memref<128x128xf32, #tpu.memory_space<vmem>>, %arg9: memref<128x128xf32, #tpu.memory_space<vmem>>, %arg10: memref<2000x128xf32, #tpu.memory_space<vmem>>, %arg11: memref<2000x128xf32, #tpu.memory_space<vmem>>, %arg12: memref<64x128xf32, #tpu.memory_space<vmem>>, %arg13: memref<64x8xf32, #tpu.memory_space<vmem>>) attributes {dimension_semantics = [#tpu.dimension_semantics<arbitrary>], iteration_bounds = array<i64: 5>, scalar_prefetch = 0 : i64, scratch_operands = 0 : i64, tpu.core_type = #tpu.core_type<tc>, window_params = [{transform_indices = @transform_0, window_bounds = array<i64: 2000, 128>}, {transform_indices = @transform_1, window_bounds = array<i64: 2000, 128>}, {transform_indices = @transform_2, window_bounds = array<i64: 1, 1, 2000>}, {pipeline_mode = #tpu.pipeline_mode<synchronous>, transform_indices = @transform_3, window_bounds = array<i64: 64, 128>}, {pipeline_mode = #tpu.pipeline_mode<synchronous>, transform_indices = @transform_4, window_bounds = array<i64: 128, 128>}, {pipeline_mode = #tpu.pipeline_mode<synchronous>, transform_indices = @transform_5, window_bounds = array<i64: 128, 128>}, {pipeline_mode = #tpu.pipeline_mode<synchronous>, transform_indices = @transform_6, window_bounds = array<i64: 1, 128>}, {pipeline_mode = #tpu.pipeline_mode<synchronous>, transform_indices = @transform_7, window_bounds = array<i64: 128, 128>}, {pipeline_mode = #tpu.pipeline_mode<synchronous>, transform_indices = @transform_8, window_bounds = array<i64: 128, 128>}, {transform_indices = @transform_9, window_bounds = array<i64: 2000, 128>}, {transform_indices = @transform_10, window_bounds = array<i64: 2000, 128>}, {pipeline_mode = #tpu.pipeline_mode<synchronous>, transform_indices = @transform_11, window_bounds = array<i64: 64, 128>}, {pipeline_mode = #tpu.pipeline_mode<synchronous>, transform_indices = @transform_12, window_bounds = array<i64: 64, 8>}]} {
    %get3A = arith.constant 0 : index
    %get3A_0 = arith.constant 0 : index
    %get3A_1 = vector.load %arg1[%get3A, %get3A_0] : memref<2000x128xf32, #tpu.memory_space<vmem>>, vector<2000x128xf32>
    %get3A_2 = arith.constant 0 : index
    %get3A_3 = arith.constant 0 : index
    %get3A_4 = vector.load %arg2[%get3A_2, %get3A_3] : memref<2000x128xf32, #tpu.memory_space<vmem>>, vector<2000x128xf32>
    %add3A = arith.addf %get3A_1, %get3A_4 : vector<2000x128xf32>
    %get3A_5 = arith.constant 0 : index
    %get3A_6 = arith.constant 0 : index
    %get3A_7 = arith.constant 0 : index
    %get3A_8 = vector.load %arg3[%get3A_5, %get3A_6, %get3A_7] : memref<1x1x2000xi32, #tpu.memory_space<vmem>>, vector<1x1x2000xi32>
    %get3A_9 = vector.shape_cast %get3A_8 : vector<1x1x2000xi32> to vector<2000xi32>
    %broadcast_in_dim3A = vector.shape_cast %get3A_9 : vector<2000xi32> to vector<2000x1xi32>
    %iota3A = tpu.iota {dimensions = array<i32: 1>} : vector<2000x64xi32>
    %eq3A = vector.broadcast %broadcast_in_dim3A : vector<2000x1xi32> to vector<2000x64xi32>
    %eq3A_10 = arith.cmpi eq, %eq3A, %iota3A : vector<2000x64xi32>
    %convert_element_type3A = arith.extui %eq3A_10 : vector<2000x64xi1> to vector<2000x64xi32>
    %convert_element_type3A_11 = arith.sitofp %convert_element_type3A : vector<2000x64xi32> to vector<2000x64xf32>
    %iota3A_12 = tpu.iota {dimensions = array<i32: 0>} : vector<64x2000xi32>
    %broadcast_in_dim3A_13 = vector.shape_cast %get3A_9 : vector<2000xi32> to vector<1x2000xi32>
    %eq3A_14 = vector.broadcast %broadcast_in_dim3A_13 : vector<1x2000xi32> to vector<64x2000xi32>
    %eq3A_15 = arith.cmpi eq, %iota3A_12, %eq3A_14 : vector<64x2000xi32>
    %convert_element_type3A_16 = arith.extui %eq3A_15 : vector<64x2000xi1> to vector<64x2000xi32>
    %convert_element_type3A_17 = arith.sitofp %convert_element_type3A_16 : vector<64x2000xi32> to vector<64x2000xf32>
    %get3A_18 = arith.constant 0 : index
    %get3A_19 = arith.constant 0 : index
    %get3A_20 = vector.load %arg4[%get3A_18, %get3A_19] : memref<64x128xf32, #tpu.memory_space<vmem>>, vector<64x128xf32>
    %dot_general3A = arith.constant dense<0.000000e+00> : vector<2000x128xf32>
    %dot_general3A_21 = tpu.matmul %convert_element_type3A_11, %get3A_20, %dot_general3A {dimension_numbers = #tpu.dot_dimension_numbers<[1], [0], [0], [1], [0, 0, 1, 1], [], []>, precision = #tpu.contract_precision<fp32>, transpose_lhs_hint = false} : vector<2000x64xf32>, vector<64x128xf32>, vector<2000x128xf32> -> vector<2000x128xf32>
    %get3A_22 = arith.constant 0 : index
    %get3A_23 = arith.constant 0 : index
    %get3A_24 = vector.load %arg5[%get3A_22, %get3A_23] : memref<128x128xf32, #tpu.memory_space<vmem>>, vector<128x128xf32>
    %dot_general3A_25 = arith.constant dense<0.000000e+00> : vector<2000x128xf32>
    %dot_general3A_26 = tpu.matmul %add3A, %get3A_24, %dot_general3A_25 {dimension_numbers = #tpu.dot_dimension_numbers<[1], [0], [0], [1], [0, 0, 1, 1], [], []>, precision = #tpu.contract_precision<fp32>, transpose_lhs_hint = false} : vector<2000x128xf32>, vector<128x128xf32>, vector<2000x128xf32> -> vector<2000x128xf32>
    %get3A_27 = arith.constant 0 : index
    %get3A_28 = arith.constant 0 : index
    %get3A_29 = vector.load %arg6[%get3A_27, %get3A_28] : memref<128x128xf32, #tpu.memory_space<vmem>>, vector<128x128xf32>
    %dot_general3A_30 = arith.constant dense<0.000000e+00> : vector<2000x128xf32>
    %dot_general3A_31 = tpu.matmul %dot_general3A_21, %get3A_29, %dot_general3A_30 {dimension_numbers = #tpu.dot_dimension_numbers<[1], [0], [0], [1], [0, 0, 1, 1], [], []>, precision = #tpu.contract_precision<fp32>, transpose_lhs_hint = false} : vector<2000x128xf32>, vector<128x128xf32>, vector<2000x128xf32> -> vector<2000x128xf32>
    %add3A_32 = arith.addf %dot_general3A_26, %dot_general3A_31 : vector<2000x128xf32>
    %get3A_33 = arith.constant 0 : index
    %get3A_34 = arith.constant 0 : index
    %get3A_35 = vector.load %arg7[%get3A_33, %get3A_34] : memref<1x128xf32, #tpu.memory_space<vmem>>, vector<1x128xf32>
    %add3A_36 = vector.broadcast %get3A_35 : vector<1x128xf32> to vector<2000x128xf32>
    %add3A_37 = arith.addf %add3A_32, %add3A_36 : vector<2000x128xf32>
    %logistic3A = arith.negf %add3A_37 : vector<2000x128xf32>
    %logistic3A_38 = math.exp %logistic3A : vector<2000x128xf32>
    %logistic3A_39 = arith.constant 1.000000e+00 : f32
    %logistic3A_40 = vector.broadcast %logistic3A_39 : f32 to vector<2000x128xf32>
    %logistic3A_41 = arith.addf %logistic3A_40, %logistic3A_38 : vector<2000x128xf32>
    %logistic3A_42 = arith.divf %logistic3A_40, %logistic3A_41 : vector<2000x128xf32>
    %mul3A = arith.mulf %logistic3A_42, %add3A : vector<2000x128xf32>
    %dot_general3A_43 = arith.constant dense<0.000000e+00> : vector<64x128xf32>
    %dot_general3A_44 = tpu.matmul %convert_element_type3A_17, %mul3A, %dot_general3A_43 {dimension_numbers = #tpu.dot_dimension_numbers<[1], [0], [0], [1], [0, 0, 1, 1], [], []>, precision = #tpu.contract_precision<fp32>, transpose_lhs_hint = false} : vector<64x2000xf32>, vector<2000x128xf32>, vector<64x128xf32> -> vector<64x128xf32>
    %mul3A_45 = arith.mulf %logistic3A_42, %logistic3A_42 : vector<2000x128xf32>
    %reduce_sum3A = arith.constant dense<0.000000e+00> : vector<2000xf32>
    %reduce_sum3A_46 = vector.multi_reduction <add>, %mul3A_45, %reduce_sum3A [1] : vector<2000x128xf32> to vector<2000xf32>
    %broadcast_in_dim3A_47 = vector.shape_cast %reduce_sum3A_46 : vector<2000xf32> to vector<2000x1xf32>
    %sqrt3A = math.sqrt %broadcast_in_dim3A_47 : vector<2000x1xf32>
    %iota3A_48 = tpu.iota {dimensions = array<i32: 1>} : vector<2000x8xi32>
    %eq3A_49 = arith.constant 0 : i32
    %eq3A_50 = vector.broadcast %eq3A_49 : i32 to vector<2000x8xi32>
    %eq3A_51 = arith.cmpi eq, %iota3A_48, %eq3A_50 : vector<2000x8xi32>
    %eq3A_52 = arith.constant 1 : i32
    %eq3A_53 = vector.broadcast %eq3A_52 : i32 to vector<2000x8xi32>
    %eq3A_54 = arith.cmpi eq, %iota3A_48, %eq3A_53 : vector<2000x8xi32>
    %jit3A = arith.constant 1.000000e+00 : f32
    %jit3A_55 = arith.constant 0.000000e+00 : f32
    %broadcast_in_dim3A_56 = vector.broadcast %jit3A : f32 to vector<2000x8xf32>
    %broadcast_in_dim3A_57 = vector.broadcast %jit3A_55 : f32 to vector<2000x8xf32>
    %select_n3A = arith.select %eq3A_54, %broadcast_in_dim3A_56, %broadcast_in_dim3A_57 : vector<2000x8xi1>, vector<2000x8xf32>
    %broadcast_in_dim3A_58 = vector.shape_cast %sqrt3A : vector<2000x1xf32> to vector<2000x1xf32>
    %broadcast_in_dim3A_59 = vector.broadcast %broadcast_in_dim3A_58 : vector<2000x1xf32> to vector<2000x8xf32>
    %select_n3A_60 = arith.select %eq3A_51, %broadcast_in_dim3A_59, %select_n3A : vector<2000x8xi1>, vector<2000x8xf32>
    %dot_general3A_61 = arith.constant dense<0.000000e+00> : vector<64x8xf32>
    %dot_general3A_62 = tpu.matmul %convert_element_type3A_17, %select_n3A_60, %dot_general3A_61 {dimension_numbers = #tpu.dot_dimension_numbers<[1], [0], [0], [1], [0, 0, 1, 1], [], []>, precision = #tpu.contract_precision<fp32>, transpose_lhs_hint = false} : vector<64x2000xf32>, vector<2000x8xf32>, vector<64x8xf32> -> vector<64x8xf32>
    %get3A_63 = arith.constant 0 : index
    %get3A_64 = arith.constant 0 : index
    %get3A_65 = vector.load %arg8[%get3A_63, %get3A_64] : memref<128x128xf32, #tpu.memory_space<vmem>>, vector<128x128xf32>
    %dot_general3A_66 = arith.constant dense<0.000000e+00> : vector<2000x128xf32>
    %dot_general3A_67 = tpu.matmul %add3A, %get3A_65, %dot_general3A_66 {dimension_numbers = #tpu.dot_dimension_numbers<[1], [0], [0], [1], [0, 0, 1, 1], [], []>, precision = #tpu.contract_precision<fp32>, transpose_lhs_hint = false} : vector<2000x128xf32>, vector<128x128xf32>, vector<2000x128xf32> -> vector<2000x128xf32>
    %swap3A = arith.constant 0 : index
    %swap3A_68 = arith.constant 0 : index
    %swap3A_69 = vector.load %arg10[%swap3A, %swap3A_68] : memref<2000x128xf32, #tpu.memory_space<vmem>>, vector<2000x128xf32>
    tpu.vector_store %arg10[%swap3A, %swap3A_68], %dot_general3A_67 {strides = array<i32>} : memref<2000x128xf32, #tpu.memory_space<vmem>>, vector<2000x128xf32>,
    %get3A_70 = arith.constant 0 : index
    %get3A_71 = arith.constant 0 : index
    %get3A_72 = vector.load %arg9[%get3A_70, %get3A_71] : memref<128x128xf32, #tpu.memory_space<vmem>>, vector<128x128xf32>
    %dot_general3A_73 = arith.constant dense<0.000000e+00> : vector<2000x128xf32>
    %dot_general3A_74 = tpu.matmul %add3A, %get3A_72, %dot_general3A_73 {dimension_numbers = #tpu.dot_dimension_numbers<[1], [0], [0], [1], [0, 0, 1, 1], [], []>, precision = #tpu.contract_precision<fp32>, transpose_lhs_hint = false} : vector<2000x128xf32>, vector<128x128xf32>, vector<2000x128xf32> -> vector<2000x128xf32>
    %swap3A_75 = arith.constant 0 : index
    %swap3A_76 = arith.constant 0 : index
    %swap3A_77 = vector.load %arg11[%swap3A_75, %swap3A_76] : memref<2000x128xf32, #tpu.memory_space<vmem>>, vector<2000x128xf32>
    tpu.vector_store %arg11[%swap3A_75, %swap3A_76], %dot_general3A_74 {strides = array<i32>} : memref<2000x128xf32, #tpu.memory_space<vmem>>, vector<2000x128xf32>,
    %eq3A_78 = arith.constant 0 : i32
    %eq3A_79 = arith.cmpi eq, %arg0, %eq3A_78 : i32
    %convert_element_type3A_80 = arith.extui %eq3A_79 : i1 to i32
    %cond3A = arith.constant 0 : i32
    %cond3A_81 = arith.cmpi ne, %convert_element_type3A_80, %cond3A : i32
    scf.if %cond3A_81 {
      %swap3A_86 = arith.constant 0 : index
      %swap3A_87 = arith.constant 0 : index
      %swap3A_88 = vector.load %arg12[%swap3A_86, %swap3A_87] : memref<64x128xf32, #tpu.memory_space<vmem>>, vector<64x128xf32>
      tpu.vector_store %arg12[%swap3A_86, %swap3A_87], %dot_general3A_44 {strides = array<i32>} : memref<64x128xf32, #tpu.memory_space<vmem>>, vector<64x128xf32>,
      %swap3A_89 = arith.constant 0 : index
      %swap3A_90 = arith.constant 0 : index
      %swap3A_91 = vector.load %arg13[%swap3A_89, %swap3A_90] : memref<64x8xf32, #tpu.memory_space<vmem>>, vector<64x8xf32>
      tpu.vector_store %arg13[%swap3A_89, %swap3A_90], %dot_general3A_62 {strides = array<i32>} : memref<64x8xf32, #tpu.memory_space<vmem>>, vector<64x8xf32>,
    } else {
    }
    %ne3A = arith.constant 0 : i32
    %ne3A_82 = arith.cmpi ne, %arg0, %ne3A : i32
    %convert_element_type3A_83 = arith.extui %ne3A_82 : i1 to i32
    %cond3A_84 = arith.constant 0 : i32
    %cond3A_85 = arith.cmpi ne, %convert_element_type3A_83, %cond3A_84 : i32
    scf.if %cond3A_85 {
      %get3A_86 = arith.constant 0 : index
      %get3A_87 = arith.constant 0 : index
      %get3A_88 = vector.load %arg12[%get3A_86, %get3A_87] : memref<64x128xf32, #tpu.memory_space<vmem>>, vector<64x128xf32>
      %add3A_89 = arith.addf %get3A_88, %dot_general3A_44 : vector<64x128xf32>
      %swap3A_90 = arith.constant 0 : index
      %swap3A_91 = arith.constant 0 : index
      %swap3A_92 = vector.load %arg12[%swap3A_90, %swap3A_91] : memref<64x128xf32, #tpu.memory_space<vmem>>, vector<64x128xf32>
      tpu.vector_store %arg12[%swap3A_90, %swap3A_91], %add3A_89 {strides = array<i32>} : memref<64x128xf32, #tpu.memory_space<vmem>>, vector<64x128xf32>,
      %get3A_93 = arith.constant 0 : index
      %get3A_94 = arith.constant 0 : index
      %get3A_95 = vector.load %arg13[%get3A_93, %get3A_94] : memref<64x8xf32, #tpu.memory_space<vmem>>, vector<64x8xf32>
      %add3A_96 = arith.addf %get3A_95, %dot_general3A_62 : vector<64x8xf32>
      %swap3A_97 = arith.constant 0 : index
      %swap3A_98 = arith.constant 0 : index
      %swap3A_99 = vector.load %arg13[%swap3A_97, %swap3A_98] : memref<64x8xf32, #tpu.memory_space<vmem>>, vector<64x8xf32>
      tpu.vector_store %arg13[%swap3A_97, %swap3A_98], %add3A_96 {strides = array<i32>} : memref<64x8xf32, #tpu.memory_space<vmem>>, vector<64x8xf32>,
    } else {
    }
    return
  }
  func.func @transform_0(%arg0: i32) -> (i32, i32) {
    %c0_i32 = arith.constant 0 : i32
    %c0_i32_0 = arith.constant 0 : i32
    return %arg0, %c0_i32 : i32, i32
  }
  func.func @transform_1(%arg0: i32) -> (i32, i32) {
    %c0_i32 = arith.constant 0 : i32
    %c0_i32_0 = arith.constant 0 : i32
    return %arg0, %c0_i32 : i32, i32
  }
  func.func @transform_2(%arg0: i32) -> (i32, i32, i32) {
    %c0_i32 = arith.constant 0 : i32
    %c0_i32_0 = arith.constant 0 : i32
    %c0_i32_1 = arith.constant 0 : i32
    return %arg0, %c0_i32, %c0_i32_0 : i32, i32, i32
  }
  func.func @transform_3(%arg0: i32) -> (i32, i32) {
    %c0_i32 = arith.constant 0 : i32
    %c0_i32_0 = arith.constant 0 : i32
    %c0_i32_1 = arith.constant 0 : i32
    return %c0_i32, %c0_i32_0 : i32, i32
  }
  func.func @transform_4(%arg0: i32) -> (i32, i32) {
    %c0_i32 = arith.constant 0 : i32
    %c0_i32_0 = arith.constant 0 : i32
    %c0_i32_1 = arith.constant 0 : i32
    return %c0_i32, %c0_i32_0 : i32, i32
  }
  func.func @transform_5(%arg0: i32) -> (i32, i32) {
    %c0_i32 = arith.constant 0 : i32
    %c0_i32_0 = arith.constant 0 : i32
    %c0_i32_1 = arith.constant 0 : i32
    return %c0_i32, %c0_i32_0 : i32, i32
  }
  func.func @transform_6(%arg0: i32) -> (i32, i32) {
    %c0_i32 = arith.constant 0 : i32
    %c0_i32_0 = arith.constant 0 : i32
    %c0_i32_1 = arith.constant 0 : i32
    return %c0_i32, %c0_i32_0 : i32, i32
  }
  func.func @transform_7(%arg0: i32) -> (i32, i32) {
    %c0_i32 = arith.constant 0 : i32
    %c0_i32_0 = arith.constant 0 : i32
    %c0_i32_1 = arith.constant 0 : i32
    return %c0_i32, %c0_i32_0 : i32, i32
  }
  func.func @transform_8(%arg0: i32) -> (i32, i32) {
    %c0_i32 = arith.constant 0 : i32
    %c0_i32_0 = arith.constant 0 : i32
    %c0_i32_1 = arith.constant 0 : i32
    return %c0_i32, %c0_i32_0 : i32, i32
  }
  func.func @transform_9(%arg0: i32) -> (i32, i32) {
    %c0_i32 = arith.constant 0 : i32
    %c0_i32_0 = arith.constant 0 : i32
    return %arg0, %c0_i32 : i32, i32
  }
  func.func @transform_10(%arg0: i32) -> (i32, i32) {
    %c0_i32 = arith.constant 0 : i32
    %c0_i32_0 = arith.constant 0 : i32
    return %arg0, %c0_i32 : i32, i32
  }
  func.func @transform_11(%arg0: i32) -> (i32, i32) {
    %c0_i32 = arith.constant 0 : i32
    %c0_i32_0 = arith.constant 0 : i32
    %c0_i32_1 = arith.constant 0 : i32
    return %c0_i32, %c0_i32_0 : i32, i32
  }
  func.func @transform_12(%arg0: i32) -> (i32, i32) {
    %c0_i32 = arith.constant 0 : i32
    %c0_i32_0 = arith.constant 0 : i32
    %c0_i32_1 = arith.constant 0 : i32
    return %c0_i32, %c0_i32_0 : i32, i32
  }
}

module attributes {stable_mosaic.version = 14 : i64} {
  func.func @_gru_body(%arg0: memref<64x128xf32, #tpu.memory_space<vmem>>, %arg1: memref<64x128xf32, #tpu.memory_space<vmem>>, %arg2: memref<64x8xf32, #tpu.memory_space<vmem>>, %arg3: memref<128x384xf32, #tpu.memory_space<vmem>>, %arg4: memref<1x384xf32, #tpu.memory_space<vmem>>, %arg5: memref<128x384xf32, #tpu.memory_space<vmem>>, %arg6: memref<1x384xf32, #tpu.memory_space<vmem>>, %arg7: memref<128x128xf32, #tpu.memory_space<vmem>>, %arg8: memref<1x128xf32, #tpu.memory_space<vmem>>, %arg9: memref<64x128xf32, #tpu.memory_space<vmem>>, %arg10: memref<64x128xf32, #tpu.memory_space<vmem>>, %arg11: memref<1x1xf32, #tpu.memory_space<vmem>>) attributes {dimension_semantics = [], scalar_prefetch = 0 : i64, scratch_operands = 0 : i64, tpu.core_type = #tpu.core_type<tc>} {
    %get3A = arith.constant 0 : index
    %get3A_0 = arith.constant 0 : index
    %get3A_1 = vector.load %arg0[%get3A, %get3A_0] : memref<64x128xf32, #tpu.memory_space<vmem>>, vector<64x128xf32>
    %get3A_2 = arith.constant 0 : index
    %get3A_3 = arith.constant 0 : index
    %get3A_4 = vector.load %arg3[%get3A_2, %get3A_3] : memref<128x384xf32, #tpu.memory_space<vmem>>, vector<128x384xf32>
    %dot_general3A = arith.constant dense<0.000000e+00> : vector<64x384xf32>
    %dot_general3A_5 = tpu.matmul %get3A_1, %get3A_4, %dot_general3A {dimension_numbers = #tpu.dot_dimension_numbers<[1], [0], [0], [1], [0, 0, 1, 1], [], []>, precision = #tpu.contract_precision<fp32>, transpose_lhs_hint = false} : vector<64x128xf32>, vector<128x384xf32>, vector<64x384xf32> -> vector<64x384xf32>
    %get3A_6 = arith.constant 0 : index
    %get3A_7 = arith.constant 0 : index
    %get3A_8 = vector.load %arg4[%get3A_6, %get3A_7] : memref<1x384xf32, #tpu.memory_space<vmem>>, vector<1x384xf32>
    %add3A = vector.broadcast %get3A_8 : vector<1x384xf32> to vector<64x384xf32>
    %add3A_9 = arith.addf %dot_general3A_5, %add3A : vector<64x384xf32>
    %get3A_10 = arith.constant 0 : index
    %get3A_11 = arith.constant 0 : index
    %get3A_12 = vector.load %arg1[%get3A_10, %get3A_11] : memref<64x128xf32, #tpu.memory_space<vmem>>, vector<64x128xf32>
    %get3A_13 = arith.constant 0 : index
    %get3A_14 = arith.constant 0 : index
    %get3A_15 = vector.load %arg5[%get3A_13, %get3A_14] : memref<128x384xf32, #tpu.memory_space<vmem>>, vector<128x384xf32>
    %dot_general3A_16 = arith.constant dense<0.000000e+00> : vector<64x384xf32>
    %dot_general3A_17 = tpu.matmul %get3A_12, %get3A_15, %dot_general3A_16 {dimension_numbers = #tpu.dot_dimension_numbers<[1], [0], [0], [1], [0, 0, 1, 1], [], []>, precision = #tpu.contract_precision<fp32>, transpose_lhs_hint = false} : vector<64x128xf32>, vector<128x384xf32>, vector<64x384xf32> -> vector<64x384xf32>
    %get3A_18 = arith.constant 0 : index
    %get3A_19 = arith.constant 0 : index
    %get3A_20 = vector.load %arg6[%get3A_18, %get3A_19] : memref<1x384xf32, #tpu.memory_space<vmem>>, vector<1x384xf32>
    %add3A_21 = vector.broadcast %get3A_20 : vector<1x384xf32> to vector<64x384xf32>
    %add3A_22 = arith.addf %dot_general3A_17, %add3A_21 : vector<64x384xf32>
    %slice3A = vector.extract_strided_slice %add3A_9 {offsets = [0, 0], sizes = [64, 128], strides = [1, 1]} : vector<64x384xf32> to vector<64x128xf32>
    %slice3A_23 = vector.extract_strided_slice %add3A_22 {offsets = [0, 0], sizes = [64, 128], strides = [1, 1]} : vector<64x384xf32> to vector<64x128xf32>
    %add3A_24 = arith.addf %slice3A, %slice3A_23 : vector<64x128xf32>
    %logistic3A = arith.negf %add3A_24 : vector<64x128xf32>
    %logistic3A_25 = math.exp %logistic3A : vector<64x128xf32>
    %logistic3A_26 = arith.constant 1.000000e+00 : f32
    %logistic3A_27 = vector.broadcast %logistic3A_26 : f32 to vector<64x128xf32>
    %logistic3A_28 = arith.addf %logistic3A_27, %logistic3A_25 : vector<64x128xf32>
    %logistic3A_29 = arith.divf %logistic3A_27, %logistic3A_28 : vector<64x128xf32>
    %slice3A_30 = vector.extract_strided_slice %add3A_9 {offsets = [0, 128], sizes = [64, 128], strides = [1, 1]} : vector<64x384xf32> to vector<64x128xf32>
    %slice3A_31 = vector.extract_strided_slice %add3A_22 {offsets = [0, 128], sizes = [64, 128], strides = [1, 1]} : vector<64x384xf32> to vector<64x128xf32>
    %add3A_32 = arith.addf %slice3A_30, %slice3A_31 : vector<64x128xf32>
    %logistic3A_33 = arith.negf %add3A_32 : vector<64x128xf32>
    %logistic3A_34 = math.exp %logistic3A_33 : vector<64x128xf32>
    %logistic3A_35 = arith.constant 1.000000e+00 : f32
    %logistic3A_36 = vector.broadcast %logistic3A_35 : f32 to vector<64x128xf32>
    %logistic3A_37 = arith.addf %logistic3A_36, %logistic3A_34 : vector<64x128xf32>
    %logistic3A_38 = arith.divf %logistic3A_36, %logistic3A_37 : vector<64x128xf32>
    %slice3A_39 = vector.extract_strided_slice %add3A_9 {offsets = [0, 256], sizes = [64, 128], strides = [1, 1]} : vector<64x384xf32> to vector<64x128xf32>
    %slice3A_40 = vector.extract_strided_slice %add3A_22 {offsets = [0, 256], sizes = [64, 128], strides = [1, 1]} : vector<64x384xf32> to vector<64x128xf32>
    %mul3A = arith.mulf %logistic3A_29, %slice3A_40 : vector<64x128xf32>
    %add3A_41 = arith.addf %slice3A_39, %mul3A : vector<64x128xf32>
    %tanh3A = math.tanh %add3A_41 : vector<64x128xf32>
    %sub3A = arith.constant 1.000000e+00 : f32
    %sub3A_42 = vector.broadcast %sub3A : f32 to vector<64x128xf32>
    %sub3A_43 = arith.subf %sub3A_42, %logistic3A_38 : vector<64x128xf32>
    %mul3A_44 = arith.mulf %sub3A_43, %tanh3A : vector<64x128xf32>
    %get3A_45 = arith.constant 0 : index
    %get3A_46 = arith.constant 0 : index
    %get3A_47 = vector.load %arg1[%get3A_45, %get3A_46] : memref<64x128xf32, #tpu.memory_space<vmem>>, vector<64x128xf32>
    %mul3A_48 = arith.mulf %logistic3A_38, %get3A_47 : vector<64x128xf32>
    %add3A_49 = arith.addf %mul3A_44, %mul3A_48 : vector<64x128xf32>
    %swap3A = arith.constant 0 : index
    %swap3A_50 = arith.constant 0 : index
    %swap3A_51 = vector.load %arg9[%swap3A, %swap3A_50] : memref<64x128xf32, #tpu.memory_space<vmem>>, vector<64x128xf32>
    tpu.vector_store %arg9[%swap3A, %swap3A_50], %add3A_49 {strides = array<i32>} : memref<64x128xf32, #tpu.memory_space<vmem>>, vector<64x128xf32>,
    %get3A_52 = arith.constant 0 : index
    %get3A_53 = arith.constant 0 : index
    %get3A_54 = vector.load %arg7[%get3A_52, %get3A_53] : memref<128x128xf32, #tpu.memory_space<vmem>>, vector<128x128xf32>
    %dot_general3A_55 = arith.constant dense<0.000000e+00> : vector<64x128xf32>
    %dot_general3A_56 = tpu.matmul %add3A_49, %get3A_54, %dot_general3A_55 {dimension_numbers = #tpu.dot_dimension_numbers<[1], [0], [0], [1], [0, 0, 1, 1], [], []>, precision = #tpu.contract_precision<fp32>, transpose_lhs_hint = false} : vector<64x128xf32>, vector<128x128xf32>, vector<64x128xf32> -> vector<64x128xf32>
    %get3A_57 = arith.constant 0 : index
    %get3A_58 = arith.constant 0 : index
    %get3A_59 = vector.load %arg8[%get3A_57, %get3A_58] : memref<1x128xf32, #tpu.memory_space<vmem>>, vector<1x128xf32>
    %add3A_60 = vector.broadcast %get3A_59 : vector<1x128xf32> to vector<64x128xf32>
    %add3A_61 = arith.addf %dot_general3A_56, %add3A_60 : vector<64x128xf32>
    %swap3A_62 = arith.constant 0 : index
    %swap3A_63 = arith.constant 0 : index
    %swap3A_64 = vector.load %arg10[%swap3A_62, %swap3A_63] : memref<64x128xf32, #tpu.memory_space<vmem>>, vector<64x128xf32>
    tpu.vector_store %arg10[%swap3A_62, %swap3A_63], %add3A_61 {strides = array<i32>} : memref<64x128xf32, #tpu.memory_space<vmem>>, vector<64x128xf32>,
    %get3A_65 = arith.constant 0 : index
    %get3A_66 = arith.constant 0 : index
    %get3A_67 = vector.load %arg2[%get3A_65, %get3A_66] : memref<64x8xf32, #tpu.memory_space<vmem>>, vector<64x8xf32>
    %slice3A_68 = vector.extract_strided_slice %get3A_67 {offsets = [0, 0], sizes = [64, 1], strides = [1, 1]} : vector<64x8xf32> to vector<64x1xf32>
    %slice3A_69 = vector.extract_strided_slice %get3A_67 {offsets = [0, 1], sizes = [64, 1], strides = [1, 1]} : vector<64x8xf32> to vector<64x1xf32>
    %max3A = arith.constant 1.000000e+00 : f32
    %max3A_70 = vector.broadcast %max3A : f32 to vector<64x1xf32>
    %max3A_71 = arith.maximumf %slice3A_69, %max3A_70 : vector<64x1xf32>
    %div3A = arith.divf %slice3A_68, %max3A_71 : vector<64x1xf32>
    %reduce_sum3A = vector.shape_cast %div3A : vector<64x1xf32> to vector<1x64x1xf32>
    %reduce_sum3A_72 = arith.constant dense<0.000000e+00> : vector<1xf32>
    %reduce_sum3A_73 = vector.multi_reduction <add>, %reduce_sum3A, %reduce_sum3A_72 [1, 2] : vector<1x64x1xf32> to vector<1xf32>
    %reduce_sum3A_74 = vector.shape_cast %reduce_sum3A_73 : vector<1xf32> to vector<1x1x1xf32>
    %reduce_sum3A_75 = vector.extract %reduce_sum3A_74[0, 0, 0] : f32 from vector<1x1x1xf32>
    %div3A_76 = arith.constant 6.400000e+01 : f32
    %div3A_77 = arith.divf %reduce_sum3A_75, %div3A_76 : f32
    %broadcast_in_dim3A = arith.constant 1.000000e+00 : f32
    %broadcast_in_dim3A_78 = vector.broadcast %broadcast_in_dim3A : f32 to vector<1x1xf32>
    %mul3A_79 = vector.broadcast %div3A_77 : f32 to vector<1x1xf32>
    %mul3A_80 = arith.mulf %mul3A_79, %broadcast_in_dim3A_78 : vector<1x1xf32>
    %swap3A_81 = arith.constant 0 : index
    %swap3A_82 = arith.constant 0 : index
    %swap3A_83 = vector.load %arg11[%swap3A_81, %swap3A_82] : memref<1x1xf32, #tpu.memory_space<vmem>>, vector<1x1xf32>
    tpu.vector_store %arg11[%swap3A_81, %swap3A_82], %mul3A_80 {strides = array<i32>} : memref<1x1xf32, #tpu.memory_space<vmem>>, vector<1x1xf32>,
    return
  }
}

module attributes {stable_mosaic.version = 14 : i64} {
  func.func @_fin_body(%arg0: memref<64x128xf32, #tpu.memory_space<vmem>>, %arg1: memref<1x128xf32, #tpu.memory_space<vmem>>, %arg2: memref<1x128xf32, #tpu.memory_space<vmem>>, %arg3: memref<128x64xf32, #tpu.memory_space<vmem>>, %arg4: memref<1x64xf32, #tpu.memory_space<vmem>>, %arg5: memref<64x10xf32, #tpu.memory_space<vmem>>, %arg6: memref<1x10xf32, #tpu.memory_space<vmem>>, %arg7: memref<64x10xf32, #tpu.memory_space<vmem>>) attributes {dimension_semantics = [], scalar_prefetch = 0 : i64, scratch_operands = 0 : i64, tpu.core_type = #tpu.core_type<tc>} {
    %get3A = arith.constant 0 : index
    %get3A_0 = arith.constant 0 : index
    %get3A_1 = vector.load %arg0[%get3A, %get3A_0] : memref<64x128xf32, #tpu.memory_space<vmem>>, vector<64x128xf32>
    %reduce_sum3A = arith.constant dense<0.000000e+00> : vector<128xf32>
    %reduce_sum3A_2 = vector.multi_reduction <add>, %get3A_1, %reduce_sum3A [0] : vector<64x128xf32> to vector<128xf32>
    %broadcast_in_dim3A = vector.shape_cast %reduce_sum3A_2 : vector<128xf32> to vector<1x128xf32>
    %div3A = arith.constant 6.400000e+01 : f32
    %div3A_3 = vector.broadcast %div3A : f32 to vector<1x128xf32>
    %div3A_4 = arith.divf %broadcast_in_dim3A, %div3A_3 : vector<1x128xf32>
    %sub3A = vector.broadcast %div3A_4 : vector<1x128xf32> to vector<64x128xf32>
    %sub3A_5 = arith.subf %get3A_1, %sub3A : vector<64x128xf32>
    %integer_pow3A = arith.mulf %sub3A_5, %sub3A_5 : vector<64x128xf32>
    %reduce_sum3A_6 = arith.constant dense<0.000000e+00> : vector<128xf32>
    %reduce_sum3A_7 = vector.multi_reduction <add>, %integer_pow3A, %reduce_sum3A_6 [0] : vector<64x128xf32> to vector<128xf32>
    %broadcast_in_dim3A_8 = vector.shape_cast %reduce_sum3A_7 : vector<128xf32> to vector<1x128xf32>
    %div3A_9 = arith.constant 6.400000e+01 : f32
    %div3A_10 = vector.broadcast %div3A_9 : f32 to vector<1x128xf32>
    %div3A_11 = arith.divf %broadcast_in_dim3A_8, %div3A_10 : vector<1x128xf32>
    %sub3A_12 = vector.broadcast %div3A_4 : vector<1x128xf32> to vector<64x128xf32>
    %sub3A_13 = arith.subf %get3A_1, %sub3A_12 : vector<64x128xf32>
    %add3A = arith.constant 9.99999974E-6 : f32
    %add3A_14 = vector.broadcast %add3A : f32 to vector<1x128xf32>
    %add3A_15 = arith.addf %div3A_11, %add3A_14 : vector<1x128xf32>
    %sqrt3A = math.sqrt %add3A_15 : vector<1x128xf32>
    %div3A_16 = vector.broadcast %sqrt3A : vector<1x128xf32> to vector<64x128xf32>
    %div3A_17 = arith.divf %sub3A_13, %div3A_16 : vector<64x128xf32>
    %get3A_18 = arith.constant 0 : index
    %get3A_19 = arith.constant 0 : index
    %get3A_20 = vector.load %arg1[%get3A_18, %get3A_19] : memref<1x128xf32, #tpu.memory_space<vmem>>, vector<1x128xf32>
    %mul3A = vector.broadcast %get3A_20 : vector<1x128xf32> to vector<64x128xf32>
    %mul3A_21 = arith.mulf %div3A_17, %mul3A : vector<64x128xf32>
    %get3A_22 = arith.constant 0 : index
    %get3A_23 = arith.constant 0 : index
    %get3A_24 = vector.load %arg2[%get3A_22, %get3A_23] : memref<1x128xf32, #tpu.memory_space<vmem>>, vector<1x128xf32>
    %add3A_25 = vector.broadcast %get3A_24 : vector<1x128xf32> to vector<64x128xf32>
    %add3A_26 = arith.addf %mul3A_21, %add3A_25 : vector<64x128xf32>
    %get3A_27 = arith.constant 0 : index
    %get3A_28 = arith.constant 0 : index
    %get3A_29 = vector.load %arg3[%get3A_27, %get3A_28] : memref<128x64xf32, #tpu.memory_space<vmem>>, vector<128x64xf32>
    %dot_general3A = arith.constant dense<0.000000e+00> : vector<64x64xf32>
    %dot_general3A_30 = tpu.matmul %add3A_26, %get3A_29, %dot_general3A {dimension_numbers = #tpu.dot_dimension_numbers<[1], [0], [0], [1], [0, 0, 1, 1], [], []>, precision = #tpu.contract_precision<fp32>, transpose_lhs_hint = false} : vector<64x128xf32>, vector<128x64xf32>, vector<64x64xf32> -> vector<64x64xf32>
    %get3A_31 = arith.constant 0 : index
    %get3A_32 = arith.constant 0 : index
    %get3A_33 = vector.load %arg4[%get3A_31, %get3A_32] : memref<1x64xf32, #tpu.memory_space<vmem>>, vector<1x64xf32>
    %add3A_34 = vector.broadcast %get3A_33 : vector<1x64xf32> to vector<64x64xf32>
    %add3A_35 = arith.addf %dot_general3A_30, %add3A_34 : vector<64x64xf32>
    %gt3A = arith.constant 0.000000e+00 : f32
    %gt3A_36 = vector.broadcast %gt3A : f32 to vector<64x64xf32>
    %gt3A_37 = arith.cmpf ogt, %add3A_35, %gt3A_36 : vector<64x64xf32>
    %mul3A_38 = arith.constant 0.00999999977 : f32
    %mul3A_39 = vector.broadcast %mul3A_38 : f32 to vector<64x64xf32>
    %mul3A_40 = arith.mulf %mul3A_39, %add3A_35 : vector<64x64xf32>
    %select_n3A = arith.select %gt3A_37, %add3A_35, %mul3A_40 : vector<64x64xi1>, vector<64x64xf32>
    %get3A_41 = arith.constant 0 : index
    %get3A_42 = arith.constant 0 : index
    %get3A_43 = vector.load %arg5[%get3A_41, %get3A_42] : memref<64x10xf32, #tpu.memory_space<vmem>>, vector<64x10xf32>
    %dot_general3A_44 = arith.constant dense<0.000000e+00> : vector<64x10xf32>
    %dot_general3A_45 = tpu.matmul %select_n3A, %get3A_43, %dot_general3A_44 {dimension_numbers = #tpu.dot_dimension_numbers<[1], [0], [0], [1], [0, 0, 1, 1], [], []>, precision = #tpu.contract_precision<fp32>, transpose_lhs_hint = false} : vector<64x64xf32>, vector<64x10xf32>, vector<64x10xf32> -> vector<64x10xf32>
    %get3A_46 = arith.constant 0 : index
    %get3A_47 = arith.constant 0 : index
    %get3A_48 = vector.load %arg6[%get3A_46, %get3A_47] : memref<1x10xf32, #tpu.memory_space<vmem>>, vector<1x10xf32>
    %add3A_49 = vector.broadcast %get3A_48 : vector<1x10xf32> to vector<64x10xf32>
    %add3A_50 = arith.addf %dot_general3A_45, %add3A_49 : vector<64x10xf32>
    %reduce_max3A = arith.constant dense<0xFF800000> : vector<64xf32>
    %reduce_max3A_51 = vector.multi_reduction <maximumf>, %add3A_50, %reduce_max3A [1] : vector<64x10xf32> to vector<64xf32>
    %broadcast_in_dim3A_52 = vector.shape_cast %reduce_max3A_51 : vector<64xf32> to vector<64x1xf32>
    %sub3A_53 = vector.broadcast %broadcast_in_dim3A_52 : vector<64x1xf32> to vector<64x10xf32>
    %sub3A_54 = arith.subf %add3A_50, %sub3A_53 : vector<64x10xf32>
    %exp3A = math.exp %sub3A_54 : vector<64x10xf32>
    %reduce_sum3A_55 = arith.constant dense<0.000000e+00> : vector<64xf32>
    %reduce_sum3A_56 = vector.multi_reduction <add>, %exp3A, %reduce_sum3A_55 [1] : vector<64x10xf32> to vector<64xf32>
    %broadcast_in_dim3A_57 = vector.shape_cast %reduce_sum3A_56 : vector<64xf32> to vector<64x1xf32>
    %log3A = math.log %broadcast_in_dim3A_57 : vector<64x1xf32>
    %add3A_58 = arith.addf %log3A, %broadcast_in_dim3A_52 : vector<64x1xf32>
    %sub3A_59 = vector.broadcast %add3A_58 : vector<64x1xf32> to vector<64x10xf32>
    %sub3A_60 = arith.subf %add3A_50, %sub3A_59 : vector<64x10xf32>
    %swap3A = arith.constant 0 : index
    %swap3A_61 = arith.constant 0 : index
    %swap3A_62 = vector.load %arg7[%swap3A, %swap3A_61] : memref<64x10xf32, #tpu.memory_space<vmem>>, vector<64x10xf32>
    tpu.vector_store %arg7[%swap3A, %swap3A_61], %sub3A_60 {strides = array<i32>} : memref<64x10xf32, #tpu.memory_space<vmem>>, vector<64x10xf32>,
    return
  }
}

</mosaic_0001>

<sc_bundles>
// kernel: kernel.24.cloned.1.call-start
scs
__scs_entry_jumppad:
0x0: {  	(pc) =	sbr.rel $0x88, $3  }
0x1: {  	(tag) =	ssettag $0x0;
	lr =	simm.s32 $0x1  }
0x2: {  	[smem:$0x3F7E] =	sst lr;
	_ =	strace $0xD0000000  }
0x3: {  	_ = 	snop  }
0x4: {  	_ = 	snop  }
0x5: {  	_ = 	snop  }
0x6: {  	_ = 	snop  }
0x7: {  	_ = 	snop  }
__scs_overlays_trampoline_lowered:
0x8: {  	[smem:$0x3F8D] =	sst s0  }
0x9: {  	[smem:$0x3F8E] =	sst s1  }
0xa: {  	[smem:$0x3F8F] =	sst s2  }
0xb: {  	[smem:$0x3F90] =	sst s3  }
0xc: {  	[smem:$0x3F91] =	sst s4  }
0xd: {  	[smem:$0x3F92] =	sst s5  }
0xe: {  	[smem:$0x3F93] =	sst s6  }
0xf: {  	[smem:$0x3F94] =	sst s7  }
0x10: {  	[smem:$0x3F95] =	sst s8  }
0x11: {  	[smem:$0x3F96] =	sst s9;
	s0 =	simm.s32 @!p0 $0x0  }
0x12: {  	s1 =	sld [smem:$0x3F7C];
	s0 =	simm.s32 @p0 $0x1  }
0x13: {  	[smem:$0x3F97] =	sst s0;
	s0 =	simm.s32 @!p1 $0x0  }
0x14: {  	s2 =	sld [smem:$0x3F7B];
	s0 =	simm.s32 @p1 $0x1  }
0x15: {  	[smem:$0x3F98] =	sst s0;
	s0 =	simm.s32 @!p2 $0x0  }
0x16: {  	s3 =	sld [smem:$0x3FDB];
	s0 =	simm.s32 @p2 $0x1  }
0x17: {  	s4 =	simm.s32 $0x1BF5;
	[smem:$0x3F9A] =	sst s0  }
0x18: {  	s0 =	sld [smem:$0x3F7D];
	_ =	swait.ge [sflag:s4], $0x0  }
0x19: {  	s7 =	sld [smem:$0x3F7E]  }
0x1a: {  	s8 =	sadd.s32 $0xFFFFE003, lr  }
0x1b: {  	s9 =	sadd.s32 $0xFFFFFEF7, lr;
	s5 =	simm.s32 $0xFFFFFFFF;
	p2 =	slt.u32 s8, $0xFFFFF086  }
0x1c: {  	p1 =	slt.u32 s9, $0xF7A;
	s5 =	simm.s32 @!p2 $0x0  }
0x1d: {  	s5 =	simm.s32 @p1 $0x1;
	p0 =	seq.s32 s7, s2  }
0x1e: {  	s7 =	smul.u32 @!p0 $0xF7A, s2;
	p2 =	seq.s32 @!p0 s5, $0x0  }
0x1f: {  	s9 =	smul.u32 $0xF7A, s1;
	s8 =	simm.s32 @!p0 $0x1BF5;
	p2 =	por !p2, p0  }
0x20: {  	[sflag:s8] =	ssyncset.s32 @!p0 $0xFFFFF086;
	s6 =	sadd.s32 @!p0 s3, s7;
	s7 =	simm.s32 @!p0 $0x108  }
0x21: {  	s3 =	sadd.s32 s3, s9;
	s6 =	sadd.s32 @!p0 $0x88, s6;
	s7 =	simm.s32 @p2 $0x1082  }
0x22: {  	[simem:s7], [sflag:s8] =	dma.local @!p0 [hbm:s6], $0xF7A  }
0x23: {  	s9 =	sor.u32 $0xD0000000, s2;
	s6 =	simm.s32 $0x108;
	_ =	swait.ge @!p0 [sflag:s8], $0x0  }
0x24: {  	s3 =	sadd.s32 $0x88, s3;
	s6 =	simm.s32 @!p1 $0x1082;
	[sflag:s4] =	ssyncset.s32 $0xFFFFF086  }
0x25: {  	[simem:s6], [sflag:s4] =	dma.local [hbm:s3], $0xF7A  }
0x26: {  	[smem:$0x3F7E] =	sst s1;
	(tag) =	ssettag s2;
	_ =	strace s9  }
0x27: {  	s1 =	sld [smem:$0x3F8E]  }
0x28: {  	s2 =	sld [smem:$0x3F8F]  }
0x29: {  	s4 =	sld [smem:$0x3F91]  }
0x2a: {  	p0 =	seq.s32 s5, $0x0;
	s5 =	sld [smem:$0x3F92]  }
0x2b: {  	s6 =	sld [smem:$0x3F93]  }
0x2c: {  	s7 =	sld [smem:$0x3F94]  }
0x2d: {  	s3 =	simm.s32 $0x108;
	s8 =	sld [smem:$0x3F95]  }
0x2e: {  	s3 =	simm.s32 @!p0 $0x1082;
	s9 =	sld [smem:$0x3F96]  }
0x2f: {  	lr =	sadd.s32 s0, s3;
	s0 =	sld [smem:$0x3F8D]  }
0x30: {  	s3 =	sld [smem:$0x3F90]  }
0x31: {  	[smem:$0x3F99] =	sst s10  }
0x32: {  	s10 =	sld [smem:$0x3F97];
	_ =	sdelay $0x3  }
0x33: {  	p0 =	seq.s32 s10, $0x1;
	s10 =	sld [smem:$0x3F99];
	_ =	sdelay $0x3  }
0x34: {  	[smem:$0x3F99] =	sst s10  }
0x35: {  	s10 =	sld [smem:$0x3F98];
	_ =	sdelay $0x3  }
0x36: {  	p1 =	seq.s32 s10, $0x1;
	s10 =	sld [smem:$0x3F99];
	_ =	sdelay $0x3  }
0x37: {  	[smem:$0x3F99] =	sst s10  }
0x38: {  	s10 =	sld [smem:$0x3F9A]  }
0x39: {  	_ = 	snop;
	(pc) =	sbr.ind lr, $3  }
0x3a: {  	_ = 	snop  }
0x3b: {  	_ = 	snop  }
0x3c: {  	p2 =	seq.s32 s10, $0x1;
	s10 =	sld [smem:$0x3F99]  }
0x3d: {  	_ =	shalt  }
0x3e: {  	_ =	shalt  }
0x3f: {  	_ =	shalt  }
0x40: {  	_ =	shalt  }
0x41: {  	_ =	shalt  }
0x42: {  	_ =	shalt  }
0x43: {  	_ =	shalt  }
0x44: {  	_ =	shalt  }
0x45: {  	_ =	shalt  }
0x46: {  	_ =	shalt  }
0x47: {  	_ =	shalt  }
0x48: {  	_ =	shalt  }
0x49: {  	_ =	shalt  }
0x4a: {  	_ =	shalt  }
0x4b: {  	_ =	shalt  }
0x4c: {  	_ =	shalt  }
0x4d: {  	_ =	shalt  }
0x4e: {  	_ =	shalt  }
0x4f: {  	_ =	shalt  }
0x50: {  	_ =	shalt  }
0x51: {  	_ =	shalt  }
0x52: {  	_ =	shalt  }
0x53: {  	_ =	shalt  }
0x54: {  	_ =	shalt  }
0x55: {  	_ =	shalt  }
0x56: {  	_ =	shalt  }
0x57: {  	_ =	shalt  }
0x58: {  	_ =	shalt  }
0x59: {  	_ =	shalt  }
0x5a: {  	_ =	shalt  }
0x5b: {  	_ =	shalt  }
0x5c: {  	_ =	shalt  }
0x5d: {  	_ =	shalt  }
0x5e: {  	_ =	shalt  }
0x5f: {  	_ =	shalt  }
0x60: {  	_ =	shalt  }
0x61: {  	_ =	shalt  }
0x62: {  	_ =	shalt  }
0x63: {  	_ =	shalt  }
0x64: {  	_ =	shalt  }
0x65: {  	_ =	shalt  }
0x66: {  	_ =	shalt  }
0x67: {  	_ =	shalt  }
0x68: {  	_ =	shalt  }
0x69: {  	_ =	shalt  }
0x6a: {  	_ =	shalt  }
0x6b: {  	_ =	shalt  }
0x6c: {  	_ =	shalt  }
0x6d: {  	_ =	shalt  }
0x6e: {  	_ =	shalt  }
0x6f: {  	_ =	shalt  }
0x70: {  	_ =	shalt  }
0x71: {  	_ =	shalt  }
0x72: {  	_ =	shalt  }
0x73: {  	_ =	shalt  }
0x74: {  	_ =	shalt  }
0x75: {  	_ =	shalt  }
0x76: {  	_ =	shalt  }
0x77: {  	_ =	shalt  }
0x78: {  	_ =	shalt  }
0x79: {  	_ =	shalt  }
0x7a: {  	_ =	shalt  }
0x7b: {  	_ =	shalt  }
0x7c: {  	_ =	shalt  }
0x7d: {  	_ =	shalt  }
0x7e: {  	_ =	shalt  }
0x7f: {  	_ =	shalt  }
0x80: {  	_ =	shalt  }
0x81: {  	_ =	shalt  }
0x82: {  	_ =	shalt  }
0x83: {  	_ =	shalt  }
0x84: {  	_ =	shalt  }
0x85: {  	_ =	shalt  }
0x86: {  	_ =	shalt  }
0x87: {  	_ =	shalt  }
.Lfunc_end0:
.L_simem_size_0:
called_computation_lowered:
.L_overlay_start_0:
0x88: {  	s2 =	sld [smem:$0x3FD9]  }
0x89: {  	s3 =	sld [smem:$0x3FFE];
	_ =	sdelay $0x1  }
0x8a: {  	s1 =	srdreg.scid  }
0x8b: {  	s0 =	sand.u32 $0x1, s1  }
0x8c: {  	s14 =	sshll.u32 s0, $0xA;
	s2 =	sadd.s32 s3, s2  }
0x8d: {  	s2 =	sadd.s32 s2, s14  }
0x8e: {  	[smem:$0x3FA5] =	sst s2  }
0x8f: {  	_ = 	snop  }
0x90: {  	s2 =	sld [smem:$0x3FD0];
	_ =	sdelay $0x2  }
0x91: {  	s15 =	simm.s32 $0xA;
	s4 =	simm.s32 $0x10  }
0x92: {  	[smem:s4], [sflag:s15] =	dma.local [hbm:s2], $0x1  }
0x93: {  	_ =	swait.eq [sflag:s15], $0x1  }
0x94: {  	[sflag:s15] =	ssyncset.done $0x0  }
0x95: {  	[sflag:s15] =	ssyncadd.s32 $0xFFFFFFFF  }
0x96: {  	s16 =	sld [smem:$0x11];
	(tm) =	ssettm $0x1  }
0x97: {  	s17 =	sld [smem:$0x3FFB];
	_ =	sdelay $0x3  }
0x98: {  	_ =	strace s17  }
0x99: {  	s3 =	sld [smem:$0x3FFC];
	_ =	sdelay $0x3  }
0x9a: {  	_ =	strace s3  }
0x9b: {  	s3 =	sld [smem:$0x3FFD];
	_ =	sdelay $0x3  }
0x9c: {  	_ =	strace s3  }
0x9d: {  	_ =	strace $0x8FFFFFFF  }
0x9e: {  	s18 =	sld [smem:$0x3FDB];
	_ =	sdelay $0x1  }
0x9f: {  	s19 =	simm.s32 $_scs_section_size  }
0xa0: {  	s5 =	simm.s32 $_size__tile_overlayer_lowered;
	s6 =	simm.s32 $_tile_overlayer_lowered  }
0xa1: {  	s22 =	simm.s32 $0x1BFF;
	s21 =	sshll.u32 s6, $0x1;
	s3 =	sadd.s32 s19, s18  }
0xa2: {  	s7 =	simm.s32 $0x0;
	s20 =	sshll.u32 s5, $0x1;
	s5 =	sadd.s32 s21, s3  }
0xa3: {  	[timem:s7], [sflag:s22] =	dma.local [hbm:s5], s20  }
0xa4: {  	_ =	swait.ge [sflag:s22], s20  }
0xa5: {  	s4 =	ssub.s32 $0x0, s20;
	[sflag:s22] =	ssyncset.done $0x0  }
0xa6: {  	[sflag:s22] =	ssyncadd.s32 s4;
	_ =	sdelay $0x1  }
0xa7: {  	s23 =	simm.s32 $0x1B8B  }
0xa8: {  	_ =	swait.ge [sflag:s23], $0x1  }
0xa9: {  	[sflag:s23] =	ssyncset.done $0x0  }
0xaa: {  	s25 =	simm.s32 $0x1B8E;
	s24 =	sld [smem:$0x3FFE];
	[sflag:s23] =	ssyncadd.s32 $0xFFFFFFFF  }
0xab: {  	s26 =	simm.s32 $execute0_lowered;
	[smem:$0x3FD2] =	sst s25  }
0xac: {  	s5 =	sshll.u32 s26, $0x1;
	_ =	strace $0x80000046;
	[dreg:$0x1] =	wrdreg $0xFFFFFFFF  }
0xad: {  	s28 =	simm.s32 $_size_execute0_lowered;
	s3 =	sadd.s32 s3, s5;
	[dreg:$0x0] =	wrdreg $0x0  }
0xae: {  	s5 =	sshll.u32 s28, $0x1;
	[dreg:$0x2] =	wrdreg s3  }
0xaf: {  	[dreg:$0x3] =	wrdreg s5  }
0xb0: {  	[dreg:$0x4] =	wrdreg $0xC0  }
0xb1: {  	_ =	task [dreg:s7], $0x5FFFF  }
0xb2: {  	[dreg:$0x1] =	wrdreg $0xFFFFFFFF  }
0xb3: {  	[dreg:$0x0] =	wrdreg $0x60  }
0xb4: {  	[dreg:$0x2] =	wrdreg s16  }
0xb5: {  	[dreg:$0x3] =	wrdreg s24  }
0xb6: {  	[dreg:$0x4] =	wrdreg $0x9  }
0xb7: {  	_ =	task.clear_ibuf [dreg:s7], $0x5FFFF;
	_ =	strace $0x90000046  }
0xb8: {  	s29 =	simm.s32 $0x9;
	_ =	strace $0x80000048  }
0xb9: {  	_ =	swait.ge [sflag:s29], $0x1  }
0xba: {  	[sflag:s29] =	ssyncadd.s32 $0xFFFFFFFF  }
0xbb: {  	_ =	strace $0x90000048  }
0xbc: {  	_ =	sfence  }
0xbd: {  	s30 =	sld [smem:$0x0];
	_ =	sdelay $0x2  }
0xbe: {  	s31 =	sshll.u32 s1, $0xD;
	s1 =	sshrl.u32 s1, $0x2  }
0xbf: {  	s3 =	sand.u32 $0x4000, s31;
	s1 =	sadd.s32 s1, s30  }
0xc0: {  	s0 =	sor.u32 s3, s0;
	s1 =	sshll.u32 s1, $0x11  }
0xc1: {  	s0 =	sor.u32 s1, s0  }
0xc2: {  	s0 =	sadd.s32 $0x8F2B, s0  }
0xc3: {  	[sflag:s0] =	ssyncadd.remote.s32 $0x1  }
0xc4: {  	_ =	sfence.sel $0xFFFF  }
0xc5: {  	[dreg:$0x0] =	wrdreg $0xFFFFFFFF;
	(pc) =	sbr.abs _section_cstart, $3  }
0xc6: {  	[dreg:$0x1] =	wrdreg $0xFFFFFFFF  }
0xc7: {  	_ =	task.clear_ibuf [dreg:s7], $0x2FFFF;
	_ =	strace $0x9FFFFFFF  }
0xc8: {  	(tm) =	ssettm $0x7FFFFFFF  }
0xc9: {  	_ =	shalt  }
tec
execute0_lowered:
.L_overlay_start_1:
0x0: {  	(tag) =	ssettag $0x1  }
0x1: {  	s1 =	rddreg [dreg:$0x0]  }
0x2: {  	s0 =	rddreg [dreg:$0x1];
	s3 =	simm.s32 $0x0;
	s2 =	srdreg.scid  }
0x3: {  	s14 =	stileid.u32;
	s28 =	simm.s32 $0x5200;
	s29 =	simm.s32 $0x7A00  }
0x4: {  	s30 =	simm.s32 $0x3;
	s31 =	simm.s32 $0x5;
	[smem:$0x7FF] =	sst s3  }
0x5: {  	s4 =	sadd.s32 $0x24800, s0;
	s2 =	sand.u32 $0x1, s2;
	s16 =	smul.u32 $0x4E20, s14  }
0x6: {  	s7 =	sshll.u32 s14, $0x1;
	s5 =	sadd.s32 $0x18200, s0;
	s23 =	smul.u32 $0x4E200, s14  }
0x7: {  	s6 =	sadd.s32 $0xE400, s0;
	s7 =	sor.u32 s2, s7;
	s13 =	smul.u32 $0x2710, s2  }
0x8: {  	s8 =	sadd.s32 $0x4C000, s0;
	s9 =	ssub.s32 $0x2, s2;
	s10 =	smul.u32 $0x2710, s7  }
0x9: {  	s0 =	sadd.s32 $0x52E000, s0;
	s11 =	sshrl.u32 s9, $0x1;
	s7 =	smul.u32 $0x138800, s7  }
0xa: {  	_ =	strace $0x80000047;
	s2 =	smul.u32 $0x27100, s2;
	s9 =	ssub.s32 s9, s11  }
0xb: {  	s20 =	sadd.s32 s13, s16;
	s10 =	sshrl.u32 s10, $0x3;
	s7 =	sshrl.u32 s7, $0x3  }
0xc: {  	s22 =	sadd.s32 $0xF0, s20;
	s9 =	smax.u32 s9, $0x1;
	s26 =	sadd.s32 $0xA0, s20  }
0xd: {  	s20 =	simm.s32 $0x1;
	s12 =	sadd.s32 s5, s10;
	[dreg:$0x9] =	wrdreg s9  }
0xe: {  	s17 =	sadd.s32 $0xA, s10;
	s10 =	sadd.s32 s6, s10;
	[dreg:$0xc] =	wrdreg s26  }
0xf: {  	s7 =	sadd.s32 $0x26C00, s7;
	s24 =	sshrl.u32 s22, $0x3;
	[dreg:$0x3] =	wrdreg s12  }
0x10: {  	s22 =	simm.s32 $0x200;
	[dreg:$0x4] =	wrdreg s10;
	s18 =	sadd.s32 s5, s17  }
0x11: {  	s26 =	simm.s32 $0x2;
	s19 =	sadd.s32 s6, s17;
	[dreg:$0x5] =	wrdreg s18  }
0x12: {  	s21 =	sadd.s32 s8, s7;
	s7 =	sadd.s32 s0, s7;
	[dreg:$0x6] =	wrdreg s19  }
0x13: {  	s25 =	sadd.s32 s24, s6;
	s8 =	sadd.s32 s23, s8;
	[dreg:$0x7] =	wrdreg s21  }
0x14: {  	s0 =	sadd.s32 s23, s0;
	s23 =	simm.s32 $0x2A00;
	[dreg:$0x8] =	wrdreg s7  }
.Ltmp0:
0x15: {  	s10 =	simm.s32 $0x0;
	[dreg:$0xa] =	wrdreg s25;
	(pc) =	sbr.rel .LBB2_1-.Ltmp0, $4  }
0x16: {  	s7 =	sadd.s32 s24, s5;
	s16 =	sadd.s32 s2, s8;
	s17 =	sadd.s32 s2, s0  }
0x17: {  	s19 =	simm.s32 $0x80;
	s21 =	simm.s32 $0x50;
	s24 =	simm.s32 $0x100  }
0x18: {  	s25 =	simm.s32 $0x180;
	s0 =	simm.s32 $0x7;
	s2 =	simm.s32 $0x9  }
0x19: {  	s8 =	simm.s32 $0x6;
	[dreg:$0xb] =	wrdreg s7;
	s7 =	simm.s32 $0x4  }
.LBB2_4:
0x1a: {  	_ =	swait.ge [sflag:s30], $0x2800  }
0x1b: {  	[sflag:s30] =	ssyncset.done $0x0  }
0x1c: {  	[sflag:s30] =	ssyncadd.s32 $0xFFFFD800  }
0x1d: {  	_ =	swait.ge [sflag:s31], $0x2800  }
0x1e: {  	[sflag:s31] =	ssyncset.done $0x0  }
0x1f: {  	s9 =	rddreg [dreg:$0x7];
	[sflag:s31] =	ssyncadd.s32 $0xFFFFD800  }
0x20: {  	[hbm4b:s9+s3] =	stream.linear.scatter [tilespmem:s22], [sflag:$0x7], $0x2800, $0x38;
	[tilespmem:$0xA200] =	vst v63  }
0x21: {  	s14 =	simm.s32 $0x8;
	s13 =	rddreg [dreg:$0x8]  }
0x22: {  	[hbm4b:s13+s3] =	stream.linear.scatter [tilespmem:s23], [sflag:$0x9], $0x2800, $0x38;
	[tilespmem:$0xA200] =	vst v63  }
0x23: {  	_ =	swait.ge [sflag:s14], $0x2800  }
0x24: {  	[sflag:s14] =	ssyncset.done $0x0  }
0x25: {  	s15 =	simm.s32 $0xA;
	[sflag:s14] =	ssyncadd.s32 $0xFFFFD800  }
0x26: {  	_ =	swait.ge [sflag:s15], $0x2800  }
0x27: {  	[sflag:s15] =	ssyncset.done $0x0  }
0x28: {  	[sflag:s15] =	ssyncadd.s32 $0xFFFFD800  }
0x29: {  	_ =	swait.ge [sflag:s0], $0x2800  }
0x2a: {  	[sflag:s0] =	ssyncset.done $0x0  }
0x2b: {  	[sflag:s0] =	ssyncadd.s32 $0xFFFFD800  }
0x2c: {  	_ =	swait.ge [sflag:s2], $0x2800  }
0x2d: {  	s10 =	rddreg [dreg:$0xd]  }
0x2e: {  	s18 =	rddreg [dreg:$0x9];
	s10 =	sadd.s32 $0x1, s10  }
0x2f: {  	p0 =	sne.s32 s10, s18  }
.Ltmp1:
0x30: {  	_ = 	snop;
	(pc) =	sbr.rel @!p0 .LBB2_5-.Ltmp1, $3  }
0x31: {  	_ =	sdelay $0x1  }
0x32: {  	[sflag:s2] =	ssyncset.done $0x0  }
0x33: {  	[sflag:s2] =	ssyncadd.s32 $0xFFFFD800  }
.LBB2_1:
0x34: {  	[dreg:$0xd] =	wrdreg s10  }
0x35: {  	s9 =	rddreg [dreg:$0x3]  }
0x36: {  	[tilespmem:s3], [sflag:$0x1] =	stream.linear.gather [hbm4b:s9+s3], $0x50, $0x38;
	[tilespmem:$0xA200] =	vst v63  }
0x37: {  	s14 =	rddreg [dreg:$0x4]  }
0x38: {  	[tilespmem:s19], [sflag:$0x1] =	stream.linear.gather [hbm4b:s14+s3], $0x50, $0x38;
	[tilespmem:$0xA200] =	vst v63  }
0x39: {  	_ =	swait.ge [sflag:s20], $0x50  }
0x3a: {  	[sflag:s20] =	ssyncset.done $0x0  }
0x3b: {  	[sflag:s20] =	ssyncadd.s32 $0xFFFFFFB0  }
0x3c: {  	_ =	swait.ge [sflag:s20], $0x50  }
0x3d: {  	[sflag:s20] =	ssyncset.done $0x0  }
0x3e: {  	s15 =	rddreg [dreg:$0x5];
	[sflag:s20] =	ssyncadd.s32 $0xFFFFFFB0  }
0x3f: {  	[tilespmem:s22], [sflag:$0x3] =	stream.indirect.gather [hbm4b:s1+s21], $0x80, s3, s21, $0xb8;
	[tilespmem:$0xA200] =	vst v63  }
0x40: {  	s18 =	rddreg [dreg:$0x6]  }
0x41: {  	[tilespmem:s23], [sflag:$0x5] =	stream.indirect.gather [hbm4b:s4+s21], $0x80, s19, s21, $0xb8;
	[tilespmem:$0xA200] =	vst v63  }
0x42: {  	s14 =	rddreg [dreg:$0xa]  }
0x43: {  	[tilespmem:s24], [sflag:$0x2] =	stream.linear.gather [hbm4b:s15+s3], $0x50, $0x38;
	[tilespmem:$0xA200] =	vst v63  }
0x44: {  	s15 =	rddreg [dreg:$0xb]  }
0x45: {  	[tilespmem:s25], [sflag:$0x2] =	stream.linear.gather [hbm4b:s18+s3], $0x50, $0x38;
	[tilespmem:$0xA200] =	vst v63  }
0x46: {  	s13 =	simm.s32 $0x0;
	s18 =	rddreg [dreg:$0xc]  }
.LBB2_2:
0x47: {  	_ =	swait.ge [sflag:s26], $0x50  }
0x48: {  	[sflag:s26] =	ssyncset.done $0x0  }
0x49: {  	[sflag:s26] =	ssyncadd.s32 $0xFFFFFFB0  }
0x4a: {  	_ =	swait.ge [sflag:s26], $0x50  }
0x4b: {  	p0 =	seq.s32 s13, $0x0;
	[sflag:s26] =	ssyncset.done $0x0  }
0x4c: {  	s12 =	simm.s32 @!p0 $0x8;
	[sflag:s26] =	ssyncadd.s32 $0xFFFFFFB0  }
0x4d: {  	_ =	swait.ge @!p0 [sflag:s12], $0x2800  }
0x4e: {  	[sflag:s12] =	ssyncset.done @!p0 $0x0  }
0x4f: {  	[sflag:s12] =	ssyncadd.s32 @!p0 $0xFFFFD800;
	s12 =	simm.s32 @!p0 $0xA  }
0x50: {  	_ =	swait.ge @!p0 [sflag:s12], $0x2800  }
0x51: {  	[sflag:s12] =	ssyncset.done @!p0 $0x0  }
0x52: {  	[sflag:s12] =	ssyncadd.s32 @!p0 $0xFFFFD800  }
0x53: {  	[tilespmem:s28], [sflag:$0x4] =	stream.indirect.gather [hbm4b:s1+s21], $0x80, s24, s21, $0xb8;
	[tilespmem:$0xA200] =	vst v63  }
0x54: {  	_ = 	snop  }
0x55: {  	[tilespmem:s29], [sflag:$0x6] =	stream.indirect.gather [hbm4b:s4+s21], $0x80, s25, s21, $0xb8;
	[tilespmem:$0xA200] =	vst v63  }
0x56: {  	_ =	swait.ge [sflag:s30], $0x2800  }
0x57: {  	[sflag:s30] =	ssyncset.done $0x0  }
0x58: {  	[sflag:s30] =	ssyncadd.s32 $0xFFFFD800  }
0x59: {  	_ =	swait.ge [sflag:s31], $0x2800  }
0x5a: {  	[sflag:s31] =	ssyncset.done $0x0  }
0x5b: {  	s12 =	sadd.s32 s13, s16;
	[sflag:s31] =	ssyncadd.s32 $0xFFFFD800  }
0x5c: {  	[hbm4b:s12+s3] =	stream.linear.scatter [tilespmem:s22], [sflag:$0x7], $0x2800, $0x38;
	[tilespmem:$0xA200] =	vst v63  }
0x5d: {  	s9 =	sadd.s32 s13, s17;
	s10 =	sshrl.u32 s18, $0x3  }
0x5e: {  	[hbm4b:s9+s3] =	stream.linear.scatter [tilespmem:s23], [sflag:$0x9], $0x2800, $0x38;
	[tilespmem:$0xA200] =	vst v63  }
0x5f: {  	s11 =	sadd.s32 s5, s10  }
0x60: {  	[tilespmem:s3], [sflag:$0x1] =	stream.linear.gather [hbm4b:s11+s3], $0x50, $0x38;
	[tilespmem:$0xA200] =	vst v63  }
0x61: {  	s10 =	sadd.s32 s6, s10  }
0x62: {  	[tilespmem:s19], [sflag:$0x1] =	stream.linear.gather [hbm4b:s10+s3], $0x50, $0x38;
	[tilespmem:$0xA200] =	vst v63  }
0x63: {  	_ =	swait.ge [sflag:s20], $0x50  }
0x64: {  	[sflag:s20] =	ssyncset.done $0x0  }
0x65: {  	[sflag:s20] =	ssyncadd.s32 $0xFFFFFFB0  }
0x66: {  	_ =	swait.ge [sflag:s20], $0x50  }
0x67: {  	[sflag:s20] =	ssyncset.done $0x0  }
0x68: {  	[sflag:s20] =	ssyncadd.s32 $0xFFFFFFB0  }
0x69: {  	_ =	swait.ge [sflag:s0], $0x2800  }
0x6a: {  	[sflag:s0] =	ssyncset.done $0x0  }
0x6b: {  	[sflag:s0] =	ssyncadd.s32 $0xFFFFD800  }
0x6c: {  	_ =	swait.ge [sflag:s2], $0x2800  }
0x6d: {  	[sflag:s2] =	ssyncset.done $0x0  }
0x6e: {  	[sflag:s2] =	ssyncadd.s32 $0xFFFFD800  }
0x6f: {  	[tilespmem:s22], [sflag:$0x3] =	stream.indirect.gather [hbm4b:s1+s21], $0x80, s3, s21, $0xb8;
	[tilespmem:$0xA200] =	vst v63  }
0x70: {  	_ = 	snop  }
0x71: {  	[tilespmem:s23], [sflag:$0x5] =	stream.indirect.gather [hbm4b:s4+s21], $0x80, s19, s21, $0xb8;
	[tilespmem:$0xA200] =	vst v63  }
0x72: {  	_ =	swait.ge [sflag:s7], $0x2800  }
0x73: {  	[sflag:s7] =	ssyncset.done $0x0  }
0x74: {  	[sflag:s7] =	ssyncadd.s32 $0xFFFFD800  }
0x75: {  	p0 =	seq.s32 s13, $0x26200;
	_ =	swait.ge [sflag:s8], $0x2800  }
.Ltmp2:
0x76: {  	[sflag:s8] =	ssyncset.done $0x0;
	(pc) =	sbr.rel @p0 .LBB2_4-.Ltmp2, $4  }
0x77: {  	s12 =	sadd.s32 $0x500, s12;
	[sflag:s8] =	ssyncadd.s32 $0xFFFFD800  }
0x78: {  	[hbm4b:s12+s3] =	stream.linear.scatter [tilespmem:s28], [sflag:$0x8], $0x2800, $0x38;
	[tilespmem:$0xA200] =	vst v63  }
0x79: {  	s9 =	sadd.s32 $0x500, s9  }
0x7a: {  	[hbm4b:s9+s3] =	stream.linear.scatter [tilespmem:s29], [sflag:$0xA], $0x2800, $0x38;
	[tilespmem:$0xA200] =	vst v63  }
.Ltmp3:
0x7b: {  	(pc) =	sbr.rel .LBB2_2-.Ltmp3, $4  }
0x7c: {  	[tilespmem:s24], [sflag:$0x2] =	stream.linear.gather [hbm4b:s15+s3], $0x50, $0x38;
	[tilespmem:$0xA200] =	vst v63  }
0x7d: {  	s13 =	sadd.s32 $0xA00, s13  }
0x7e: {  	[tilespmem:s25], [sflag:$0x2] =	stream.linear.gather [hbm4b:s14+s3], $0x50, $0x38;
	[tilespmem:$0xA200] =	vst v63  }
0x7f: {  	s15 =	sadd.s32 $0x14, s15;
	s18 =	sadd.s32 $0xA0, s18;
	s14 =	sadd.s32 $0x14, s14  }
.LBB2_5:
0x80: {  	_ =	sfence.sel $0x180000  }
0x81: {  	[bflag:$0x0] =	sbarrier.arrive $0xFFFF  }
0x82: {  	_ =	strace $0x90000047  }
0x83: {  	s0 =	stileid.u32;
	[bflag:$0x2] =	sbarrier.arrive $0xFFFF  }
0x84: {  	p0 =	sne.s32 s0, $0x0;
	s0 =	rddreg [dreg:$0x2]  }
0x85: {  	s0 =	sadd.s32 @!p0 $0x100000, s0  }
0x86: {  	[sflag:s0] =	ssyncadd.tile.s32 @!p0 $0x1;
	_ =	shalt  }
.Lfunc_end2:
_tile_overlayer_lowered:
.L_overlay_start_2:
0x87: {  	(tag) =	ssettag $0x2  }
0x88: {  	s0 =	rddreg [dreg:$0x0];
	s2 =	stileid.u32  }
0x89: {  	s1 =	rddreg [dreg:$0x1];
	p0 =	sne.s32 s2, $0x0  }
0x8a: {  	s3 =	rddreg [dreg:$0x2];
	[bflag:$0x3] =	sbarrier.arrive $0xFFFF;
	s2 =	simm.s32 @!p0 $0x1C0B  }
0x8b: {  	[timem:s3], [sflag:s2] =	dma.local @!p0 [hbm:s0], s1  }
0x8c: {  	s0 =	simm.s32 @!p0 $0xB  }
0x8d: {  	_ =	swait.ge @!p0 [sflag:s0], s1  }
0x8e: {  	s1 =	ssub.s32 @!p0 $0x0, s1;
	[sflag:s0] =	ssyncset.done @!p0 $0x0  }
0x8f: {  	[sflag:s0] =	ssyncadd.s32 @!p0 s1  }
0x90: {  	[bflag:$0x3] =	sbarrier.arrive $0xFFFF  }
0x91: {  	_ =	shalt  }

// kernel: kernel.27.cloned.1.call-start
scs
__scs_entry_jumppad:
0x0: {  	(pc) =	sbr.rel $0x88, $3  }
0x1: {  	(tag) =	ssettag $0x0;
	lr =	simm.s32 $0x1  }
0x2: {  	[smem:$0x3F7E] =	sst lr;
	_ =	strace $0xD0000000  }
0x3: {  	_ = 	snop  }
0x4: {  	_ = 	snop  }
0x5: {  	_ = 	snop  }
0x6: {  	_ = 	snop  }
0x7: {  	_ = 	snop  }
__scs_overlays_trampoline_lowered:
0x8: {  	[smem:$0x3F8D] =	sst s0  }
0x9: {  	[smem:$0x3F8E] =	sst s1  }
0xa: {  	[smem:$0x3F8F] =	sst s2  }
0xb: {  	[smem:$0x3F90] =	sst s3  }
0xc: {  	[smem:$0x3F91] =	sst s4  }
0xd: {  	[smem:$0x3F92] =	sst s5  }
0xe: {  	[smem:$0x3F93] =	sst s6  }
0xf: {  	[smem:$0x3F94] =	sst s7  }
0x10: {  	[smem:$0x3F95] =	sst s8  }
0x11: {  	[smem:$0x3F96] =	sst s9;
	s0 =	simm.s32 @!p0 $0x0  }
0x12: {  	s1 =	sld [smem:$0x3F7C];
	s0 =	simm.s32 @p0 $0x1  }
0x13: {  	[smem:$0x3F97] =	sst s0;
	s0 =	simm.s32 @!p1 $0x0  }
0x14: {  	s2 =	sld [smem:$0x3F7B];
	s0 =	simm.s32 @p1 $0x1  }
0x15: {  	[smem:$0x3F98] =	sst s0;
	s0 =	simm.s32 @!p2 $0x0  }
0x16: {  	s3 =	sld [smem:$0x3FDB];
	s0 =	simm.s32 @p2 $0x1  }
0x17: {  	s4 =	simm.s32 $0x1BF5;
	[smem:$0x3F9A] =	sst s0  }
0x18: {  	s0 =	sld [smem:$0x3F7D];
	_ =	swait.ge [sflag:s4], $0x0  }
0x19: {  	s7 =	sld [smem:$0x3F7E]  }
0x1a: {  	s8 =	sadd.s32 $0xFFFFE003, lr  }
0x1b: {  	s9 =	sadd.s32 $0xFFFFFEF7, lr;
	s5 =	simm.s32 $0xFFFFFFFF;
	p2 =	slt.u32 s8, $0xFFFFF086  }
0x1c: {  	p1 =	slt.u32 s9, $0xF7A;
	s5 =	simm.s32 @!p2 $0x0  }
0x1d: {  	s5 =	simm.s32 @p1 $0x1;
	p0 =	seq.s32 s7, s2  }
0x1e: {  	s7 =	smul.u32 @!p0 $0xF7A, s2;
	p2 =	seq.s32 @!p0 s5, $0x0  }
0x1f: {  	s9 =	smul.u32 $0xF7A, s1;
	s8 =	simm.s32 @!p0 $0x1BF5;
	p2 =	por !p2, p0  }
0x20: {  	[sflag:s8] =	ssyncset.s32 @!p0 $0xFFFFF086;
	s6 =	sadd.s32 @!p0 s3, s7;
	s7 =	simm.s32 @!p0 $0x108  }
0x21: {  	s3 =	sadd.s32 s3, s9;
	s6 =	sadd.s32 @!p0 $0x88, s6;
	s7 =	simm.s32 @p2 $0x1082  }
0x22: {  	[simem:s7], [sflag:s8] =	dma.local @!p0 [hbm:s6], $0xF7A  }
0x23: {  	s9 =	sor.u32 $0xD0000000, s2;
	s6 =	simm.s32 $0x108;
	_ =	swait.ge @!p0 [sflag:s8], $0x0  }
0x24: {  	s3 =	sadd.s32 $0x88, s3;
	s6 =	simm.s32 @!p1 $0x1082;
	[sflag:s4] =	ssyncset.s32 $0xFFFFF086  }
0x25: {  	[simem:s6], [sflag:s4] =	dma.local [hbm:s3], $0xF7A  }
0x26: {  	[smem:$0x3F7E] =	sst s1;
	(tag) =	ssettag s2;
	_ =	strace s9  }
0x27: {  	s1 =	sld [smem:$0x3F8E]  }
0x28: {  	s2 =	sld [smem:$0x3F8F]  }
0x29: {  	s4 =	sld [smem:$0x3F91]  }
0x2a: {  	p0 =	seq.s32 s5, $0x0;
	s5 =	sld [smem:$0x3F92]  }
0x2b: {  	s6 =	sld [smem:$0x3F93]  }
0x2c: {  	s7 =	sld [smem:$0x3F94]  }
0x2d: {  	s3 =	simm.s32 $0x108;
	s8 =	sld [smem:$0x3F95]  }
0x2e: {  	s3 =	simm.s32 @!p0 $0x1082;
	s9 =	sld [smem:$0x3F96]  }
0x2f: {  	lr =	sadd.s32 s0, s3;
	s0 =	sld [smem:$0x3F8D]  }
0x30: {  	s3 =	sld [smem:$0x3F90]  }
0x31: {  	[smem:$0x3F99] =	sst s10  }
0x32: {  	s10 =	sld [smem:$0x3F97];
	_ =	sdelay $0x3  }
0x33: {  	p0 =	seq.s32 s10, $0x1;
	s10 =	sld [smem:$0x3F99];
	_ =	sdelay $0x3  }
0x34: {  	[smem:$0x3F99] =	sst s10  }
0x35: {  	s10 =	sld [smem:$0x3F98];
	_ =	sdelay $0x3  }
0x36: {  	p1 =	seq.s32 s10, $0x1;
	s10 =	sld [smem:$0x3F99];
	_ =	sdelay $0x3  }
0x37: {  	[smem:$0x3F99] =	sst s10  }
0x38: {  	s10 =	sld [smem:$0x3F9A]  }
0x39: {  	_ = 	snop;
	(pc) =	sbr.ind lr, $3  }
0x3a: {  	_ = 	snop  }
0x3b: {  	_ = 	snop  }
0x3c: {  	p2 =	seq.s32 s10, $0x1;
	s10 =	sld [smem:$0x3F99]  }
0x3d: {  	_ =	shalt  }
0x3e: {  	_ =	shalt  }
0x3f: {  	_ =	shalt  }
0x40: {  	_ =	shalt  }
0x41: {  	_ =	shalt  }
0x42: {  	_ =	shalt  }
0x43: {  	_ =	shalt  }
0x44: {  	_ =	shalt  }
0x45: {  	_ =	shalt  }
0x46: {  	_ =	shalt  }
0x47: {  	_ =	shalt  }
0x48: {  	_ =	shalt  }
0x49: {  	_ =	shalt  }
0x4a: {  	_ =	shalt  }
0x4b: {  	_ =	shalt  }
0x4c: {  	_ =	shalt  }
0x4d: {  	_ =	shalt  }
0x4e: {  	_ =	shalt  }
0x4f: {  	_ =	shalt  }
0x50: {  	_ =	shalt  }
0x51: {  	_ =	shalt  }
0x52: {  	_ =	shalt  }
0x53: {  	_ =	shalt  }
0x54: {  	_ =	shalt  }
0x55: {  	_ =	shalt  }
0x56: {  	_ =	shalt  }
0x57: {  	_ =	shalt  }
0x58: {  	_ =	shalt  }
0x59: {  	_ =	shalt  }
0x5a: {  	_ =	shalt  }
0x5b: {  	_ =	shalt  }
0x5c: {  	_ =	shalt  }
0x5d: {  	_ =	shalt  }
0x5e: {  	_ =	shalt  }
0x5f: {  	_ =	shalt  }
0x60: {  	_ =	shalt  }
0x61: {  	_ =	shalt  }
0x62: {  	_ =	shalt  }
0x63: {  	_ =	shalt  }
0x64: {  	_ =	shalt  }
0x65: {  	_ =	shalt  }
0x66: {  	_ =	shalt  }
0x67: {  	_ =	shalt  }
0x68: {  	_ =	shalt  }
0x69: {  	_ =	shalt  }
0x6a: {  	_ =	shalt  }
0x6b: {  	_ =	shalt  }
0x6c: {  	_ =	shalt  }
0x6d: {  	_ =	shalt  }
0x6e: {  	_ =	shalt  }
0x6f: {  	_ =	shalt  }
0x70: {  	_ =	shalt  }
0x71: {  	_ =	shalt  }
0x72: {  	_ =	shalt  }
0x73: {  	_ =	shalt  }
0x74: {  	_ =	shalt  }
0x75: {  	_ =	shalt  }
0x76: {  	_ =	shalt  }
0x77: {  	_ =	shalt  }
0x78: {  	_ =	shalt  }
0x79: {  	_ =	shalt  }
0x7a: {  	_ =	shalt  }
0x7b: {  	_ =	shalt  }
0x7c: {  	_ =	shalt  }
0x7d: {  	_ =	shalt  }
0x7e: {  	_ =	shalt  }
0x7f: {  	_ =	shalt  }
0x80: {  	_ =	shalt  }
0x81: {  	_ =	shalt  }
0x82: {  	_ =	shalt  }
0x83: {  	_ =	shalt  }
0x84: {  	_ =	shalt  }
0x85: {  	_ =	shalt  }
0x86: {  	_ =	shalt  }
0x87: {  	_ =	shalt  }
.Lfunc_end0:
.L_simem_size_0:
called_computation.1_lowered:
.L_overlay_start_0:
0x88: {  	s2 =	sld [smem:$0x3FD9]  }
0x89: {  	s3 =	sld [smem:$0x3FFE];
	_ =	sdelay $0x1  }
0x8a: {  	s1 =	srdreg.scid  }
0x8b: {  	s0 =	sand.u32 $0x1, s1  }
0x8c: {  	s16 =	sshll.u32 s0, $0xA;
	s2 =	sadd.s32 s3, s2  }
0x8d: {  	s2 =	sadd.s32 s2, s16  }
0x8e: {  	[smem:$0x3FA5] =	sst s2  }
0x8f: {  	_ = 	snop  }
0x90: {  	(tm) =	ssettm $0x1  }
0x91: {  	s17 =	sld [smem:$0x3FFB];
	_ =	sdelay $0x3  }
0x92: {  	_ =	strace s17  }
0x93: {  	s2 =	sld [smem:$0x3FFC];
	_ =	sdelay $0x3  }
0x94: {  	_ =	strace s2  }
0x95: {  	s2 =	sld [smem:$0x3FFD];
	_ =	sdelay $0x3  }
0x96: {  	_ =	strace s2  }
0x97: {  	_ =	strace $0x8FFFFFFF  }
0x98: {  	s18 =	sld [smem:$0x3FDB];
	_ =	sdelay $0x1  }
0x99: {  	s19 =	simm.s32 $_scs_section_size  }
0x9a: {  	s4 =	simm.s32 $_size__tile_overlayer_lowered;
	s5 =	simm.s32 $_tile_overlayer_lowered  }
0x9b: {  	s22 =	simm.s32 $0x1BFF;
	s21 =	sshll.u32 s5, $0x1;
	s2 =	sadd.s32 s19, s18  }
0x9c: {  	s6 =	simm.s32 $0x0;
	s20 =	sshll.u32 s4, $0x1;
	s4 =	sadd.s32 s21, s2  }
0x9d: {  	[timem:s6], [sflag:s22] =	dma.local [hbm:s4], s20  }
0x9e: {  	_ =	swait.ge [sflag:s22], s20  }
0x9f: {  	s3 =	ssub.s32 $0x0, s20;
	[sflag:s22] =	ssyncset.done $0x0  }
0xa0: {  	[sflag:s22] =	ssyncadd.s32 s3;
	_ =	sdelay $0x1  }
0xa1: {  	s23 =	simm.s32 $0x1B8B  }
0xa2: {  	_ =	swait.ge [sflag:s23], $0x1  }
0xa3: {  	[sflag:s23] =	ssyncset.done $0x0  }
0xa4: {  	s25 =	simm.s32 $0x1B8E;
	s24 =	sld [smem:$0x3FFE];
	[sflag:s23] =	ssyncadd.s32 $0xFFFFFFFF  }
0xa5: {  	s26 =	simm.s32 $execute0_lowered;
	[smem:$0x3FD2] =	sst s25  }
0xa6: {  	s4 =	sshll.u32 s26, $0x1;
	_ =	strace $0x80000049;
	[dreg:$0x1] =	wrdreg $0xFFFFFFFF  }
0xa7: {  	s28 =	simm.s32 $_size_execute0_lowered;
	s2 =	sadd.s32 s2, s4;
	[dreg:$0x0] =	wrdreg $0x0  }
0xa8: {  	s4 =	sshll.u32 s28, $0x1;
	[dreg:$0x2] =	wrdreg s2  }
0xa9: {  	[dreg:$0x3] =	wrdreg s4  }
0xaa: {  	[dreg:$0x4] =	wrdreg $0xC0  }
0xab: {  	_ =	task [dreg:s6], $0x5FFFF  }
0xac: {  	[dreg:$0x1] =	wrdreg $0xFFFFFFFF  }
0xad: {  	[dreg:$0x0] =	wrdreg $0x60  }
0xae: {  	[dreg:$0x2] =	wrdreg s24  }
0xaf: {  	[dreg:$0x3] =	wrdreg $0x91000  }
0xb0: {  	[dreg:$0x4] =	wrdreg $0x9  }
0xb1: {  	_ =	task.clear_ibuf [dreg:s6], $0x5FFFF;
	_ =	strace $0x90000049  }
0xb2: {  	s29 =	simm.s32 $0x9;
	_ =	strace $0x8000004B  }
0xb3: {  	_ =	swait.ge [sflag:s29], $0x1  }
0xb4: {  	[sflag:s29] =	ssyncadd.s32 $0xFFFFFFFF  }
0xb5: {  	_ =	strace $0x9000004B  }
0xb6: {  	_ =	sfence  }
0xb7: {  	s30 =	sld [smem:$0x0];
	_ =	sdelay $0x2  }
0xb8: {  	s31 =	sshll.u32 s1, $0xD;
	s1 =	sshrl.u32 s1, $0x2  }
0xb9: {  	s3 =	sand.u32 $0x4000, s31;
	s1 =	sadd.s32 s1, s30  }
0xba: {  	s0 =	sor.u32 s3, s0;
	s1 =	sshll.u32 s1, $0x11  }
0xbb: {  	s0 =	sor.u32 s1, s0  }
0xbc: {  	s0 =	sadd.s32 $0x8F2B, s0  }
0xbd: {  	[sflag:s0] =	ssyncadd.remote.s32 $0x1  }
0xbe: {  	_ =	sfence.sel $0xFFFF  }
0xbf: {  	[dreg:$0x0] =	wrdreg $0xFFFFFFFF;
	(pc) =	sbr.abs _section_cstart, $3  }
0xc0: {  	[dreg:$0x1] =	wrdreg $0xFFFFFFFF  }
0xc1: {  	_ =	task.clear_ibuf [dreg:s6], $0x2FFFF;
	_ =	strace $0x9FFFFFFF  }
0xc2: {  	(tm) =	ssettm $0x7FFFFFFF  }
0xc3: {  	_ =	shalt  }
tec
execute0_lowered:
.L_overlay_start_1:
0x0: {  	(tag) =	ssettag $0x1  }
0x1: {  	s3 =	rddreg [dreg:$0x0]  }
0x2: {  	s1 =	rddreg [dreg:$0x1]  }
0x3: {  	s2 =	simm.s32 $0x0;
	s4 =	srdreg.scid;
	s21 =	stileid.u32  }
0x4: {  	s28 =	simm.s32 $0x1;
	s29 =	simm.s32 $0x50;
	s30 =	simm.s32 $0x80  }
0x5: {  	s31 =	simm.s32 $0x2900;
	[smem:$0x7FF] =	sst s2;
	s9 =	sadd.s32 $0xA10000, s3  }
0x6: {  	s0 =	sadd.s32 $0x18200, s3;
	s10 =	sand.u32 $0x1, s4;
	s5 =	smul.u32 $0x4F000, s21  }
0x7: {  	s3 =	sadd.s32 $0x4C000, s3;
	s7 =	sshll.u32 s21, $0x1;
	s11 =	smul.u32 $0x13C00, s21  }
0x8: {  	_ =	strace $0x8000004A;
	s4 =	ssub.s32 $0x2, s10;
	s8 =	sor.u32 s10, s7  }
0x9: {  	s6 =	sshrl.u32 s4, $0x1;
	s20 =	sshrl.u32 s5, $0x2;
	s13 =	smul.u32 $0x2710, s8  }
0xa: {  	s14 =	sadd.s32 $0x4000, s11;
	s15 =	sadd.s32 $0x8000, s11;
	s16 =	sadd.s32 $0xC000, s11  }
0xb: {  	s17 =	smul.u32 $0x27100, s8;
	s18 =	sadd.s32 $0x10000, s11;
	s12 =	ssub.s32 s4, s6  }
0xc: {  	s4 =	sadd.s32 s20, s1;
	s5 =	sadd.s32 s14, s1;
	s6 =	sadd.s32 s15, s1  }
0xd: {  	s7 =	sadd.s32 s16, s1;
	s20 =	smul.u32 $0x13C000, s10;
	s8 =	sadd.s32 s18, s1  }
0xe: {  	s19 =	sshrl.u32 s13, $0x3;
	s17 =	sadd.s32 s9, s17;
	s22 =	sadd.s32 $0x50, s13  }
0xf: {  	s13 =	sadd.s32 $0xA0, s13;
	s19 =	sadd.s32 s0, s19;
	[dreg:$0x4] =	wrdreg s17  }
0x10: {  	s11 =	sadd.s32 s11, s20;
	s14 =	sadd.s32 s20, s14;
	s24 =	sadd.s32 s20, s15  }
0x11: {  	s25 =	sadd.s32 s20, s16;
	s26 =	sadd.s32 s20, s18;
	s20 =	smul.u32 $0x2710, s10  }
0x12: {  	s18 =	sshrl.u32 s22, $0x3;
	s16 =	smax.u32 s12, $0x1;
	s10 =	smul.u32 $0x27100, s10  }
0x13: {  	[dreg:$0x3] =	wrdreg s19;
	s11 =	sshrl.u32 s11, $0x3;
	s14 =	sshrl.u32 s14, $0x3  }
0x14: {  	s15 =	sshrl.u32 s26, $0x3;
	s19 =	sshll.u32 s22, $0x4;
	s17 =	sadd.s32 s0, s18  }
0x15: {  	s22 =	sshrl.u32 s13, $0x3;
	s11 =	sadd.s32 s3, s11;
	s23 =	sadd.s32 s3, s14  }
0x16: {  	s14 =	sshrl.u32 s25, $0x3;
	[dreg:$0x5] =	wrdreg s11;
	s11 =	sshrl.u32 s24, $0x3  }
0x17: {  	s18 =	sadd.s32 s9, s19;
	[dreg:$0x6] =	wrdreg s23;
	s11 =	sadd.s32 s3, s11  }
0x18: {  	s23 =	smul.u32 $0x4E200, s21;
	[dreg:$0x7] =	wrdreg s11;
	s11 =	sadd.s32 s3, s14  }
0x19: {  	s3 =	sadd.s32 s3, s15;
	s15 =	smul.u32 $0x4E20, s21;
	[dreg:$0x8] =	wrdreg s11  }
0x1a: {  	s19 =	sadd.s32 s0, s22;
	s24 =	sshll.u32 s13, $0x4;
	[dreg:$0x9] =	wrdreg s3  }
0x1b: {  	s3 =	sadd.s32 s20, s15;
	s20 =	sadd.s32 s9, s24;
	s9 =	sadd.s32 s23, s9  }
0x1c: {  	s24 =	simm.s32 $0x5100;
	s25 =	sadd.s32 $0x140, s3;
	s9 =	sadd.s32 s10, s9  }
0x1d: {  	s3 =	sadd.s32 $0xF0, s3;
	s10 =	simm.s32 $0x0;
	s26 =	sshrl.u32 s25, $0x3  }
0x1e: {  	s13 =	sadd.s32 $0x1400, s9;
	s3 =	sshrl.u32 s3, $0x3;
	s25 =	simm.s32 $0x5  }
0x1f: {  	s9 =	simm.s32 $0x4;
	s22 =	sadd.s32 s26, s0;
	s23 =	sadd.s32 s3, s0  }
0x20: {  	v0 =	vimm.f32 $0.0e+00;
	s26 =	simm.s32 $0x100;
	s0 =	simm.s32 $0x2;
	s3 =	simm.s32 $0x3  }
.LBB2_1:
0x21: {  	s11 =	simm.s32 $0x0;
	s12 =	simm.s32 $0x200  }
.LBB2_2:
0x22: {  	p0 =	sne.s32 s12, $0xFE00;
	[tilespmem:s11+$0x5170] =	vst v0  }
0x23: {  	[tilespmem:s11+$0x5100] =	vst v0  }
0x24: {  	[tilespmem:s11+$0x5110] =	vst v0  }
.Ltmp0:
0x25: {  	[tilespmem:s11+$0x5120] =	vst v0;
	(pc) =	sbr.rel @p0 .LBB2_2-.Ltmp0, $4  }
0x26: {  	[tilespmem:s11+$0x5130] =	vst v0  }
0x27: {  	[tilespmem:s11+$0x5140] =	vst v0  }
0x28: {  	[tilespmem:s11+$0x5150] =	vst v0  }
0x29: {  	[tilespmem:s11+$0x5160] =	vst v0;
	s11 =	sshra.s32 s12, $0x2;
	s12 =	sadd.s32 $0x200, s12  }
0x2a: {  	[tilespmem:s11+$0x5170] =	vst v0  }
0x2b: {  	[tilespmem:s11+$0x5100] =	vst v0  }
0x2c: {  	[tilespmem:s11+$0x5110] =	vst v0  }
0x2d: {  	[tilespmem:s11+$0x5120] =	vst v0  }
0x2e: {  	[tilespmem:s11+$0x5130] =	vst v0  }
0x2f: {  	[tilespmem:s11+$0x5140] =	vst v0  }
0x30: {  	[tilespmem:s11+$0x5150] =	vst v0  }
0x31: {  	[tilespmem:s11+$0x5160] =	vst v0  }
0x32: {  	[spmem:s4] =	stream.linear.scatter [tilespmem:s24], [sflag:$0x5], $0x4000, $0x38;
	[tilespmem:$0x1CD00] =	vst v63  }
0x33: {  	_ =	swait.ge [sflag:s25], $0x4000  }
0x34: {  	[sflag:s25] =	ssyncset.done $0x0  }
0x35: {  	[sflag:s25] =	ssyncadd.s32 $0xFFFFC000  }
0x36: {  	[spmem:s5] =	stream.linear.scatter [tilespmem:s24], [sflag:$0x5], $0x4000, $0x38;
	[tilespmem:$0x1CD00] =	vst v63  }
0x37: {  	_ =	swait.ge [sflag:s25], $0x4000  }
0x38: {  	[sflag:s25] =	ssyncset.done $0x0  }
0x39: {  	[sflag:s25] =	ssyncadd.s32 $0xFFFFC000  }
0x3a: {  	[spmem:s6] =	stream.linear.scatter [tilespmem:s24], [sflag:$0x5], $0x4000, $0x38;
	[tilespmem:$0x1CD00] =	vst v63  }
0x3b: {  	_ =	swait.ge [sflag:s25], $0x4000  }
0x3c: {  	[sflag:s25] =	ssyncset.done $0x0  }
0x3d: {  	[sflag:s25] =	ssyncadd.s32 $0xFFFFC000  }
0x3e: {  	[spmem:s7] =	stream.linear.scatter [tilespmem:s24], [sflag:$0x5], $0x4000, $0x38;
	[tilespmem:$0x1CD00] =	vst v63  }
0x3f: {  	_ =	swait.ge [sflag:s25], $0x4000  }
0x40: {  	[sflag:s25] =	ssyncset.done $0x0  }
0x41: {  	[sflag:s25] =	ssyncadd.s32 $0xFFFFC000  }
0x42: {  	[spmem:s8] =	stream.linear.scatter [tilespmem:s24], [sflag:$0x5], $0x3C00, $0x38;
	[tilespmem:$0x1CD00] =	vst v63  }
0x43: {  	_ =	swait.ge [sflag:s25], $0x3C00  }
0x44: {  	[sflag:s25] =	ssyncset.done $0x0  }
0x45: {  	[sflag:s25] =	ssyncadd.s32 $0xFFFFC400  }
0x46: {  	[bflag:$0x0] =	sbarrier.arrive $0xFFFF  }
0x47: {  	s15 =	simm.s32 $0x0;
	s12 =	rddreg [dreg:$0x3]  }
0x48: {  	[tilespmem:s15], [sflag:$0x1] =	stream.linear.gather [hbm4b:s12+s15], $0x50, $0x38;
	[tilespmem:$0x1CD00] =	vst v63  }
0x49: {  	s21 =	rddreg [dreg:$0x4]  }
0x4a: {  	[tilespmem:s26], [sflag:$0x1] =	stream.linear.gather [hbm4b:s21+s15], $0x2800, $0x38;
	[tilespmem:$0x1CD00] =	vst v63  }
0x4b: {  	_ =	swait.ge [sflag:s28], $0x50  }
0x4c: {  	[sflag:s28] =	ssyncset.done $0x0  }
0x4d: {  	[sflag:s28] =	ssyncadd.s32 $0xFFFFFFB0  }
0x4e: {  	_ =	swait.ge [sflag:s28], $0x2800  }
0x4f: {  	[sflag:s28] =	ssyncset.done $0x0  }
0x50: {  	[sflag:s28] =	ssyncadd.s32 $0xFFFFD800  }
0x51: {  	[spmem:s1] =	stream.indirect.scatter.add.f32 [tilespmem:s26], [sflag:$0x3], $0x80, s15, s29, $0xb8;
	[tilespmem:$0x1CD00] =	vst v63  }
0x52: {  	_ = 	snop  }
0x53: {  	[tilespmem:s30], [sflag:$0x2] =	stream.linear.gather [hbm4b:s17+s15], $0x50, $0x38;
	[tilespmem:$0x1CD00] =	vst v63  }
0x54: {  	_ = 	snop  }
0x55: {  	[tilespmem:s31], [sflag:$0x2] =	stream.linear.gather [hbm4b:s18+s15], $0x2800, $0x38;
	[tilespmem:$0x1CD00] =	vst v63  }
0x56: {  	_ =	swait.ge [sflag:s0], $0x50  }
0x57: {  	[sflag:s0] =	ssyncset.done $0x0  }
0x58: {  	[sflag:s0] =	ssyncadd.s32 $0xFFFFFFB0  }
0x59: {  	_ =	swait.ge [sflag:s0], $0x2800  }
0x5a: {  	[sflag:s0] =	ssyncset.done $0x0  }
0x5b: {  	[sflag:s0] =	ssyncadd.s32 $0xFFFFD800  }
0x5c: {  	[spmem:s1] =	stream.indirect.scatter.add.f32 [tilespmem:s31], [sflag:$0x4], $0x80, s30, s29, $0xb8;
	[tilespmem:$0x1CD00] =	vst v63  }
0x5d: {  	_ =	swait.ge [sflag:s3], $0x2800  }
0x5e: {  	[sflag:s3] =	ssyncset.done $0x0  }
0x5f: {  	[sflag:s3] =	ssyncadd.s32 $0xFFFFD800  }
0x60: {  	[tilespmem:s15], [sflag:$0x1] =	stream.linear.gather [hbm4b:s19+s15], $0x50, $0x38;
	[tilespmem:$0x1CD00] =	vst v63  }
0x61: {  	_ = 	snop  }
0x62: {  	[tilespmem:s26], [sflag:$0x1] =	stream.linear.gather [hbm4b:s20+s15], $0x2800, $0x38;
	[tilespmem:$0x1CD00] =	vst v63  }
0x63: {  	_ =	swait.ge [sflag:s28], $0x50  }
0x64: {  	[sflag:s28] =	ssyncset.done $0x0  }
0x65: {  	[sflag:s28] =	ssyncadd.s32 $0xFFFFFFB0  }
0x66: {  	_ =	swait.ge [sflag:s28], $0x2800  }
0x67: {  	[sflag:s28] =	ssyncset.done $0x0  }
0x68: {  	[sflag:s28] =	ssyncadd.s32 $0xFFFFD800  }
0x69: {  	[spmem:s1] =	stream.indirect.scatter.add.f32 [tilespmem:s26], [sflag:$0x3], $0x80, s2, s29, $0xb8;
	[tilespmem:$0x1CD00] =	vst v63  }
0x6a: {  	_ =	swait.ge [sflag:s9], $0x2800  }
0x6b: {  	[sflag:s9] =	ssyncset.done $0x0  }
0x6c: {  	s14 =	sadd.s32 $0x0, s23;
	[sflag:s9] =	ssyncadd.s32 $0xFFFFD800  }
0x6d: {  	[tilespmem:s30], [sflag:$0x2] =	stream.linear.gather [hbm4b:s14+s2], $0x50, $0x38;
	[tilespmem:$0x1CD00] =	vst v63  }
0x6e: {  	s15 =	sadd.s32 $0xFFFFFB00, s13  }
0x6f: {  	[tilespmem:s31], [sflag:$0x2] =	stream.linear.gather [hbm4b:s15+s2], $0x2800, $0x38;
	[tilespmem:$0x1CD00] =	vst v63  }
0x70: {  	_ =	swait.ge [sflag:s0], $0x50  }
0x71: {  	[sflag:s0] =	ssyncset.done $0x0  }
0x72: {  	[sflag:s0] =	ssyncadd.s32 $0xFFFFFFB0  }
0x73: {  	_ =	swait.ge [sflag:s0], $0x2800  }
0x74: {  	[sflag:s0] =	ssyncset.done $0x0  }
0x75: {  	[sflag:s0] =	ssyncadd.s32 $0xFFFFD800  }
0x76: {  	[spmem:s1] =	stream.indirect.scatter.add.f32 [tilespmem:s31], [sflag:$0x4], $0x80, s30, s29, $0xb8;
	[tilespmem:$0x1CD00] =	vst v63  }
0x77: {  	_ =	swait.ge [sflag:s3], $0x2800  }
0x78: {  	[sflag:s3] =	ssyncset.done $0x0  }
0x79: {  	s21 =	sadd.s32 $0x0, s22;
	[sflag:s3] =	ssyncadd.s32 $0xFFFFD800  }
0x7a: {  	[tilespmem:s2], [sflag:$0x1] =	stream.linear.gather [hbm4b:s21+s2], $0x50, $0x38;
	[tilespmem:$0x1CD00] =	vst v63  }
0x7b: {  	s11 =	simm.s32 $0x14;
	s12 =	sadd.s32 $0xA00, s13;
	s21 =	smov.u32 s13  }
.LBB2_4:
0x7c: {  	[tilespmem:s26], [sflag:$0x1] =	stream.linear.gather [hbm4b:s21+s2], $0x2800, $0x38;
	[tilespmem:$0x1CD00] =	vst v63  }
0x7d: {  	s14 =	smov.u32 s11;
	s21 =	smov.u32 s12  }
0x7e: {  	p0 =	sne.s32 s11, $0x4B0;
	s11 =	sadd.s32 $0x14, s11;
	_ =	swait.ge [sflag:s28], $0x50  }
0x7f: {  	[sflag:s28] =	ssyncset.done $0x0  }
0x80: {  	[sflag:s28] =	ssyncadd.s32 $0xFFFFFFB0  }
0x81: {  	_ =	swait.ge [sflag:s28], $0x2800  }
0x82: {  	[sflag:s28] =	ssyncset.done $0x0  }
0x83: {  	[sflag:s28] =	ssyncadd.s32 $0xFFFFD800  }
0x84: {  	[spmem:s1] =	stream.indirect.scatter.add.f32 [tilespmem:s26], [sflag:$0x3], $0x80, s2, s29, $0xb8;
	[tilespmem:$0x1CD00] =	vst v63  }
0x85: {  	_ =	swait.ge [sflag:s9], $0x2800  }
0x86: {  	[sflag:s9] =	ssyncset.done $0x0  }
0x87: {  	s15 =	sadd.s32 s14, s23;
	[sflag:s9] =	ssyncadd.s32 $0xFFFFD800  }
0x88: {  	[tilespmem:s30], [sflag:$0x2] =	stream.linear.gather [hbm4b:s15+s2], $0x50, $0x38;
	[tilespmem:$0x1CD00] =	vst v63  }
0x89: {  	s15 =	sadd.s32 $0xFFFFFB00, s12  }
0x8a: {  	[tilespmem:s31], [sflag:$0x2] =	stream.linear.gather [hbm4b:s15+s2], $0x2800, $0x38;
	[tilespmem:$0x1CD00] =	vst v63  }
0x8b: {  	_ =	swait.ge [sflag:s0], $0x50  }
0x8c: {  	[sflag:s0] =	ssyncset.done $0x0  }
0x8d: {  	[sflag:s0] =	ssyncadd.s32 $0xFFFFFFB0  }
0x8e: {  	_ =	swait.ge [sflag:s0], $0x2800  }
0x8f: {  	[sflag:s0] =	ssyncset.done $0x0  }
0x90: {  	[sflag:s0] =	ssyncadd.s32 $0xFFFFD800  }
0x91: {  	[spmem:s1] =	stream.indirect.scatter.add.f32 [tilespmem:s31], [sflag:$0x4], $0x80, s30, s29, $0xb8;
	[tilespmem:$0x1CD00] =	vst v63  }
.Ltmp1:
0x92: {  	_ =	swait.ge [sflag:s3], $0x2800;
	(pc) =	sbr.rel @p0 .LBB2_4-.Ltmp1, $4  }
0x93: {  	[sflag:s3] =	ssyncset.done $0x0  }
0x94: {  	s14 =	sadd.s32 s14, s22;
	[sflag:s3] =	ssyncadd.s32 $0xFFFFD800  }
0x95: {  	[tilespmem:s2], [sflag:$0x1] =	stream.linear.gather [hbm4b:s14+s2], $0x50, $0x38;
	[tilespmem:$0x1CD00] =	vst v63  }
0x96: {  	s12 =	sadd.s32 $0xA00, s12  }
0x97: {  	[tilespmem:s26], [sflag:$0x1] =	stream.linear.gather [hbm4b:s21+s2], $0x2800, $0x38;
	[tilespmem:$0x1CD00] =	vst v63  }
0x98: {  	_ =	swait.ge [sflag:s28], $0x50  }
0x99: {  	[sflag:s28] =	ssyncset.done $0x0  }
0x9a: {  	[sflag:s28] =	ssyncadd.s32 $0xFFFFFFB0  }
0x9b: {  	_ =	swait.ge [sflag:s28], $0x2800  }
0x9c: {  	[sflag:s28] =	ssyncset.done $0x0  }
0x9d: {  	[sflag:s28] =	ssyncadd.s32 $0xFFFFD800  }
0x9e: {  	[spmem:s1] =	stream.indirect.scatter.add.f32 [tilespmem:s26], [sflag:$0x3], $0x80, s2, s29, $0xb8;
	[tilespmem:$0x1CD00] =	vst v63  }
0x9f: {  	_ =	swait.ge [sflag:s9], $0x2800  }
0xa0: {  	[sflag:s9] =	ssyncset.done $0x0  }
0xa1: {  	[sflag:s9] =	ssyncadd.s32 $0xFFFFD800  }
0xa2: {  	_ =	swait.ge [sflag:s3], $0x2800  }
0xa3: {  	[sflag:s3] =	ssyncset.done $0x0  }
0xa4: {  	[sflag:s3] =	ssyncadd.s32 $0xFFFFD800  }
0xa5: {  	[bflag:$0x0] =	sbarrier.arrive $0xFFFF  }
0xa6: {  	[tilespmem:s24], [sflag:$0x5] =	stream.linear.gather [spmem:s4], $0x4000, $0x38;
	[tilespmem:$0x1CD00] =	vst v63  }
0xa7: {  	_ =	swait.ge [sflag:s25], $0x4000  }
0xa8: {  	[sflag:s25] =	ssyncset.done $0x0  }
0xa9: {  	s11 =	rddreg [dreg:$0x5];
	[sflag:s25] =	ssyncadd.s32 $0xFFFFC000  }
0xaa: {  	[hbm4b:s11+s2] =	stream.linear.scatter [tilespmem:s24], [sflag:$0x5], $0x4000, $0x38;
	[tilespmem:$0x1CD00] =	vst v63  }
0xab: {  	_ =	swait.ge [sflag:s25], $0x4000  }
0xac: {  	[sflag:s25] =	ssyncset.done $0x0  }
0xad: {  	[sflag:s25] =	ssyncadd.s32 $0xFFFFC000  }
0xae: {  	[tilespmem:s24], [sflag:$0x5] =	stream.linear.gather [spmem:s5], $0x4000, $0x38;
	[tilespmem:$0x1CD00] =	vst v63  }
0xaf: {  	_ =	swait.ge [sflag:s25], $0x4000  }
0xb0: {  	[sflag:s25] =	ssyncset.done $0x0  }
0xb1: {  	s12 =	rddreg [dreg:$0x6];
	[sflag:s25] =	ssyncadd.s32 $0xFFFFC000  }
0xb2: {  	[hbm4b:s12+s2] =	stream.linear.scatter [tilespmem:s24], [sflag:$0x5], $0x4000, $0x38;
	[tilespmem:$0x1CD00] =	vst v63  }
0xb3: {  	_ =	swait.ge [sflag:s25], $0x4000  }
0xb4: {  	[sflag:s25] =	ssyncset.done $0x0  }
0xb5: {  	[sflag:s25] =	ssyncadd.s32 $0xFFFFC000  }
0xb6: {  	[tilespmem:s24], [sflag:$0x5] =	stream.linear.gather [spmem:s6], $0x4000, $0x38;
	[tilespmem:$0x1CD00] =	vst v63  }
0xb7: {  	_ =	swait.ge [sflag:s25], $0x4000  }
0xb8: {  	[sflag:s25] =	ssyncset.done $0x0  }
0xb9: {  	s14 =	rddreg [dreg:$0x7];
	[sflag:s25] =	ssyncadd.s32 $0xFFFFC000  }
0xba: {  	[hbm4b:s14+s2] =	stream.linear.scatter [tilespmem:s24], [sflag:$0x5], $0x4000, $0x38;
	[tilespmem:$0x1CD00] =	vst v63  }
0xbb: {  	_ =	swait.ge [sflag:s25], $0x4000  }
0xbc: {  	[sflag:s25] =	ssyncset.done $0x0  }
0xbd: {  	[sflag:s25] =	ssyncadd.s32 $0xFFFFC000  }
0xbe: {  	[tilespmem:s24], [sflag:$0x5] =	stream.linear.gather [spmem:s7], $0x4000, $0x38;
	[tilespmem:$0x1CD00] =	vst v63  }
0xbf: {  	_ =	swait.ge [sflag:s25], $0x4000  }
0xc0: {  	[sflag:s25] =	ssyncset.done $0x0  }
0xc1: {  	s15 =	rddreg [dreg:$0x8];
	[sflag:s25] =	ssyncadd.s32 $0xFFFFC000  }
0xc2: {  	[hbm4b:s15+s2] =	stream.linear.scatter [tilespmem:s24], [sflag:$0x5], $0x4000, $0x38;
	[tilespmem:$0x1CD00] =	vst v63  }
0xc3: {  	_ =	swait.ge [sflag:s25], $0x4000  }
0xc4: {  	[sflag:s25] =	ssyncset.done $0x0  }
0xc5: {  	[sflag:s25] =	ssyncadd.s32 $0xFFFFC000  }
0xc6: {  	[tilespmem:s24], [sflag:$0x5] =	stream.linear.gather [spmem:s8], $0x3C00, $0x38;
	[tilespmem:$0x1CD00] =	vst v63  }
0xc7: {  	s10 =	sadd.s32 $0x1, s10;
	_ =	swait.ge [sflag:s25], $0x3C00  }
0xc8: {  	p0 =	sne.s32 s10, s16;
	[sflag:s25] =	ssyncset.done $0x0  }
.Ltmp2:
0xc9: {  	s21 =	rddreg [dreg:$0x9];
	[sflag:s25] =	ssyncadd.s32 $0xFFFFC400;
	(pc) =	sbr.rel @p0 .LBB2_1-.Ltmp2, $4  }
0xca: {  	[hbm4b:s21+s2] =	stream.linear.scatter [tilespmem:s24], [sflag:$0x5], $0x3C00, $0x38;
	[tilespmem:$0x1CD00] =	vst v63  }
0xcb: {  	_ =	swait.ge [sflag:s25], $0x3C00  }
0xcc: {  	[sflag:s25] =	ssyncset.done $0x0  }
0xcd: {  	[sflag:s25] =	ssyncadd.s32 $0xFFFFC400  }
0xce: {  	_ =	sfence.sel $0x180000  }
0xcf: {  	[bflag:$0x0] =	sbarrier.arrive $0xFFFF  }
0xd0: {  	_ =	strace $0x9000004A  }
0xd1: {  	s0 =	stileid.u32;
	[bflag:$0x2] =	sbarrier.arrive $0xFFFF  }
0xd2: {  	p0 =	sne.s32 s0, $0x0;
	s0 =	rddreg [dreg:$0x2]  }
0xd3: {  	s0 =	sadd.s32 @!p0 $0x100000, s0  }
0xd4: {  	[sflag:s0] =	ssyncadd.tile.s32 @!p0 $0x1;
	_ =	shalt  }
.Lfunc_end2:
_tile_overlayer_lowered:
.L_overlay_start_2:
0xd5: {  	(tag) =	ssettag $0x2  }
0xd6: {  	s0 =	rddreg [dreg:$0x0];
	s2 =	stileid.u32  }
0xd7: {  	s1 =	rddreg [dreg:$0x1];
	p0 =	sne.s32 s2, $0x0  }
0xd8: {  	s3 =	rddreg [dreg:$0x2];
	[bflag:$0x3] =	sbarrier.arrive $0xFFFF;
	s2 =	simm.s32 @!p0 $0x1C05  }
0xd9: {  	[timem:s3], [sflag:s2] =	dma.local @!p0 [hbm:s0], s1  }
0xda: {  	s0 =	simm.s32 @!p0 $0x5  }
0xdb: {  	_ =	swait.ge @!p0 [sflag:s0], s1  }
0xdc: {  	s1 =	ssub.s32 @!p0 $0x0, s1;
	[sflag:s0] =	ssyncset.done @!p0 $0x0  }
0xdd: {  	[sflag:s0] =	ssyncadd.s32 @!p0 s1  }
0xde: {  	[bflag:$0x3] =	sbarrier.arrive $0xFFFF  }
0xdf: {  	_ =	shalt  }

// kernel: kernel.30.cloned.1.call-start
scs
__scs_entry_jumppad:
0x0: {  	(pc) =	sbr.rel $0x88, $3  }
0x1: {  	(tag) =	ssettag $0x0;
	lr =	simm.s32 $0x1  }
0x2: {  	[smem:$0x3F7E] =	sst lr;
	_ =	strace $0xD0000000  }
0x3: {  	_ = 	snop  }
0x4: {  	_ = 	snop  }
0x5: {  	_ = 	snop  }
0x6: {  	_ = 	snop  }
0x7: {  	_ = 	snop  }
__scs_overlays_trampoline_lowered:
0x8: {  	[smem:$0x3F8D] =	sst s0  }
0x9: {  	[smem:$0x3F8E] =	sst s1  }
0xa: {  	[smem:$0x3F8F] =	sst s2  }
0xb: {  	[smem:$0x3F90] =	sst s3  }
0xc: {  	[smem:$0x3F91] =	sst s4  }
0xd: {  	[smem:$0x3F92] =	sst s5  }
0xe: {  	[smem:$0x3F93] =	sst s6  }
0xf: {  	[smem:$0x3F94] =	sst s7  }
0x10: {  	[smem:$0x3F95] =	sst s8  }
0x11: {  	[smem:$0x3F96] =	sst s9;
	s0 =	simm.s32 @!p0 $0x0  }
0x12: {  	s1 =	sld [smem:$0x3F7C];
	s0 =	simm.s32 @p0 $0x1  }
0x13: {  	[smem:$0x3F97] =	sst s0;
	s0 =	simm.s32 @!p1 $0x0  }
0x14: {  	s2 =	sld [smem:$0x3F7B];
	s0 =	simm.s32 @p1 $0x1  }
0x15: {  	[smem:$0x3F98] =	sst s0;
	s0 =	simm.s32 @!p2 $0x0  }
0x16: {  	s3 =	sld [smem:$0x3FDB];
	s0 =	simm.s32 @p2 $0x1  }
0x17: {  	s4 =	simm.s32 $0x1BF5;
	[smem:$0x3F9A] =	sst s0  }
0x18: {  	s0 =	sld [smem:$0x3F7D];
	_ =	swait.ge [sflag:s4], $0x0  }
0x19: {  	s7 =	sld [smem:$0x3F7E]  }
0x1a: {  	s8 =	sadd.s32 $0xFFFFE003, lr  }
0x1b: {  	s9 =	sadd.s32 $0xFFFFFEF7, lr;
	s5 =	simm.s32 $0xFFFFFFFF;
	p2 =	slt.u32 s8, $0xFFFFF086  }
0x1c: {  	p1 =	slt.u32 s9, $0xF7A;
	s5 =	simm.s32 @!p2 $0x0  }
0x1d: {  	s5 =	simm.s32 @p1 $0x1;
	p0 =	seq.s32 s7, s2  }
0x1e: {  	s7 =	smul.u32 @!p0 $0xF7A, s2;
	p2 =	seq.s32 @!p0 s5, $0x0  }
0x1f: {  	s9 =	smul.u32 $0xF7A, s1;
	s8 =	simm.s32 @!p0 $0x1BF5;
	p2 =	por !p2, p0  }
0x20: {  	[sflag:s8] =	ssyncset.s32 @!p0 $0xFFFFF086;
	s6 =	sadd.s32 @!p0 s3, s7;
	s7 =	simm.s32 @!p0 $0x108  }
0x21: {  	s3 =	sadd.s32 s3, s9;
	s6 =	sadd.s32 @!p0 $0x88, s6;
	s7 =	simm.s32 @p2 $0x1082  }
0x22: {  	[simem:s7], [sflag:s8] =	dma.local @!p0 [hbm:s6], $0xF7A  }
0x23: {  	s9 =	sor.u32 $0xD0000000, s2;
	s6 =	simm.s32 $0x108;
	_ =	swait.ge @!p0 [sflag:s8], $0x0  }
0x24: {  	s3 =	sadd.s32 $0x88, s3;
	s6 =	simm.s32 @!p1 $0x1082;
	[sflag:s4] =	ssyncset.s32 $0xFFFFF086  }
0x25: {  	[simem:s6], [sflag:s4] =	dma.local [hbm:s3], $0xF7A  }
0x26: {  	[smem:$0x3F7E] =	sst s1;
	(tag) =	ssettag s2;
	_ =	strace s9  }
0x27: {  	s1 =	sld [smem:$0x3F8E]  }
0x28: {  	s2 =	sld [smem:$0x3F8F]  }
0x29: {  	s4 =	sld [smem:$0x3F91]  }
0x2a: {  	p0 =	seq.s32 s5, $0x0;
	s5 =	sld [smem:$0x3F92]  }
0x2b: {  	s6 =	sld [smem:$0x3F93]  }
0x2c: {  	s7 =	sld [smem:$0x3F94]  }
0x2d: {  	s3 =	simm.s32 $0x108;
	s8 =	sld [smem:$0x3F95]  }
0x2e: {  	s3 =	simm.s32 @!p0 $0x1082;
	s9 =	sld [smem:$0x3F96]  }
0x2f: {  	lr =	sadd.s32 s0, s3;
	s0 =	sld [smem:$0x3F8D]  }
0x30: {  	s3 =	sld [smem:$0x3F90]  }
0x31: {  	[smem:$0x3F99] =	sst s10  }
0x32: {  	s10 =	sld [smem:$0x3F97];
	_ =	sdelay $0x3  }
0x33: {  	p0 =	seq.s32 s10, $0x1;
	s10 =	sld [smem:$0x3F99];
	_ =	sdelay $0x3  }
0x34: {  	[smem:$0x3F99] =	sst s10  }
0x35: {  	s10 =	sld [smem:$0x3F98];
	_ =	sdelay $0x3  }
0x36: {  	p1 =	seq.s32 s10, $0x1;
	s10 =	sld [smem:$0x3F99];
	_ =	sdelay $0x3  }
0x37: {  	[smem:$0x3F99] =	sst s10  }
0x38: {  	s10 =	sld [smem:$0x3F9A]  }
0x39: {  	_ = 	snop;
	(pc) =	sbr.ind lr, $3  }
0x3a: {  	_ = 	snop  }
0x3b: {  	_ = 	snop  }
0x3c: {  	p2 =	seq.s32 s10, $0x1;
	s10 =	sld [smem:$0x3F99]  }
0x3d: {  	_ =	shalt  }
0x3e: {  	_ =	shalt  }
0x3f: {  	_ =	shalt  }
0x40: {  	_ =	shalt  }
0x41: {  	_ =	shalt  }
0x42: {  	_ =	shalt  }
0x43: {  	_ =	shalt  }
0x44: {  	_ =	shalt  }
0x45: {  	_ =	shalt  }
0x46: {  	_ =	shalt  }
0x47: {  	_ =	shalt  }
0x48: {  	_ =	shalt  }
0x49: {  	_ =	shalt  }
0x4a: {  	_ =	shalt  }
0x4b: {  	_ =	shalt  }
0x4c: {  	_ =	shalt  }
0x4d: {  	_ =	shalt  }
0x4e: {  	_ =	shalt  }
0x4f: {  	_ =	shalt  }
0x50: {  	_ =	shalt  }
0x51: {  	_ =	shalt  }
0x52: {  	_ =	shalt  }
0x53: {  	_ =	shalt  }
0x54: {  	_ =	shalt  }
0x55: {  	_ =	shalt  }
0x56: {  	_ =	shalt  }
0x57: {  	_ =	shalt  }
0x58: {  	_ =	shalt  }
0x59: {  	_ =	shalt  }
0x5a: {  	_ =	shalt  }
0x5b: {  	_ =	shalt  }
0x5c: {  	_ =	shalt  }
0x5d: {  	_ =	shalt  }
0x5e: {  	_ =	shalt  }
0x5f: {  	_ =	shalt  }
0x60: {  	_ =	shalt  }
0x61: {  	_ =	shalt  }
0x62: {  	_ =	shalt  }
0x63: {  	_ =	shalt  }
0x64: {  	_ =	shalt  }
0x65: {  	_ =	shalt  }
0x66: {  	_ =	shalt  }
0x67: {  	_ =	shalt  }
0x68: {  	_ =	shalt  }
0x69: {  	_ =	shalt  }
0x6a: {  	_ =	shalt  }
0x6b: {  	_ =	shalt  }
0x6c: {  	_ =	shalt  }
0x6d: {  	_ =	shalt  }
0x6e: {  	_ =	shalt  }
0x6f: {  	_ =	shalt  }
0x70: {  	_ =	shalt  }
0x71: {  	_ =	shalt  }
0x72: {  	_ =	shalt  }
0x73: {  	_ =	shalt  }
0x74: {  	_ =	shalt  }
0x75: {  	_ =	shalt  }
0x76: {  	_ =	shalt  }
0x77: {  	_ =	shalt  }
0x78: {  	_ =	shalt  }
0x79: {  	_ =	shalt  }
0x7a: {  	_ =	shalt  }
0x7b: {  	_ =	shalt  }
0x7c: {  	_ =	shalt  }
0x7d: {  	_ =	shalt  }
0x7e: {  	_ =	shalt  }
0x7f: {  	_ =	shalt  }
0x80: {  	_ =	shalt  }
0x81: {  	_ =	shalt  }
0x82: {  	_ =	shalt  }
0x83: {  	_ =	shalt  }
0x84: {  	_ =	shalt  }
0x85: {  	_ =	shalt  }
0x86: {  	_ =	shalt  }
0x87: {  	_ =	shalt  }
.Lfunc_end0:
.L_simem_size_0:
called_computation.2_lowered:
.L_overlay_start_0:
0x88: {  	s2 =	sld [smem:$0x3FD9]  }
0x89: {  	s3 =	sld [smem:$0x3FFE];
	_ =	sdelay $0x1  }
0x8a: {  	s1 =	srdreg.scid  }
0x8b: {  	s0 =	sand.u32 $0x1, s1  }
0x8c: {  	s14 =	sshll.u32 s0, $0xA;
	s2 =	sadd.s32 s3, s2  }
0x8d: {  	s2 =	sadd.s32 s2, s14  }
0x8e: {  	[smem:$0x3FA5] =	sst s2  }
0x8f: {  	_ = 	snop  }
0x90: {  	s2 =	sld [smem:$0x3FD0];
	_ =	sdelay $0x2  }
0x91: {  	s15 =	simm.s32 $0xA;
	s4 =	simm.s32 $0x10  }
0x92: {  	[smem:s4], [sflag:s15] =	dma.local [hbm:s2], $0x1  }
0x93: {  	_ =	swait.eq [sflag:s15], $0x1  }
0x94: {  	[sflag:s15] =	ssyncset.done $0x0  }
0x95: {  	[sflag:s15] =	ssyncadd.s32 $0xFFFFFFFF  }
0x96: {  	s16 =	sld [smem:$0x11];
	(tm) =	ssettm $0x1  }
0x97: {  	s17 =	sld [smem:$0x3FFB];
	_ =	sdelay $0x3  }
0x98: {  	_ =	strace s17  }
0x99: {  	s3 =	sld [smem:$0x3FFC];
	_ =	sdelay $0x3  }
0x9a: {  	_ =	strace s3  }
0x9b: {  	s3 =	sld [smem:$0x3FFD];
	_ =	sdelay $0x3  }
0x9c: {  	_ =	strace s3  }
0x9d: {  	_ =	strace $0x8FFFFFFF  }
0x9e: {  	s18 =	sld [smem:$0x3FDB];
	_ =	sdelay $0x1  }
0x9f: {  	s19 =	simm.s32 $_scs_section_size  }
0xa0: {  	s5 =	simm.s32 $_size__tile_overlayer_lowered;
	s6 =	simm.s32 $_tile_overlayer_lowered  }
0xa1: {  	s22 =	simm.s32 $0x1BFF;
	s21 =	sshll.u32 s6, $0x1;
	s3 =	sadd.s32 s19, s18  }
0xa2: {  	s7 =	simm.s32 $0x0;
	s20 =	sshll.u32 s5, $0x1;
	s5 =	sadd.s32 s21, s3  }
0xa3: {  	[timem:s7], [sflag:s22] =	dma.local [hbm:s5], s20  }
0xa4: {  	_ =	swait.ge [sflag:s22], s20  }
0xa5: {  	s4 =	ssub.s32 $0x0, s20;
	[sflag:s22] =	ssyncset.done $0x0  }
0xa6: {  	[sflag:s22] =	ssyncadd.s32 s4;
	_ =	sdelay $0x1  }
0xa7: {  	s23 =	simm.s32 $0x1B8B  }
0xa8: {  	_ =	swait.ge [sflag:s23], $0x1  }
0xa9: {  	[sflag:s23] =	ssyncset.done $0x0  }
0xaa: {  	s25 =	simm.s32 $0x1B8E;
	s24 =	sld [smem:$0x3FFE];
	[sflag:s23] =	ssyncadd.s32 $0xFFFFFFFF  }
0xab: {  	s26 =	simm.s32 $execute0_lowered;
	[smem:$0x3FD2] =	sst s25  }
0xac: {  	s5 =	sshll.u32 s26, $0x1;
	_ =	strace $0x8000004C;
	[dreg:$0x1] =	wrdreg $0xFFFFFFFF  }
0xad: {  	s28 =	simm.s32 $_size_execute0_lowered;
	s3 =	sadd.s32 s3, s5;
	[dreg:$0x0] =	wrdreg $0x0  }
0xae: {  	s5 =	sshll.u32 s28, $0x1;
	[dreg:$0x2] =	wrdreg s3  }
0xaf: {  	[dreg:$0x3] =	wrdreg s5  }
0xb0: {  	[dreg:$0x4] =	wrdreg $0xC0  }
0xb1: {  	_ =	task [dreg:s7], $0x5FFFF  }
0xb2: {  	[dreg:$0x1] =	wrdreg $0xFFFFFFFF  }
0xb3: {  	[dreg:$0x0] =	wrdreg $0x60  }
0xb4: {  	[dreg:$0x2] =	wrdreg s16  }
0xb5: {  	[dreg:$0x3] =	wrdreg s24  }
0xb6: {  	[dreg:$0x4] =	wrdreg $0x9  }
0xb7: {  	_ =	task.clear_ibuf [dreg:s7], $0x5FFFF;
	_ =	strace $0x9000004C  }
0xb8: {  	s29 =	simm.s32 $0x9;
	_ =	strace $0x8000004E  }
0xb9: {  	_ =	swait.ge [sflag:s29], $0x1  }
0xba: {  	[sflag:s29] =	ssyncadd.s32 $0xFFFFFFFF  }
0xbb: {  	_ =	strace $0x9000004E  }
0xbc: {  	_ =	sfence  }
0xbd: {  	s30 =	sld [smem:$0x0];
	_ =	sdelay $0x2  }
0xbe: {  	s31 =	sshll.u32 s1, $0xD;
	s1 =	sshrl.u32 s1, $0x2  }
0xbf: {  	s3 =	sand.u32 $0x4000, s31;
	s1 =	sadd.s32 s1, s30  }
0xc0: {  	s0 =	sor.u32 s3, s0;
	s1 =	sshll.u32 s1, $0x11  }
0xc1: {  	s0 =	sor.u32 s1, s0  }
0xc2: {  	s0 =	sadd.s32 $0x8F2B, s0  }
0xc3: {  	[sflag:s0] =	ssyncadd.remote.s32 $0x1  }
0xc4: {  	_ =	sfence.sel $0xFFFF  }
0xc5: {  	[dreg:$0x0] =	wrdreg $0xFFFFFFFF;
	(pc) =	sbr.abs _section_cstart, $3  }
0xc6: {  	[dreg:$0x1] =	wrdreg $0xFFFFFFFF  }
0xc7: {  	_ =	task.clear_ibuf [dreg:s7], $0x2FFFF;
	_ =	strace $0x9FFFFFFF  }
0xc8: {  	(tm) =	ssettm $0x7FFFFFFF  }
0xc9: {  	_ =	shalt  }
tec
execute0_lowered:
.L_overlay_start_1:
0x0: {  	(tag) =	ssettag $0x1  }
0x1: {  	s1 =	rddreg [dreg:$0x0]  }
0x2: {  	s0 =	rddreg [dreg:$0x1];
	s3 =	simm.s32 $0x0;
	s2 =	srdreg.scid  }
0x3: {  	s14 =	stileid.u32;
	s28 =	simm.s32 $0x5200;
	s29 =	simm.s32 $0x7A00  }
0x4: {  	s30 =	simm.s32 $0x3;
	s31 =	simm.s32 $0x5;
	[smem:$0x7FF] =	sst s3  }
0x5: {  	s4 =	sadd.s32 $0x24800, s0;
	s2 =	sand.u32 $0x1, s2;
	s16 =	smul.u32 $0x4E20, s14  }
0x6: {  	s7 =	sshll.u32 s14, $0x1;
	s5 =	sadd.s32 $0x18200, s0;
	s23 =	smul.u32 $0x4E200, s14  }
0x7: {  	s6 =	sadd.s32 $0xE400, s0;
	s7 =	sor.u32 s2, s7;
	s13 =	smul.u32 $0x2710, s2  }
0x8: {  	s8 =	sadd.s32 $0x4C200, s0;
	s9 =	ssub.s32 $0x2, s2;
	s10 =	smul.u32 $0x2710, s7  }
0x9: {  	s0 =	sadd.s32 $0x52E200, s0;
	s11 =	sshrl.u32 s9, $0x1;
	s7 =	smul.u32 $0x138800, s7  }
0xa: {  	_ =	strace $0x8000004D;
	s2 =	smul.u32 $0x27100, s2;
	s9 =	ssub.s32 s9, s11  }
0xb: {  	s20 =	sadd.s32 s13, s16;
	s10 =	sshrl.u32 s10, $0x3;
	s7 =	sshrl.u32 s7, $0x3  }
0xc: {  	s22 =	sadd.s32 $0xF0, s20;
	s9 =	smax.u32 s9, $0x1;
	s26 =	sadd.s32 $0xA0, s20  }
0xd: {  	s20 =	simm.s32 $0x1;
	s12 =	sadd.s32 s5, s10;
	[dreg:$0x9] =	wrdreg s9  }
0xe: {  	s17 =	sadd.s32 $0xA, s10;
	s10 =	sadd.s32 s6, s10;
	[dreg:$0xc] =	wrdreg s26  }
0xf: {  	s7 =	sadd.s32 $0x26C00, s7;
	s24 =	sshrl.u32 s22, $0x3;
	[dreg:$0x3] =	wrdreg s12  }
0x10: {  	s22 =	simm.s32 $0x200;
	[dreg:$0x4] =	wrdreg s10;
	s18 =	sadd.s32 s5, s17  }
0x11: {  	s26 =	simm.s32 $0x2;
	s19 =	sadd.s32 s6, s17;
	[dreg:$0x5] =	wrdreg s18  }
0x12: {  	s21 =	sadd.s32 s8, s7;
	s7 =	sadd.s32 s0, s7;
	[dreg:$0x6] =	wrdreg s19  }
0x13: {  	s25 =	sadd.s32 s24, s6;
	s8 =	sadd.s32 s23, s8;
	[dreg:$0x7] =	wrdreg s21  }
0x14: {  	s0 =	sadd.s32 s23, s0;
	s23 =	simm.s32 $0x2A00;
	[dreg:$0x8] =	wrdreg s7  }
.Ltmp0:
0x15: {  	s10 =	simm.s32 $0x0;
	[dreg:$0xa] =	wrdreg s25;
	(pc) =	sbr.rel .LBB2_1-.Ltmp0, $4  }
0x16: {  	s7 =	sadd.s32 s24, s5;
	s16 =	sadd.s32 s2, s8;
	s17 =	sadd.s32 s2, s0  }
0x17: {  	s19 =	simm.s32 $0x80;
	s21 =	simm.s32 $0x50;
	s24 =	simm.s32 $0x100  }
0x18: {  	s25 =	simm.s32 $0x180;
	s0 =	simm.s32 $0x7;
	s2 =	simm.s32 $0x9  }
0x19: {  	s8 =	simm.s32 $0x6;
	[dreg:$0xb] =	wrdreg s7;
	s7 =	simm.s32 $0x4  }
.LBB2_4:
0x1a: {  	_ =	swait.ge [sflag:s30], $0x2800  }
0x1b: {  	[sflag:s30] =	ssyncset.done $0x0  }
0x1c: {  	[sflag:s30] =	ssyncadd.s32 $0xFFFFD800  }
0x1d: {  	_ =	swait.ge [sflag:s31], $0x2800  }
0x1e: {  	[sflag:s31] =	ssyncset.done $0x0  }
0x1f: {  	s9 =	rddreg [dreg:$0x7];
	[sflag:s31] =	ssyncadd.s32 $0xFFFFD800  }
0x20: {  	[hbm4b:s9+s3] =	stream.linear.scatter [tilespmem:s22], [sflag:$0x7], $0x2800, $0x38;
	[tilespmem:$0xA200] =	vst v63  }
0x21: {  	s14 =	simm.s32 $0x8;
	s13 =	rddreg [dreg:$0x8]  }
0x22: {  	[hbm4b:s13+s3] =	stream.linear.scatter [tilespmem:s23], [sflag:$0x9], $0x2800, $0x38;
	[tilespmem:$0xA200] =	vst v63  }
0x23: {  	_ =	swait.ge [sflag:s14], $0x2800  }
0x24: {  	[sflag:s14] =	ssyncset.done $0x0  }
0x25: {  	s15 =	simm.s32 $0xA;
	[sflag:s14] =	ssyncadd.s32 $0xFFFFD800  }
0x26: {  	_ =	swait.ge [sflag:s15], $0x2800  }
0x27: {  	[sflag:s15] =	ssyncset.done $0x0  }
0x28: {  	[sflag:s15] =	ssyncadd.s32 $0xFFFFD800  }
0x29: {  	_ =	swait.ge [sflag:s0], $0x2800  }
0x2a: {  	[sflag:s0] =	ssyncset.done $0x0  }
0x2b: {  	[sflag:s0] =	ssyncadd.s32 $0xFFFFD800  }
0x2c: {  	_ =	swait.ge [sflag:s2], $0x2800  }
0x2d: {  	s10 =	rddreg [dreg:$0xd]  }
0x2e: {  	s18 =	rddreg [dreg:$0x9];
	s10 =	sadd.s32 $0x1, s10  }
0x2f: {  	p0 =	sne.s32 s10, s18  }
.Ltmp1:
0x30: {  	_ = 	snop;
	(pc) =	sbr.rel @!p0 .LBB2_5-.Ltmp1, $3  }
0x31: {  	_ =	sdelay $0x1  }
0x32: {  	[sflag:s2] =	ssyncset.done $0x0  }
0x33: {  	[sflag:s2] =	ssyncadd.s32 $0xFFFFD800  }
.LBB2_1:
0x34: {  	[dreg:$0xd] =	wrdreg s10  }
0x35: {  	s9 =	rddreg [dreg:$0x3]  }
0x36: {  	[tilespmem:s3], [sflag:$0x1] =	stream.linear.gather [hbm4b:s9+s3], $0x50, $0x38;
	[tilespmem:$0xA200] =	vst v63  }
0x37: {  	s14 =	rddreg [dreg:$0x4]  }
0x38: {  	[tilespmem:s19], [sflag:$0x1] =	stream.linear.gather [hbm4b:s14+s3], $0x50, $0x38;
	[tilespmem:$0xA200] =	vst v63  }
0x39: {  	_ =	swait.ge [sflag:s20], $0x50  }
0x3a: {  	[sflag:s20] =	ssyncset.done $0x0  }
0x3b: {  	[sflag:s20] =	ssyncadd.s32 $0xFFFFFFB0  }
0x3c: {  	_ =	swait.ge [sflag:s20], $0x50  }
0x3d: {  	[sflag:s20] =	ssyncset.done $0x0  }
0x3e: {  	s15 =	rddreg [dreg:$0x5];
	[sflag:s20] =	ssyncadd.s32 $0xFFFFFFB0  }
0x3f: {  	[tilespmem:s22], [sflag:$0x3] =	stream.indirect.gather [hbm4b:s1+s21], $0x80, s3, s21, $0xb8;
	[tilespmem:$0xA200] =	vst v63  }
0x40: {  	s18 =	rddreg [dreg:$0x6]  }
0x41: {  	[tilespmem:s23], [sflag:$0x5] =	stream.indirect.gather [hbm4b:s4+s21], $0x80, s19, s21, $0xb8;
	[tilespmem:$0xA200] =	vst v63  }
0x42: {  	s14 =	rddreg [dreg:$0xa]  }
0x43: {  	[tilespmem:s24], [sflag:$0x2] =	stream.linear.gather [hbm4b:s15+s3], $0x50, $0x38;
	[tilespmem:$0xA200] =	vst v63  }
0x44: {  	s15 =	rddreg [dreg:$0xb]  }
0x45: {  	[tilespmem:s25], [sflag:$0x2] =	stream.linear.gather [hbm4b:s18+s3], $0x50, $0x38;
	[tilespmem:$0xA200] =	vst v63  }
0x46: {  	s13 =	simm.s32 $0x0;
	s18 =	rddreg [dreg:$0xc]  }
.LBB2_2:
0x47: {  	_ =	swait.ge [sflag:s26], $0x50  }
0x48: {  	[sflag:s26] =	ssyncset.done $0x0  }
0x49: {  	[sflag:s26] =	ssyncadd.s32 $0xFFFFFFB0  }
0x4a: {  	_ =	swait.ge [sflag:s26], $0x50  }
0x4b: {  	p0 =	seq.s32 s13, $0x0;
	[sflag:s26] =	ssyncset.done $0x0  }
0x4c: {  	s12 =	simm.s32 @!p0 $0x8;
	[sflag:s26] =	ssyncadd.s32 $0xFFFFFFB0  }
0x4d: {  	_ =	swait.ge @!p0 [sflag:s12], $0x2800  }
0x4e: {  	[sflag:s12] =	ssyncset.done @!p0 $0x0  }
0x4f: {  	[sflag:s12] =	ssyncadd.s32 @!p0 $0xFFFFD800;
	s12 =	simm.s32 @!p0 $0xA  }
0x50: {  	_ =	swait.ge @!p0 [sflag:s12], $0x2800  }
0x51: {  	[sflag:s12] =	ssyncset.done @!p0 $0x0  }
0x52: {  	[sflag:s12] =	ssyncadd.s32 @!p0 $0xFFFFD800  }
0x53: {  	[tilespmem:s28], [sflag:$0x4] =	stream.indirect.gather [hbm4b:s1+s21], $0x80, s24, s21, $0xb8;
	[tilespmem:$0xA200] =	vst v63  }
0x54: {  	_ = 	snop  }
0x55: {  	[tilespmem:s29], [sflag:$0x6] =	stream.indirect.gather [hbm4b:s4+s21], $0x80, s25, s21, $0xb8;
	[tilespmem:$0xA200] =	vst v63  }
0x56: {  	_ =	swait.ge [sflag:s30], $0x2800  }
0x57: {  	[sflag:s30] =	ssyncset.done $0x0  }
0x58: {  	[sflag:s30] =	ssyncadd.s32 $0xFFFFD800  }
0x59: {  	_ =	swait.ge [sflag:s31], $0x2800  }
0x5a: {  	[sflag:s31] =	ssyncset.done $0x0  }
0x5b: {  	s12 =	sadd.s32 s13, s16;
	[sflag:s31] =	ssyncadd.s32 $0xFFFFD800  }
0x5c: {  	[hbm4b:s12+s3] =	stream.linear.scatter [tilespmem:s22], [sflag:$0x7], $0x2800, $0x38;
	[tilespmem:$0xA200] =	vst v63  }
0x5d: {  	s9 =	sadd.s32 s13, s17;
	s10 =	sshrl.u32 s18, $0x3  }
0x5e: {  	[hbm4b:s9+s3] =	stream.linear.scatter [tilespmem:s23], [sflag:$0x9], $0x2800, $0x38;
	[tilespmem:$0xA200] =	vst v63  }
0x5f: {  	s11 =	sadd.s32 s5, s10  }
0x60: {  	[tilespmem:s3], [sflag:$0x1] =	stream.linear.gather [hbm4b:s11+s3], $0x50, $0x38;
	[tilespmem:$0xA200] =	vst v63  }
0x61: {  	s10 =	sadd.s32 s6, s10  }
0x62: {  	[tilespmem:s19], [sflag:$0x1] =	stream.linear.gather [hbm4b:s10+s3], $0x50, $0x38;
	[tilespmem:$0xA200] =	vst v63  }
0x63: {  	_ =	swait.ge [sflag:s20], $0x50  }
0x64: {  	[sflag:s20] =	ssyncset.done $0x0  }
0x65: {  	[sflag:s20] =	ssyncadd.s32 $0xFFFFFFB0  }
0x66: {  	_ =	swait.ge [sflag:s20], $0x50  }
0x67: {  	[sflag:s20] =	ssyncset.done $0x0  }
0x68: {  	[sflag:s20] =	ssyncadd.s32 $0xFFFFFFB0  }
0x69: {  	_ =	swait.ge [sflag:s0], $0x2800  }
0x6a: {  	[sflag:s0] =	ssyncset.done $0x0  }
0x6b: {  	[sflag:s0] =	ssyncadd.s32 $0xFFFFD800  }
0x6c: {  	_ =	swait.ge [sflag:s2], $0x2800  }
0x6d: {  	[sflag:s2] =	ssyncset.done $0x0  }
0x6e: {  	[sflag:s2] =	ssyncadd.s32 $0xFFFFD800  }
0x6f: {  	[tilespmem:s22], [sflag:$0x3] =	stream.indirect.gather [hbm4b:s1+s21], $0x80, s3, s21, $0xb8;
	[tilespmem:$0xA200] =	vst v63  }
0x70: {  	_ = 	snop  }
0x71: {  	[tilespmem:s23], [sflag:$0x5] =	stream.indirect.gather [hbm4b:s4+s21], $0x80, s19, s21, $0xb8;
	[tilespmem:$0xA200] =	vst v63  }
0x72: {  	_ =	swait.ge [sflag:s7], $0x2800  }
0x73: {  	[sflag:s7] =	ssyncset.done $0x0  }
0x74: {  	[sflag:s7] =	ssyncadd.s32 $0xFFFFD800  }
0x75: {  	p0 =	seq.s32 s13, $0x26200;
	_ =	swait.ge [sflag:s8], $0x2800  }
.Ltmp2:
0x76: {  	[sflag:s8] =	ssyncset.done $0x0;
	(pc) =	sbr.rel @p0 .LBB2_4-.Ltmp2, $4  }
0x77: {  	s12 =	sadd.s32 $0x500, s12;
	[sflag:s8] =	ssyncadd.s32 $0xFFFFD800  }
0x78: {  	[hbm4b:s12+s3] =	stream.linear.scatter [tilespmem:s28], [sflag:$0x8], $0x2800, $0x38;
	[tilespmem:$0xA200] =	vst v63  }
0x79: {  	s9 =	sadd.s32 $0x500, s9  }
0x7a: {  	[hbm4b:s9+s3] =	stream.linear.scatter [tilespmem:s29], [sflag:$0xA], $0x2800, $0x38;
	[tilespmem:$0xA200] =	vst v63  }
.Ltmp3:
0x7b: {  	(pc) =	sbr.rel .LBB2_2-.Ltmp3, $4  }
0x7c: {  	[tilespmem:s24], [sflag:$0x2] =	stream.linear.gather [hbm4b:s15+s3], $0x50, $0x38;
	[tilespmem:$0xA200] =	vst v63  }
0x7d: {  	s13 =	sadd.s32 $0xA00, s13  }
0x7e: {  	[tilespmem:s25], [sflag:$0x2] =	stream.linear.gather [hbm4b:s14+s3], $0x50, $0x38;
	[tilespmem:$0xA200] =	vst v63  }
0x7f: {  	s15 =	sadd.s32 $0x14, s15;
	s18 =	sadd.s32 $0xA0, s18;
	s14 =	sadd.s32 $0x14, s14  }
.LBB2_5:
0x80: {  	_ =	sfence.sel $0x180000  }
0x81: {  	[bflag:$0x0] =	sbarrier.arrive $0xFFFF  }
0x82: {  	_ =	strace $0x9000004D  }
0x83: {  	s0 =	stileid.u32;
	[bflag:$0x2] =	sbarrier.arrive $0xFFFF  }
0x84: {  	p0 =	sne.s32 s0, $0x0;
	s0 =	rddreg [dreg:$0x2]  }
0x85: {  	s0 =	sadd.s32 @!p0 $0x100000, s0  }
0x86: {  	[sflag:s0] =	ssyncadd.tile.s32 @!p0 $0x1;
	_ =	shalt  }
.Lfunc_end2:
_tile_overlayer_lowered:
.L_overlay_start_2:
0x87: {  	(tag) =	ssettag $0x2  }
0x88: {  	s0 =	rddreg [dreg:$0x0];
	s2 =	stileid.u32  }
0x89: {  	s1 =	rddreg [dreg:$0x1];
	p0 =	sne.s32 s2, $0x0  }
0x8a: {  	s3 =	rddreg [dreg:$0x2];
	[bflag:$0x3] =	sbarrier.arrive $0xFFFF;
	s2 =	simm.s32 @!p0 $0x1C0B  }
0x8b: {  	[timem:s3], [sflag:s2] =	dma.local @!p0 [hbm:s0], s1  }
0x8c: {  	s0 =	simm.s32 @!p0 $0xB  }
0x8d: {  	_ =	swait.ge @!p0 [sflag:s0], s1  }
0x8e: {  	s1 =	ssub.s32 @!p0 $0x0, s1;
	[sflag:s0] =	ssyncset.done @!p0 $0x0  }
0x8f: {  	[sflag:s0] =	ssyncadd.s32 @!p0 s1  }
0x90: {  	[bflag:$0x3] =	sbarrier.arrive $0xFFFF  }
0x91: {  	_ =	shalt  }

// kernel: kernel.33.cloned.1.call-start
scs
__scs_entry_jumppad:
0x0: {  	(pc) =	sbr.rel $0x88, $3  }
0x1: {  	(tag) =	ssettag $0x0;
	lr =	simm.s32 $0x1  }
0x2: {  	[smem:$0x3F7E] =	sst lr;
	_ =	strace $0xD0000000  }
0x3: {  	_ = 	snop  }
0x4: {  	_ = 	snop  }
0x5: {  	_ = 	snop  }
0x6: {  	_ = 	snop  }
0x7: {  	_ = 	snop  }
__scs_overlays_trampoline_lowered:
0x8: {  	[smem:$0x3F8D] =	sst s0  }
0x9: {  	[smem:$0x3F8E] =	sst s1  }
0xa: {  	[smem:$0x3F8F] =	sst s2  }
0xb: {  	[smem:$0x3F90] =	sst s3  }
0xc: {  	[smem:$0x3F91] =	sst s4  }
0xd: {  	[smem:$0x3F92] =	sst s5  }
0xe: {  	[smem:$0x3F93] =	sst s6  }
0xf: {  	[smem:$0x3F94] =	sst s7  }
0x10: {  	[smem:$0x3F95] =	sst s8  }
0x11: {  	[smem:$0x3F96] =	sst s9;
	s0 =	simm.s32 @!p0 $0x0  }
0x12: {  	s1 =	sld [smem:$0x3F7C];
	s0 =	simm.s32 @p0 $0x1  }
0x13: {  	[smem:$0x3F97] =	sst s0;
	s0 =	simm.s32 @!p1 $0x0  }
0x14: {  	s2 =	sld [smem:$0x3F7B];
	s0 =	simm.s32 @p1 $0x1  }
0x15: {  	[smem:$0x3F98] =	sst s0;
	s0 =	simm.s32 @!p2 $0x0  }
0x16: {  	s3 =	sld [smem:$0x3FDB];
	s0 =	simm.s32 @p2 $0x1  }
0x17: {  	s4 =	simm.s32 $0x1BF5;
	[smem:$0x3F9A] =	sst s0  }
0x18: {  	s0 =	sld [smem:$0x3F7D];
	_ =	swait.ge [sflag:s4], $0x0  }
0x19: {  	s7 =	sld [smem:$0x3F7E]  }
0x1a: {  	s8 =	sadd.s32 $0xFFFFE003, lr  }
0x1b: {  	s9 =	sadd.s32 $0xFFFFFEF7, lr;
	s5 =	simm.s32 $0xFFFFFFFF;
	p2 =	slt.u32 s8, $0xFFFFF086  }
0x1c: {  	p1 =	slt.u32 s9, $0xF7A;
	s5 =	simm.s32 @!p2 $0x0  }
0x1d: {  	s5 =	simm.s32 @p1 $0x1;
	p0 =	seq.s32 s7, s2  }
0x1e: {  	s7 =	smul.u32 @!p0 $0xF7A, s2;
	p2 =	seq.s32 @!p0 s5, $0x0  }
0x1f: {  	s9 =	smul.u32 $0xF7A, s1;
	s8 =	simm.s32 @!p0 $0x1BF5;
	p2 =	por !p2, p0  }
0x20: {  	[sflag:s8] =	ssyncset.s32 @!p0 $0xFFFFF086;
	s6 =	sadd.s32 @!p0 s3, s7;
	s7 =	simm.s32 @!p0 $0x108  }
0x21: {  	s3 =	sadd.s32 s3, s9;
	s6 =	sadd.s32 @!p0 $0x88, s6;
	s7 =	simm.s32 @p2 $0x1082  }
0x22: {  	[simem:s7], [sflag:s8] =	dma.local @!p0 [hbm:s6], $0xF7A  }
0x23: {  	s9 =	sor.u32 $0xD0000000, s2;
	s6 =	simm.s32 $0x108;
	_ =	swait.ge @!p0 [sflag:s8], $0x0  }
0x24: {  	s3 =	sadd.s32 $0x88, s3;
	s6 =	simm.s32 @!p1 $0x1082;
	[sflag:s4] =	ssyncset.s32 $0xFFFFF086  }
0x25: {  	[simem:s6], [sflag:s4] =	dma.local [hbm:s3], $0xF7A  }
0x26: {  	[smem:$0x3F7E] =	sst s1;
	(tag) =	ssettag s2;
	_ =	strace s9  }
0x27: {  	s1 =	sld [smem:$0x3F8E]  }
0x28: {  	s2 =	sld [smem:$0x3F8F]  }
0x29: {  	s4 =	sld [smem:$0x3F91]  }
0x2a: {  	p0 =	seq.s32 s5, $0x0;
	s5 =	sld [smem:$0x3F92]  }
0x2b: {  	s6 =	sld [smem:$0x3F93]  }
0x2c: {  	s7 =	sld [smem:$0x3F94]  }
0x2d: {  	s3 =	simm.s32 $0x108;
	s8 =	sld [smem:$0x3F95]  }
0x2e: {  	s3 =	simm.s32 @!p0 $0x1082;
	s9 =	sld [smem:$0x3F96]  }
0x2f: {  	lr =	sadd.s32 s0, s3;
	s0 =	sld [smem:$0x3F8D]  }
0x30: {  	s3 =	sld [smem:$0x3F90]  }
0x31: {  	[smem:$0x3F99] =	sst s10  }
0x32: {  	s10 =	sld [smem:$0x3F97];
	_ =	sdelay $0x3  }
0x33: {  	p0 =	seq.s32 s10, $0x1;
	s10 =	sld [smem:$0x3F99];
	_ =	sdelay $0x3  }
0x34: {  	[smem:$0x3F99] =	sst s10  }
0x35: {  	s10 =	sld [smem:$0x3F98];
	_ =	sdelay $0x3  }
0x36: {  	p1 =	seq.s32 s10, $0x1;
	s10 =	sld [smem:$0x3F99];
	_ =	sdelay $0x3  }
0x37: {  	[smem:$0x3F99] =	sst s10  }
0x38: {  	s10 =	sld [smem:$0x3F9A]  }
0x39: {  	_ = 	snop;
	(pc) =	sbr.ind lr, $3  }
0x3a: {  	_ = 	snop  }
0x3b: {  	_ = 	snop  }
0x3c: {  	p2 =	seq.s32 s10, $0x1;
	s10 =	sld [smem:$0x3F99]  }
0x3d: {  	_ =	shalt  }
0x3e: {  	_ =	shalt  }
0x3f: {  	_ =	shalt  }
0x40: {  	_ =	shalt  }
0x41: {  	_ =	shalt  }
0x42: {  	_ =	shalt  }
0x43: {  	_ =	shalt  }
0x44: {  	_ =	shalt  }
0x45: {  	_ =	shalt  }
0x46: {  	_ =	shalt  }
0x47: {  	_ =	shalt  }
0x48: {  	_ =	shalt  }
0x49: {  	_ =	shalt  }
0x4a: {  	_ =	shalt  }
0x4b: {  	_ =	shalt  }
0x4c: {  	_ =	shalt  }
0x4d: {  	_ =	shalt  }
0x4e: {  	_ =	shalt  }
0x4f: {  	_ =	shalt  }
0x50: {  	_ =	shalt  }
0x51: {  	_ =	shalt  }
0x52: {  	_ =	shalt  }
0x53: {  	_ =	shalt  }
0x54: {  	_ =	shalt  }
0x55: {  	_ =	shalt  }
0x56: {  	_ =	shalt  }
0x57: {  	_ =	shalt  }
0x58: {  	_ =	shalt  }
0x59: {  	_ =	shalt  }
0x5a: {  	_ =	shalt  }
0x5b: {  	_ =	shalt  }
0x5c: {  	_ =	shalt  }
0x5d: {  	_ =	shalt  }
0x5e: {  	_ =	shalt  }
0x5f: {  	_ =	shalt  }
0x60: {  	_ =	shalt  }
0x61: {  	_ =	shalt  }
0x62: {  	_ =	shalt  }
0x63: {  	_ =	shalt  }
0x64: {  	_ =	shalt  }
0x65: {  	_ =	shalt  }
0x66: {  	_ =	shalt  }
0x67: {  	_ =	shalt  }
0x68: {  	_ =	shalt  }
0x69: {  	_ =	shalt  }
0x6a: {  	_ =	shalt  }
0x6b: {  	_ =	shalt  }
0x6c: {  	_ =	shalt  }
0x6d: {  	_ =	shalt  }
0x6e: {  	_ =	shalt  }
0x6f: {  	_ =	shalt  }
0x70: {  	_ =	shalt  }
0x71: {  	_ =	shalt  }
0x72: {  	_ =	shalt  }
0x73: {  	_ =	shalt  }
0x74: {  	_ =	shalt  }
0x75: {  	_ =	shalt  }
0x76: {  	_ =	shalt  }
0x77: {  	_ =	shalt  }
0x78: {  	_ =	shalt  }
0x79: {  	_ =	shalt  }
0x7a: {  	_ =	shalt  }
0x7b: {  	_ =	shalt  }
0x7c: {  	_ =	shalt  }
0x7d: {  	_ =	shalt  }
0x7e: {  	_ =	shalt  }
0x7f: {  	_ =	shalt  }
0x80: {  	_ =	shalt  }
0x81: {  	_ =	shalt  }
0x82: {  	_ =	shalt  }
0x83: {  	_ =	shalt  }
0x84: {  	_ =	shalt  }
0x85: {  	_ =	shalt  }
0x86: {  	_ =	shalt  }
0x87: {  	_ =	shalt  }
.Lfunc_end0:
.L_simem_size_0:
called_computation.3_lowered:
.L_overlay_start_0:
0x88: {  	s2 =	sld [smem:$0x3FD9]  }
0x89: {  	s3 =	sld [smem:$0x3FFE];
	_ =	sdelay $0x1  }
0x8a: {  	s1 =	srdreg.scid  }
0x8b: {  	s0 =	sand.u32 $0x1, s1  }
0x8c: {  	s16 =	sshll.u32 s0, $0xA;
	s2 =	sadd.s32 s3, s2  }
0x8d: {  	s2 =	sadd.s32 s2, s16  }
0x8e: {  	[smem:$0x3FA5] =	sst s2  }
0x8f: {  	_ = 	snop  }
0x90: {  	(tm) =	ssettm $0x1  }
0x91: {  	s17 =	sld [smem:$0x3FFB];
	_ =	sdelay $0x3  }
0x92: {  	_ =	strace s17  }
0x93: {  	s2 =	sld [smem:$0x3FFC];
	_ =	sdelay $0x3  }
0x94: {  	_ =	strace s2  }
0x95: {  	s2 =	sld [smem:$0x3FFD];
	_ =	sdelay $0x3  }
0x96: {  	_ =	strace s2  }
0x97: {  	_ =	strace $0x8FFFFFFF  }
0x98: {  	s18 =	sld [smem:$0x3FDB];
	_ =	sdelay $0x1  }
0x99: {  	s19 =	simm.s32 $_scs_section_size  }
0x9a: {  	s4 =	simm.s32 $_size__tile_overlayer_lowered;
	s5 =	simm.s32 $_tile_overlayer_lowered  }
0x9b: {  	s22 =	simm.s32 $0x1BFF;
	s21 =	sshll.u32 s5, $0x1;
	s2 =	sadd.s32 s19, s18  }
0x9c: {  	s6 =	simm.s32 $0x0;
	s20 =	sshll.u32 s4, $0x1;
	s4 =	sadd.s32 s21, s2  }
0x9d: {  	[timem:s6], [sflag:s22] =	dma.local [hbm:s4], s20  }
0x9e: {  	_ =	swait.ge [sflag:s22], s20  }
0x9f: {  	s3 =	ssub.s32 $0x0, s20;
	[sflag:s22] =	ssyncset.done $0x0  }
0xa0: {  	[sflag:s22] =	ssyncadd.s32 s3;
	_ =	sdelay $0x1  }
0xa1: {  	s23 =	simm.s32 $0x1B8B  }
0xa2: {  	_ =	swait.ge [sflag:s23], $0x1  }
0xa3: {  	[sflag:s23] =	ssyncset.done $0x0  }
0xa4: {  	s25 =	simm.s32 $0x1B8E;
	s24 =	sld [smem:$0x3FFE];
	[sflag:s23] =	ssyncadd.s32 $0xFFFFFFFF  }
0xa5: {  	s26 =	simm.s32 $execute0_lowered;
	[smem:$0x3FD2] =	sst s25  }
0xa6: {  	s4 =	sshll.u32 s26, $0x1;
	_ =	strace $0x8000004F;
	[dreg:$0x1] =	wrdreg $0xFFFFFFFF  }
0xa7: {  	s28 =	simm.s32 $_size_execute0_lowered;
	s2 =	sadd.s32 s2, s4;
	[dreg:$0x0] =	wrdreg $0x0  }
0xa8: {  	s4 =	sshll.u32 s28, $0x1;
	[dreg:$0x2] =	wrdreg s2  }
0xa9: {  	[dreg:$0x3] =	wrdreg s4  }
0xaa: {  	[dreg:$0x4] =	wrdreg $0xC0  }
0xab: {  	_ =	task [dreg:s6], $0x5FFFF  }
0xac: {  	[dreg:$0x1] =	wrdreg $0xFFFFFFFF  }
0xad: {  	[dreg:$0x0] =	wrdreg $0x60  }
0xae: {  	[dreg:$0x2] =	wrdreg s24  }
0xaf: {  	[dreg:$0x3] =	wrdreg $0x91000  }
0xb0: {  	[dreg:$0x4] =	wrdreg $0x9  }
0xb1: {  	_ =	task.clear_ibuf [dreg:s6], $0x5FFFF;
	_ =	strace $0x9000004F  }
0xb2: {  	s29 =	simm.s32 $0x9;
	_ =	strace $0x80000051  }
0xb3: {  	_ =	swait.ge [sflag:s29], $0x1  }
0xb4: {  	[sflag:s29] =	ssyncadd.s32 $0xFFFFFFFF  }
0xb5: {  	_ =	strace $0x90000051  }
0xb6: {  	_ =	sfence  }
0xb7: {  	s30 =	sld [smem:$0x0];
	_ =	sdelay $0x2  }
0xb8: {  	s31 =	sshll.u32 s1, $0xD;
	s1 =	sshrl.u32 s1, $0x2  }
0xb9: {  	s3 =	sand.u32 $0x4000, s31;
	s1 =	sadd.s32 s1, s30  }
0xba: {  	s0 =	sor.u32 s3, s0;
	s1 =	sshll.u32 s1, $0x11  }
0xbb: {  	s0 =	sor.u32 s1, s0  }
0xbc: {  	s0 =	sadd.s32 $0x8F2B, s0  }
0xbd: {  	[sflag:s0] =	ssyncadd.remote.s32 $0x1  }
0xbe: {  	_ =	sfence.sel $0xFFFF  }
0xbf: {  	[dreg:$0x0] =	wrdreg $0xFFFFFFFF;
	(pc) =	sbr.abs _section_cstart, $3  }
0xc0: {  	[dreg:$0x1] =	wrdreg $0xFFFFFFFF  }
0xc1: {  	_ =	task.clear_ibuf [dreg:s6], $0x2FFFF;
	_ =	strace $0x9FFFFFFF  }
0xc2: {  	(tm) =	ssettm $0x7FFFFFFF  }
0xc3: {  	_ =	shalt  }
tec
execute0_lowered:
.L_overlay_start_1:
0x0: {  	(tag) =	ssettag $0x1  }
0x1: {  	s3 =	rddreg [dreg:$0x0]  }
0x2: {  	s1 =	rddreg [dreg:$0x1]  }
0x3: {  	s2 =	simm.s32 $0x0;
	s4 =	srdreg.scid;
	s21 =	stileid.u32  }
0x4: {  	s28 =	simm.s32 $0x1;
	s29 =	simm.s32 $0x50;
	s30 =	simm.s32 $0x80  }
0x5: {  	s31 =	simm.s32 $0x2900;
	[smem:$0x7FF] =	sst s2;
	s9 =	sadd.s32 $0x13D4000, s3  }
0x6: {  	s0 =	sadd.s32 $0x18200, s3;
	s10 =	sand.u32 $0x1, s4;
	s5 =	smul.u32 $0x4F000, s21  }
0x7: {  	s3 =	sadd.s32 $0x4C200, s3;
	s7 =	sshll.u32 s21, $0x1;
	s11 =	smul.u32 $0x13C00, s21  }
0x8: {  	_ =	strace $0x80000050;
	s4 =	ssub.s32 $0x2, s10;
	s8 =	sor.u32 s10, s7  }
0x9: {  	s6 =	sshrl.u32 s4, $0x1;
	s20 =	sshrl.u32 s5, $0x2;
	s13 =	smul.u32 $0x2710, s8  }
0xa: {  	s14 =	sadd.s32 $0x4000, s11;
	s15 =	sadd.s32 $0x8000, s11;
	s16 =	sadd.s32 $0xC000, s11  }
0xb: {  	s17 =	smul.u32 $0x27100, s8;
	s18 =	sadd.s32 $0x10000, s11;
	s12 =	ssub.s32 s4, s6  }
0xc: {  	s4 =	sadd.s32 s20, s1;
	s5 =	sadd.s32 s14, s1;
	s6 =	sadd.s32 s15, s1  }
0xd: {  	s7 =	sadd.s32 s16, s1;
	s20 =	smul.u32 $0x13C000, s10;
	s8 =	sadd.s32 s18, s1  }
0xe: {  	s19 =	sshrl.u32 s13, $0x3;
	s17 =	sadd.s32 s9, s17;
	s22 =	sadd.s32 $0x50, s13  }
0xf: {  	s13 =	sadd.s32 $0xA0, s13;
	s19 =	sadd.s32 s0, s19;
	[dreg:$0x4] =	wrdreg s17  }
0x10: {  	s11 =	sadd.s32 s11, s20;
	s14 =	sadd.s32 s20, s14;
	s24 =	sadd.s32 s20, s15  }
0x11: {  	s25 =	sadd.s32 s20, s16;
	s26 =	sadd.s32 s20, s18;
	s20 =	smul.u32 $0x2710, s10  }
0x12: {  	s18 =	sshrl.u32 s22, $0x3;
	s16 =	smax.u32 s12, $0x1;
	s10 =	smul.u32 $0x27100, s10  }
0x13: {  	[dreg:$0x3] =	wrdreg s19;
	s11 =	sshrl.u32 s11, $0x3;
	s14 =	sshrl.u32 s14, $0x3  }
0x14: {  	s15 =	sshrl.u32 s26, $0x3;
	s19 =	sshll.u32 s22, $0x4;
	s17 =	sadd.s32 s0, s18  }
0x15: {  	s22 =	sshrl.u32 s13, $0x3;
	s11 =	sadd.s32 s3, s11;
	s23 =	sadd.s32 s3, s14  }
0x16: {  	s14 =	sshrl.u32 s25, $0x3;
	[dreg:$0x5] =	wrdreg s11;
	s11 =	sshrl.u32 s24, $0x3  }
0x17: {  	s18 =	sadd.s32 s9, s19;
	[dreg:$0x6] =	wrdreg s23;
	s11 =	sadd.s32 s3, s11  }
0x18: {  	s23 =	smul.u32 $0x4E200, s21;
	[dreg:$0x7] =	wrdreg s11;
	s11 =	sadd.s32 s3, s14  }
0x19: {  	s3 =	sadd.s32 s3, s15;
	s15 =	smul.u32 $0x4E20, s21;
	[dreg:$0x8] =	wrdreg s11  }
0x1a: {  	s19 =	sadd.s32 s0, s22;
	s24 =	sshll.u32 s13, $0x4;
	[dreg:$0x9] =	wrdreg s3  }
0x1b: {  	s3 =	sadd.s32 s20, s15;
	s20 =	sadd.s32 s9, s24;
	s9 =	sadd.s32 s23, s9  }
0x1c: {  	s24 =	simm.s32 $0x5100;
	s25 =	sadd.s32 $0x140, s3;
	s9 =	sadd.s32 s10, s9  }
0x1d: {  	s3 =	sadd.s32 $0xF0, s3;
	s10 =	simm.s32 $0x0;
	s26 =	sshrl.u32 s25, $0x3  }
0x1e: {  	s13 =	sadd.s32 $0x1400, s9;
	s3 =	sshrl.u32 s3, $0x3;
	s25 =	simm.s32 $0x5  }
0x1f: {  	s9 =	simm.s32 $0x4;
	s22 =	sadd.s32 s26, s0;
	s23 =	sadd.s32 s3, s0  }
0x20: {  	v0 =	vimm.f32 $0.0e+00;
	s26 =	simm.s32 $0x100;
	s0 =	simm.s32 $0x2;
	s3 =	simm.s32 $0x3  }
.LBB2_1:
0x21: {  	s11 =	simm.s32 $0x0;
	s12 =	simm.s32 $0x200  }
.LBB2_2:
0x22: {  	p0 =	sne.s32 s12, $0xFE00;
	[tilespmem:s11+$0x5170] =	vst v0  }
0x23: {  	[tilespmem:s11+$0x5100] =	vst v0  }
0x24: {  	[tilespmem:s11+$0x5110] =	vst v0  }
.Ltmp0:
0x25: {  	[tilespmem:s11+$0x5120] =	vst v0;
	(pc) =	sbr.rel @p0 .LBB2_2-.Ltmp0, $4  }
0x26: {  	[tilespmem:s11+$0x5130] =	vst v0  }
0x27: {  	[tilespmem:s11+$0x5140] =	vst v0  }
0x28: {  	[tilespmem:s11+$0x5150] =	vst v0  }
0x29: {  	[tilespmem:s11+$0x5160] =	vst v0;
	s11 =	sshra.s32 s12, $0x2;
	s12 =	sadd.s32 $0x200, s12  }
0x2a: {  	[tilespmem:s11+$0x5170] =	vst v0  }
0x2b: {  	[tilespmem:s11+$0x5100] =	vst v0  }
0x2c: {  	[tilespmem:s11+$0x5110] =	vst v0  }
0x2d: {  	[tilespmem:s11+$0x5120] =	vst v0  }
0x2e: {  	[tilespmem:s11+$0x5130] =	vst v0  }
0x2f: {  	[tilespmem:s11+$0x5140] =	vst v0  }
0x30: {  	[tilespmem:s11+$0x5150] =	vst v0  }
0x31: {  	[tilespmem:s11+$0x5160] =	vst v0  }
0x32: {  	[spmem:s4] =	stream.linear.scatter [tilespmem:s24], [sflag:$0x5], $0x4000, $0x38;
	[tilespmem:$0x1CD00] =	vst v63  }
0x33: {  	_ =	swait.ge [sflag:s25], $0x4000  }
0x34: {  	[sflag:s25] =	ssyncset.done $0x0  }
0x35: {  	[sflag:s25] =	ssyncadd.s32 $0xFFFFC000  }
0x36: {  	[spmem:s5] =	stream.linear.scatter [tilespmem:s24], [sflag:$0x5], $0x4000, $0x38;
	[tilespmem:$0x1CD00] =	vst v63  }
0x37: {  	_ =	swait.ge [sflag:s25], $0x4000  }
0x38: {  	[sflag:s25] =	ssyncset.done $0x0  }
0x39: {  	[sflag:s25] =	ssyncadd.s32 $0xFFFFC000  }
0x3a: {  	[spmem:s6] =	stream.linear.scatter [tilespmem:s24], [sflag:$0x5], $0x4000, $0x38;
	[tilespmem:$0x1CD00] =	vst v63  }
0x3b: {  	_ =	swait.ge [sflag:s25], $0x4000  }
0x3c: {  	[sflag:s25] =	ssyncset.done $0x0  }
0x3d: {  	[sflag:s25] =	ssyncadd.s32 $0xFFFFC000  }
0x3e: {  	[spmem:s7] =	stream.linear.scatter [tilespmem:s24], [sflag:$0x5], $0x4000, $0x38;
	[tilespmem:$0x1CD00] =	vst v63  }
0x3f: {  	_ =	swait.ge [sflag:s25], $0x4000  }
0x40: {  	[sflag:s25] =	ssyncset.done $0x0  }
0x41: {  	[sflag:s25] =	ssyncadd.s32 $0xFFFFC000  }
0x42: {  	[spmem:s8] =	stream.linear.scatter [tilespmem:s24], [sflag:$0x5], $0x3C00, $0x38;
	[tilespmem:$0x1CD00] =	vst v63  }
0x43: {  	_ =	swait.ge [sflag:s25], $0x3C00  }
0x44: {  	[sflag:s25] =	ssyncset.done $0x0  }
0x45: {  	[sflag:s25] =	ssyncadd.s32 $0xFFFFC400  }
0x46: {  	[bflag:$0x0] =	sbarrier.arrive $0xFFFF  }
0x47: {  	s15 =	simm.s32 $0x0;
	s12 =	rddreg [dreg:$0x3]  }
0x48: {  	[tilespmem:s15], [sflag:$0x1] =	stream.linear.gather [hbm4b:s12+s15], $0x50, $0x38;
	[tilespmem:$0x1CD00] =	vst v63  }
0x49: {  	s21 =	rddreg [dreg:$0x4]  }
0x4a: {  	[tilespmem:s26], [sflag:$0x1] =	stream.linear.gather [hbm4b:s21+s15], $0x2800, $0x38;
	[tilespmem:$0x1CD00] =	vst v63  }
0x4b: {  	_ =	swait.ge [sflag:s28], $0x50  }
0x4c: {  	[sflag:s28] =	ssyncset.done $0x0  }
0x4d: {  	[sflag:s28] =	ssyncadd.s32 $0xFFFFFFB0  }
0x4e: {  	_ =	swait.ge [sflag:s28], $0x2800  }
0x4f: {  	[sflag:s28] =	ssyncset.done $0x0  }
0x50: {  	[sflag:s28] =	ssyncadd.s32 $0xFFFFD800  }
0x51: {  	[spmem:s1] =	stream.indirect.scatter.add.f32 [tilespmem:s26], [sflag:$0x3], $0x80, s15, s29, $0xb8;
	[tilespmem:$0x1CD00] =	vst v63  }
0x52: {  	_ = 	snop  }
0x53: {  	[tilespmem:s30], [sflag:$0x2] =	stream.linear.gather [hbm4b:s17+s15], $0x50, $0x38;
	[tilespmem:$0x1CD00] =	vst v63  }
0x54: {  	_ = 	snop  }
0x55: {  	[tilespmem:s31], [sflag:$0x2] =	stream.linear.gather [hbm4b:s18+s15], $0x2800, $0x38;
	[tilespmem:$0x1CD00] =	vst v63  }
0x56: {  	_ =	swait.ge [sflag:s0], $0x50  }
0x57: {  	[sflag:s0] =	ssyncset.done $0x0  }
0x58: {  	[sflag:s0] =	ssyncadd.s32 $0xFFFFFFB0  }
0x59: {  	_ =	swait.ge [sflag:s0], $0x2800  }
0x5a: {  	[sflag:s0] =	ssyncset.done $0x0  }
0x5b: {  	[sflag:s0] =	ssyncadd.s32 $0xFFFFD800  }
0x5c: {  	[spmem:s1] =	stream.indirect.scatter.add.f32 [tilespmem:s31], [sflag:$0x4], $0x80, s30, s29, $0xb8;
	[tilespmem:$0x1CD00] =	vst v63  }
0x5d: {  	_ =	swait.ge [sflag:s3], $0x2800  }
0x5e: {  	[sflag:s3] =	ssyncset.done $0x0  }
0x5f: {  	[sflag:s3] =	ssyncadd.s32 $0xFFFFD800  }
0x60: {  	[tilespmem:s15], [sflag:$0x1] =	stream.linear.gather [hbm4b:s19+s15], $0x50, $0x38;
	[tilespmem:$0x1CD00] =	vst v63  }
0x61: {  	_ = 	snop  }
0x62: {  	[tilespmem:s26], [sflag:$0x1] =	stream.linear.gather [hbm4b:s20+s15], $0x2800, $0x38;
	[tilespmem:$0x1CD00] =	vst v63  }
0x63: {  	_ =	swait.ge [sflag:s28], $0x50  }
0x64: {  	[sflag:s28] =	ssyncset.done $0x0  }
0x65: {  	[sflag:s28] =	ssyncadd.s32 $0xFFFFFFB0  }
0x66: {  	_ =	swait.ge [sflag:s28], $0x2800  }
0x67: {  	[sflag:s28] =	ssyncset.done $0x0  }
0x68: {  	[sflag:s28] =	ssyncadd.s32 $0xFFFFD800  }
0x69: {  	[spmem:s1] =	stream.indirect.scatter.add.f32 [tilespmem:s26], [sflag:$0x3], $0x80, s2, s29, $0xb8;
	[tilespmem:$0x1CD00] =	vst v63  }
0x6a: {  	_ =	swait.ge [sflag:s9], $0x2800  }
0x6b: {  	[sflag:s9] =	ssyncset.done $0x0  }
0x6c: {  	s14 =	sadd.s32 $0x0, s23;
	[sflag:s9] =	ssyncadd.s32 $0xFFFFD800  }
0x6d: {  	[tilespmem:s30], [sflag:$0x2] =	stream.linear.gather [hbm4b:s14+s2], $0x50, $0x38;
	[tilespmem:$0x1CD00] =	vst v63  }
0x6e: {  	s15 =	sadd.s32 $0xFFFFFB00, s13  }
0x6f: {  	[tilespmem:s31], [sflag:$0x2] =	stream.linear.gather [hbm4b:s15+s2], $0x2800, $0x38;
	[tilespmem:$0x1CD00] =	vst v63  }
0x70: {  	_ =	swait.ge [sflag:s0], $0x50  }
0x71: {  	[sflag:s0] =	ssyncset.done $0x0  }
0x72: {  	[sflag:s0] =	ssyncadd.s32 $0xFFFFFFB0  }
0x73: {  	_ =	swait.ge [sflag:s0], $0x2800  }
0x74: {  	[sflag:s0] =	ssyncset.done $0x0  }
0x75: {  	[sflag:s0] =	ssyncadd.s32 $0xFFFFD800  }
0x76: {  	[spmem:s1] =	stream.indirect.scatter.add.f32 [tilespmem:s31], [sflag:$0x4], $0x80, s30, s29, $0xb8;
	[tilespmem:$0x1CD00] =	vst v63  }
0x77: {  	_ =	swait.ge [sflag:s3], $0x2800  }
0x78: {  	[sflag:s3] =	ssyncset.done $0x0  }
0x79: {  	s21 =	sadd.s32 $0x0, s22;
	[sflag:s3] =	ssyncadd.s32 $0xFFFFD800  }
0x7a: {  	[tilespmem:s2], [sflag:$0x1] =	stream.linear.gather [hbm4b:s21+s2], $0x50, $0x38;
	[tilespmem:$0x1CD00] =	vst v63  }
0x7b: {  	s11 =	simm.s32 $0x14;
	s12 =	sadd.s32 $0xA00, s13;
	s21 =	smov.u32 s13  }
.LBB2_4:
0x7c: {  	[tilespmem:s26], [sflag:$0x1] =	stream.linear.gather [hbm4b:s21+s2], $0x2800, $0x38;
	[tilespmem:$0x1CD00] =	vst v63  }
0x7d: {  	s14 =	smov.u32 s11;
	s21 =	smov.u32 s12  }
0x7e: {  	p0 =	sne.s32 s11, $0x4B0;
	s11 =	sadd.s32 $0x14, s11;
	_ =	swait.ge [sflag:s28], $0x50  }
0x7f: {  	[sflag:s28] =	ssyncset.done $0x0  }
0x80: {  	[sflag:s28] =	ssyncadd.s32 $0xFFFFFFB0  }
0x81: {  	_ =	swait.ge [sflag:s28], $0x2800  }
0x82: {  	[sflag:s28] =	ssyncset.done $0x0  }
0x83: {  	[sflag:s28] =	ssyncadd.s32 $0xFFFFD800  }
0x84: {  	[spmem:s1] =	stream.indirect.scatter.add.f32 [tilespmem:s26], [sflag:$0x3], $0x80, s2, s29, $0xb8;
	[tilespmem:$0x1CD00] =	vst v63  }
0x85: {  	_ =	swait.ge [sflag:s9], $0x2800  }
0x86: {  	[sflag:s9] =	ssyncset.done $0x0  }
0x87: {  	s15 =	sadd.s32 s14, s23;
	[sflag:s9] =	ssyncadd.s32 $0xFFFFD800  }
0x88: {  	[tilespmem:s30], [sflag:$0x2] =	stream.linear.gather [hbm4b:s15+s2], $0x50, $0x38;
	[tilespmem:$0x1CD00] =	vst v63  }
0x89: {  	s15 =	sadd.s32 $0xFFFFFB00, s12  }
0x8a: {  	[tilespmem:s31], [sflag:$0x2] =	stream.linear.gather [hbm4b:s15+s2], $0x2800, $0x38;
	[tilespmem:$0x1CD00] =	vst v63  }
0x8b: {  	_ =	swait.ge [sflag:s0], $0x50  }
0x8c: {  	[sflag:s0] =	ssyncset.done $0x0  }
0x8d: {  	[sflag:s0] =	ssyncadd.s32 $0xFFFFFFB0  }
0x8e: {  	_ =	swait.ge [sflag:s0], $0x2800  }
0x8f: {  	[sflag:s0] =	ssyncset.done $0x0  }
0x90: {  	[sflag:s0] =	ssyncadd.s32 $0xFFFFD800  }
0x91: {  	[spmem:s1] =	stream.indirect.scatter.add.f32 [tilespmem:s31], [sflag:$0x4], $0x80, s30, s29, $0xb8;
	[tilespmem:$0x1CD00] =	vst v63  }
.Ltmp1:
0x92: {  	_ =	swait.ge [sflag:s3], $0x2800;
	(pc) =	sbr.rel @p0 .LBB2_4-.Ltmp1, $4  }
0x93: {  	[sflag:s3] =	ssyncset.done $0x0  }
0x94: {  	s14 =	sadd.s32 s14, s22;
	[sflag:s3] =	ssyncadd.s32 $0xFFFFD800  }
0x95: {  	[tilespmem:s2], [sflag:$0x1] =	stream.linear.gather [hbm4b:s14+s2], $0x50, $0x38;
	[tilespmem:$0x1CD00] =	vst v63  }
0x96: {  	s12 =	sadd.s32 $0xA00, s12  }
0x97: {  	[tilespmem:s26], [sflag:$0x1] =	stream.linear.gather [hbm4b:s21+s2], $0x2800, $0x38;
	[tilespmem:$0x1CD00] =	vst v63  }
0x98: {  	_ =	swait.ge [sflag:s28], $0x50  }
0x99: {  	[sflag:s28] =	ssyncset.done $0x0  }
0x9a: {  	[sflag:s28] =	ssyncadd.s32 $0xFFFFFFB0  }
0x9b: {  	_ =	swait.ge [sflag:s28], $0x2800  }
0x9c: {  	[sflag:s28] =	ssyncset.done $0x0  }
0x9d: {  	[sflag:s28] =	ssyncadd.s32 $0xFFFFD800  }
0x9e: {  	[spmem:s1] =	stream.indirect.scatter.add.f32 [tilespmem:s26], [sflag:$0x3], $0x80, s2, s29, $0xb8;
	[tilespmem:$0x1CD00] =	vst v63  }
0x9f: {  	_ =	swait.ge [sflag:s9], $0x2800  }
0xa0: {  	[sflag:s9] =	ssyncset.done $0x0  }
0xa1: {  	[sflag:s9] =	ssyncadd.s32 $0xFFFFD800  }
0xa2: {  	_ =	swait.ge [sflag:s3], $0x2800  }
0xa3: {  	[sflag:s3] =	ssyncset.done $0x0  }
0xa4: {  	[sflag:s3] =	ssyncadd.s32 $0xFFFFD800  }
0xa5: {  	[bflag:$0x0] =	sbarrier.arrive $0xFFFF  }
0xa6: {  	[tilespmem:s24], [sflag:$0x5] =	stream.linear.gather [spmem:s4], $0x4000, $0x38;
	[tilespmem:$0x1CD00] =	vst v63  }
0xa7: {  	_ =	swait.ge [sflag:s25], $0x4000  }
0xa8: {  	[sflag:s25] =	ssyncset.done $0x0  }
0xa9: {  	s11 =	rddreg [dreg:$0x5];
	[sflag:s25] =	ssyncadd.s32 $0xFFFFC000  }
0xaa: {  	[hbm4b:s11+s2] =	stream.linear.scatter [tilespmem:s24], [sflag:$0x5], $0x4000, $0x38;
	[tilespmem:$0x1CD00] =	vst v63  }
0xab: {  	_ =	swait.ge [sflag:s25], $0x4000  }
0xac: {  	[sflag:s25] =	ssyncset.done $0x0  }
0xad: {  	[sflag:s25] =	ssyncadd.s32 $0xFFFFC000  }
0xae: {  	[tilespmem:s24], [sflag:$0x5] =	stream.linear.gather [spmem:s5], $0x4000, $0x38;
	[tilespmem:$0x1CD00] =	vst v63  }
0xaf: {  	_ =	swait.ge [sflag:s25], $0x4000  }
0xb0: {  	[sflag:s25] =	ssyncset.done $0x0  }
0xb1: {  	s12 =	rddreg [dreg:$0x6];
	[sflag:s25] =	ssyncadd.s32 $0xFFFFC000  }
0xb2: {  	[hbm4b:s12+s2] =	stream.linear.scatter [tilespmem:s24], [sflag:$0x5], $0x4000, $0x38;
	[tilespmem:$0x1CD00] =	vst v63  }
0xb3: {  	_ =	swait.ge [sflag:s25], $0x4000  }
0xb4: {  	[sflag:s25] =	ssyncset.done $0x0  }
0xb5: {  	[sflag:s25] =	ssyncadd.s32 $0xFFFFC000  }
0xb6: {  	[tilespmem:s24], [sflag:$0x5] =	stream.linear.gather [spmem:s6], $0x4000, $0x38;
	[tilespmem:$0x1CD00] =	vst v63  }
0xb7: {  	_ =	swait.ge [sflag:s25], $0x4000  }
0xb8: {  	[sflag:s25] =	ssyncset.done $0x0  }
0xb9: {  	s14 =	rddreg [dreg:$0x7];
	[sflag:s25] =	ssyncadd.s32 $0xFFFFC000  }
0xba: {  	[hbm4b:s14+s2] =	stream.linear.scatter [tilespmem:s24], [sflag:$0x5], $0x4000, $0x38;
	[tilespmem:$0x1CD00] =	vst v63  }
0xbb: {  	_ =	swait.ge [sflag:s25], $0x4000  }
0xbc: {  	[sflag:s25] =	ssyncset.done $0x0  }
0xbd: {  	[sflag:s25] =	ssyncadd.s32 $0xFFFFC000  }
0xbe: {  	[tilespmem:s24], [sflag:$0x5] =	stream.linear.gather [spmem:s7], $0x4000, $0x38;
	[tilespmem:$0x1CD00] =	vst v63  }
0xbf: {  	_ =	swait.ge [sflag:s25], $0x4000  }
0xc0: {  	[sflag:s25] =	ssyncset.done $0x0  }
0xc1: {  	s15 =	rddreg [dreg:$0x8];
	[sflag:s25] =	ssyncadd.s32 $0xFFFFC000  }
0xc2: {  	[hbm4b:s15+s2] =	stream.linear.scatter [tilespmem:s24], [sflag:$0x5], $0x4000, $0x38;
	[tilespmem:$0x1CD00] =	vst v63  }
0xc3: {  	_ =	swait.ge [sflag:s25], $0x4000  }
0xc4: {  	[sflag:s25] =	ssyncset.done $0x0  }
0xc5: {  	[sflag:s25] =	ssyncadd.s32 $0xFFFFC000  }
0xc6: {  	[tilespmem:s24], [sflag:$0x5] =	stream.linear.gather [spmem:s8], $0x3C00, $0x38;
	[tilespmem:$0x1CD00] =	vst v63  }
0xc7: {  	s10 =	sadd.s32 $0x1, s10;
	_ =	swait.ge [sflag:s25], $0x3C00  }
0xc8: {  	p0 =	sne.s32 s10, s16;
	[sflag:s25] =	ssyncset.done $0x0  }
.Ltmp2:
0xc9: {  	s21 =	rddreg [dreg:$0x9];
	[sflag:s25] =	ssyncadd.s32 $0xFFFFC400;
	(pc) =	sbr.rel @p0 .LBB2_1-.Ltmp2, $4  }
0xca: {  	[hbm4b:s21+s2] =	stream.linear.scatter [tilespmem:s24], [sflag:$0x5], $0x3C00, $0x38;
	[tilespmem:$0x1CD00] =	vst v63  }
0xcb: {  	_ =	swait.ge [sflag:s25], $0x3C00  }
0xcc: {  	[sflag:s25] =	ssyncset.done $0x0  }
0xcd: {  	[sflag:s25] =	ssyncadd.s32 $0xFFFFC400  }
0xce: {  	_ =	sfence.sel $0x180000  }
0xcf: {  	[bflag:$0x0] =	sbarrier.arrive $0xFFFF  }
0xd0: {  	_ =	strace $0x90000050  }
0xd1: {  	s0 =	stileid.u32;
	[bflag:$0x2] =	sbarrier.arrive $0xFFFF  }
0xd2: {  	p0 =	sne.s32 s0, $0x0;
	s0 =	rddreg [dreg:$0x2]  }
0xd3: {  	s0 =	sadd.s32 @!p0 $0x100000, s0  }
0xd4: {  	[sflag:s0] =	ssyncadd.tile.s32 @!p0 $0x1;
	_ =	shalt  }
.Lfunc_end2:
_tile_overlayer_lowered:
.L_overlay_start_2:
0xd5: {  	(tag) =	ssettag $0x2  }
0xd6: {  	s0 =	rddreg [dreg:$0x0];
	s2 =	stileid.u32  }
0xd7: {  	s1 =	rddreg [dreg:$0x1];
	p0 =	sne.s32 s2, $0x0  }
0xd8: {  	s3 =	rddreg [dreg:$0x2];
	[bflag:$0x3] =	sbarrier.arrive $0xFFFF;
	s2 =	simm.s32 @!p0 $0x1C05  }
0xd9: {  	[timem:s3], [sflag:s2] =	dma.local @!p0 [hbm:s0], s1  }
0xda: {  	s0 =	simm.s32 @!p0 $0x5  }
0xdb: {  	_ =	swait.ge @!p0 [sflag:s0], s1  }
0xdc: {  	s1 =	ssub.s32 @!p0 $0x0, s1;
	[sflag:s0] =	ssyncset.done @!p0 $0x0  }
0xdd: {  	[sflag:s0] =	ssyncadd.s32 @!p0 s1  }
0xde: {  	[bflag:$0x3] =	sbarrier.arrive $0xFFFF  }
0xdf: {  	_ =	shalt  }

// kernel: kernel.36.cloned.1.call-start
scs
__scs_entry_jumppad:
0x0: {  	(pc) =	sbr.rel $0x88, $3  }
0x1: {  	(tag) =	ssettag $0x0;
	lr =	simm.s32 $0x1  }
0x2: {  	[smem:$0x3F7E] =	sst lr;
	_ =	strace $0xD0000000  }
0x3: {  	_ = 	snop  }
0x4: {  	_ = 	snop  }
0x5: {  	_ = 	snop  }
0x6: {  	_ = 	snop  }
0x7: {  	_ = 	snop  }
__scs_overlays_trampoline_lowered:
0x8: {  	[smem:$0x3F8D] =	sst s0  }
0x9: {  	[smem:$0x3F8E] =	sst s1  }
0xa: {  	[smem:$0x3F8F] =	sst s2  }
0xb: {  	[smem:$0x3F90] =	sst s3  }
0xc: {  	[smem:$0x3F91] =	sst s4  }
0xd: {  	[smem:$0x3F92] =	sst s5  }
0xe: {  	[smem:$0x3F93] =	sst s6  }
0xf: {  	[smem:$0x3F94] =	sst s7  }
0x10: {  	[smem:$0x3F95] =	sst s8  }
0x11: {  	[smem:$0x3F96] =	sst s9;
	s0 =	simm.s32 @!p0 $0x0  }
0x12: {  	s1 =	sld [smem:$0x3F7C];
	s0 =	simm.s32 @p0 $0x1  }
0x13: {  	[smem:$0x3F97] =	sst s0;
	s0 =	simm.s32 @!p1 $0x0  }
0x14: {  	s2 =	sld [smem:$0x3F7B];
	s0 =	simm.s32 @p1 $0x1  }
0x15: {  	[smem:$0x3F98] =	sst s0;
	s0 =	simm.s32 @!p2 $0x0  }
0x16: {  	s3 =	sld [smem:$0x3FDB];
	s0 =	simm.s32 @p2 $0x1  }
0x17: {  	s4 =	simm.s32 $0x1BF5;
	[smem:$0x3F9A] =	sst s0  }
0x18: {  	s0 =	sld [smem:$0x3F7D];
	_ =	swait.ge [sflag:s4], $0x0  }
0x19: {  	s7 =	sld [smem:$0x3F7E]  }
0x1a: {  	s8 =	sadd.s32 $0xFFFFE003, lr  }
0x1b: {  	s9 =	sadd.s32 $0xFFFFFEF7, lr;
	s5 =	simm.s32 $0xFFFFFFFF;
	p2 =	slt.u32 s8, $0xFFFFF086  }
0x1c: {  	p1 =	slt.u32 s9, $0xF7A;
	s5 =	simm.s32 @!p2 $0x0  }
0x1d: {  	s5 =	simm.s32 @p1 $0x1;
	p0 =	seq.s32 s7, s2  }
0x1e: {  	s7 =	smul.u32 @!p0 $0xF7A, s2;
	p2 =	seq.s32 @!p0 s5, $0x0  }
0x1f: {  	s9 =	smul.u32 $0xF7A, s1;
	s8 =	simm.s32 @!p0 $0x1BF5;
	p2 =	por !p2, p0  }
0x20: {  	[sflag:s8] =	ssyncset.s32 @!p0 $0xFFFFF086;
	s6 =	sadd.s32 @!p0 s3, s7;
	s7 =	simm.s32 @!p0 $0x108  }
0x21: {  	s3 =	sadd.s32 s3, s9;
	s6 =	sadd.s32 @!p0 $0x88, s6;
	s7 =	simm.s32 @p2 $0x1082  }
0x22: {  	[simem:s7], [sflag:s8] =	dma.local @!p0 [hbm:s6], $0xF7A  }
0x23: {  	s9 =	sor.u32 $0xD0000000, s2;
	s6 =	simm.s32 $0x108;
	_ =	swait.ge @!p0 [sflag:s8], $0x0  }
0x24: {  	s3 =	sadd.s32 $0x88, s3;
	s6 =	simm.s32 @!p1 $0x1082;
	[sflag:s4] =	ssyncset.s32 $0xFFFFF086  }
0x25: {  	[simem:s6], [sflag:s4] =	dma.local [hbm:s3], $0xF7A  }
0x26: {  	[smem:$0x3F7E] =	sst s1;
	(tag) =	ssettag s2;
	_ =	strace s9  }
0x27: {  	s1 =	sld [smem:$0x3F8E]  }
0x28: {  	s2 =	sld [smem:$0x3F8F]  }
0x29: {  	s4 =	sld [smem:$0x3F91]  }
0x2a: {  	p0 =	seq.s32 s5, $0x0;
	s5 =	sld [smem:$0x3F92]  }
0x2b: {  	s6 =	sld [smem:$0x3F93]  }
0x2c: {  	s7 =	sld [smem:$0x3F94]  }
0x2d: {  	s3 =	simm.s32 $0x108;
	s8 =	sld [smem:$0x3F95]  }
0x2e: {  	s3 =	simm.s32 @!p0 $0x1082;
	s9 =	sld [smem:$0x3F96]  }
0x2f: {  	lr =	sadd.s32 s0, s3;
	s0 =	sld [smem:$0x3F8D]  }
0x30: {  	s3 =	sld [smem:$0x3F90]  }
0x31: {  	[smem:$0x3F99] =	sst s10  }
0x32: {  	s10 =	sld [smem:$0x3F97];
	_ =	sdelay $0x3  }
0x33: {  	p0 =	seq.s32 s10, $0x1;
	s10 =	sld [smem:$0x3F99];
	_ =	sdelay $0x3  }
0x34: {  	[smem:$0x3F99] =	sst s10  }
0x35: {  	s10 =	sld [smem:$0x3F98];
	_ =	sdelay $0x3  }
0x36: {  	p1 =	seq.s32 s10, $0x1;
	s10 =	sld [smem:$0x3F99];
	_ =	sdelay $0x3  }
0x37: {  	[smem:$0x3F99] =	sst s10  }
0x38: {  	s10 =	sld [smem:$0x3F9A]  }
0x39: {  	_ = 	snop;
	(pc) =	sbr.ind lr, $3  }
0x3a: {  	_ = 	snop  }
0x3b: {  	_ = 	snop  }
0x3c: {  	p2 =	seq.s32 s10, $0x1;
	s10 =	sld [smem:$0x3F99]  }
0x3d: {  	_ =	shalt  }
0x3e: {  	_ =	shalt  }
0x3f: {  	_ =	shalt  }
0x40: {  	_ =	shalt  }
0x41: {  	_ =	shalt  }
0x42: {  	_ =	shalt  }
0x43: {  	_ =	shalt  }
0x44: {  	_ =	shalt  }
0x45: {  	_ =	shalt  }
0x46: {  	_ =	shalt  }
0x47: {  	_ =	shalt  }
0x48: {  	_ =	shalt  }
0x49: {  	_ =	shalt  }
0x4a: {  	_ =	shalt  }
0x4b: {  	_ =	shalt  }
0x4c: {  	_ =	shalt  }
0x4d: {  	_ =	shalt  }
0x4e: {  	_ =	shalt  }
0x4f: {  	_ =	shalt  }
0x50: {  	_ =	shalt  }
0x51: {  	_ =	shalt  }
0x52: {  	_ =	shalt  }
0x53: {  	_ =	shalt  }
0x54: {  	_ =	shalt  }
0x55: {  	_ =	shalt  }
0x56: {  	_ =	shalt  }
0x57: {  	_ =	shalt  }
0x58: {  	_ =	shalt  }
0x59: {  	_ =	shalt  }
0x5a: {  	_ =	shalt  }
0x5b: {  	_ =	shalt  }
0x5c: {  	_ =	shalt  }
0x5d: {  	_ =	shalt  }
0x5e: {  	_ =	shalt  }
0x5f: {  	_ =	shalt  }
0x60: {  	_ =	shalt  }
0x61: {  	_ =	shalt  }
0x62: {  	_ =	shalt  }
0x63: {  	_ =	shalt  }
0x64: {  	_ =	shalt  }
0x65: {  	_ =	shalt  }
0x66: {  	_ =	shalt  }
0x67: {  	_ =	shalt  }
0x68: {  	_ =	shalt  }
0x69: {  	_ =	shalt  }
0x6a: {  	_ =	shalt  }
0x6b: {  	_ =	shalt  }
0x6c: {  	_ =	shalt  }
0x6d: {  	_ =	shalt  }
0x6e: {  	_ =	shalt  }
0x6f: {  	_ =	shalt  }
0x70: {  	_ =	shalt  }
0x71: {  	_ =	shalt  }
0x72: {  	_ =	shalt  }
0x73: {  	_ =	shalt  }
0x74: {  	_ =	shalt  }
0x75: {  	_ =	shalt  }
0x76: {  	_ =	shalt  }
0x77: {  	_ =	shalt  }
0x78: {  	_ =	shalt  }
0x79: {  	_ =	shalt  }
0x7a: {  	_ =	shalt  }
0x7b: {  	_ =	shalt  }
0x7c: {  	_ =	shalt  }
0x7d: {  	_ =	shalt  }
0x7e: {  	_ =	shalt  }
0x7f: {  	_ =	shalt  }
0x80: {  	_ =	shalt  }
0x81: {  	_ =	shalt  }
0x82: {  	_ =	shalt  }
0x83: {  	_ =	shalt  }
0x84: {  	_ =	shalt  }
0x85: {  	_ =	shalt  }
0x86: {  	_ =	shalt  }
0x87: {  	_ =	shalt  }
.Lfunc_end0:
.L_simem_size_0:
called_computation.4_lowered:
.L_overlay_start_0:
0x88: {  	s2 =	sld [smem:$0x3FD9]  }
0x89: {  	s3 =	sld [smem:$0x3FFE];
	_ =	sdelay $0x1  }
0x8a: {  	s1 =	srdreg.scid  }
0x8b: {  	s0 =	sand.u32 $0x1, s1  }
0x8c: {  	s14 =	sshll.u32 s0, $0xA;
	s2 =	sadd.s32 s3, s2  }
0x8d: {  	s2 =	sadd.s32 s2, s14  }
0x8e: {  	[smem:$0x3FA5] =	sst s2  }
0x8f: {  	_ = 	snop  }
0x90: {  	s2 =	sld [smem:$0x3FD0];
	_ =	sdelay $0x2  }
0x91: {  	s15 =	simm.s32 $0xA;
	s4 =	simm.s32 $0x10  }
0x92: {  	[smem:s4], [sflag:s15] =	dma.local [hbm:s2], $0x1  }
0x93: {  	_ =	swait.eq [sflag:s15], $0x1  }
0x94: {  	[sflag:s15] =	ssyncset.done $0x0  }
0x95: {  	[sflag:s15] =	ssyncadd.s32 $0xFFFFFFFF  }
0x96: {  	s16 =	sld [smem:$0x11];
	(tm) =	ssettm $0x1  }
0x97: {  	s17 =	sld [smem:$0x3FFB];
	_ =	sdelay $0x3  }
0x98: {  	_ =	strace s17  }
0x99: {  	s3 =	sld [smem:$0x3FFC];
	_ =	sdelay $0x3  }
0x9a: {  	_ =	strace s3  }
0x9b: {  	s3 =	sld [smem:$0x3FFD];
	_ =	sdelay $0x3  }
0x9c: {  	_ =	strace s3  }
0x9d: {  	_ =	strace $0x8FFFFFFF  }
0x9e: {  	s18 =	sld [smem:$0x3FDB];
	_ =	sdelay $0x1  }
0x9f: {  	s19 =	simm.s32 $_scs_section_size  }
0xa0: {  	s5 =	simm.s32 $_size__tile_overlayer_lowered;
	s6 =	simm.s32 $_tile_overlayer_lowered  }
0xa1: {  	s22 =	simm.s32 $0x1BFF;
	s21 =	sshll.u32 s6, $0x1;
	s3 =	sadd.s32 s19, s18  }
0xa2: {  	s7 =	simm.s32 $0x0;
	s20 =	sshll.u32 s5, $0x1;
	s5 =	sadd.s32 s21, s3  }
0xa3: {  	[timem:s7], [sflag:s22] =	dma.local [hbm:s5], s20  }
0xa4: {  	_ =	swait.ge [sflag:s22], s20  }
0xa5: {  	s4 =	ssub.s32 $0x0, s20;
	[sflag:s22] =	ssyncset.done $0x0  }
0xa6: {  	[sflag:s22] =	ssyncadd.s32 s4;
	_ =	sdelay $0x1  }
0xa7: {  	s23 =	simm.s32 $0x1B8B  }
0xa8: {  	_ =	swait.ge [sflag:s23], $0x1  }
0xa9: {  	[sflag:s23] =	ssyncset.done $0x0  }
0xaa: {  	s25 =	simm.s32 $0x1B8E;
	s24 =	sld [smem:$0x3FFE];
	[sflag:s23] =	ssyncadd.s32 $0xFFFFFFFF  }
0xab: {  	s26 =	simm.s32 $execute0_lowered;
	[smem:$0x3FD2] =	sst s25  }
0xac: {  	s5 =	sshll.u32 s26, $0x1;
	_ =	strace $0x80000052;
	[dreg:$0x1] =	wrdreg $0xFFFFFFFF  }
0xad: {  	s28 =	simm.s32 $_size_execute0_lowered;
	s3 =	sadd.s32 s3, s5;
	[dreg:$0x0] =	wrdreg $0x0  }
0xae: {  	s5 =	sshll.u32 s28, $0x1;
	[dreg:$0x2] =	wrdreg s3  }
0xaf: {  	[dreg:$0x3] =	wrdreg s5  }
0xb0: {  	[dreg:$0x4] =	wrdreg $0xC0  }
0xb1: {  	_ =	task [dreg:s7], $0x5FFFF  }
0xb2: {  	[dreg:$0x1] =	wrdreg $0xFFFFFFFF  }
0xb3: {  	[dreg:$0x0] =	wrdreg $0x60  }
0xb4: {  	[dreg:$0x2] =	wrdreg s16  }
0xb5: {  	[dreg:$0x3] =	wrdreg s24  }
0xb6: {  	[dreg:$0x4] =	wrdreg $0x9  }
0xb7: {  	_ =	task.clear_ibuf [dreg:s7], $0x5FFFF;
	_ =	strace $0x90000052  }
0xb8: {  	s29 =	simm.s32 $0x9;
	_ =	strace $0x80000054  }
0xb9: {  	_ =	swait.ge [sflag:s29], $0x1  }
0xba: {  	[sflag:s29] =	ssyncadd.s32 $0xFFFFFFFF  }
0xbb: {  	_ =	strace $0x90000054  }
0xbc: {  	_ =	sfence  }
0xbd: {  	s30 =	sld [smem:$0x0];
	_ =	sdelay $0x2  }
0xbe: {  	s31 =	sshll.u32 s1, $0xD;
	s1 =	sshrl.u32 s1, $0x2  }
0xbf: {  	s3 =	sand.u32 $0x4000, s31;
	s1 =	sadd.s32 s1, s30  }
0xc0: {  	s0 =	sor.u32 s3, s0;
	s1 =	sshll.u32 s1, $0x11  }
0xc1: {  	s0 =	sor.u32 s1, s0  }
0xc2: {  	s0 =	sadd.s32 $0x8F2B, s0  }
0xc3: {  	[sflag:s0] =	ssyncadd.remote.s32 $0x1  }
0xc4: {  	_ =	sfence.sel $0xFFFF  }
0xc5: {  	[dreg:$0x0] =	wrdreg $0xFFFFFFFF;
	(pc) =	sbr.abs _section_cstart, $3  }
0xc6: {  	[dreg:$0x1] =	wrdreg $0xFFFFFFFF  }
0xc7: {  	_ =	task.clear_ibuf [dreg:s7], $0x2FFFF;
	_ =	strace $0x9FFFFFFF  }
0xc8: {  	(tm) =	ssettm $0x7FFFFFFF  }
0xc9: {  	_ =	shalt  }
tec
execute0_lowered:
.L_overlay_start_1:
0x0: {  	(tag) =	ssettag $0x1  }
0x1: {  	s1 =	rddreg [dreg:$0x0]  }
0x2: {  	s0 =	rddreg [dreg:$0x1];
	s3 =	simm.s32 $0x0;
	s2 =	srdreg.scid  }
0x3: {  	s14 =	stileid.u32;
	s28 =	simm.s32 $0x5200;
	s29 =	simm.s32 $0x7A00  }
0x4: {  	s30 =	simm.s32 $0x3;
	s31 =	simm.s32 $0x5;
	[smem:$0x7FF] =	sst s3  }
0x5: {  	s4 =	sadd.s32 $0x24800, s0;
	s2 =	sand.u32 $0x1, s2;
	s16 =	smul.u32 $0x4E20, s14  }
0x6: {  	s7 =	sshll.u32 s14, $0x1;
	s5 =	sadd.s32 $0x18200, s0;
	s23 =	smul.u32 $0x4E200, s14  }
0x7: {  	s6 =	sadd.s32 $0xE400, s0;
	s7 =	sor.u32 s2, s7;
	s13 =	smul.u32 $0x2710, s2  }
0x8: {  	s8 =	sadd.s32 $0x4BE00, s0;
	s9 =	ssub.s32 $0x2, s2;
	s10 =	smul.u32 $0x2710, s7  }
0x9: {  	s0 =	sadd.s32 $0x52DE00, s0;
	s11 =	sshrl.u32 s9, $0x1;
	s7 =	smul.u32 $0x138800, s7  }
0xa: {  	_ =	strace $0x80000053;
	s2 =	smul.u32 $0x27100, s2;
	s9 =	ssub.s32 s9, s11  }
0xb: {  	s20 =	sadd.s32 s13, s16;
	s10 =	sshrl.u32 s10, $0x3;
	s7 =	sshrl.u32 s7, $0x3  }
0xc: {  	s22 =	sadd.s32 $0xF0, s20;
	s9 =	smax.u32 s9, $0x1;
	s26 =	sadd.s32 $0xA0, s20  }
0xd: {  	s20 =	simm.s32 $0x1;
	s12 =	sadd.s32 s5, s10;
	[dreg:$0x9] =	wrdreg s9  }
0xe: {  	s17 =	sadd.s32 $0xA, s10;
	s10 =	sadd.s32 s6, s10;
	[dreg:$0xc] =	wrdreg s26  }
0xf: {  	s7 =	sadd.s32 $0x26C00, s7;
	s24 =	sshrl.u32 s22, $0x3;
	[dreg:$0x3] =	wrdreg s12  }
0x10: {  	s22 =	simm.s32 $0x200;
	[dreg:$0x4] =	wrdreg s10;
	s18 =	sadd.s32 s5, s17  }
0x11: {  	s26 =	simm.s32 $0x2;
	s19 =	sadd.s32 s6, s17;
	[dreg:$0x5] =	wrdreg s18  }
0x12: {  	s21 =	sadd.s32 s8, s7;
	s7 =	sadd.s32 s0, s7;
	[dreg:$0x6] =	wrdreg s19  }
0x13: {  	s25 =	sadd.s32 s24, s6;
	s8 =	sadd.s32 s23, s8;
	[dreg:$0x7] =	wrdreg s21  }
0x14: {  	s0 =	sadd.s32 s23, s0;
	s23 =	simm.s32 $0x2A00;
	[dreg:$0x8] =	wrdreg s7  }
.Ltmp0:
0x15: {  	s10 =	simm.s32 $0x0;
	[dreg:$0xa] =	wrdreg s25;
	(pc) =	sbr.rel .LBB2_1-.Ltmp0, $4  }
0x16: {  	s7 =	sadd.s32 s24, s5;
	s16 =	sadd.s32 s2, s8;
	s17 =	sadd.s32 s2, s0  }
0x17: {  	s19 =	simm.s32 $0x80;
	s21 =	simm.s32 $0x50;
	s24 =	simm.s32 $0x100  }
0x18: {  	s25 =	simm.s32 $0x180;
	s0 =	simm.s32 $0x7;
	s2 =	simm.s32 $0x9  }
0x19: {  	s8 =	simm.s32 $0x6;
	[dreg:$0xb] =	wrdreg s7;
	s7 =	simm.s32 $0x4  }
.LBB2_4:
0x1a: {  	_ =	swait.ge [sflag:s30], $0x2800  }
0x1b: {  	[sflag:s30] =	ssyncset.done $0x0  }
0x1c: {  	[sflag:s30] =	ssyncadd.s32 $0xFFFFD800  }
0x1d: {  	_ =	swait.ge [sflag:s31], $0x2800  }
0x1e: {  	[sflag:s31] =	ssyncset.done $0x0  }
0x1f: {  	s9 =	rddreg [dreg:$0x7];
	[sflag:s31] =	ssyncadd.s32 $0xFFFFD800  }
0x20: {  	[hbm4b:s9+s3] =	stream.linear.scatter [tilespmem:s22], [sflag:$0x7], $0x2800, $0x38;
	[tilespmem:$0xA200] =	vst v63  }
0x21: {  	s14 =	simm.s32 $0x8;
	s13 =	rddreg [dreg:$0x8]  }
0x22: {  	[hbm4b:s13+s3] =	stream.linear.scatter [tilespmem:s23], [sflag:$0x9], $0x2800, $0x38;
	[tilespmem:$0xA200] =	vst v63  }
0x23: {  	_ =	swait.ge [sflag:s14], $0x2800  }
0x24: {  	[sflag:s14] =	ssyncset.done $0x0  }
0x25: {  	s15 =	simm.s32 $0xA;
	[sflag:s14] =	ssyncadd.s32 $0xFFFFD800  }
0x26: {  	_ =	swait.ge [sflag:s15], $0x2800  }
0x27: {  	[sflag:s15] =	ssyncset.done $0x0  }
0x28: {  	[sflag:s15] =	ssyncadd.s32 $0xFFFFD800  }
0x29: {  	_ =	swait.ge [sflag:s0], $0x2800  }
0x2a: {  	[sflag:s0] =	ssyncset.done $0x0  }
0x2b: {  	[sflag:s0] =	ssyncadd.s32 $0xFFFFD800  }
0x2c: {  	_ =	swait.ge [sflag:s2], $0x2800  }
0x2d: {  	s10 =	rddreg [dreg:$0xd]  }
0x2e: {  	s18 =	rddreg [dreg:$0x9];
	s10 =	sadd.s32 $0x1, s10  }
0x2f: {  	p0 =	sne.s32 s10, s18  }
.Ltmp1:
0x30: {  	_ = 	snop;
	(pc) =	sbr.rel @!p0 .LBB2_5-.Ltmp1, $3  }
0x31: {  	_ =	sdelay $0x1  }
0x32: {  	[sflag:s2] =	ssyncset.done $0x0  }
0x33: {  	[sflag:s2] =	ssyncadd.s32 $0xFFFFD800  }
.LBB2_1:
0x34: {  	[dreg:$0xd] =	wrdreg s10  }
0x35: {  	s9 =	rddreg [dreg:$0x3]  }
0x36: {  	[tilespmem:s3], [sflag:$0x1] =	stream.linear.gather [hbm4b:s9+s3], $0x50, $0x38;
	[tilespmem:$0xA200] =	vst v63  }
0x37: {  	s14 =	rddreg [dreg:$0x4]  }
0x38: {  	[tilespmem:s19], [sflag:$0x1] =	stream.linear.gather [hbm4b:s14+s3], $0x50, $0x38;
	[tilespmem:$0xA200] =	vst v63  }
0x39: {  	_ =	swait.ge [sflag:s20], $0x50  }
0x3a: {  	[sflag:s20] =	ssyncset.done $0x0  }
0x3b: {  	[sflag:s20] =	ssyncadd.s32 $0xFFFFFFB0  }
0x3c: {  	_ =	swait.ge [sflag:s20], $0x50  }
0x3d: {  	[sflag:s20] =	ssyncset.done $0x0  }
0x3e: {  	s15 =	rddreg [dreg:$0x5];
	[sflag:s20] =	ssyncadd.s32 $0xFFFFFFB0  }
0x3f: {  	[tilespmem:s22], [sflag:$0x3] =	stream.indirect.gather [hbm4b:s1+s21], $0x80, s3, s21, $0xb8;
	[tilespmem:$0xA200] =	vst v63  }
0x40: {  	s18 =	rddreg [dreg:$0x6]  }
0x41: {  	[tilespmem:s23], [sflag:$0x5] =	stream.indirect.gather [hbm4b:s4+s21], $0x80, s19, s21, $0xb8;
	[tilespmem:$0xA200] =	vst v63  }
0x42: {  	s14 =	rddreg [dreg:$0xa]  }
0x43: {  	[tilespmem:s24], [sflag:$0x2] =	stream.linear.gather [hbm4b:s15+s3], $0x50, $0x38;
	[tilespmem:$0xA200] =	vst v63  }
0x44: {  	s15 =	rddreg [dreg:$0xb]  }
0x45: {  	[tilespmem:s25], [sflag:$0x2] =	stream.linear.gather [hbm4b:s18+s3], $0x50, $0x38;
	[tilespmem:$0xA200] =	vst v63  }
0x46: {  	s13 =	simm.s32 $0x0;
	s18 =	rddreg [dreg:$0xc]  }
.LBB2_2:
0x47: {  	_ =	swait.ge [sflag:s26], $0x50  }
0x48: {  	[sflag:s26] =	ssyncset.done $0x0  }
0x49: {  	[sflag:s26] =	ssyncadd.s32 $0xFFFFFFB0  }
0x4a: {  	_ =	swait.ge [sflag:s26], $0x50  }
0x4b: {  	p0 =	seq.s32 s13, $0x0;
	[sflag:s26] =	ssyncset.done $0x0  }
0x4c: {  	s12 =	simm.s32 @!p0 $0x8;
	[sflag:s26] =	ssyncadd.s32 $0xFFFFFFB0  }
0x4d: {  	_ =	swait.ge @!p0 [sflag:s12], $0x2800  }
0x4e: {  	[sflag:s12] =	ssyncset.done @!p0 $0x0  }
0x4f: {  	[sflag:s12] =	ssyncadd.s32 @!p0 $0xFFFFD800;
	s12 =	simm.s32 @!p0 $0xA  }
0x50: {  	_ =	swait.ge @!p0 [sflag:s12], $0x2800  }
0x51: {  	[sflag:s12] =	ssyncset.done @!p0 $0x0  }
0x52: {  	[sflag:s12] =	ssyncadd.s32 @!p0 $0xFFFFD800  }
0x53: {  	[tilespmem:s28], [sflag:$0x4] =	stream.indirect.gather [hbm4b:s1+s21], $0x80, s24, s21, $0xb8;
	[tilespmem:$0xA200] =	vst v63  }
0x54: {  	_ = 	snop  }
0x55: {  	[tilespmem:s29], [sflag:$0x6] =	stream.indirect.gather [hbm4b:s4+s21], $0x80, s25, s21, $0xb8;
	[tilespmem:$0xA200] =	vst v63  }
0x56: {  	_ =	swait.ge [sflag:s30], $0x2800  }
0x57: {  	[sflag:s30] =	ssyncset.done $0x0  }
0x58: {  	[sflag:s30] =	ssyncadd.s32 $0xFFFFD800  }
0x59: {  	_ =	swait.ge [sflag:s31], $0x2800  }
0x5a: {  	[sflag:s31] =	ssyncset.done $0x0  }
0x5b: {  	s12 =	sadd.s32 s13, s16;
	[sflag:s31] =	ssyncadd.s32 $0xFFFFD800  }
0x5c: {  	[hbm4b:s12+s3] =	stream.linear.scatter [tilespmem:s22], [sflag:$0x7], $0x2800, $0x38;
	[tilespmem:$0xA200] =	vst v63  }
0x5d: {  	s9 =	sadd.s32 s13, s17;
	s10 =	sshrl.u32 s18, $0x3  }
0x5e: {  	[hbm4b:s9+s3] =	stream.linear.scatter [tilespmem:s23], [sflag:$0x9], $0x2800, $0x38;
	[tilespmem:$0xA200] =	vst v63  }
0x5f: {  	s11 =	sadd.s32 s5, s10  }
0x60: {  	[tilespmem:s3], [sflag:$0x1] =	stream.linear.gather [hbm4b:s11+s3], $0x50, $0x38;
	[tilespmem:$0xA200] =	vst v63  }
0x61: {  	s10 =	sadd.s32 s6, s10  }
0x62: {  	[tilespmem:s19], [sflag:$0x1] =	stream.linear.gather [hbm4b:s10+s3], $0x50, $0x38;
	[tilespmem:$0xA200] =	vst v63  }
0x63: {  	_ =	swait.ge [sflag:s20], $0x50  }
0x64: {  	[sflag:s20] =	ssyncset.done $0x0  }
0x65: {  	[sflag:s20] =	ssyncadd.s32 $0xFFFFFFB0  }
0x66: {  	_ =	swait.ge [sflag:s20], $0x50  }
0x67: {  	[sflag:s20] =	ssyncset.done $0x0  }
0x68: {  	[sflag:s20] =	ssyncadd.s32 $0xFFFFFFB0  }
0x69: {  	_ =	swait.ge [sflag:s0], $0x2800  }
0x6a: {  	[sflag:s0] =	ssyncset.done $0x0  }
0x6b: {  	[sflag:s0] =	ssyncadd.s32 $0xFFFFD800  }
0x6c: {  	_ =	swait.ge [sflag:s2], $0x2800  }
0x6d: {  	[sflag:s2] =	ssyncset.done $0x0  }
0x6e: {  	[sflag:s2] =	ssyncadd.s32 $0xFFFFD800  }
0x6f: {  	[tilespmem:s22], [sflag:$0x3] =	stream.indirect.gather [hbm4b:s1+s21], $0x80, s3, s21, $0xb8;
	[tilespmem:$0xA200] =	vst v63  }
0x70: {  	_ = 	snop  }
0x71: {  	[tilespmem:s23], [sflag:$0x5] =	stream.indirect.gather [hbm4b:s4+s21], $0x80, s19, s21, $0xb8;
	[tilespmem:$0xA200] =	vst v63  }
0x72: {  	_ =	swait.ge [sflag:s7], $0x2800  }
0x73: {  	[sflag:s7] =	ssyncset.done $0x0  }
0x74: {  	[sflag:s7] =	ssyncadd.s32 $0xFFFFD800  }
0x75: {  	p0 =	seq.s32 s13, $0x26200;
	_ =	swait.ge [sflag:s8], $0x2800  }
.Ltmp2:
0x76: {  	[sflag:s8] =	ssyncset.done $0x0;
	(pc) =	sbr.rel @p0 .LBB2_4-.Ltmp2, $4  }
0x77: {  	s12 =	sadd.s32 $0x500, s12;
	[sflag:s8] =	ssyncadd.s32 $0xFFFFD800  }
0x78: {  	[hbm4b:s12+s3] =	stream.linear.scatter [tilespmem:s28], [sflag:$0x8], $0x2800, $0x38;
	[tilespmem:$0xA200] =	vst v63  }
0x79: {  	s9 =	sadd.s32 $0x500, s9  }
0x7a: {  	[hbm4b:s9+s3] =	stream.linear.scatter [tilespmem:s29], [sflag:$0xA], $0x2800, $0x38;
	[tilespmem:$0xA200] =	vst v63  }
.Ltmp3:
0x7b: {  	(pc) =	sbr.rel .LBB2_2-.Ltmp3, $4  }
0x7c: {  	[tilespmem:s24], [sflag:$0x2] =	stream.linear.gather [hbm4b:s15+s3], $0x50, $0x38;
	[tilespmem:$0xA200] =	vst v63  }
0x7d: {  	s13 =	sadd.s32 $0xA00, s13  }
0x7e: {  	[tilespmem:s25], [sflag:$0x2] =	stream.linear.gather [hbm4b:s14+s3], $0x50, $0x38;
	[tilespmem:$0xA200] =	vst v63  }
0x7f: {  	s15 =	sadd.s32 $0x14, s15;
	s18 =	sadd.s32 $0xA0, s18;
	s14 =	sadd.s32 $0x14, s14  }
.LBB2_5:
0x80: {  	_ =	sfence.sel $0x180000  }
0x81: {  	[bflag:$0x0] =	sbarrier.arrive $0xFFFF  }
0x82: {  	_ =	strace $0x90000053  }
0x83: {  	s0 =	stileid.u32;
	[bflag:$0x2] =	sbarrier.arrive $0xFFFF  }
0x84: {  	p0 =	sne.s32 s0, $0x0;
	s0 =	rddreg [dreg:$0x2]  }
0x85: {  	s0 =	sadd.s32 @!p0 $0x100000, s0  }
0x86: {  	[sflag:s0] =	ssyncadd.tile.s32 @!p0 $0x1;
	_ =	shalt  }
.Lfunc_end2:
_tile_overlayer_lowered:
.L_overlay_start_2:
0x87: {  	(tag) =	ssettag $0x2  }
0x88: {  	s0 =	rddreg [dreg:$0x0];
	s2 =	stileid.u32  }
0x89: {  	s1 =	rddreg [dreg:$0x1];
	p0 =	sne.s32 s2, $0x0  }
0x8a: {  	s3 =	rddreg [dreg:$0x2];
	[bflag:$0x3] =	sbarrier.arrive $0xFFFF;
	s2 =	simm.s32 @!p0 $0x1C0B  }
0x8b: {  	[timem:s3], [sflag:s2] =	dma.local @!p0 [hbm:s0], s1  }
0x8c: {  	s0 =	simm.s32 @!p0 $0xB  }
0x8d: {  	_ =	swait.ge @!p0 [sflag:s0], s1  }
0x8e: {  	s1 =	ssub.s32 @!p0 $0x0, s1;
	[sflag:s0] =	ssyncset.done @!p0 $0x0  }
0x8f: {  	[sflag:s0] =	ssyncadd.s32 @!p0 s1  }
0x90: {  	[bflag:$0x3] =	sbarrier.arrive $0xFFFF  }
0x91: {  	_ =	shalt  }

// kernel: kernel.39.cloned.1.call-start
scs
__scs_entry_jumppad:
0x0: {  	(pc) =	sbr.rel $0x88, $3  }
0x1: {  	(tag) =	ssettag $0x0;
	lr =	simm.s32 $0x1  }
0x2: {  	[smem:$0x3F7E] =	sst lr;
	_ =	strace $0xD0000000  }
0x3: {  	_ = 	snop  }
0x4: {  	_ = 	snop  }
0x5: {  	_ = 	snop  }
0x6: {  	_ = 	snop  }
0x7: {  	_ = 	snop  }
__scs_overlays_trampoline_lowered:
0x8: {  	[smem:$0x3F8D] =	sst s0  }
0x9: {  	[smem:$0x3F8E] =	sst s1  }
0xa: {  	[smem:$0x3F8F] =	sst s2  }
0xb: {  	[smem:$0x3F90] =	sst s3  }
0xc: {  	[smem:$0x3F91] =	sst s4  }
0xd: {  	[smem:$0x3F92] =	sst s5  }
0xe: {  	[smem:$0x3F93] =	sst s6  }
0xf: {  	[smem:$0x3F94] =	sst s7  }
0x10: {  	[smem:$0x3F95] =	sst s8  }
0x11: {  	[smem:$0x3F96] =	sst s9;
	s0 =	simm.s32 @!p0 $0x0  }
0x12: {  	s1 =	sld [smem:$0x3F7C];
	s0 =	simm.s32 @p0 $0x1  }
0x13: {  	[smem:$0x3F97] =	sst s0;
	s0 =	simm.s32 @!p1 $0x0  }
0x14: {  	s2 =	sld [smem:$0x3F7B];
	s0 =	simm.s32 @p1 $0x1  }
0x15: {  	[smem:$0x3F98] =	sst s0;
	s0 =	simm.s32 @!p2 $0x0  }
0x16: {  	s3 =	sld [smem:$0x3FDB];
	s0 =	simm.s32 @p2 $0x1  }
0x17: {  	s4 =	simm.s32 $0x1BF5;
	[smem:$0x3F9A] =	sst s0  }
0x18: {  	s0 =	sld [smem:$0x3F7D];
	_ =	swait.ge [sflag:s4], $0x0  }
0x19: {  	s7 =	sld [smem:$0x3F7E]  }
0x1a: {  	s8 =	sadd.s32 $0xFFFFE003, lr  }
0x1b: {  	s9 =	sadd.s32 $0xFFFFFEF7, lr;
	s5 =	simm.s32 $0xFFFFFFFF;
	p2 =	slt.u32 s8, $0xFFFFF086  }
0x1c: {  	p1 =	slt.u32 s9, $0xF7A;
	s5 =	simm.s32 @!p2 $0x0  }
0x1d: {  	s5 =	simm.s32 @p1 $0x1;
	p0 =	seq.s32 s7, s2  }
0x1e: {  	s7 =	smul.u32 @!p0 $0xF7A, s2;
	p2 =	seq.s32 @!p0 s5, $0x0  }
0x1f: {  	s9 =	smul.u32 $0xF7A, s1;
	s8 =	simm.s32 @!p0 $0x1BF5;
	p2 =	por !p2, p0  }
0x20: {  	[sflag:s8] =	ssyncset.s32 @!p0 $0xFFFFF086;
	s6 =	sadd.s32 @!p0 s3, s7;
	s7 =	simm.s32 @!p0 $0x108  }
0x21: {  	s3 =	sadd.s32 s3, s9;
	s6 =	sadd.s32 @!p0 $0x88, s6;
	s7 =	simm.s32 @p2 $0x1082  }
0x22: {  	[simem:s7], [sflag:s8] =	dma.local @!p0 [hbm:s6], $0xF7A  }
0x23: {  	s9 =	sor.u32 $0xD0000000, s2;
	s6 =	simm.s32 $0x108;
	_ =	swait.ge @!p0 [sflag:s8], $0x0  }
0x24: {  	s3 =	sadd.s32 $0x88, s3;
	s6 =	simm.s32 @!p1 $0x1082;
	[sflag:s4] =	ssyncset.s32 $0xFFFFF086  }
0x25: {  	[simem:s6], [sflag:s4] =	dma.local [hbm:s3], $0xF7A  }
0x26: {  	[smem:$0x3F7E] =	sst s1;
	(tag) =	ssettag s2;
	_ =	strace s9  }
0x27: {  	s1 =	sld [smem:$0x3F8E]  }
0x28: {  	s2 =	sld [smem:$0x3F8F]  }
0x29: {  	s4 =	sld [smem:$0x3F91]  }
0x2a: {  	p0 =	seq.s32 s5, $0x0;
	s5 =	sld [smem:$0x3F92]  }
0x2b: {  	s6 =	sld [smem:$0x3F93]  }
0x2c: {  	s7 =	sld [smem:$0x3F94]  }
0x2d: {  	s3 =	simm.s32 $0x108;
	s8 =	sld [smem:$0x3F95]  }
0x2e: {  	s3 =	simm.s32 @!p0 $0x1082;
	s9 =	sld [smem:$0x3F96]  }
0x2f: {  	lr =	sadd.s32 s0, s3;
	s0 =	sld [smem:$0x3F8D]  }
0x30: {  	s3 =	sld [smem:$0x3F90]  }
0x31: {  	[smem:$0x3F99] =	sst s10  }
0x32: {  	s10 =	sld [smem:$0x3F97];
	_ =	sdelay $0x3  }
0x33: {  	p0 =	seq.s32 s10, $0x1;
	s10 =	sld [smem:$0x3F99];
	_ =	sdelay $0x3  }
0x34: {  	[smem:$0x3F99] =	sst s10  }
0x35: {  	s10 =	sld [smem:$0x3F98];
	_ =	sdelay $0x3  }
0x36: {  	p1 =	seq.s32 s10, $0x1;
	s10 =	sld [smem:$0x3F99];
	_ =	sdelay $0x3  }
0x37: {  	[smem:$0x3F99] =	sst s10  }
0x38: {  	s10 =	sld [smem:$0x3F9A]  }
0x39: {  	_ = 	snop;
	(pc) =	sbr.ind lr, $3  }
0x3a: {  	_ = 	snop  }
0x3b: {  	_ = 	snop  }
0x3c: {  	p2 =	seq.s32 s10, $0x1;
	s10 =	sld [smem:$0x3F99]  }
0x3d: {  	_ =	shalt  }
0x3e: {  	_ =	shalt  }
0x3f: {  	_ =	shalt  }
0x40: {  	_ =	shalt  }
0x41: {  	_ =	shalt  }
0x42: {  	_ =	shalt  }
0x43: {  	_ =	shalt  }
0x44: {  	_ =	shalt  }
0x45: {  	_ =	shalt  }
0x46: {  	_ =	shalt  }
0x47: {  	_ =	shalt  }
0x48: {  	_ =	shalt  }
0x49: {  	_ =	shalt  }
0x4a: {  	_ =	shalt  }
0x4b: {  	_ =	shalt  }
0x4c: {  	_ =	shalt  }
0x4d: {  	_ =	shalt  }
0x4e: {  	_ =	shalt  }
0x4f: {  	_ =	shalt  }
0x50: {  	_ =	shalt  }
0x51: {  	_ =	shalt  }
0x52: {  	_ =	shalt  }
0x53: {  	_ =	shalt  }
0x54: {  	_ =	shalt  }
0x55: {  	_ =	shalt  }
0x56: {  	_ =	shalt  }
0x57: {  	_ =	shalt  }
0x58: {  	_ =	shalt  }
0x59: {  	_ =	shalt  }
0x5a: {  	_ =	shalt  }
0x5b: {  	_ =	shalt  }
0x5c: {  	_ =	shalt  }
0x5d: {  	_ =	shalt  }
0x5e: {  	_ =	shalt  }
0x5f: {  	_ =	shalt  }
0x60: {  	_ =	shalt  }
0x61: {  	_ =	shalt  }
0x62: {  	_ =	shalt  }
0x63: {  	_ =	shalt  }
0x64: {  	_ =	shalt  }
0x65: {  	_ =	shalt  }
0x66: {  	_ =	shalt  }
0x67: {  	_ =	shalt  }
0x68: {  	_ =	shalt  }
0x69: {  	_ =	shalt  }
0x6a: {  	_ =	shalt  }
0x6b: {  	_ =	shalt  }
0x6c: {  	_ =	shalt  }
0x6d: {  	_ =	shalt  }
0x6e: {  	_ =	shalt  }
0x6f: {  	_ =	shalt  }
0x70: {  	_ =	shalt  }
0x71: {  	_ =	shalt  }
0x72: {  	_ =	shalt  }
0x73: {  	_ =	shalt  }
0x74: {  	_ =	shalt  }
0x75: {  	_ =	shalt  }
0x76: {  	_ =	shalt  }
0x77: {  	_ =	shalt  }
0x78: {  	_ =	shalt  }
0x79: {  	_ =	shalt  }
0x7a: {  	_ =	shalt  }
0x7b: {  	_ =	shalt  }
0x7c: {  	_ =	shalt  }
0x7d: {  	_ =	shalt  }
0x7e: {  	_ =	shalt  }
0x7f: {  	_ =	shalt  }
0x80: {  	_ =	shalt  }
0x81: {  	_ =	shalt  }
0x82: {  	_ =	shalt  }
0x83: {  	_ =	shalt  }
0x84: {  	_ =	shalt  }
0x85: {  	_ =	shalt  }
0x86: {  	_ =	shalt  }
0x87: {  	_ =	shalt  }
.Lfunc_end0:
.L_simem_size_0:
called_computation.5_lowered:
.L_overlay_start_0:
0x88: {  	s2 =	sld [smem:$0x3FD9]  }
0x89: {  	s3 =	sld [smem:$0x3FFE];
	_ =	sdelay $0x1  }
0x8a: {  	s1 =	srdreg.scid  }
0x8b: {  	s0 =	sand.u32 $0x1, s1  }
0x8c: {  	s16 =	sshll.u32 s0, $0xA;
	s2 =	sadd.s32 s3, s2  }
0x8d: {  	s2 =	sadd.s32 s2, s16  }
0x8e: {  	[smem:$0x3FA5] =	sst s2  }
0x8f: {  	_ = 	snop  }
0x90: {  	(tm) =	ssettm $0x1  }
0x91: {  	s17 =	sld [smem:$0x3FFB];
	_ =	sdelay $0x3  }
0x92: {  	_ =	strace s17  }
0x93: {  	s2 =	sld [smem:$0x3FFC];
	_ =	sdelay $0x3  }
0x94: {  	_ =	strace s2  }
0x95: {  	s2 =	sld [smem:$0x3FFD];
	_ =	sdelay $0x3  }
0x96: {  	_ =	strace s2  }
0x97: {  	_ =	strace $0x8FFFFFFF  }
0x98: {  	s18 =	sld [smem:$0x3FDB];
	_ =	sdelay $0x1  }
0x99: {  	s19 =	simm.s32 $_scs_section_size  }
0x9a: {  	s4 =	simm.s32 $_size__tile_overlayer_lowered;
	s5 =	simm.s32 $_tile_overlayer_lowered  }
0x9b: {  	s22 =	simm.s32 $0x1BFF;
	s21 =	sshll.u32 s5, $0x1;
	s2 =	sadd.s32 s19, s18  }
0x9c: {  	s6 =	simm.s32 $0x0;
	s20 =	sshll.u32 s4, $0x1;
	s4 =	sadd.s32 s21, s2  }
0x9d: {  	[timem:s6], [sflag:s22] =	dma.local [hbm:s4], s20  }
0x9e: {  	_ =	swait.ge [sflag:s22], s20  }
0x9f: {  	s3 =	ssub.s32 $0x0, s20;
	[sflag:s22] =	ssyncset.done $0x0  }
0xa0: {  	[sflag:s22] =	ssyncadd.s32 s3;
	_ =	sdelay $0x1  }
0xa1: {  	s23 =	simm.s32 $0x1B8B  }
0xa2: {  	_ =	swait.ge [sflag:s23], $0x1  }
0xa3: {  	[sflag:s23] =	ssyncset.done $0x0  }
0xa4: {  	s25 =	simm.s32 $0x1B8E;
	s24 =	sld [smem:$0x3FFE];
	[sflag:s23] =	ssyncadd.s32 $0xFFFFFFFF  }
0xa5: {  	s26 =	simm.s32 $execute0_lowered;
	[smem:$0x3FD2] =	sst s25  }
0xa6: {  	s4 =	sshll.u32 s26, $0x1;
	_ =	strace $0x80000055;
	[dreg:$0x1] =	wrdreg $0xFFFFFFFF  }
0xa7: {  	s28 =	simm.s32 $_size_execute0_lowered;
	s2 =	sadd.s32 s2, s4;
	[dreg:$0x0] =	wrdreg $0x0  }
0xa8: {  	s4 =	sshll.u32 s28, $0x1;
	[dreg:$0x2] =	wrdreg s2  }
0xa9: {  	[dreg:$0x3] =	wrdreg s4  }
0xaa: {  	[dreg:$0x4] =	wrdreg $0xC0  }
0xab: {  	_ =	task [dreg:s6], $0x5FFFF  }
0xac: {  	[dreg:$0x1] =	wrdreg $0xFFFFFFFF  }
0xad: {  	[dreg:$0x0] =	wrdreg $0x60  }
0xae: {  	[dreg:$0x2] =	wrdreg s24  }
0xaf: {  	[dreg:$0x3] =	wrdreg $0x91000  }
0xb0: {  	[dreg:$0x4] =	wrdreg $0x9  }
0xb1: {  	_ =	task.clear_ibuf [dreg:s6], $0x5FFFF;
	_ =	strace $0x90000055  }
0xb2: {  	s29 =	simm.s32 $0x9;
	_ =	strace $0x80000057  }
0xb3: {  	_ =	swait.ge [sflag:s29], $0x1  }
0xb4: {  	[sflag:s29] =	ssyncadd.s32 $0xFFFFFFFF  }
0xb5: {  	_ =	strace $0x90000057  }
0xb6: {  	_ =	sfence  }
0xb7: {  	s30 =	sld [smem:$0x0];
	_ =	sdelay $0x2  }
0xb8: {  	s31 =	sshll.u32 s1, $0xD;
	s1 =	sshrl.u32 s1, $0x2  }
0xb9: {  	s3 =	sand.u32 $0x4000, s31;
	s1 =	sadd.s32 s1, s30  }
0xba: {  	s0 =	sor.u32 s3, s0;
	s1 =	sshll.u32 s1, $0x11  }
0xbb: {  	s0 =	sor.u32 s1, s0  }
0xbc: {  	s0 =	sadd.s32 $0x8F2B, s0  }
0xbd: {  	[sflag:s0] =	ssyncadd.remote.s32 $0x1  }
0xbe: {  	_ =	sfence.sel $0xFFFF  }
0xbf: {  	[dreg:$0x0] =	wrdreg $0xFFFFFFFF;
	(pc) =	sbr.abs _section_cstart, $3  }
0xc0: {  	[dreg:$0x1] =	wrdreg $0xFFFFFFFF  }
0xc1: {  	_ =	task.clear_ibuf [dreg:s6], $0x2FFFF;
	_ =	strace $0x9FFFFFFF  }
0xc2: {  	(tm) =	ssettm $0x7FFFFFFF  }
0xc3: {  	_ =	shalt  }
tec
execute0_lowered:
.L_overlay_start_1:
0x0: {  	(tag) =	ssettag $0x1  }
0x1: {  	s3 =	rddreg [dreg:$0x0]  }
0x2: {  	s1 =	rddreg [dreg:$0x1]  }
0x3: {  	s2 =	simm.s32 $0x0;
	s4 =	srdreg.scid;
	s21 =	stileid.u32  }
0x4: {  	s28 =	simm.s32 $0x1;
	s29 =	simm.s32 $0x50;
	s30 =	simm.s32 $0x80  }
0x5: {  	s31 =	simm.s32 $0x2900;
	[smem:$0x7FF] =	sst s2;
	s9 =	sadd.s32 $0x1D98000, s3  }
0x6: {  	s0 =	sadd.s32 $0x18200, s3;
	s10 =	sand.u32 $0x1, s4;
	s5 =	smul.u32 $0x4F000, s21  }
0x7: {  	s3 =	sadd.s32 $0x13D4600, s3;
	s7 =	sshll.u32 s21, $0x1;
	s11 =	smul.u32 $0x13C00, s21  }
0x8: {  	_ =	strace $0x80000056;
	s4 =	ssub.s32 $0x2, s10;
	s8 =	sor.u32 s10, s7  }
0x9: {  	s6 =	sshrl.u32 s4, $0x1;
	s20 =	sshrl.u32 s5, $0x2;
	s13 =	smul.u32 $0x2710, s8  }
0xa: {  	s14 =	sadd.s32 $0x4000, s11;
	s15 =	sadd.s32 $0x8000, s11;
	s16 =	sadd.s32 $0xC000, s11  }
0xb: {  	s17 =	smul.u32 $0x27100, s8;
	s18 =	sadd.s32 $0x10000, s11;
	s12 =	ssub.s32 s4, s6  }
0xc: {  	s4 =	sadd.s32 s20, s1;
	s5 =	sadd.s32 s14, s1;
	s6 =	sadd.s32 s15, s1  }
0xd: {  	s7 =	sadd.s32 s16, s1;
	s20 =	smul.u32 $0x13C000, s10;
	s8 =	sadd.s32 s18, s1  }
0xe: {  	s19 =	sshrl.u32 s13, $0x3;
	s17 =	sadd.s32 s9, s17;
	s22 =	sadd.s32 $0x50, s13  }
0xf: {  	s13 =	sadd.s32 $0xA0, s13;
	s19 =	sadd.s32 s0, s19;
	[dreg:$0x4] =	wrdreg s17  }
0x10: {  	s11 =	sadd.s32 s11, s20;
	s14 =	sadd.s32 s20, s14;
	s24 =	sadd.s32 s20, s15  }
0x11: {  	s25 =	sadd.s32 s20, s16;
	s26 =	sadd.s32 s20, s18;
	s20 =	smul.u32 $0x2710, s10  }
0x12: {  	s18 =	sshrl.u32 s22, $0x3;
	s16 =	smax.u32 s12, $0x1;
	s10 =	smul.u32 $0x27100, s10  }
0x13: {  	[dreg:$0x3] =	wrdreg s19;
	s11 =	sshrl.u32 s11, $0x3;
	s14 =	sshrl.u32 s14, $0x3  }
0x14: {  	s15 =	sshrl.u32 s26, $0x3;
	s19 =	sshll.u32 s22, $0x4;
	s17 =	sadd.s32 s0, s18  }
0x15: {  	s22 =	sshrl.u32 s13, $0x3;
	s11 =	sadd.s32 s3, s11;
	s23 =	sadd.s32 s3, s14  }
0x16: {  	s14 =	sshrl.u32 s25, $0x3;
	[dreg:$0x5] =	wrdreg s11;
	s11 =	sshrl.u32 s24, $0x3  }
0x17: {  	s18 =	sadd.s32 s9, s19;
	[dreg:$0x6] =	wrdreg s23;
	s11 =	sadd.s32 s3, s11  }
0x18: {  	s23 =	smul.u32 $0x4E200, s21;
	[dreg:$0x7] =	wrdreg s11;
	s11 =	sadd.s32 s3, s14  }
0x19: {  	s3 =	sadd.s32 s3, s15;
	s15 =	smul.u32 $0x4E20, s21;
	[dreg:$0x8] =	wrdreg s11  }
0x1a: {  	s19 =	sadd.s32 s0, s22;
	s24 =	sshll.u32 s13, $0x4;
	[dreg:$0x9] =	wrdreg s3  }
0x1b: {  	s3 =	sadd.s32 s20, s15;
	s20 =	sadd.s32 s9, s24;
	s9 =	sadd.s32 s23, s9  }
0x1c: {  	s24 =	simm.s32 $0x5100;
	s25 =	sadd.s32 $0x140, s3;
	s9 =	sadd.s32 s10, s9  }
0x1d: {  	s3 =	sadd.s32 $0xF0, s3;
	s10 =	simm.s32 $0x0;
	s26 =	sshrl.u32 s25, $0x3  }
0x1e: {  	s13 =	sadd.s32 $0x1400, s9;
	s3 =	sshrl.u32 s3, $0x3;
	s25 =	simm.s32 $0x5  }
0x1f: {  	s9 =	simm.s32 $0x4;
	s22 =	sadd.s32 s26, s0;
	s23 =	sadd.s32 s3, s0  }
0x20: {  	v0 =	vimm.f32 $0.0e+00;
	s26 =	simm.s32 $0x100;
	s0 =	simm.s32 $0x2;
	s3 =	simm.s32 $0x3  }
.LBB2_1:
0x21: {  	s11 =	simm.s32 $0x0;
	s12 =	simm.s32 $0x200  }
.LBB2_2:
0x22: {  	p0 =	sne.s32 s12, $0xFE00;
	[tilespmem:s11+$0x5170] =	vst v0  }
0x23: {  	[tilespmem:s11+$0x5100] =	vst v0  }
0x24: {  	[tilespmem:s11+$0x5110] =	vst v0  }
.Ltmp0:
0x25: {  	[tilespmem:s11+$0x5120] =	vst v0;
	(pc) =	sbr.rel @p0 .LBB2_2-.Ltmp0, $4  }
0x26: {  	[tilespmem:s11+$0x5130] =	vst v0  }
0x27: {  	[tilespmem:s11+$0x5140] =	vst v0  }
0x28: {  	[tilespmem:s11+$0x5150] =	vst v0  }
0x29: {  	[tilespmem:s11+$0x5160] =	vst v0;
	s11 =	sshra.s32 s12, $0x2;
	s12 =	sadd.s32 $0x200, s12  }
0x2a: {  	[tilespmem:s11+$0x5170] =	vst v0  }
0x2b: {  	[tilespmem:s11+$0x5100] =	vst v0  }
0x2c: {  	[tilespmem:s11+$0x5110] =	vst v0  }
0x2d: {  	[tilespmem:s11+$0x5120] =	vst v0  }
0x2e: {  	[tilespmem:s11+$0x5130] =	vst v0  }
0x2f: {  	[tilespmem:s11+$0x5140] =	vst v0  }
0x30: {  	[tilespmem:s11+$0x5150] =	vst v0  }
0x31: {  	[tilespmem:s11+$0x5160] =	vst v0  }
0x32: {  	[spmem:s4] =	stream.linear.scatter [tilespmem:s24], [sflag:$0x5], $0x4000, $0x38;
	[tilespmem:$0x1CD00] =	vst v63  }
0x33: {  	_ =	swait.ge [sflag:s25], $0x4000  }
0x34: {  	[sflag:s25] =	ssyncset.done $0x0  }
0x35: {  	[sflag:s25] =	ssyncadd.s32 $0xFFFFC000  }
0x36: {  	[spmem:s5] =	stream.linear.scatter [tilespmem:s24], [sflag:$0x5], $0x4000, $0x38;
	[tilespmem:$0x1CD00] =	vst v63  }
0x37: {  	_ =	swait.ge [sflag:s25], $0x4000  }
0x38: {  	[sflag:s25] =	ssyncset.done $0x0  }
0x39: {  	[sflag:s25] =	ssyncadd.s32 $0xFFFFC000  }
0x3a: {  	[spmem:s6] =	stream.linear.scatter [tilespmem:s24], [sflag:$0x5], $0x4000, $0x38;
	[tilespmem:$0x1CD00] =	vst v63  }
0x3b: {  	_ =	swait.ge [sflag:s25], $0x4000  }
0x3c: {  	[sflag:s25] =	ssyncset.done $0x0  }
0x3d: {  	[sflag:s25] =	ssyncadd.s32 $0xFFFFC000  }
0x3e: {  	[spmem:s7] =	stream.linear.scatter [tilespmem:s24], [sflag:$0x5], $0x4000, $0x38;
	[tilespmem:$0x1CD00] =	vst v63  }
0x3f: {  	_ =	swait.ge [sflag:s25], $0x4000  }
0x40: {  	[sflag:s25] =	ssyncset.done $0x0  }
0x41: {  	[sflag:s25] =	ssyncadd.s32 $0xFFFFC000  }
0x42: {  	[spmem:s8] =	stream.linear.scatter [tilespmem:s24], [sflag:$0x5], $0x3C00, $0x38;
	[tilespmem:$0x1CD00] =	vst v63  }
0x43: {  	_ =	swait.ge [sflag:s25], $0x3C00  }
0x44: {  	[sflag:s25] =	ssyncset.done $0x0  }
0x45: {  	[sflag:s25] =	ssyncadd.s32 $0xFFFFC400  }
0x46: {  	[bflag:$0x0] =	sbarrier.arrive $0xFFFF  }
0x47: {  	s15 =	simm.s32 $0x0;
	s12 =	rddreg [dreg:$0x3]  }
0x48: {  	[tilespmem:s15], [sflag:$0x1] =	stream.linear.gather [hbm4b:s12+s15], $0x50, $0x38;
	[tilespmem:$0x1CD00] =	vst v63  }
0x49: {  	s21 =	rddreg [dreg:$0x4]  }
0x4a: {  	[tilespmem:s26], [sflag:$0x1] =	stream.linear.gather [hbm4b:s21+s15], $0x2800, $0x38;
	[tilespmem:$0x1CD00] =	vst v63  }
0x4b: {  	_ =	swait.ge [sflag:s28], $0x50  }
0x4c: {  	[sflag:s28] =	ssyncset.done $0x0  }
0x4d: {  	[sflag:s28] =	ssyncadd.s32 $0xFFFFFFB0  }
0x4e: {  	_ =	swait.ge [sflag:s28], $0x2800  }
0x4f: {  	[sflag:s28] =	ssyncset.done $0x0  }
0x50: {  	[sflag:s28] =	ssyncadd.s32 $0xFFFFD800  }
0x51: {  	[spmem:s1] =	stream.indirect.scatter.add.f32 [tilespmem:s26], [sflag:$0x3], $0x80, s15, s29, $0xb8;
	[tilespmem:$0x1CD00] =	vst v63  }
0x52: {  	_ = 	snop  }
0x53: {  	[tilespmem:s30], [sflag:$0x2] =	stream.linear.gather [hbm4b:s17+s15], $0x50, $0x38;
	[tilespmem:$0x1CD00] =	vst v63  }
0x54: {  	_ = 	snop  }
0x55: {  	[tilespmem:s31], [sflag:$0x2] =	stream.linear.gather [hbm4b:s18+s15], $0x2800, $0x38;
	[tilespmem:$0x1CD00] =	vst v63  }
0x56: {  	_ =	swait.ge [sflag:s0], $0x50  }
0x57: {  	[sflag:s0] =	ssyncset.done $0x0  }
0x58: {  	[sflag:s0] =	ssyncadd.s32 $0xFFFFFFB0  }
0x59: {  	_ =	swait.ge [sflag:s0], $0x2800  }
0x5a: {  	[sflag:s0] =	ssyncset.done $0x0  }
0x5b: {  	[sflag:s0] =	ssyncadd.s32 $0xFFFFD800  }
0x5c: {  	[spmem:s1] =	stream.indirect.scatter.add.f32 [tilespmem:s31], [sflag:$0x4], $0x80, s30, s29, $0xb8;
	[tilespmem:$0x1CD00] =	vst v63  }
0x5d: {  	_ =	swait.ge [sflag:s3], $0x2800  }
0x5e: {  	[sflag:s3] =	ssyncset.done $0x0  }
0x5f: {  	[sflag:s3] =	ssyncadd.s32 $0xFFFFD800  }
0x60: {  	[tilespmem:s15], [sflag:$0x1] =	stream.linear.gather [hbm4b:s19+s15], $0x50, $0x38;
	[tilespmem:$0x1CD00] =	vst v63  }
0x61: {  	_ = 	snop  }
0x62: {  	[tilespmem:s26], [sflag:$0x1] =	stream.linear.gather [hbm4b:s20+s15], $0x2800, $0x38;
	[tilespmem:$0x1CD00] =	vst v63  }
0x63: {  	_ =	swait.ge [sflag:s28], $0x50  }
0x64: {  	[sflag:s28] =	ssyncset.done $0x0  }
0x65: {  	[sflag:s28] =	ssyncadd.s32 $0xFFFFFFB0  }
0x66: {  	_ =	swait.ge [sflag:s28], $0x2800  }
0x67: {  	[sflag:s28] =	ssyncset.done $0x0  }
0x68: {  	[sflag:s28] =	ssyncadd.s32 $0xFFFFD800  }
0x69: {  	[spmem:s1] =	stream.indirect.scatter.add.f32 [tilespmem:s26], [sflag:$0x3], $0x80, s2, s29, $0xb8;
	[tilespmem:$0x1CD00] =	vst v63  }
0x6a: {  	_ =	swait.ge [sflag:s9], $0x2800  }
0x6b: {  	[sflag:s9] =	ssyncset.done $0x0  }
0x6c: {  	s14 =	sadd.s32 $0x0, s23;
	[sflag:s9] =	ssyncadd.s32 $0xFFFFD800  }
0x6d: {  	[tilespmem:s30], [sflag:$0x2] =	stream.linear.gather [hbm4b:s14+s2], $0x50, $0x38;
	[tilespmem:$0x1CD00] =	vst v63  }
0x6e: {  	s15 =	sadd.s32 $0xFFFFFB00, s13  }
0x6f: {  	[tilespmem:s31], [sflag:$0x2] =	stream.linear.gather [hbm4b:s15+s2], $0x2800, $0x38;
	[tilespmem:$0x1CD00] =	vst v63  }
0x70: {  	_ =	swait.ge [sflag:s0], $0x50  }
0x71: {  	[sflag:s0] =	ssyncset.done $0x0  }
0x72: {  	[sflag:s0] =	ssyncadd.s32 $0xFFFFFFB0  }
0x73: {  	_ =	swait.ge [sflag:s0], $0x2800  }
0x74: {  	[sflag:s0] =	ssyncset.done $0x0  }
0x75: {  	[sflag:s0] =	ssyncadd.s32 $0xFFFFD800  }
0x76: {  	[spmem:s1] =	stream.indirect.scatter.add.f32 [tilespmem:s31], [sflag:$0x4], $0x80, s30, s29, $0xb8;
	[tilespmem:$0x1CD00] =	vst v63  }
0x77: {  	_ =	swait.ge [sflag:s3], $0x2800  }
0x78: {  	[sflag:s3] =	ssyncset.done $0x0  }
0x79: {  	s21 =	sadd.s32 $0x0, s22;
	[sflag:s3] =	ssyncadd.s32 $0xFFFFD800  }
0x7a: {  	[tilespmem:s2], [sflag:$0x1] =	stream.linear.gather [hbm4b:s21+s2], $0x50, $0x38;
	[tilespmem:$0x1CD00] =	vst v63  }
0x7b: {  	s11 =	simm.s32 $0x14;
	s12 =	sadd.s32 $0xA00, s13;
	s21 =	smov.u32 s13  }
.LBB2_4:
0x7c: {  	[tilespmem:s26], [sflag:$0x1] =	stream.linear.gather [hbm4b:s21+s2], $0x2800, $0x38;
	[tilespmem:$0x1CD00] =	vst v63  }
0x7d: {  	s14 =	smov.u32 s11;
	s21 =	smov.u32 s12  }
0x7e: {  	p0 =	sne.s32 s11, $0x4B0;
	s11 =	sadd.s32 $0x14, s11;
	_ =	swait.ge [sflag:s28], $0x50  }
0x7f: {  	[sflag:s28] =	ssyncset.done $0x0  }
0x80: {  	[sflag:s28] =	ssyncadd.s32 $0xFFFFFFB0  }
0x81: {  	_ =	swait.ge [sflag:s28], $0x2800  }
0x82: {  	[sflag:s28] =	ssyncset.done $0x0  }
0x83: {  	[sflag:s28] =	ssyncadd.s32 $0xFFFFD800  }
0x84: {  	[spmem:s1] =	stream.indirect.scatter.add.f32 [tilespmem:s26], [sflag:$0x3], $0x80, s2, s29, $0xb8;
	[tilespmem:$0x1CD00] =	vst v63  }
0x85: {  	_ =	swait.ge [sflag:s9], $0x2800  }
0x86: {  	[sflag:s9] =	ssyncset.done $0x0  }
0x87: {  	s15 =	sadd.s32 s14, s23;
	[sflag:s9] =	ssyncadd.s32 $0xFFFFD800  }
0x88: {  	[tilespmem:s30], [sflag:$0x2] =	stream.linear.gather [hbm4b:s15+s2], $0x50, $0x38;
	[tilespmem:$0x1CD00] =	vst v63  }
0x89: {  	s15 =	sadd.s32 $0xFFFFFB00, s12  }
0x8a: {  	[tilespmem:s31], [sflag:$0x2] =	stream.linear.gather [hbm4b:s15+s2], $0x2800, $0x38;
	[tilespmem:$0x1CD00] =	vst v63  }
0x8b: {  	_ =	swait.ge [sflag:s0], $0x50  }
0x8c: {  	[sflag:s0] =	ssyncset.done $0x0  }
0x8d: {  	[sflag:s0] =	ssyncadd.s32 $0xFFFFFFB0  }
0x8e: {  	_ =	swait.ge [sflag:s0], $0x2800  }
0x8f: {  	[sflag:s0] =	ssyncset.done $0x0  }
0x90: {  	[sflag:s0] =	ssyncadd.s32 $0xFFFFD800  }
0x91: {  	[spmem:s1] =	stream.indirect.scatter.add.f32 [tilespmem:s31], [sflag:$0x4], $0x80, s30, s29, $0xb8;
	[tilespmem:$0x1CD00] =	vst v63  }
.Ltmp1:
0x92: {  	_ =	swait.ge [sflag:s3], $0x2800;
	(pc) =	sbr.rel @p0 .LBB2_4-.Ltmp1, $4  }
0x93: {  	[sflag:s3] =	ssyncset.done $0x0  }
0x94: {  	s14 =	sadd.s32 s14, s22;
	[sflag:s3] =	ssyncadd.s32 $0xFFFFD800  }
0x95: {  	[tilespmem:s2], [sflag:$0x1] =	stream.linear.gather [hbm4b:s14+s2], $0x50, $0x38;
	[tilespmem:$0x1CD00] =	vst v63  }
0x96: {  	s12 =	sadd.s32 $0xA00, s12  }
0x97: {  	[tilespmem:s26], [sflag:$0x1] =	stream.linear.gather [hbm4b:s21+s2], $0x2800, $0x38;
	[tilespmem:$0x1CD00] =	vst v63  }
0x98: {  	_ =	swait.ge [sflag:s28], $0x50  }
0x99: {  	[sflag:s28] =	ssyncset.done $0x0  }
0x9a: {  	[sflag:s28] =	ssyncadd.s32 $0xFFFFFFB0  }
0x9b: {  	_ =	swait.ge [sflag:s28], $0x2800  }
0x9c: {  	[sflag:s28] =	ssyncset.done $0x0  }
0x9d: {  	[sflag:s28] =	ssyncadd.s32 $0xFFFFD800  }
0x9e: {  	[spmem:s1] =	stream.indirect.scatter.add.f32 [tilespmem:s26], [sflag:$0x3], $0x80, s2, s29, $0xb8;
	[tilespmem:$0x1CD00] =	vst v63  }
0x9f: {  	_ =	swait.ge [sflag:s9], $0x2800  }
0xa0: {  	[sflag:s9] =	ssyncset.done $0x0  }
0xa1: {  	[sflag:s9] =	ssyncadd.s32 $0xFFFFD800  }
0xa2: {  	_ =	swait.ge [sflag:s3], $0x2800  }
0xa3: {  	[sflag:s3] =	ssyncset.done $0x0  }
0xa4: {  	[sflag:s3] =	ssyncadd.s32 $0xFFFFD800  }
0xa5: {  	[bflag:$0x0] =	sbarrier.arrive $0xFFFF  }
0xa6: {  	[tilespmem:s24], [sflag:$0x5] =	stream.linear.gather [spmem:s4], $0x4000, $0x38;
	[tilespmem:$0x1CD00] =	vst v63  }
0xa7: {  	_ =	swait.ge [sflag:s25], $0x4000  }
0xa8: {  	[sflag:s25] =	ssyncset.done $0x0  }
0xa9: {  	s11 =	rddreg [dreg:$0x5];
	[sflag:s25] =	ssyncadd.s32 $0xFFFFC000  }
0xaa: {  	[hbm4b:s11+s2] =	stream.linear.scatter [tilespmem:s24], [sflag:$0x5], $0x4000, $0x38;
	[tilespmem:$0x1CD00] =	vst v63  }
0xab: {  	_ =	swait.ge [sflag:s25], $0x4000  }
0xac: {  	[sflag:s25] =	ssyncset.done $0x0  }
0xad: {  	[sflag:s25] =	ssyncadd.s32 $0xFFFFC000  }
0xae: {  	[tilespmem:s24], [sflag:$0x5] =	stream.linear.gather [spmem:s5], $0x4000, $0x38;
	[tilespmem:$0x1CD00] =	vst v63  }
0xaf: {  	_ =	swait.ge [sflag:s25], $0x4000  }
0xb0: {  	[sflag:s25] =	ssyncset.done $0x0  }
0xb1: {  	s12 =	rddreg [dreg:$0x6];
	[sflag:s25] =	ssyncadd.s32 $0xFFFFC000  }
0xb2: {  	[hbm4b:s12+s2] =	stream.linear.scatter [tilespmem:s24], [sflag:$0x5], $0x4000, $0x38;
	[tilespmem:$0x1CD00] =	vst v63  }
0xb3: {  	_ =	swait.ge [sflag:s25], $0x4000  }
0xb4: {  	[sflag:s25] =	ssyncset.done $0x0  }
0xb5: {  	[sflag:s25] =	ssyncadd.s32 $0xFFFFC000  }
0xb6: {  	[tilespmem:s24], [sflag:$0x5] =	stream.linear.gather [spmem:s6], $0x4000, $0x38;
	[tilespmem:$0x1CD00] =	vst v63  }
0xb7: {  	_ =	swait.ge [sflag:s25], $0x4000  }
0xb8: {  	[sflag:s25] =	ssyncset.done $0x0  }
0xb9: {  	s14 =	rddreg [dreg:$0x7];
	[sflag:s25] =	ssyncadd.s32 $0xFFFFC000  }
0xba: {  	[hbm4b:s14+s2] =	stream.linear.scatter [tilespmem:s24], [sflag:$0x5], $0x4000, $0x38;
	[tilespmem:$0x1CD00] =	vst v63  }
0xbb: {  	_ =	swait.ge [sflag:s25], $0x4000  }
0xbc: {  	[sflag:s25] =	ssyncset.done $0x0  }
0xbd: {  	[sflag:s25] =	ssyncadd.s32 $0xFFFFC000  }
0xbe: {  	[tilespmem:s24], [sflag:$0x5] =	stream.linear.gather [spmem:s7], $0x4000, $0x38;
	[tilespmem:$0x1CD00] =	vst v63  }
0xbf: {  	_ =	swait.ge [sflag:s25], $0x4000  }
0xc0: {  	[sflag:s25] =	ssyncset.done $0x0  }
0xc1: {  	s15 =	rddreg [dreg:$0x8];
	[sflag:s25] =	ssyncadd.s32 $0xFFFFC000  }
0xc2: {  	[hbm4b:s15+s2] =	stream.linear.scatter [tilespmem:s24], [sflag:$0x5], $0x4000, $0x38;
	[tilespmem:$0x1CD00] =	vst v63  }
0xc3: {  	_ =	swait.ge [sflag:s25], $0x4000  }
0xc4: {  	[sflag:s25] =	ssyncset.done $0x0  }
0xc5: {  	[sflag:s25] =	ssyncadd.s32 $0xFFFFC000  }
0xc6: {  	[tilespmem:s24], [sflag:$0x5] =	stream.linear.gather [spmem:s8], $0x3C00, $0x38;
	[tilespmem:$0x1CD00] =	vst v63  }
0xc7: {  	s10 =	sadd.s32 $0x1, s10;
	_ =	swait.ge [sflag:s25], $0x3C00  }
0xc8: {  	p0 =	sne.s32 s10, s16;
	[sflag:s25] =	ssyncset.done $0x0  }
.Ltmp2:
0xc9: {  	s21 =	rddreg [dreg:$0x9];
	[sflag:s25] =	ssyncadd.s32 $0xFFFFC400;
	(pc) =	sbr.rel @p0 .LBB2_1-.Ltmp2, $4  }
0xca: {  	[hbm4b:s21+s2] =	stream.linear.scatter [tilespmem:s24], [sflag:$0x5], $0x3C00, $0x38;
	[tilespmem:$0x1CD00] =	vst v63  }
0xcb: {  	_ =	swait.ge [sflag:s25], $0x3C00  }
0xcc: {  	[sflag:s25] =	ssyncset.done $0x0  }
0xcd: {  	[sflag:s25] =	ssyncadd.s32 $0xFFFFC400  }
0xce: {  	_ =	sfence.sel $0x180000  }
0xcf: {  	[bflag:$0x0] =	sbarrier.arrive $0xFFFF  }
0xd0: {  	_ =	strace $0x90000056  }
0xd1: {  	s0 =	stileid.u32;
	[bflag:$0x2] =	sbarrier.arrive $0xFFFF  }
0xd2: {  	p0 =	sne.s32 s0, $0x0;
	s0 =	rddreg [dreg:$0x2]  }
0xd3: {  	s0 =	sadd.s32 @!p0 $0x100000, s0  }
0xd4: {  	[sflag:s0] =	ssyncadd.tile.s32 @!p0 $0x1;
	_ =	shalt  }
.Lfunc_end2:
_tile_overlayer_lowered:
.L_overlay_start_2:
0xd5: {  	(tag) =	ssettag $0x2  }
0xd6: {  	s0 =	rddreg [dreg:$0x0];
	s2 =	stileid.u32  }
0xd7: {  	s1 =	rddreg [dreg:$0x1];
	p0 =	sne.s32 s2, $0x0  }
0xd8: {  	s3 =	rddreg [dreg:$0x2];
	[bflag:$0x3] =	sbarrier.arrive $0xFFFF;
	s2 =	simm.s32 @!p0 $0x1C05  }
0xd9: {  	[timem:s3], [sflag:s2] =	dma.local @!p0 [hbm:s0], s1  }
0xda: {  	s0 =	simm.s32 @!p0 $0x5  }
0xdb: {  	_ =	swait.ge @!p0 [sflag:s0], s1  }
0xdc: {  	s1 =	ssub.s32 @!p0 $0x0, s1;
	[sflag:s0] =	ssyncset.done @!p0 $0x0  }
0xdd: {  	[sflag:s0] =	ssyncadd.s32 @!p0 s1  }
0xde: {  	[bflag:$0x3] =	sbarrier.arrive $0xFFFF  }
0xdf: {  	_ =	shalt  }

</sc_bundles>
